<compile_context>
chip_gen: v7x
topology: tpu7x:2x2x1
jax: 0.10.2.dev20260603
libtpu: 0.0.44.dev20260713+nightly
codegen_flags: <defaults>
</compile_context>

<pallas_src>
import functools

import jax
import jax.numpy as jnp
from jax import lax
from jax.experimental import pallas as pl
from jax.experimental.pallas import tpu as pltpu
from jax.experimental.pallas import tpu_sc as plsc

N_NODES = 10000
N_EDGES = 320000
D = 128
L = 16
NC, NS = 2, 16
NW = NC * NS
EPW = N_EDGES // NW
C = 128
NCHUNK = -(-EPW // C)
NTRI = -(-NCHUNK // 3)


def _sc_body(z_hbm, row_hbm, col_hbm, out_hbm,
             idx_r, idx_c, rows, cols, out_v, tr,
             sem_r0, sem_c0, sem_r1, sem_c1, sem_r2, sem_c2):
    cid = lax.axis_index("c")
    sid = lax.axis_index("s")
    wid = sid * NC + cid
    ebase = pl.multiple_of(wid * EPW, 8)

    lane = lax.broadcasted_iota(jnp.int32, (L,), 0)
    sems = [(sem_r0, sem_c0), (sem_r1, sem_c1), (sem_r2, sem_c2)]
    last_off = EPW - C

    pltpu.sync_copy(row_hbm.at[pl.ds(ebase, EPW)], idx_r)
    pltpu.sync_copy(col_hbm.at[pl.ds(ebase, EPW)], idx_c)

    def chunk_off(k):
        return pl.multiple_of(jnp.minimum(k * C, last_off), 8)

    def start_gather(b, k):
        off = chunk_off(k)
        sr, sc_ = sems[b]
        pltpu.make_async_copy(
            z_hbm.at[idx_r.at[pl.ds(off, C)]], rows.at[b], sr).start()
        pltpu.make_async_copy(
            z_hbm.at[idx_c.at[pl.ds(off, C)]], cols.at[b], sc_).start()

    def wait_gather(b):
        sr, sc_ = sems[b]
        pltpu.make_async_copy(z_hbm.at[pl.ds(0, C)], rows.at[b], sr).wait()
        pltpu.make_async_copy(z_hbm.at[pl.ds(0, C)], cols.at[b], sc_).wait()

    tr_stride = L + 1
    tr_base = lane * tr_stride

    def compute(b, k):
        obase = chunk_off(k)

        def body16(i, carry):
            for e2 in range(L):
                e = i * L + e2
                acc = rows[b, e, pl.ds(0, L)] * cols[b, e, pl.ds(0, L)]
                for j in range(1, D // L):
                    acc = acc + (rows[b, e, pl.ds(j * L, L)]
                                 * cols[b, e, pl.ds(j * L, L)])
                tr[pl.ds(e2 * tr_stride, L)] = acc
            p = [plsc.load_gather(tr, [tr_base + k2]) for k2 in range(L)]
            while len(p) > 1:
                p = [p[k2] + p[k2 + 1] for k2 in range(0, len(p), 2)]
            out_v[pl.ds(obase + i * L, L)] = 1.0 / (1.0 + jnp.exp(-p[0]))
            return carry

        lax.fori_loop(0, C // L, body16, 0, unroll=False)

    start_gather(0, jnp.int32(0))
    start_gather(1, jnp.int32(1))

    def tri(t, carry):
        k0 = 3 * t
        start_gather(2, k0 + 2)
        wait_gather(0)
        compute(0, k0)
        start_gather(0, k0 + 3)
        wait_gather(1)
        compute(1, k0 + 1)
        start_gather(1, k0 + 4)
        wait_gather(2)
        compute(2, k0 + 2)
        return carry

    lax.fori_loop(0, NTRI, tri, 0, unroll=False)
    wait_gather(0)
    wait_gather(1)

    pltpu.sync_copy(out_v, out_hbm.at[pl.ds(ebase, EPW)])


@functools.partial(
    pl.kernel,
    out_type=jax.ShapeDtypeStruct((N_EDGES,), jnp.float32),
    mesh=plsc.VectorSubcoreMesh(core_axis_name="c", subcore_axis_name="s"),
    compiler_params=pltpu.CompilerParams(needs_layout_passes=False),
    scratch_types=[
        pltpu.VMEM((EPW,), jnp.int32),
        pltpu.VMEM((EPW,), jnp.int32),
        pltpu.VMEM((3, C, D), jnp.float32),
        pltpu.VMEM((3, C, D), jnp.float32),
        pltpu.VMEM((EPW,), jnp.float32),
        pltpu.VMEM((L * (L + 1) + 8,), jnp.float32),
        pltpu.SemaphoreType.DMA,
        pltpu.SemaphoreType.DMA,
        pltpu.SemaphoreType.DMA,
        pltpu.SemaphoreType.DMA,
        pltpu.SemaphoreType.DMA,
        pltpu.SemaphoreType.DMA,
    ],
)
def _edge_probs_sc(z_hbm, row_hbm, col_hbm, out_hbm, *scratch):
    _sc_body(z_hbm, row_hbm, col_hbm, out_hbm, *scratch)


def kernel(z, edge_index):
    row = edge_index[0].astype(jnp.int32)
    col = edge_index[1].astype(jnp.int32)
    return _edge_probs_sc(z, row, col)

# --- scband reference (transcript-rebuilt; emitter-appended) ---
"""Pipeline reference for scband-sparse-inner-product-decoder-79422535237675 (READ-ONLY COPY).

The authoritative reference and input builder live on the scoring server;
editing this copy changes nothing except your own understanding.
"""

import jax, jax.numpy as jnp
import numpy as np

N_NODES = 10000
N_EDGES = 320000
D_FEAT = 128


def setup_inputs(seed: int = 0) -> dict:
    key = jax.random.key(seed)
    k1, k2 = jax.random.split(key)
    z = jax.random.normal(k1, (N_NODES, D_FEAT), dtype=jnp.float32)
    edge_index = jax.random.randint(k2, (2, N_EDGES), 0, N_NODES, dtype=jnp.int64)
    return {"z": z, "edge_index": edge_index}


def reference(z, edge_index):
    # dropout = 0.0 and module in eval mode -> dropout is identity
    row = edge_index[0]
    col = edge_index[1]
    z_row = jnp.take(z, row, axis=0)
    z_col = jnp.take(z, col, axis=0)
    edge_logits = jnp.sum(z_row * z_col, axis=1)
    edge_probs = jax.nn.sigmoid(edge_logits)
    return edge_probs

if __name__ == "__main__":
    import jax
    _d = setup_inputs()
    print(jax.jit(kernel)(*tuple(_d.values())))

</pallas_src>

<mosaic_0001>
#map = affine_map<(d0, d1) -> (0, 0)>
#map1 = affine_map<(d0, d1) -> (0)>
module attributes {stable_mosaic.version = 14 : i64} {
  func.func @_edge_probs_sc(%arg0: i32, %arg1: i32, %arg2: memref<10000x128xf32, #tpu.memory_space<hbm>>, %arg3: memref<320000xi32, #tpu.memory_space<hbm>>, %arg4: memref<320000xi32, #tpu.memory_space<hbm>>, %arg5: memref<320000xf32, #tpu.memory_space<hbm>>, %arg6: memref<10000xi32, #tpu.memory_space<vmem>>, %arg7: memref<10000xi32, #tpu.memory_space<vmem>>, %arg8: memref<3x128x128xf32, #tpu.memory_space<vmem>>, %arg9: memref<3x128x128xf32, #tpu.memory_space<vmem>>, %arg10: memref<10000xf32, #tpu.memory_space<vmem>>, %arg11: memref<280xf32, #tpu.memory_space<vmem>>, %arg12: memref<!tpu.dma_semaphore, #tpu.memory_space<semaphore_mem>>, %arg13: memref<!tpu.dma_semaphore, #tpu.memory_space<semaphore_mem>>, %arg14: memref<!tpu.dma_semaphore, #tpu.memory_space<semaphore_mem>>, %arg15: memref<!tpu.dma_semaphore, #tpu.memory_space<semaphore_mem>>, %arg16: memref<!tpu.dma_semaphore, #tpu.memory_space<semaphore_mem>>, %arg17: memref<!tpu.dma_semaphore, #tpu.memory_space<semaphore_mem>>) attributes {dimension_semantics = [#tpu.dimension_semantics<core_parallel>, #tpu.dimension_semantics<subcore_parallel>], iteration_bounds = array<i64: 2, 16>, scalar_prefetch = 0 : i64, scratch_operands = 12 : i64, tpu.core_type = #tpu.core_type<sc_vector_subcore>, window_params = [{transform_indices = #map}, {transform_indices = #map1}, {transform_indices = #map1}, {transform_indices = #map1}]} {
    %mul3A = arith.constant 2 : i32
    %mul3A_0 = arith.muli %arg1, %mul3A : i32
    %add3A = arith.addi %mul3A_0, %arg0 : i32
    %mul3A_1 = arith.constant 10000 : i32
    %mul3A_2 = arith.muli %add3A, %mul3A_1 : i32
    %multiple_of3A = tpu.assume_multiple %mul3A_2, 8 : i32
    %iota3A = tpu.iota {dimensions = array<i32: 0>} : vector<16xi32>
    "tpu.region"() ({
      %run_scoped3A = tpu.sem_alloc : memref<!tpu.dma_semaphore, #tpu.memory_space<semaphore_mem>>
      %dma_start3A_116 = tpu.memref_slice %arg3[%multiple_of3A] : memref<320000xi32, #tpu.memory_space<hbm>> -> memref<10000xi32, #tpu.memory_space<hbm>>
      %dma_start3A_117 = tpu.memref_slice %arg3[%multiple_of3A] : memref<320000xi32, #tpu.memory_space<hbm>> -> memref<10000xi32, #tpu.memory_space<hbm>>
      tpu.enqueue_dma source(%dma_start3A_117 : memref<10000xi32, #tpu.memory_space<hbm>>) target(%arg6 : memref<10000xi32, #tpu.memory_space<vmem>>) target_semaphore(%run_scoped3A : memref<!tpu.dma_semaphore, #tpu.memory_space<semaphore_mem>>)
      %dma_wait3A_118 = tpu.memref_slice %arg3[%multiple_of3A] : memref<320000xi32, #tpu.memory_space<hbm>> -> memref<10000xi32, #tpu.memory_space<hbm>>
      %dma_wait3A_119 = tpu.memref_slice %arg3[%multiple_of3A] : memref<320000xi32, #tpu.memory_space<hbm>> -> memref<10000xi32, #tpu.memory_space<hbm>>
      tpu.wait_dma2 semaphore(%run_scoped3A : memref<!tpu.dma_semaphore, #tpu.memory_space<semaphore_mem>>) src(%dma_wait3A_119 : memref<10000xi32, #tpu.memory_space<hbm>>) dst(%arg6 : memref<10000xi32, #tpu.memory_space<vmem>>)
      tpu.yield
    }) : () -> ()
    "tpu.region"() ({
      %run_scoped3A = tpu.sem_alloc : memref<!tpu.dma_semaphore, #tpu.memory_space<semaphore_mem>>
      %dma_start3A_116 = tpu.memref_slice %arg4[%multiple_of3A] : memref<320000xi32, #tpu.memory_space<hbm>> -> memref<10000xi32, #tpu.memory_space<hbm>>
      %dma_start3A_117 = tpu.memref_slice %arg4[%multiple_of3A] : memref<320000xi32, #tpu.memory_space<hbm>> -> memref<10000xi32, #tpu.memory_space<hbm>>
      tpu.enqueue_dma source(%dma_start3A_117 : memref<10000xi32, #tpu.memory_space<hbm>>) target(%arg7 : memref<10000xi32, #tpu.memory_space<vmem>>) target_semaphore(%run_scoped3A : memref<!tpu.dma_semaphore, #tpu.memory_space<semaphore_mem>>)
      %dma_wait3A_118 = tpu.memref_slice %arg4[%multiple_of3A] : memref<320000xi32, #tpu.memory_space<hbm>> -> memref<10000xi32, #tpu.memory_space<hbm>>
      %dma_wait3A_119 = tpu.memref_slice %arg4[%multiple_of3A] : memref<320000xi32, #tpu.memory_space<hbm>> -> memref<10000xi32, #tpu.memory_space<hbm>>
      tpu.wait_dma2 semaphore(%run_scoped3A : memref<!tpu.dma_semaphore, #tpu.memory_space<semaphore_mem>>) src(%dma_wait3A_119 : memref<10000xi32, #tpu.memory_space<hbm>>) dst(%arg7 : memref<10000xi32, #tpu.memory_space<vmem>>)
      tpu.yield
    }) : () -> ()
    %mul3A_3 = arith.constant 17 : i32
    %mul3A_4 = vector.broadcast %mul3A_3 : i32 to vector<16xi32>
    %mul3A_5 = arith.muli %iota3A, %mul3A_4 : vector<16xi32>
    %mul3A_6 = arith.constant 0 : i32
    %mul3A_7 = arith.constant 128 : i32
    %mul3A_8 = arith.muli %mul3A_6, %mul3A_7 : i32
    %min3A = arith.constant 9872 : i32
    %min3A_9 = arith.minsi %mul3A_8, %min3A : i32
    %multiple_of3A_10 = tpu.assume_multiple %min3A_9, 8 : i32
    %dma_start3A = arith.constant 0 : i32
    %dma_start3A_11 = arith.constant 0 : i32
    %dma_start3A_12 = arith.constant 0 : i32
    %dma_start3A_13 = tpu.memref_slice %arg8[%dma_start3A, %dma_start3A_11, %dma_start3A_12] : memref<3x128x128xf32, #tpu.memory_space<vmem>> -> memref<1x128x128xf32, #tpu.memory_space<vmem>>
    %dma_start3A_14 = tpu.memref_squeeze %dma_start3A_13 : memref<1x128x128xf32, #tpu.memory_space<vmem>> -> memref<128x128xf32, #tpu.memory_space<vmem>>
    %dma_start3A_15 = tpu.memref_slice %arg6[%multiple_of3A_10] : memref<10000xi32, #tpu.memory_space<vmem>> -> memref<128xi32, #tpu.memory_space<vmem>>
    %dma_start3A_16 = arith.constant 0 : i32
    %dma_start3A_17 = arith.constant 0 : i32
    %dma_start3A_18 = tpu.memref_slice %arg2[%dma_start3A_16, %dma_start3A_17] : memref<10000x128xf32, #tpu.memory_space<hbm>> -> memref<10000x128xf32, #tpu.memory_space<hbm>>
    tpu.enqueue_indirect_dma source(%dma_start3A_18 : memref<10000x128xf32, #tpu.memory_space<hbm>>) target(%dma_start3A_14 : memref<128x128xf32, #tpu.memory_space<vmem>>) offsets(%dma_start3A_15 : memref<128xi32, #tpu.memory_space<vmem>>) semaphore(%arg12 : memref<!tpu.dma_semaphore, #tpu.memory_space<semaphore_mem>>)
    %dma_start3A_19 = arith.constant 0 : i32
    %dma_start3A_20 = arith.constant 0 : i32
    %dma_start3A_21 = arith.constant 0 : i32
    %dma_start3A_22 = tpu.memref_slice %arg9[%dma_start3A_19, %dma_start3A_20, %dma_start3A_21] : memref<3x128x128xf32, #tpu.memory_space<vmem>> -> memref<1x128x128xf32, #tpu.memory_space<vmem>>
    %dma_start3A_23 = tpu.memref_squeeze %dma_start3A_22 : memref<1x128x128xf32, #tpu.memory_space<vmem>> -> memref<128x128xf32, #tpu.memory_space<vmem>>
    %dma_start3A_24 = tpu.memref_slice %arg7[%multiple_of3A_10] : memref<10000xi32, #tpu.memory_space<vmem>> -> memref<128xi32, #tpu.memory_space<vmem>>
    %dma_start3A_25 = arith.constant 0 : i32
    %dma_start3A_26 = arith.constant 0 : i32
    %dma_start3A_27 = tpu.memref_slice %arg2[%dma_start3A_25, %dma_start3A_26] : memref<10000x128xf32, #tpu.memory_space<hbm>> -> memref<10000x128xf32, #tpu.memory_space<hbm>>
    tpu.enqueue_indirect_dma source(%dma_start3A_27 : memref<10000x128xf32, #tpu.memory_space<hbm>>) target(%dma_start3A_23 : memref<128x128xf32, #tpu.memory_space<vmem>>) offsets(%dma_start3A_24 : memref<128xi32, #tpu.memory_space<vmem>>) semaphore(%arg13 : memref<!tpu.dma_semaphore, #tpu.memory_space<semaphore_mem>>)
    %mul3A_28 = arith.constant 1 : i32
    %mul3A_29 = arith.constant 128 : i32
    %mul3A_30 = arith.muli %mul3A_28, %mul3A_29 : i32
    %min3A_31 = arith.constant 9872 : i32
    %min3A_32 = arith.minsi %mul3A_30, %min3A_31 : i32
    %multiple_of3A_33 = tpu.assume_multiple %min3A_32, 8 : i32
    %dma_start3A_34 = arith.constant 1 : i32
    %dma_start3A_35 = arith.constant 0 : i32
    %dma_start3A_36 = arith.constant 0 : i32
    %dma_start3A_37 = tpu.memref_slice %arg8[%dma_start3A_34, %dma_start3A_35, %dma_start3A_36] : memref<3x128x128xf32, #tpu.memory_space<vmem>> -> memref<1x128x128xf32, #tpu.memory_space<vmem>>
    %dma_start3A_38 = tpu.memref_squeeze %dma_start3A_37 : memref<1x128x128xf32, #tpu.memory_space<vmem>> -> memref<128x128xf32, #tpu.memory_space<vmem>>
    %dma_start3A_39 = tpu.memref_slice %arg6[%multiple_of3A_33] : memref<10000xi32, #tpu.memory_space<vmem>> -> memref<128xi32, #tpu.memory_space<vmem>>
    %dma_start3A_40 = arith.constant 0 : i32
    %dma_start3A_41 = arith.constant 0 : i32
    %dma_start3A_42 = tpu.memref_slice %arg2[%dma_start3A_40, %dma_start3A_41] : memref<10000x128xf32, #tpu.memory_space<hbm>> -> memref<10000x128xf32, #tpu.memory_space<hbm>>
    tpu.enqueue_indirect_dma source(%dma_start3A_42 : memref<10000x128xf32, #tpu.memory_space<hbm>>) target(%dma_start3A_38 : memref<128x128xf32, #tpu.memory_space<vmem>>) offsets(%dma_start3A_39 : memref<128xi32, #tpu.memory_space<vmem>>) semaphore(%arg14 : memref<!tpu.dma_semaphore, #tpu.memory_space<semaphore_mem>>)
    %dma_start3A_43 = arith.constant 1 : i32
    %dma_start3A_44 = arith.constant 0 : i32
    %dma_start3A_45 = arith.constant 0 : i32
    %dma_start3A_46 = tpu.memref_slice %arg9[%dma_start3A_43, %dma_start3A_44, %dma_start3A_45] : memref<3x128x128xf32, #tpu.memory_space<vmem>> -> memref<1x128x128xf32, #tpu.memory_space<vmem>>
    %dma_start3A_47 = tpu.memref_squeeze %dma_start3A_46 : memref<1x128x128xf32, #tpu.memory_space<vmem>> -> memref<128x128xf32, #tpu.memory_space<vmem>>
    %dma_start3A_48 = tpu.memref_slice %arg7[%multiple_of3A_33] : memref<10000xi32, #tpu.memory_space<vmem>> -> memref<128xi32, #tpu.memory_space<vmem>>
    %dma_start3A_49 = arith.constant 0 : i32
    %dma_start3A_50 = arith.constant 0 : i32
    %dma_start3A_51 = tpu.memref_slice %arg2[%dma_start3A_49, %dma_start3A_50] : memref<10000x128xf32, #tpu.memory_space<hbm>> -> memref<10000x128xf32, #tpu.memory_space<hbm>>
    tpu.enqueue_indirect_dma source(%dma_start3A_51 : memref<10000x128xf32, #tpu.memory_space<hbm>>) target(%dma_start3A_47 : memref<128x128xf32, #tpu.memory_space<vmem>>) offsets(%dma_start3A_48 : memref<128xi32, #tpu.memory_space<vmem>>) semaphore(%arg15 : memref<!tpu.dma_semaphore, #tpu.memory_space<semaphore_mem>>)
    %scan3A = arith.constant 0 : i32
    %scan3A_52 = arith.constant 0 : i32
    %scan3A_53 = arith.constant 27 : i32
    %scan3A_54 = arith.addi %scan3A_52, %scan3A_53 : i32
    %scan3A_55 = arith.constant 1 : i32
    scf.for %scan3A_116 = %scan3A_52 to %scan3A_54 step %scan3A_55  : i32 {
      %mul3A_117 = arith.constant 3 : i32
      %mul3A_118 = arith.muli %mul3A_117, %scan3A_116 : i32
      %add3A_119 = arith.constant 2 : i32
      %add3A_120 = arith.addi %mul3A_118, %add3A_119 : i32
      %mul3A_121 = arith.constant 128 : i32
      %mul3A_122 = arith.muli %add3A_120, %mul3A_121 : i32
      %min3A_123 = arith.constant 9872 : i32
      %min3A_124 = arith.minsi %mul3A_122, %min3A_123 : i32
      %multiple_of3A_125 = tpu.assume_multiple %min3A_124, 8 : i32
      %dma_start3A_126 = arith.constant 2 : i32
      %dma_start3A_127 = arith.constant 0 : i32
      %dma_start3A_128 = arith.constant 0 : i32
      %dma_start3A_129 = tpu.memref_slice %arg8[%dma_start3A_126, %dma_start3A_127, %dma_start3A_128] : memref<3x128x128xf32, #tpu.memory_space<vmem>> -> memref<1x128x128xf32, #tpu.memory_space<vmem>>
      %dma_start3A_130 = tpu.memref_squeeze %dma_start3A_129 : memref<1x128x128xf32, #tpu.memory_space<vmem>> -> memref<128x128xf32, #tpu.memory_space<vmem>>
      %dma_start3A_131 = tpu.memref_slice %arg6[%multiple_of3A_125] : memref<10000xi32, #tpu.memory_space<vmem>> -> memref<128xi32, #tpu.memory_space<vmem>>
      %dma_start3A_132 = arith.constant 0 : i32
      %dma_start3A_133 = arith.constant 0 : i32
      %dma_start3A_134 = tpu.memref_slice %arg2[%dma_start3A_132, %dma_start3A_133] : memref<10000x128xf32, #tpu.memory_space<hbm>> -> memref<10000x128xf32, #tpu.memory_space<hbm>>
      tpu.enqueue_indirect_dma source(%dma_start3A_134 : memref<10000x128xf32, #tpu.memory_space<hbm>>) target(%dma_start3A_130 : memref<128x128xf32, #tpu.memory_space<vmem>>) offsets(%dma_start3A_131 : memref<128xi32, #tpu.memory_space<vmem>>) semaphore(%arg16 : memref<!tpu.dma_semaphore, #tpu.memory_space<semaphore_mem>>)
      %dma_start3A_135 = arith.constant 2 : i32
      %dma_start3A_136 = arith.constant 0 : i32
      %dma_start3A_137 = arith.constant 0 : i32
      %dma_start3A_138 = tpu.memref_slice %arg9[%dma_start3A_135, %dma_start3A_136, %dma_start3A_137] : memref<3x128x128xf32, #tpu.memory_space<vmem>> -> memref<1x128x128xf32, #tpu.memory_space<vmem>>
      %dma_start3A_139 = tpu.memref_squeeze %dma_start3A_138 : memref<1x128x128xf32, #tpu.memory_space<vmem>> -> memref<128x128xf32, #tpu.memory_space<vmem>>
      %dma_start3A_140 = tpu.memref_slice %arg7[%multiple_of3A_125] : memref<10000xi32, #tpu.memory_space<vmem>> -> memref<128xi32, #tpu.memory_space<vmem>>
      %dma_start3A_141 = arith.constant 0 : i32
      %dma_start3A_142 = arith.constant 0 : i32
      %dma_start3A_143 = tpu.memref_slice %arg2[%dma_start3A_141, %dma_start3A_142] : memref<10000x128xf32, #tpu.memory_space<hbm>> -> memref<10000x128xf32, #tpu.memory_space<hbm>>
      tpu.enqueue_indirect_dma source(%dma_start3A_143 : memref<10000x128xf32, #tpu.memory_space<hbm>>) target(%dma_start3A_139 : memref<128x128xf32, #tpu.memory_space<vmem>>) offsets(%dma_start3A_140 : memref<128xi32, #tpu.memory_space<vmem>>) semaphore(%arg17 : memref<!tpu.dma_semaphore, #tpu.memory_space<semaphore_mem>>)
      %dma_wait3A_144 = arith.constant 0 : i32
      %dma_wait3A_145 = arith.constant 0 : i32
      %dma_wait3A_146 = arith.constant 0 : i32
      %dma_wait3A_147 = tpu.memref_slice %arg8[%dma_wait3A_144, %dma_wait3A_145, %dma_wait3A_146] : memref<3x128x128xf32, #tpu.memory_space<vmem>> -> memref<1x128x128xf32, #tpu.memory_space<vmem>>
      %dma_wait3A_148 = tpu.memref_squeeze %dma_wait3A_147 : memref<1x128x128xf32, #tpu.memory_space<vmem>> -> memref<128x128xf32, #tpu.memory_space<vmem>>
      %dma_wait3A_149 = arith.constant 0 : i32
      %dma_wait3A_150 = arith.constant 0 : i32
      %dma_wait3A_151 = tpu.memref_slice %arg2[%dma_wait3A_149, %dma_wait3A_150] : memref<10000x128xf32, #tpu.memory_space<hbm>> -> memref<128x128xf32, #tpu.memory_space<hbm>>
      %dma_wait3A_152 = arith.constant 0 : i32
      %dma_wait3A_153 = arith.constant 0 : i32
      %dma_wait3A_154 = tpu.memref_slice %arg8[%dma_wait3A_144, %dma_wait3A_152, %dma_wait3A_153] : memref<3x128x128xf32, #tpu.memory_space<vmem>> -> memref<1x128x128xf32, #tpu.memory_space<vmem>>
      %dma_wait3A_155 = tpu.memref_squeeze %dma_wait3A_154 : memref<1x128x128xf32, #tpu.memory_space<vmem>> -> memref<128x128xf32, #tpu.memory_space<vmem>>
      %dma_wait3A_156 = arith.constant 0 : i32
      %dma_wait3A_157 = arith.constant 0 : i32
      %dma_wait3A_158 = tpu.memref_slice %arg2[%dma_wait3A_156, %dma_wait3A_157] : memref<10000x128xf32, #tpu.memory_space<hbm>> -> memref<128x128xf32, #tpu.memory_space<hbm>>
      tpu.wait_dma2 semaphore(%arg12 : memref<!tpu.dma_semaphore, #tpu.memory_space<semaphore_mem>>) src(%dma_wait3A_158 : memref<128x128xf32, #tpu.memory_space<hbm>>) dst(%dma_wait3A_155 : memref<128x128xf32, #tpu.memory_space<vmem>>)
      %dma_wait3A_159 = arith.constant 0 : i32
      %dma_wait3A_160 = arith.constant 0 : i32
      %dma_wait3A_161 = arith.constant 0 : i32
      %dma_wait3A_162 = tpu.memref_slice %arg9[%dma_wait3A_159, %dma_wait3A_160, %dma_wait3A_161] : memref<3x128x128xf32, #tpu.memory_space<vmem>> -> memref<1x128x128xf32, #tpu.memory_space<vmem>>
      %dma_wait3A_163 = tpu.memref_squeeze %dma_wait3A_162 : memref<1x128x128xf32, #tpu.memory_space<vmem>> -> memref<128x128xf32, #tpu.memory_space<vmem>>
      %dma_wait3A_164 = arith.constant 0 : i32
      %dma_wait3A_165 = arith.constant 0 : i32
      %dma_wait3A_166 = tpu.memref_slice %arg2[%dma_wait3A_164, %dma_wait3A_165] : memref<10000x128xf32, #tpu.memory_space<hbm>> -> memref<128x128xf32, #tpu.memory_space<hbm>>
      %dma_wait3A_167 = arith.constant 0 : i32
      %dma_wait3A_168 = arith.constant 0 : i32
      %dma_wait3A_169 = tpu.memref_slice %arg9[%dma_wait3A_159, %dma_wait3A_167, %dma_wait3A_168] : memref<3x128x128xf32, #tpu.memory_space<vmem>> -> memref<1x128x128xf32, #tpu.memory_space<vmem>>
      %dma_wait3A_170 = tpu.memref_squeeze %dma_wait3A_169 : memref<1x128x128xf32, #tpu.memory_space<vmem>> -> memref<128x128xf32, #tpu.memory_space<vmem>>
      %dma_wait3A_171 = arith.constant 0 : i32
      %dma_wait3A_172 = arith.constant 0 : i32
      %dma_wait3A_173 = tpu.memref_slice %arg2[%dma_wait3A_171, %dma_wait3A_172] : memref<10000x128xf32, #tpu.memory_space<hbm>> -> memref<128x128xf32, #tpu.memory_space<hbm>>
      tpu.wait_dma2 semaphore(%arg13 : memref<!tpu.dma_semaphore, #tpu.memory_space<semaphore_mem>>) src(%dma_wait3A_173 : memref<128x128xf32, #tpu.memory_space<hbm>>) dst(%dma_wait3A_170 : memref<128x128xf32, #tpu.memory_space<vmem>>)
      %mul3A_174 = arith.constant 128 : i32
      %mul3A_175 = arith.muli %mul3A_118, %mul3A_174 : i32
      %min3A_176 = arith.constant 9872 : i32
      %min3A_177 = arith.minsi %mul3A_175, %min3A_176 : i32
      %multiple_of3A_178 = tpu.assume_multiple %min3A_177, 8 : i32
      %scan3A_179 = arith.constant 0 : i32
      %scan3A_180 = arith.constant 0 : i32
      %scan3A_181 = arith.constant 8 : i32
      %scan3A_182 = arith.addi %scan3A_180, %scan3A_181 : i32
      %scan3A_183 = arith.constant 1 : i32
      scf.for %scan3A_321 = %scan3A_180 to %scan3A_182 step %scan3A_183  : i32 {
        %mul3A_322 = arith.constant 16 : i32
        %mul3A_323 = arith.muli %scan3A_321, %mul3A_322 : i32
        %add3A_324 = arith.constant 0 : i32
        %add3A_325 = arith.addi %mul3A_323, %add3A_324 : i32
        %get3A = arith.constant 0 : i32
        %get3A_326 = arith.index_cast %get3A : i32 to index
        %get3A_327 = arith.index_cast %add3A_325 : i32 to index
        %get3A_328 = arith.constant 0 : index
        %get3A_329 = tpu.vector_load %arg8[%get3A_326, %get3A_327, %get3A_328] {strides = array<i32>} : memref<3x128x128xf32, #tpu.memory_space<vmem>>, vector<16xf32>,
        %get3A_330 = arith.constant 0 : i32
        %get3A_331 = arith.index_cast %get3A_330 : i32 to index
        %get3A_332 = arith.index_cast %add3A_325 : i32 to index
        %get3A_333 = arith.constant 0 : index
        %get3A_334 = tpu.vector_load %arg9[%get3A_331, %get3A_332, %get3A_333] {strides = array<i32>} : memref<3x128x128xf32, #tpu.memory_space<vmem>>, vector<16xf32>,
        %mul3A_335 = arith.mulf %get3A_329, %get3A_334 : vector<16xf32>
        %get3A_336 = arith.constant 0 : i32
        %get3A_337 = arith.index_cast %get3A_336 : i32 to index
        %get3A_338 = arith.index_cast %add3A_325 : i32 to index
        %get3A_339 = arith.constant 16 : index
        %get3A_340 = tpu.vector_load %arg8[%get3A_337, %get3A_338, %get3A_339] {strides = array<i32>} : memref<3x128x128xf32, #tpu.memory_space<vmem>>, vector<16xf32>,
        %get3A_341 = arith.constant 0 : i32
        %get3A_342 = arith.index_cast %get3A_341 : i32 to index
        %get3A_343 = arith.index_cast %add3A_325 : i32 to index
        %get3A_344 = arith.constant 16 : index
        %get3A_345 = tpu.vector_load %arg9[%get3A_342, %get3A_343, %get3A_344] {strides = array<i32>} : memref<3x128x128xf32, #tpu.memory_space<vmem>>, vector<16xf32>,
        %mul3A_346 = arith.mulf %get3A_340, %get3A_345 : vector<16xf32>
        %add3A_347 = arith.addf %mul3A_335, %mul3A_346 : vector<16xf32>
        %get3A_348 = arith.constant 0 : i32
        %get3A_349 = arith.index_cast %get3A_348 : i32 to index
        %get3A_350 = arith.index_cast %add3A_325 : i32 to index
        %get3A_351 = arith.constant 32 : index
        %get3A_352 = tpu.vector_load %arg8[%get3A_349, %get3A_350, %get3A_351] {strides = array<i32>} : memref<3x128x128xf32, #tpu.memory_space<vmem>>, vector<16xf32>,
        %get3A_353 = arith.constant 0 : i32
        %get3A_354 = arith.index_cast %get3A_353 : i32 to index
        %get3A_355 = arith.index_cast %add3A_325 : i32 to index
        %get3A_356 = arith.constant 32 : index
        %get3A_357 = tpu.vector_load %arg9[%get3A_354, %get3A_355, %get3A_356] {strides = array<i32>} : memref<3x128x128xf32, #tpu.memory_space<vmem>>, vector<16xf32>,
        %mul3A_358 = arith.mulf %get3A_352, %get3A_357 : vector<16xf32>
        %add3A_359 = arith.addf %add3A_347, %mul3A_358 : vector<16xf32>
        %get3A_360 = arith.constant 0 : i32
        %get3A_361 = arith.index_cast %get3A_360 : i32 to index
        %get3A_362 = arith.index_cast %add3A_325 : i32 to index
        %get3A_363 = arith.constant 48 : index
        %get3A_364 = tpu.vector_load %arg8[%get3A_361, %get3A_362, %get3A_363] {strides = array<i32>} : memref<3x128x128xf32, #tpu.memory_space<vmem>>, vector<16xf32>,
        %get3A_365 = arith.constant 0 : i32
        %get3A_366 = arith.index_cast %get3A_365 : i32 to index
        %get3A_367 = arith.index_cast %add3A_325 : i32 to index
        %get3A_368 = arith.constant 48 : index
        %get3A_369 = tpu.vector_load %arg9[%get3A_366, %get3A_367, %get3A_368] {strides = array<i32>} : memref<3x128x128xf32, #tpu.memory_space<vmem>>, vector<16xf32>,
        %mul3A_370 = arith.mulf %get3A_364, %get3A_369 : vector<16xf32>
        %add3A_371 = arith.addf %add3A_359, %mul3A_370 : vector<16xf32>
        %get3A_372 = arith.constant 0 : i32
        %get3A_373 = arith.index_cast %get3A_372 : i32 to index
        %get3A_374 = arith.index_cast %add3A_325 : i32 to index
        %get3A_375 = arith.constant 64 : index
        %get3A_376 = tpu.vector_load %arg8[%get3A_373, %get3A_374, %get3A_375] {strides = array<i32>} : memref<3x128x128xf32, #tpu.memory_space<vmem>>, vector<16xf32>,
        %get3A_377 = arith.constant 0 : i32
        %get3A_378 = arith.index_cast %get3A_377 : i32 to index
        %get3A_379 = arith.index_cast %add3A_325 : i32 to index
        %get3A_380 = arith.constant 64 : index
        %get3A_381 = tpu.vector_load %arg9[%get3A_378, %get3A_379, %get3A_380] {strides = array<i32>} : memref<3x128x128xf32, #tpu.memory_space<vmem>>, vector<16xf32>,
        %mul3A_382 = arith.mulf %get3A_376, %get3A_381 : vector<16xf32>
        %add3A_383 = arith.addf %add3A_371, %mul3A_382 : vector<16xf32>
        %get3A_384 = arith.constant 0 : i32
        %get3A_385 = arith.index_cast %get3A_384 : i32 to index
        %get3A_386 = arith.index_cast %add3A_325 : i32 to index
        %get3A_387 = arith.constant 80 : index
        %get3A_388 = tpu.vector_load %arg8[%get3A_385, %get3A_386, %get3A_387] {strides = array<i32>} : memref<3x128x128xf32, #tpu.memory_space<vmem>>, vector<16xf32>,
        %get3A_389 = arith.constant 0 : i32
        %get3A_390 = arith.index_cast %get3A_389 : i32 to index
        %get3A_391 = arith.index_cast %add3A_325 : i32 to index
        %get3A_392 = arith.constant 80 : index
        %get3A_393 = tpu.vector_load %arg9[%get3A_390, %get3A_391, %get3A_392] {strides = array<i32>} : memref<3x128x128xf32, #tpu.memory_space<vmem>>, vector<16xf32>,
        %mul3A_394 = arith.mulf %get3A_388, %get3A_393 : vector<16xf32>
        %add3A_395 = arith.addf %add3A_383, %mul3A_394 : vector<16xf32>
        %get3A_396 = arith.constant 0 : i32
        %get3A_397 = arith.index_cast %get3A_396 : i32 to index
        %get3A_398 = arith.index_cast %add3A_325 : i32 to index
        %get3A_399 = arith.constant 96 : index
        %get3A_400 = tpu.vector_load %arg8[%get3A_397, %get3A_398, %get3A_399] {strides = array<i32>} : memref<3x128x128xf32, #tpu.memory_space<vmem>>, vector<16xf32>,
        %get3A_401 = arith.constant 0 : i32
        %get3A_402 = arith.index_cast %get3A_401 : i32 to index
        %get3A_403 = arith.index_cast %add3A_325 : i32 to index
        %get3A_404 = arith.constant 96 : index
        %get3A_405 = tpu.vector_load %arg9[%get3A_402, %get3A_403, %get3A_404] {strides = array<i32>} : memref<3x128x128xf32, #tpu.memory_space<vmem>>, vector<16xf32>,
        %mul3A_406 = arith.mulf %get3A_400, %get3A_405 : vector<16xf32>
        %add3A_407 = arith.addf %add3A_395, %mul3A_406 : vector<16xf32>
        %get3A_408 = arith.constant 0 : i32
        %get3A_409 = arith.index_cast %get3A_408 : i32 to index
        %get3A_410 = arith.index_cast %add3A_325 : i32 to index
        %get3A_411 = arith.constant 112 : index
        %get3A_412 = tpu.vector_load %arg8[%get3A_409, %get3A_410, %get3A_411] {strides = array<i32>} : memref<3x128x128xf32, #tpu.memory_space<vmem>>, vector<16xf32>,
        %get3A_413 = arith.constant 0 : i32
        %get3A_414 = arith.index_cast %get3A_413 : i32 to index
        %get3A_415 = arith.index_cast %add3A_325 : i32 to index
        %get3A_416 = arith.constant 112 : index
        %get3A_417 = tpu.vector_load %arg9[%get3A_414, %get3A_415, %get3A_416] {strides = array<i32>} : memref<3x128x128xf32, #tpu.memory_space<vmem>>, vector<16xf32>,
        %mul3A_418 = arith.mulf %get3A_412, %get3A_417 : vector<16xf32>
        %add3A_419 = arith.addf %add3A_407, %mul3A_418 : vector<16xf32>
        %swap3A = arith.constant 0 : index
        %swap3A_420 = tpu.vector_load %arg11[%swap3A] {strides = array<i32>} : memref<280xf32, #tpu.memory_space<vmem>>, vector<16xf32>,
        tpu.vector_store %arg11[%swap3A], %add3A_419 {strides = array<i32>} : memref<280xf32, #tpu.memory_space<vmem>>, vector<16xf32>,
        %mul3A_421 = arith.constant 16 : i32
        %mul3A_422 = arith.muli %scan3A_321, %mul3A_421 : i32
        %add3A_423 = arith.constant 1 : i32
        %add3A_424 = arith.addi %mul3A_422, %add3A_423 : i32
        %get3A_425 = arith.constant 0 : i32
        %get3A_426 = arith.index_cast %get3A_425 : i32 to index
        %get3A_427 = arith.index_cast %add3A_424 : i32 to index
        %get3A_428 = arith.constant 0 : index
        %get3A_429 = tpu.vector_load %arg8[%get3A_426, %get3A_427, %get3A_428] {strides = array<i32>} : memref<3x128x128xf32, #tpu.memory_space<vmem>>, vector<16xf32>,
        %get3A_430 = arith.constant 0 : i32
        %get3A_431 = arith.index_cast %get3A_430 : i32 to index
        %get3A_432 = arith.index_cast %add3A_424 : i32 to index
        %get3A_433 = arith.constant 0 : index
        %get3A_434 = tpu.vector_load %arg9[%get3A_431, %get3A_432, %get3A_433] {strides = array<i32>} : memref<3x128x128xf32, #tpu.memory_space<vmem>>, vector<16xf32>,
        %mul3A_435 = arith.mulf %get3A_429, %get3A_434 : vector<16xf32>
        %get3A_436 = arith.constant 0 : i32
        %get3A_437 = arith.index_cast %get3A_436 : i32 to index
        %get3A_438 = arith.index_cast %add3A_424 : i32 to index
        %get3A_439 = arith.constant 16 : index
        %get3A_440 = tpu.vector_load %arg8[%get3A_437, %get3A_438, %get3A_439] {strides = array<i32>} : memref<3x128x128xf32, #tpu.memory_space<vmem>>, vector<16xf32>,
        %get3A_441 = arith.constant 0 : i32
        %get3A_442 = arith.index_cast %get3A_441 : i32 to index
        %get3A_443 = arith.index_cast %add3A_424 : i32 to index
        %get3A_444 = arith.constant 16 : index
        %get3A_445 = tpu.vector_load %arg9[%get3A_442, %get3A_443, %get3A_444] {strides = array<i32>} : memref<3x128x128xf32, #tpu.memory_space<vmem>>, vector<16xf32>,
        %mul3A_446 = arith.mulf %get3A_440, %get3A_445 : vector<16xf32>
        %add3A_447 = arith.addf %mul3A_435, %mul3A_446 : vector<16xf32>
        %get3A_448 = arith.constant 0 : i32
        %get3A_449 = arith.index_cast %get3A_448 : i32 to index
        %get3A_450 = arith.index_cast %add3A_424 : i32 to index
        %get3A_451 = arith.constant 32 : index
        %get3A_452 = tpu.vector_load %arg8[%get3A_449, %get3A_450, %get3A_451] {strides = array<i32>} : memref<3x128x128xf32, #tpu.memory_space<vmem>>, vector<16xf32>,
        %get3A_453 = arith.constant 0 : i32
        %get3A_454 = arith.index_cast %get3A_453 : i32 to index
        %get3A_455 = arith.index_cast %add3A_424 : i32 to index
        %get3A_456 = arith.constant 32 : index
        %get3A_457 = tpu.vector_load %arg9[%get3A_454, %get3A_455, %get3A_456] {strides = array<i32>} : memref<3x128x128xf32, #tpu.memory_space<vmem>>, vector<16xf32>,
        %mul3A_458 = arith.mulf %get3A_452, %get3A_457 : vector<16xf32>
        %add3A_459 = arith.addf %add3A_447, %mul3A_458 : vector<16xf32>
        %get3A_460 = arith.constant 0 : i32
        %get3A_461 = arith.index_cast %get3A_460 : i32 to index
        %get3A_462 = arith.index_cast %add3A_424 : i32 to index
        %get3A_463 = arith.constant 48 : index
        %get3A_464 = tpu.vector_load %arg8[%get3A_461, %get3A_462, %get3A_463] {strides = array<i32>} : memref<3x128x128xf32, #tpu.memory_space<vmem>>, vector<16xf32>,
        %get3A_465 = arith.constant 0 : i32
        %get3A_466 = arith.index_cast %get3A_465 : i32 to index
        %get3A_467 = arith.index_cast %add3A_424 : i32 to index
        %get3A_468 = arith.constant 48 : index
        %get3A_469 = tpu.vector_load %arg9[%get3A_466, %get3A_467, %get3A_468] {strides = array<i32>} : memref<3x128x128xf32, #tpu.memory_space<vmem>>, vector<16xf32>,
        %mul3A_470 = arith.mulf %get3A_464, %get3A_469 : vector<16xf32>
        %add3A_471 = arith.addf %add3A_459, %mul3A_470 : vector<16xf32>
        %get3A_472 = arith.constant 0 : i32
        %get3A_473 = arith.index_cast %get3A_472 : i32 to index
        %get3A_474 = arith.index_cast %add3A_424 : i32 to index
        %get3A_475 = arith.constant 64 : index
        %get3A_476 = tpu.vector_load %arg8[%get3A_473, %get3A_474, %get3A_475] {strides = array<i32>} : memref<3x128x128xf32, #tpu.memory_space<vmem>>, vector<16xf32>,
        %get3A_477 = arith.constant 0 : i32
        %get3A_478 = arith.index_cast %get3A_477 : i32 to index
        %get3A_479 = arith.index_cast %add3A_424 : i32 to index
        %get3A_480 = arith.constant 64 : index
        %get3A_481 = tpu.vector_load %arg9[%get3A_478, %get3A_479, %get3A_480] {strides = array<i32>} : memref<3x128x128xf32, #tpu.memory_space<vmem>>, vector<16xf32>,
        %mul3A_482 = arith.mulf %get3A_476, %get3A_481 : vector<16xf32>
        %add3A_483 = arith.addf %add3A_471, %mul3A_482 : vector<16xf32>
        %get3A_484 = arith.constant 0 : i32
        %get3A_485 = arith.index_cast %get3A_484 : i32 to index
        %get3A_486 = arith.index_cast %add3A_424 : i32 to index
        %get3A_487 = arith.constant 80 : index
        %get3A_488 = tpu.vector_load %arg8[%get3A_485, %get3A_486, %get3A_487] {strides = array<i32>} : memref<3x128x128xf32, #tpu.memory_space<vmem>>, vector<16xf32>,
        %get3A_489 = arith.constant 0 : i32
        %get3A_490 = arith.index_cast %get3A_489 : i32 to index
        %get3A_491 = arith.index_cast %add3A_424 : i32 to index
        %get3A_492 = arith.constant 80 : index
        %get3A_493 = tpu.vector_load %arg9[%get3A_490, %get3A_491, %get3A_492] {strides = array<i32>} : memref<3x128x128xf32, #tpu.memory_space<vmem>>, vector<16xf32>,
        %mul3A_494 = arith.mulf %get3A_488, %get3A_493 : vector<16xf32>
        %add3A_495 = arith.addf %add3A_483, %mul3A_494 : vector<16xf32>
        %get3A_496 = arith.constant 0 : i32
        %get3A_497 = arith.index_cast %get3A_496 : i32 to index
        %get3A_498 = arith.index_cast %add3A_424 : i32 to index
        %get3A_499 = arith.constant 96 : index
        %get3A_500 = tpu.vector_load %arg8[%get3A_497, %get3A_498, %get3A_499] {strides = array<i32>} : memref<3x128x128xf32, #tpu.memory_space<vmem>>, vector<16xf32>,
        %get3A_501 = arith.constant 0 : i32
        %get3A_502 = arith.index_cast %get3A_501 : i32 to index
        %get3A_503 = arith.index_cast %add3A_424 : i32 to index
        %get3A_504 = arith.constant 96 : index
        %get3A_505 = tpu.vector_load %arg9[%get3A_502, %get3A_503, %get3A_504] {strides = array<i32>} : memref<3x128x128xf32, #tpu.memory_space<vmem>>, vector<16xf32>,
        %mul3A_506 = arith.mulf %get3A_500, %get3A_505 : vector<16xf32>
        %add3A_507 = arith.addf %add3A_495, %mul3A_506 : vector<16xf32>
        %get3A_508 = arith.constant 0 : i32
        %get3A_509 = arith.index_cast %get3A_508 : i32 to index
        %get3A_510 = arith.index_cast %add3A_424 : i32 to index
        %get3A_511 = arith.constant 112 : index
        %get3A_512 = tpu.vector_load %arg8[%get3A_509, %get3A_510, %get3A_511] {strides = array<i32>} : memref<3x128x128xf32, #tpu.memory_space<vmem>>, vector<16xf32>,
        %get3A_513 = arith.constant 0 : i32
        %get3A_514 = arith.index_cast %get3A_513 : i32 to index
        %get3A_515 = arith.index_cast %add3A_424 : i32 to index
        %get3A_516 = arith.constant 112 : index
        %get3A_517 = tpu.vector_load %arg9[%get3A_514, %get3A_515, %get3A_516] {strides = array<i32>} : memref<3x128x128xf32, #tpu.memory_space<vmem>>, vector<16xf32>,
        %mul3A_518 = arith.mulf %get3A_512, %get3A_517 : vector<16xf32>
        %add3A_519 = arith.addf %add3A_507, %mul3A_518 : vector<16xf32>
        %swap3A_520 = arith.constant 17 : index
        %swap3A_521 = tpu.vector_load %arg11[%swap3A_520] {strides = array<i32>} : memref<280xf32, #tpu.memory_space<vmem>>, vector<16xf32>,
        tpu.vector_store %arg11[%swap3A_520], %add3A_519 {strides = array<i32>} : memref<280xf32, #tpu.memory_space<vmem>>, vector<16xf32>,
        %mul3A_522 = arith.constant 16 : i32
        %mul3A_523 = arith.muli %scan3A_321, %mul3A_522 : i32
        %add3A_524 = arith.constant 2 : i32
        %add3A_525 = arith.addi %mul3A_523, %add3A_524 : i32
        %get3A_526 = arith.constant 0 : i32
        %get3A_527 = arith.index_cast %get3A_526 : i32 to index
        %get3A_528 = arith.index_cast %add3A_525 : i32 to index
        %get3A_529 = arith.constant 0 : index
        %get3A_530 = tpu.vector_load %arg8[%get3A_527, %get3A_528, %get3A_529] {strides = array<i32>} : memref<3x128x128xf32, #tpu.memory_space<vmem>>, vector<16xf32>,
        %get3A_531 = arith.constant 0 : i32
        %get3A_532 = arith.index_cast %get3A_531 : i32 to index
        %get3A_533 = arith.index_cast %add3A_525 : i32 to index
        %get3A_534 = arith.constant 0 : index
        %get3A_535 = tpu.vector_load %arg9[%get3A_532, %get3A_533, %get3A_534] {strides = array<i32>} : memref<3x128x128xf32, #tpu.memory_space<vmem>>, vector<16xf32>,
        %mul3A_536 = arith.mulf %get3A_530, %get3A_535 : vector<16xf32>
        %get3A_537 = arith.constant 0 : i32
        %get3A_538 = arith.index_cast %get3A_537 : i32 to index
        %get3A_539 = arith.index_cast %add3A_525 : i32 to index
        %get3A_540 = arith.constant 16 : index
        %get3A_541 = tpu.vector_load %arg8[%get3A_538, %get3A_539, %get3A_540] {strides = array<i32>} : memref<3x128x128xf32, #tpu.memory_space<vmem>>, vector<16xf32>,
        %get3A_542 = arith.constant 0 : i32
        %get3A_543 = arith.index_cast %get3A_542 : i32 to index
        %get3A_544 = arith.index_cast %add3A_525 : i32 to index
        %get3A_545 = arith.constant 16 : index
        %get3A_546 = tpu.vector_load %arg9[%get3A_543, %get3A_544, %get3A_545] {strides = array<i32>} : memref<3x128x128xf32, #tpu.memory_space<vmem>>, vector<16xf32>,
        %mul3A_547 = arith.mulf %get3A_541, %get3A_546 : vector<16xf32>
        %add3A_548 = arith.addf %mul3A_536, %mul3A_547 : vector<16xf32>
        %get3A_549 = arith.constant 0 : i32
        %get3A_550 = arith.index_cast %get3A_549 : i32 to index
        %get3A_551 = arith.index_cast %add3A_525 : i32 to index
        %get3A_552 = arith.constant 32 : index
        %get3A_553 = tpu.vector_load %arg8[%get3A_550, %get3A_551, %get3A_552] {strides = array<i32>} : memref<3x128x128xf32, #tpu.memory_space<vmem>>, vector<16xf32>,
        %get3A_554 = arith.constant 0 : i32
        %get3A_555 = arith.index_cast %get3A_554 : i32 to index
        %get3A_556 = arith.index_cast %add3A_525 : i32 to index
        %get3A_557 = arith.constant 32 : index
        %get3A_558 = tpu.vector_load %arg9[%get3A_555, %get3A_556, %get3A_557] {strides = array<i32>} : memref<3x128x128xf32, #tpu.memory_space<vmem>>, vector<16xf32>,
        %mul3A_559 = arith.mulf %get3A_553, %get3A_558 : vector<16xf32>
        %add3A_560 = arith.addf %add3A_548, %mul3A_559 : vector<16xf32>
        %get3A_561 = arith.constant 0 : i32
        %get3A_562 = arith.index_cast %get3A_561 : i32 to index
        %get3A_563 = arith.index_cast %add3A_525 : i32 to index
        %get3A_564 = arith.constant 48 : index
        %get3A_565 = tpu.vector_load %arg8[%get3A_562, %get3A_563, %get3A_564] {strides = array<i32>} : memref<3x128x128xf32, #tpu.memory_space<vmem>>, vector<16xf32>,
        %get3A_566 = arith.constant 0 : i32
        %get3A_567 = arith.index_cast %get3A_566 : i32 to index
        %get3A_568 = arith.index_cast %add3A_525 : i32 to index
        %get3A_569 = arith.constant 48 : index
        %get3A_570 = tpu.vector_load %arg9[%get3A_567, %get3A_568, %get3A_569] {strides = array<i32>} : memref<3x128x128xf32, #tpu.memory_space<vmem>>, vector<16xf32>,
        %mul3A_571 = arith.mulf %get3A_565, %get3A_570 : vector<16xf32>
        %add3A_572 = arith.addf %add3A_560, %mul3A_571 : vector<16xf32>
        %get3A_573 = arith.constant 0 : i32
        %get3A_574 = arith.index_cast %get3A_573 : i32 to index
        %get3A_575 = arith.index_cast %add3A_525 : i32 to index
        %get3A_576 = arith.constant 64 : index
        %get3A_577 = tpu.vector_load %arg8[%get3A_574, %get3A_575, %get3A_576] {strides = array<i32>} : memref<3x128x128xf32, #tpu.memory_space<vmem>>, vector<16xf32>,
        %get3A_578 = arith.constant 0 : i32
        %get3A_579 = arith.index_cast %get3A_578 : i32 to index
        %get3A_580 = arith.index_cast %add3A_525 : i32 to index
        %get3A_581 = arith.constant 64 : index
        %get3A_582 = tpu.vector_load %arg9[%get3A_579, %get3A_580, %get3A_581] {strides = array<i32>} : memref<3x128x128xf32, #tpu.memory_space<vmem>>, vector<16xf32>,
        %mul3A_583 = arith.mulf %get3A_577, %get3A_582 : vector<16xf32>
        %add3A_584 = arith.addf %add3A_572, %mul3A_583 : vector<16xf32>
        %get3A_585 = arith.constant 0 : i32
        %get3A_586 = arith.index_cast %get3A_585 : i32 to index
        %get3A_587 = arith.index_cast %add3A_525 : i32 to index
        %get3A_588 = arith.constant 80 : index
        %get3A_589 = tpu.vector_load %arg8[%get3A_586, %get3A_587, %get3A_588] {strides = array<i32>} : memref<3x128x128xf32, #tpu.memory_space<vmem>>, vector<16xf32>,
        %get3A_590 = arith.constant 0 : i32
        %get3A_591 = arith.index_cast %get3A_590 : i32 to index
        %get3A_592 = arith.index_cast %add3A_525 : i32 to index
        %get3A_593 = arith.constant 80 : index
        %get3A_594 = tpu.vector_load %arg9[%get3A_591, %get3A_592, %get3A_593] {strides = array<i32>} : memref<3x128x128xf32, #tpu.memory_space<vmem>>, vector<16xf32>,
        %mul3A_595 = arith.mulf %get3A_589, %get3A_594 : vector<16xf32>
        %add3A_596 = arith.addf %add3A_584, %mul3A_595 : vector<16xf32>
        %get3A_597 = arith.constant 0 : i32
        %get3A_598 = arith.index_cast %get3A_597 : i32 to index
        %get3A_599 = arith.index_cast %add3A_525 : i32 to index
        %get3A_600 = arith.constant 96 : index
        %get3A_601 = tpu.vector_load %arg8[%get3A_598, %get3A_599, %get3A_600] {strides = array<i32>} : memref<3x128x128xf32, #tpu.memory_space<vmem>>, vector<16xf32>,
        %get3A_602 = arith.constant 0 : i32
        %get3A_603 = arith.index_cast %get3A_602 : i32 to index
        %get3A_604 = arith.index_cast %add3A_525 : i32 to index
        %get3A_605 = arith.constant 96 : index
        %get3A_606 = tpu.vector_load %arg9[%get3A_603, %get3A_604, %get3A_605] {strides = array<i32>} : memref<3x128x128xf32, #tpu.memory_space<vmem>>, vector<16xf32>,
        %mul3A_607 = arith.mulf %get3A_601, %get3A_606 : vector<16xf32>
        %add3A_608 = arith.addf %add3A_596, %mul3A_607 : vector<16xf32>
        %get3A_609 = arith.constant 0 : i32
        %get3A_610 = arith.index_cast %get3A_609 : i32 to index
        %get3A_611 = arith.index_cast %add3A_525 : i32 to index
        %get3A_612 = arith.constant 112 : index
        %get3A_613 = tpu.vector_load %arg8[%get3A_610, %get3A_611, %get3A_612] {strides = array<i32>} : memref<3x128x128xf32, #tpu.memory_space<vmem>>, vector<16xf32>,
        %get3A_614 = arith.constant 0 : i32
        %get3A_615 = arith.index_cast %get3A_614 : i32 to index
        %get3A_616 = arith.index_cast %add3A_525 : i32 to index
        %get3A_617 = arith.constant 112 : index
        %get3A_618 = tpu.vector_load %arg9[%get3A_615, %get3A_616, %get3A_617] {strides = array<i32>} : memref<3x128x128xf32, #tpu.memory_space<vmem>>, vector<16xf32>,
        %mul3A_619 = arith.mulf %get3A_613, %get3A_618 : vector<16xf32>
        %add3A_620 = arith.addf %add3A_608, %mul3A_619 : vector<16xf32>
        %swap3A_621 = arith.constant 34 : index
        %swap3A_622 = tpu.vector_load %arg11[%swap3A_621] {strides = array<i32>} : memref<280xf32, #tpu.memory_space<vmem>>, vector<16xf32>,
        tpu.vector_store %arg11[%swap3A_621], %add3A_620 {strides = array<i32>} : memref<280xf32, #tpu.memory_space<vmem>>, vector<16xf32>,
        %mul3A_623 = arith.constant 16 : i32
        %mul3A_624 = arith.muli %scan3A_321, %mul3A_623 : i32
        %add3A_625 = arith.constant 3 : i32
        %add3A_626 = arith.addi %mul3A_624, %add3A_625 : i32
        %get3A_627 = arith.constant 0 : i32
        %get3A_628 = arith.index_cast %get3A_627 : i32 to index
        %get3A_629 = arith.index_cast %add3A_626 : i32 to index
        %get3A_630 = arith.constant 0 : index
        %get3A_631 = tpu.vector_load %arg8[%get3A_628, %get3A_629, %get3A_630] {strides = array<i32>} : memref<3x128x128xf32, #tpu.memory_space<vmem>>, vector<16xf32>,
        %get3A_632 = arith.constant 0 : i32
        %get3A_633 = arith.index_cast %get3A_632 : i32 to index
        %get3A_634 = arith.index_cast %add3A_626 : i32 to index
        %get3A_635 = arith.constant 0 : index
        %get3A_636 = tpu.vector_load %arg9[%get3A_633, %get3A_634, %get3A_635] {strides = array<i32>} : memref<3x128x128xf32, #tpu.memory_space<vmem>>, vector<16xf32>,
        %mul3A_637 = arith.mulf %get3A_631, %get3A_636 : vector<16xf32>
        %get3A_638 = arith.constant 0 : i32
        %get3A_639 = arith.index_cast %get3A_638 : i32 to index
        %get3A_640 = arith.index_cast %add3A_626 : i32 to index
        %get3A_641 = arith.constant 16 : index
        %get3A_642 = tpu.vector_load %arg8[%get3A_639, %get3A_640, %get3A_641] {strides = array<i32>} : memref<3x128x128xf32, #tpu.memory_space<vmem>>, vector<16xf32>,
        %get3A_643 = arith.constant 0 : i32
        %get3A_644 = arith.index_cast %get3A_643 : i32 to index
        %get3A_645 = arith.index_cast %add3A_626 : i32 to index
        %get3A_646 = arith.constant 16 : index
        %get3A_647 = tpu.vector_load %arg9[%get3A_644, %get3A_645, %get3A_646] {strides = array<i32>} : memref<3x128x128xf32, #tpu.memory_space<vmem>>, vector<16xf32>,
        %mul3A_648 = arith.mulf %get3A_642, %get3A_647 : vector<16xf32>
        %add3A_649 = arith.addf %mul3A_637, %mul3A_648 : vector<16xf32>
        %get3A_650 = arith.constant 0 : i32
        %get3A_651 = arith.index_cast %get3A_650 : i32 to index
        %get3A_652 = arith.index_cast %add3A_626 : i32 to index
        %get3A_653 = arith.constant 32 : index
        %get3A_654 = tpu.vector_load %arg8[%get3A_651, %get3A_652, %get3A_653] {strides = array<i32>} : memref<3x128x128xf32, #tpu.memory_space<vmem>>, vector<16xf32>,
        %get3A_655 = arith.constant 0 : i32
        %get3A_656 = arith.index_cast %get3A_655 : i32 to index
        %get3A_657 = arith.index_cast %add3A_626 : i32 to index
        %get3A_658 = arith.constant 32 : index
        %get3A_659 = tpu.vector_load %arg9[%get3A_656, %get3A_657, %get3A_658] {strides = array<i32>} : memref<3x128x128xf32, #tpu.memory_space<vmem>>, vector<16xf32>,
        %mul3A_660 = arith.mulf %get3A_654, %get3A_659 : vector<16xf32>
        %add3A_661 = arith.addf %add3A_649, %mul3A_660 : vector<16xf32>
        %get3A_662 = arith.constant 0 : i32
        %get3A_663 = arith.index_cast %get3A_662 : i32 to index
        %get3A_664 = arith.index_cast %add3A_626 : i32 to index
        %get3A_665 = arith.constant 48 : index
        %get3A_666 = tpu.vector_load %arg8[%get3A_663, %get3A_664, %get3A_665] {strides = array<i32>} : memref<3x128x128xf32, #tpu.memory_space<vmem>>, vector<16xf32>,
        %get3A_667 = arith.constant 0 : i32
        %get3A_668 = arith.index_cast %get3A_667 : i32 to index
        %get3A_669 = arith.index_cast %add3A_626 : i32 to index
        %get3A_670 = arith.constant 48 : index
        %get3A_671 = tpu.vector_load %arg9[%get3A_668, %get3A_669, %get3A_670] {strides = array<i32>} : memref<3x128x128xf32, #tpu.memory_space<vmem>>, vector<16xf32>,
        %mul3A_672 = arith.mulf %get3A_666, %get3A_671 : vector<16xf32>
        %add3A_673 = arith.addf %add3A_661, %mul3A_672 : vector<16xf32>
        %get3A_674 = arith.constant 0 : i32
        %get3A_675 = arith.index_cast %get3A_674 : i32 to index
        %get3A_676 = arith.index_cast %add3A_626 : i32 to index
        %get3A_677 = arith.constant 64 : index
        %get3A_678 = tpu.vector_load %arg8[%get3A_675, %get3A_676, %get3A_677] {strides = array<i32>} : memref<3x128x128xf32, #tpu.memory_space<vmem>>, vector<16xf32>,
        %get3A_679 = arith.constant 0 : i32
        %get3A_680 = arith.index_cast %get3A_679 : i32 to index
        %get3A_681 = arith.index_cast %add3A_626 : i32 to index
        %get3A_682 = arith.constant 64 : index
        %get3A_683 = tpu.vector_load %arg9[%get3A_680, %get3A_681, %get3A_682] {strides = array<i32>} : memref<3x128x128xf32, #tpu.memory_space<vmem>>, vector<16xf32>,
        %mul3A_684 = arith.mulf %get3A_678, %get3A_683 : vector<16xf32>
        %add3A_685 = arith.addf %add3A_673, %mul3A_684 : vector<16xf32>
        %get3A_686 = arith.constant 0 : i32
        %get3A_687 = arith.index_cast %get3A_686 : i32 to index
        %get3A_688 = arith.index_cast %add3A_626 : i32 to index
        %get3A_689 = arith.constant 80 : index
        %get3A_690 = tpu.vector_load %arg8[%get3A_687, %get3A_688, %get3A_689] {strides = array<i32>} : memref<3x128x128xf32, #tpu.memory_space<vmem>>, vector<16xf32>,
        %get3A_691 = arith.constant 0 : i32
        %get3A_692 = arith.index_cast %get3A_691 : i32 to index
        %get3A_693 = arith.index_cast %add3A_626 : i32 to index
        %get3A_694 = arith.constant 80 : index
        %get3A_695 = tpu.vector_load %arg9[%get3A_692, %get3A_693, %get3A_694] {strides = array<i32>} : memref<3x128x128xf32, #tpu.memory_space<vmem>>, vector<16xf32>,
        %mul3A_696 = arith.mulf %get3A_690, %get3A_695 : vector<16xf32>
        %add3A_697 = arith.addf %add3A_685, %mul3A_696 : vector<16xf32>
        %get3A_698 = arith.constant 0 : i32
        %get3A_699 = arith.index_cast %get3A_698 : i32 to index
        %get3A_700 = arith.index_cast %add3A_626 : i32 to index
        %get3A_701 = arith.constant 96 : index
        %get3A_702 = tpu.vector_load %arg8[%get3A_699, %get3A_700, %get3A_701] {strides = array<i32>} : memref<3x128x128xf32, #tpu.memory_space<vmem>>, vector<16xf32>,
        %get3A_703 = arith.constant 0 : i32
        %get3A_704 = arith.index_cast %get3A_703 : i32 to index
        %get3A_705 = arith.index_cast %add3A_626 : i32 to index
        %get3A_706 = arith.constant 96 : index
        %get3A_707 = tpu.vector_load %arg9[%get3A_704, %get3A_705, %get3A_706] {strides = array<i32>} : memref<3x128x128xf32, #tpu.memory_space<vmem>>, vector<16xf32>,
        %mul3A_708 = arith.mulf %get3A_702, %get3A_707 : vector<16xf32>
        %add3A_709 = arith.addf %add3A_697, %mul3A_708 : vector<16xf32>
        %get3A_710 = arith.constant 0 : i32
        %get3A_711 = arith.index_cast %get3A_710 : i32 to index
        %get3A_712 = arith.index_cast %add3A_626 : i32 to index
        %get3A_713 = arith.constant 112 : index
        %get3A_714 = tpu.vector_load %arg8[%get3A_711, %get3A_712, %get3A_713] {strides = array<i32>} : memref<3x128x128xf32, #tpu.memory_space<vmem>>, vector<16xf32>,
        %get3A_715 = arith.constant 0 : i32
        %get3A_716 = arith.index_cast %get3A_715 : i32 to index
        %get3A_717 = arith.index_cast %add3A_626 : i32 to index
        %get3A_718 = arith.constant 112 : index
        %get3A_719 = tpu.vector_load %arg9[%get3A_716, %get3A_717, %get3A_718] {strides = array<i32>} : memref<3x128x128xf32, #tpu.memory_space<vmem>>, vector<16xf32>,
        %mul3A_720 = arith.mulf %get3A_714, %get3A_719 : vector<16xf32>
        %add3A_721 = arith.addf %add3A_709, %mul3A_720 : vector<16xf32>
        %swap3A_722 = arith.constant 51 : index
        %swap3A_723 = tpu.vector_load %arg11[%swap3A_722] {strides = array<i32>} : memref<280xf32, #tpu.memory_space<vmem>>, vector<16xf32>,
        tpu.vector_store %arg11[%swap3A_722], %add3A_721 {strides = array<i32>} : memref<280xf32, #tpu.memory_space<vmem>>, vector<16xf32>,
        %mul3A_724 = arith.constant 16 : i32
        %mul3A_725 = arith.muli %scan3A_321, %mul3A_724 : i32
        %add3A_726 = arith.constant 4 : i32
        %add3A_727 = arith.addi %mul3A_725, %add3A_726 : i32
        %get3A_728 = arith.constant 0 : i32
        %get3A_729 = arith.index_cast %get3A_728 : i32 to index
        %get3A_730 = arith.index_cast %add3A_727 : i32 to index
        %get3A_731 = arith.constant 0 : index
        %get3A_732 = tpu.vector_load %arg8[%get3A_729, %get3A_730, %get3A_731] {strides = array<i32>} : memref<3x128x128xf32, #tpu.memory_space<vmem>>, vector<16xf32>,
        %get3A_733 = arith.constant 0 : i32
        %get3A_734 = arith.index_cast %get3A_733 : i32 to index
        %get3A_735 = arith.index_cast %add3A_727 : i32 to index
        %get3A_736 = arith.constant 0 : index
        %get3A_737 = tpu.vector_load %arg9[%get3A_734, %get3A_735, %get3A_736] {strides = array<i32>} : memref<3x128x128xf32, #tpu.memory_space<vmem>>, vector<16xf32>,
        %mul3A_738 = arith.mulf %get3A_732, %get3A_737 : vector<16xf32>
        %get3A_739 = arith.constant 0 : i32
        %get3A_740 = arith.index_cast %get3A_739 : i32 to index
        %get3A_741 = arith.index_cast %add3A_727 : i32 to index
        %get3A_742 = arith.constant 16 : index
        %get3A_743 = tpu.vector_load %arg8[%get3A_740, %get3A_741, %get3A_742] {strides = array<i32>} : memref<3x128x128xf32, #tpu.memory_space<vmem>>, vector<16xf32>,
        %get3A_744 = arith.constant 0 : i32
        %get3A_745 = arith.index_cast %get3A_744 : i32 to index
        %get3A_746 = arith.index_cast %add3A_727 : i32 to index
        %get3A_747 = arith.constant 16 : index
        %get3A_748 = tpu.vector_load %arg9[%get3A_745, %get3A_746, %get3A_747] {strides = array<i32>} : memref<3x128x128xf32, #tpu.memory_space<vmem>>, vector<16xf32>,
        %mul3A_749 = arith.mulf %get3A_743, %get3A_748 : vector<16xf32>
        %add3A_750 = arith.addf %mul3A_738, %mul3A_749 : vector<16xf32>
        %get3A_751 = arith.constant 0 : i32
        %get3A_752 = arith.index_cast %get3A_751 : i32 to index
        %get3A_753 = arith.index_cast %add3A_727 : i32 to index
        %get3A_754 = arith.constant 32 : index
        %get3A_755 = tpu.vector_load %arg8[%get3A_752, %get3A_753, %get3A_754] {strides = array<i32>} : memref<3x128x128xf32, #tpu.memory_space<vmem>>, vector<16xf32>,
        %get3A_756 = arith.constant 0 : i32
        %get3A_757 = arith.index_cast %get3A_756 : i32 to index
        %get3A_758 = arith.index_cast %add3A_727 : i32 to index
        %get3A_759 = arith.constant 32 : index
        %get3A_760 = tpu.vector_load %arg9[%get3A_757, %get3A_758, %get3A_759] {strides = array<i32>} : memref<3x128x128xf32, #tpu.memory_space<vmem>>, vector<16xf32>,
        %mul3A_761 = arith.mulf %get3A_755, %get3A_760 : vector<16xf32>
        %add3A_762 = arith.addf %add3A_750, %mul3A_761 : vector<16xf32>
        %get3A_763 = arith.constant 0 : i32
        %get3A_764 = arith.index_cast %get3A_763 : i32 to index
        %get3A_765 = arith.index_cast %add3A_727 : i32 to index
        %get3A_766 = arith.constant 48 : index
        %get3A_767 = tpu.vector_load %arg8[%get3A_764, %get3A_765, %get3A_766] {strides = array<i32>} : memref<3x128x128xf32, #tpu.memory_space<vmem>>, vector<16xf32>,
        %get3A_768 = arith.constant 0 : i32
        %get3A_769 = arith.index_cast %get3A_768 : i32 to index
        %get3A_770 = arith.index_cast %add3A_727 : i32 to index
        %get3A_771 = arith.constant 48 : index
        %get3A_772 = tpu.vector_load %arg9[%get3A_769, %get3A_770, %get3A_771] {strides = array<i32>} : memref<3x128x128xf32, #tpu.memory_space<vmem>>, vector<16xf32>,
        %mul3A_773 = arith.mulf %get3A_767, %get3A_772 : vector<16xf32>
        %add3A_774 = arith.addf %add3A_762, %mul3A_773 : vector<16xf32>
        %get3A_775 = arith.constant 0 : i32
        %get3A_776 = arith.index_cast %get3A_775 : i32 to index
        %get3A_777 = arith.index_cast %add3A_727 : i32 to index
        %get3A_778 = arith.constant 64 : index
        %get3A_779 = tpu.vector_load %arg8[%get3A_776, %get3A_777, %get3A_778] {strides = array<i32>} : memref<3x128x128xf32, #tpu.memory_space<vmem>>, vector<16xf32>,
        %get3A_780 = arith.constant 0 : i32
        %get3A_781 = arith.index_cast %get3A_780 : i32 to index
        %get3A_782 = arith.index_cast %add3A_727 : i32 to index
        %get3A_783 = arith.constant 64 : index
        %get3A_784 = tpu.vector_load %arg9[%get3A_781, %get3A_782, %get3A_783] {strides = array<i32>} : memref<3x128x128xf32, #tpu.memory_space<vmem>>, vector<16xf32>,
        %mul3A_785 = arith.mulf %get3A_779, %get3A_784 : vector<16xf32>
        %add3A_786 = arith.addf %add3A_774, %mul3A_785 : vector<16xf32>
        %get3A_787 = arith.constant 0 : i32
        %get3A_788 = arith.index_cast %get3A_787 : i32 to index
        %get3A_789 = arith.index_cast %add3A_727 : i32 to index
        %get3A_790 = arith.constant 80 : index
        %get3A_791 = tpu.vector_load %arg8[%get3A_788, %get3A_789, %get3A_790] {strides = array<i32>} : memref<3x128x128xf32, #tpu.memory_space<vmem>>, vector<16xf32>,
        %get3A_792 = arith.constant 0 : i32
        %get3A_793 = arith.index_cast %get3A_792 : i32 to index
        %get3A_794 = arith.index_cast %add3A_727 : i32 to index
        %get3A_795 = arith.constant 80 : index
        %get3A_796 = tpu.vector_load %arg9[%get3A_793, %get3A_794, %get3A_795] {strides = array<i32>} : memref<3x128x128xf32, #tpu.memory_space<vmem>>, vector<16xf32>,
        %mul3A_797 = arith.mulf %get3A_791, %get3A_796 : vector<16xf32>
        %add3A_798 = arith.addf %add3A_786, %mul3A_797 : vector<16xf32>
        %get3A_799 = arith.constant 0 : i32
        %get3A_800 = arith.index_cast %get3A_799 : i32 to index
        %get3A_801 = arith.index_cast %add3A_727 : i32 to index
        %get3A_802 = arith.constant 96 : index
        %get3A_803 = tpu.vector_load %arg8[%get3A_800, %get3A_801, %get3A_802] {strides = array<i32>} : memref<3x128x128xf32, #tpu.memory_space<vmem>>, vector<16xf32>,
        %get3A_804 = arith.constant 0 : i32
        %get3A_805 = arith.index_cast %get3A_804 : i32 to index
        %get3A_806 = arith.index_cast %add3A_727 : i32 to index
        %get3A_807 = arith.constant 96 : index
        %get3A_808 = tpu.vector_load %arg9[%get3A_805, %get3A_806, %get3A_807] {strides = array<i32>} : memref<3x128x128xf32, #tpu.memory_space<vmem>>, vector<16xf32>,
        %mul3A_809 = arith.mulf %get3A_803, %get3A_808 : vector<16xf32>
        %add3A_810 = arith.addf %add3A_798, %mul3A_809 : vector<16xf32>
        %get3A_811 = arith.constant 0 : i32
        %get3A_812 = arith.index_cast %get3A_811 : i32 to index
        %get3A_813 = arith.index_cast %add3A_727 : i32 to index
        %get3A_814 = arith.constant 112 : index
        %get3A_815 = tpu.vector_load %arg8[%get3A_812, %get3A_813, %get3A_814] {strides = array<i32>} : memref<3x128x128xf32, #tpu.memory_space<vmem>>, vector<16xf32>,
        %get3A_816 = arith.constant 0 : i32
        %get3A_817 = arith.index_cast %get3A_816 : i32 to index
        %get3A_818 = arith.index_cast %add3A_727 : i32 to index
        %get3A_819 = arith.constant 112 : index
        %get3A_820 = tpu.vector_load %arg9[%get3A_817, %get3A_818, %get3A_819] {strides = array<i32>} : memref<3x128x128xf32, #tpu.memory_space<vmem>>, vector<16xf32>,
        %mul3A_821 = arith.mulf %get3A_815, %get3A_820 : vector<16xf32>
        %add3A_822 = arith.addf %add3A_810, %mul3A_821 : vector<16xf32>
        %swap3A_823 = arith.constant 68 : index
        %swap3A_824 = tpu.vector_load %arg11[%swap3A_823] {strides = array<i32>} : memref<280xf32, #tpu.memory_space<vmem>>, vector<16xf32>,
        tpu.vector_store %arg11[%swap3A_823], %add3A_822 {strides = array<i32>} : memref<280xf32, #tpu.memory_space<vmem>>, vector<16xf32>,
        %mul3A_825 = arith.constant 16 : i32
        %mul3A_826 = arith.muli %scan3A_321, %mul3A_825 : i32
        %add3A_827 = arith.constant 5 : i32
        %add3A_828 = arith.addi %mul3A_826, %add3A_827 : i32
        %get3A_829 = arith.constant 0 : i32
        %get3A_830 = arith.index_cast %get3A_829 : i32 to index
        %get3A_831 = arith.index_cast %add3A_828 : i32 to index
        %get3A_832 = arith.constant 0 : index
        %get3A_833 = tpu.vector_load %arg8[%get3A_830, %get3A_831, %get3A_832] {strides = array<i32>} : memref<3x128x128xf32, #tpu.memory_space<vmem>>, vector<16xf32>,
        %get3A_834 = arith.constant 0 : i32
        %get3A_835 = arith.index_cast %get3A_834 : i32 to index
        %get3A_836 = arith.index_cast %add3A_828 : i32 to index
        %get3A_837 = arith.constant 0 : index
        %get3A_838 = tpu.vector_load %arg9[%get3A_835, %get3A_836, %get3A_837] {strides = array<i32>} : memref<3x128x128xf32, #tpu.memory_space<vmem>>, vector<16xf32>,
        %mul3A_839 = arith.mulf %get3A_833, %get3A_838 : vector<16xf32>
        %get3A_840 = arith.constant 0 : i32
        %get3A_841 = arith.index_cast %get3A_840 : i32 to index
        %get3A_842 = arith.index_cast %add3A_828 : i32 to index
        %get3A_843 = arith.constant 16 : index
        %get3A_844 = tpu.vector_load %arg8[%get3A_841, %get3A_842, %get3A_843] {strides = array<i32>} : memref<3x128x128xf32, #tpu.memory_space<vmem>>, vector<16xf32>,
        %get3A_845 = arith.constant 0 : i32
        %get3A_846 = arith.index_cast %get3A_845 : i32 to index
        %get3A_847 = arith.index_cast %add3A_828 : i32 to index
        %get3A_848 = arith.constant 16 : index
        %get3A_849 = tpu.vector_load %arg9[%get3A_846, %get3A_847, %get3A_848] {strides = array<i32>} : memref<3x128x128xf32, #tpu.memory_space<vmem>>, vector<16xf32>,
        %mul3A_850 = arith.mulf %get3A_844, %get3A_849 : vector<16xf32>
        %add3A_851 = arith.addf %mul3A_839, %mul3A_850 : vector<16xf32>
        %get3A_852 = arith.constant 0 : i32
        %get3A_853 = arith.index_cast %get3A_852 : i32 to index
        %get3A_854 = arith.index_cast %add3A_828 : i32 to index
        %get3A_855 = arith.constant 32 : index
        %get3A_856 = tpu.vector_load %arg8[%get3A_853, %get3A_854, %get3A_855] {strides = array<i32>} : memref<3x128x128xf32, #tpu.memory_space<vmem>>, vector<16xf32>,
        %get3A_857 = arith.constant 0 : i32
        %get3A_858 = arith.index_cast %get3A_857 : i32 to index
        %get3A_859 = arith.index_cast %add3A_828 : i32 to index
        %get3A_860 = arith.constant 32 : index
        %get3A_861 = tpu.vector_load %arg9[%get3A_858, %get3A_859, %get3A_860] {strides = array<i32>} : memref<3x128x128xf32, #tpu.memory_space<vmem>>, vector<16xf32>,
        %mul3A_862 = arith.mulf %get3A_856, %get3A_861 : vector<16xf32>
        %add3A_863 = arith.addf %add3A_851, %mul3A_862 : vector<16xf32>
        %get3A_864 = arith.constant 0 : i32
        %get3A_865 = arith.index_cast %get3A_864 : i32 to index
        %get3A_866 = arith.index_cast %add3A_828 : i32 to index
        %get3A_867 = arith.constant 48 : index
        %get3A_868 = tpu.vector_load %arg8[%get3A_865, %get3A_866, %get3A_867] {strides = array<i32>} : memref<3x128x128xf32, #tpu.memory_space<vmem>>, vector<16xf32>,
        %get3A_869 = arith.constant 0 : i32
        %get3A_870 = arith.index_cast %get3A_869 : i32 to index
        %get3A_871 = arith.index_cast %add3A_828 : i32 to index
        %get3A_872 = arith.constant 48 : index
        %get3A_873 = tpu.vector_load %arg9[%get3A_870, %get3A_871, %get3A_872] {strides = array<i32>} : memref<3x128x128xf32, #tpu.memory_space<vmem>>, vector<16xf32>,
        %mul3A_874 = arith.mulf %get3A_868, %get3A_873 : vector<16xf32>
        %add3A_875 = arith.addf %add3A_863, %mul3A_874 : vector<16xf32>
        %get3A_876 = arith.constant 0 : i32
        %get3A_877 = arith.index_cast %get3A_876 : i32 to index
        %get3A_878 = arith.index_cast %add3A_828 : i32 to index
        %get3A_879 = arith.constant 64 : index
        %get3A_880 = tpu.vector_load %arg8[%get3A_877, %get3A_878, %get3A_879] {strides = array<i32>} : memref<3x128x128xf32, #tpu.memory_space<vmem>>, vector<16xf32>,
        %get3A_881 = arith.constant 0 : i32
        %get3A_882 = arith.index_cast %get3A_881 : i32 to index
        %get3A_883 = arith.index_cast %add3A_828 : i32 to index
        %get3A_884 = arith.constant 64 : index
        %get3A_885 = tpu.vector_load %arg9[%get3A_882, %get3A_883, %get3A_884] {strides = array<i32>} : memref<3x128x128xf32, #tpu.memory_space<vmem>>, vector<16xf32>,
        %mul3A_886 = arith.mulf %get3A_880, %get3A_885 : vector<16xf32>
        %add3A_887 = arith.addf %add3A_875, %mul3A_886 : vector<16xf32>
        %get3A_888 = arith.constant 0 : i32
        %get3A_889 = arith.index_cast %get3A_888 : i32 to index
        %get3A_890 = arith.index_cast %add3A_828 : i32 to index
        %get3A_891 = arith.constant 80 : index
        %get3A_892 = tpu.vector_load %arg8[%get3A_889, %get3A_890, %get3A_891] {strides = array<i32>} : memref<3x128x128xf32, #tpu.memory_space<vmem>>, vector<16xf32>,
        %get3A_893 = arith.constant 0 : i32
        %get3A_894 = arith.index_cast %get3A_893 : i32 to index
        %get3A_895 = arith.index_cast %add3A_828 : i32 to index
        %get3A_896 = arith.constant 80 : index
        %get3A_897 = tpu.vector_load %arg9[%get3A_894, %get3A_895, %get3A_896] {strides = array<i32>} : memref<3x128x128xf32, #tpu.memory_space<vmem>>, vector<16xf32>,
        %mul3A_898 = arith.mulf %get3A_892, %get3A_897 : vector<16xf32>
        %add3A_899 = arith.addf %add3A_887, %mul3A_898 : vector<16xf32>
        %get3A_900 = arith.constant 0 : i32
        %get3A_901 = arith.index_cast %get3A_900 : i32 to index
        %get3A_902 = arith.index_cast %add3A_828 : i32 to index
        %get3A_903 = arith.constant 96 : index
        %get3A_904 = tpu.vector_load %arg8[%get3A_901, %get3A_902, %get3A_903] {strides = array<i32>} : memref<3x128x128xf32, #tpu.memory_space<vmem>>, vector<16xf32>,
        %get3A_905 = arith.constant 0 : i32
        %get3A_906 = arith.index_cast %get3A_905 : i32 to index
        %get3A_907 = arith.index_cast %add3A_828 : i32 to index
        %get3A_908 = arith.constant 96 : index
        %get3A_909 = tpu.vector_load %arg9[%get3A_906, %get3A_907, %get3A_908] {strides = array<i32>} : memref<3x128x128xf32, #tpu.memory_space<vmem>>, vector<16xf32>,
        %mul3A_910 = arith.mulf %get3A_904, %get3A_909 : vector<16xf32>
        %add3A_911 = arith.addf %add3A_899, %mul3A_910 : vector<16xf32>
        %get3A_912 = arith.constant 0 : i32
        %get3A_913 = arith.index_cast %get3A_912 : i32 to index
        %get3A_914 = arith.index_cast %add3A_828 : i32 to index
        %get3A_915 = arith.constant 112 : index
        %get3A_916 = tpu.vector_load %arg8[%get3A_913, %get3A_914, %get3A_915] {strides = array<i32>} : memref<3x128x128xf32, #tpu.memory_space<vmem>>, vector<16xf32>,
        %get3A_917 = arith.constant 0 : i32
        %get3A_918 = arith.index_cast %get3A_917 : i32 to index
        %get3A_919 = arith.index_cast %add3A_828 : i32 to index
        %get3A_920 = arith.constant 112 : index
        %get3A_921 = tpu.vector_load %arg9[%get3A_918, %get3A_919, %get3A_920] {strides = array<i32>} : memref<3x128x128xf32, #tpu.memory_space<vmem>>, vector<16xf32>,
        %mul3A_922 = arith.mulf %get3A_916, %get3A_921 : vector<16xf32>
        %add3A_923 = arith.addf %add3A_911, %mul3A_922 : vector<16xf32>
        %swap3A_924 = arith.constant 85 : index
        %swap3A_925 = tpu.vector_load %arg11[%swap3A_924] {strides = array<i32>} : memref<280xf32, #tpu.memory_space<vmem>>, vector<16xf32>,
        tpu.vector_store %arg11[%swap3A_924], %add3A_923 {strides = array<i32>} : memref<280xf32, #tpu.memory_space<vmem>>, vector<16xf32>,
        %mul3A_926 = arith.constant 16 : i32
        %mul3A_927 = arith.muli %scan3A_321, %mul3A_926 : i32
        %add3A_928 = arith.constant 6 : i32
        %add3A_929 = arith.addi %mul3A_927, %add3A_928 : i32
        %get3A_930 = arith.constant 0 : i32
        %get3A_931 = arith.index_cast %get3A_930 : i32 to index
        %get3A_932 = arith.index_cast %add3A_929 : i32 to index
        %get3A_933 = arith.constant 0 : index
        %get3A_934 = tpu.vector_load %arg8[%get3A_931, %get3A_932, %get3A_933] {strides = array<i32>} : memref<3x128x128xf32, #tpu.memory_space<vmem>>, vector<16xf32>,
        %get3A_935 = arith.constant 0 : i32
        %get3A_936 = arith.index_cast %get3A_935 : i32 to index
        %get3A_937 = arith.index_cast %add3A_929 : i32 to index
        %get3A_938 = arith.constant 0 : index
        %get3A_939 = tpu.vector_load %arg9[%get3A_936, %get3A_937, %get3A_938] {strides = array<i32>} : memref<3x128x128xf32, #tpu.memory_space<vmem>>, vector<16xf32>,
        %mul3A_940 = arith.mulf %get3A_934, %get3A_939 : vector<16xf32>
        %get3A_941 = arith.constant 0 : i32
        %get3A_942 = arith.index_cast %get3A_941 : i32 to index
        %get3A_943 = arith.index_cast %add3A_929 : i32 to index
        %get3A_944 = arith.constant 16 : index
        %get3A_945 = tpu.vector_load %arg8[%get3A_942, %get3A_943, %get3A_944] {strides = array<i32>} : memref<3x128x128xf32, #tpu.memory_space<vmem>>, vector<16xf32>,
        %get3A_946 = arith.constant 0 : i32
        %get3A_947 = arith.index_cast %get3A_946 : i32 to index
        %get3A_948 = arith.index_cast %add3A_929 : i32 to index
        %get3A_949 = arith.constant 16 : index
        %get3A_950 = tpu.vector_load %arg9[%get3A_947, %get3A_948, %get3A_949] {strides = array<i32>} : memref<3x128x128xf32, #tpu.memory_space<vmem>>, vector<16xf32>,
        %mul3A_951 = arith.mulf %get3A_945, %get3A_950 : vector<16xf32>
        %add3A_952 = arith.addf %mul3A_940, %mul3A_951 : vector<16xf32>
        %get3A_953 = arith.constant 0 : i32
        %get3A_954 = arith.index_cast %get3A_953 : i32 to index
        %get3A_955 = arith.index_cast %add3A_929 : i32 to index
        %get3A_956 = arith.constant 32 : index
        %get3A_957 = tpu.vector_load %arg8[%get3A_954, %get3A_955, %get3A_956] {strides = array<i32>} : memref<3x128x128xf32, #tpu.memory_space<vmem>>, vector<16xf32>,
        %get3A_958 = arith.constant 0 : i32
        %get3A_959 = arith.index_cast %get3A_958 : i32 to index
        %get3A_960 = arith.index_cast %add3A_929 : i32 to index
        %get3A_961 = arith.constant 32 : index
        %get3A_962 = tpu.vector_load %arg9[%get3A_959, %get3A_960, %get3A_961] {strides = array<i32>} : memref<3x128x128xf32, #tpu.memory_space<vmem>>, vector<16xf32>,
        %mul3A_963 = arith.mulf %get3A_957, %get3A_962 : vector<16xf32>
        %add3A_964 = arith.addf %add3A_952, %mul3A_963 : vector<16xf32>
        %get3A_965 = arith.constant 0 : i32
        %get3A_966 = arith.index_cast %get3A_965 : i32 to index
        %get3A_967 = arith.index_cast %add3A_929 : i32 to index
        %get3A_968 = arith.constant 48 : index
        %get3A_969 = tpu.vector_load %arg8[%get3A_966, %get3A_967, %get3A_968] {strides = array<i32>} : memref<3x128x128xf32, #tpu.memory_space<vmem>>, vector<16xf32>,
        %get3A_970 = arith.constant 0 : i32
        %get3A_971 = arith.index_cast %get3A_970 : i32 to index
        %get3A_972 = arith.index_cast %add3A_929 : i32 to index
        %get3A_973 = arith.constant 48 : index
        %get3A_974 = tpu.vector_load %arg9[%get3A_971, %get3A_972, %get3A_973] {strides = array<i32>} : memref<3x128x128xf32, #tpu.memory_space<vmem>>, vector<16xf32>,
        %mul3A_975 = arith.mulf %get3A_969, %get3A_974 : vector<16xf32>
        %add3A_976 = arith.addf %add3A_964, %mul3A_975 : vector<16xf32>
        %get3A_977 = arith.constant 0 : i32
        %get3A_978 = arith.index_cast %get3A_977 : i32 to index
        %get3A_979 = arith.index_cast %add3A_929 : i32 to index
        %get3A_980 = arith.constant 64 : index
        %get3A_981 = tpu.vector_load %arg8[%get3A_978, %get3A_979, %get3A_980] {strides = array<i32>} : memref<3x128x128xf32, #tpu.memory_space<vmem>>, vector<16xf32>,
        %get3A_982 = arith.constant 0 : i32
        %get3A_983 = arith.index_cast %get3A_982 : i32 to index
        %get3A_984 = arith.index_cast %add3A_929 : i32 to index
        %get3A_985 = arith.constant 64 : index
        %get3A_986 = tpu.vector_load %arg9[%get3A_983, %get3A_984, %get3A_985] {strides = array<i32>} : memref<3x128x128xf32, #tpu.memory_space<vmem>>, vector<16xf32>,
        %mul3A_987 = arith.mulf %get3A_981, %get3A_986 : vector<16xf32>
        %add3A_988 = arith.addf %add3A_976, %mul3A_987 : vector<16xf32>
        %get3A_989 = arith.constant 0 : i32
        %get3A_990 = arith.index_cast %get3A_989 : i32 to index
        %get3A_991 = arith.index_cast %add3A_929 : i32 to index
        %get3A_992 = arith.constant 80 : index
        %get3A_993 = tpu.vector_load %arg8[%get3A_990, %get3A_991, %get3A_992] {strides = array<i32>} : memref<3x128x128xf32, #tpu.memory_space<vmem>>, vector<16xf32>,
        %get3A_994 = arith.constant 0 : i32
        %get3A_995 = arith.index_cast %get3A_994 : i32 to index
        %get3A_996 = arith.index_cast %add3A_929 : i32 to index
        %get3A_997 = arith.constant 80 : index
        %get3A_998 = tpu.vector_load %arg9[%get3A_995, %get3A_996, %get3A_997] {strides = array<i32>} : memref<3x128x128xf32, #tpu.memory_space<vmem>>, vector<16xf32>,
        %mul3A_999 = arith.mulf %get3A_993, %get3A_998 : vector<16xf32>
        %add3A_1000 = arith.addf %add3A_988, %mul3A_999 : vector<16xf32>
        %get3A_1001 = arith.constant 0 : i32
        %get3A_1002 = arith.index_cast %get3A_1001 : i32 to index
        %get3A_1003 = arith.index_cast %add3A_929 : i32 to index
        %get3A_1004 = arith.constant 96 : index
        %get3A_1005 = tpu.vector_load %arg8[%get3A_1002, %get3A_1003, %get3A_1004] {strides = array<i32>} : memref<3x128x128xf32, #tpu.memory_space<vmem>>, vector<16xf32>,
        %get3A_1006 = arith.constant 0 : i32
        %get3A_1007 = arith.index_cast %get3A_1006 : i32 to index
        %get3A_1008 = arith.index_cast %add3A_929 : i32 to index
        %get3A_1009 = arith.constant 96 : index
        %get3A_1010 = tpu.vector_load %arg9[%get3A_1007, %get3A_1008, %get3A_1009] {strides = array<i32>} : memref<3x128x128xf32, #tpu.memory_space<vmem>>, vector<16xf32>,
        %mul3A_1011 = arith.mulf %get3A_1005, %get3A_1010 : vector<16xf32>
        %add3A_1012 = arith.addf %add3A_1000, %mul3A_1011 : vector<16xf32>
        %get3A_1013 = arith.constant 0 : i32
        %get3A_1014 = arith.index_cast %get3A_1013 : i32 to index
        %get3A_1015 = arith.index_cast %add3A_929 : i32 to index
        %get3A_1016 = arith.constant 112 : index
        %get3A_1017 = tpu.vector_load %arg8[%get3A_1014, %get3A_1015, %get3A_1016] {strides = array<i32>} : memref<3x128x128xf32, #tpu.memory_space<vmem>>, vector<16xf32>,
        %get3A_1018 = arith.constant 0 : i32
        %get3A_1019 = arith.index_cast %get3A_1018 : i32 to index
        %get3A_1020 = arith.index_cast %add3A_929 : i32 to index
        %get3A_1021 = arith.constant 112 : index
        %get3A_1022 = tpu.vector_load %arg9[%get3A_1019, %get3A_1020, %get3A_1021] {strides = array<i32>} : memref<3x128x128xf32, #tpu.memory_space<vmem>>, vector<16xf32>,
        %mul3A_1023 = arith.mulf %get3A_1017, %get3A_1022 : vector<16xf32>
        %add3A_1024 = arith.addf %add3A_1012, %mul3A_1023 : vector<16xf32>
        %swap3A_1025 = arith.constant 102 : index
        %swap3A_1026 = tpu.vector_load %arg11[%swap3A_1025] {strides = array<i32>} : memref<280xf32, #tpu.memory_space<vmem>>, vector<16xf32>,
        tpu.vector_store %arg11[%swap3A_1025], %add3A_1024 {strides = array<i32>} : memref<280xf32, #tpu.memory_space<vmem>>, vector<16xf32>,
        %mul3A_1027 = arith.constant 16 : i32
        %mul3A_1028 = arith.muli %scan3A_321, %mul3A_1027 : i32
        %add3A_1029 = arith.constant 7 : i32
        %add3A_1030 = arith.addi %mul3A_1028, %add3A_1029 : i32
        %get3A_1031 = arith.constant 0 : i32
        %get3A_1032 = arith.index_cast %get3A_1031 : i32 to index
        %get3A_1033 = arith.index_cast %add3A_1030 : i32 to index
        %get3A_1034 = arith.constant 0 : index
        %get3A_1035 = tpu.vector_load %arg8[%get3A_1032, %get3A_1033, %get3A_1034] {strides = array<i32>} : memref<3x128x128xf32, #tpu.memory_space<vmem>>, vector<16xf32>,
        %get3A_1036 = arith.constant 0 : i32
        %get3A_1037 = arith.index_cast %get3A_1036 : i32 to index
        %get3A_1038 = arith.index_cast %add3A_1030 : i32 to index
        %get3A_1039 = arith.constant 0 : index
        %get3A_1040 = tpu.vector_load %arg9[%get3A_1037, %get3A_1038, %get3A_1039] {strides = array<i32>} : memref<3x128x128xf32, #tpu.memory_space<vmem>>, vector<16xf32>,
        %mul3A_1041 = arith.mulf %get3A_1035, %get3A_1040 : vector<16xf32>
        %get3A_1042 = arith.constant 0 : i32
        %get3A_1043 = arith.index_cast %get3A_1042 : i32 to index
        %get3A_1044 = arith.index_cast %add3A_1030 : i32 to index
        %get3A_1045 = arith.constant 16 : index
        %get3A_1046 = tpu.vector_load %arg8[%get3A_1043, %get3A_1044, %get3A_1045] {strides = array<i32>} : memref<3x128x128xf32, #tpu.memory_space<vmem>>, vector<16xf32>,
        %get3A_1047 = arith.constant 0 : i32
        %get3A_1048 = arith.index_cast %get3A_1047 : i32 to index
        %get3A_1049 = arith.index_cast %add3A_1030 : i32 to index
        %get3A_1050 = arith.constant 16 : index
        %get3A_1051 = tpu.vector_load %arg9[%get3A_1048, %get3A_1049, %get3A_1050] {strides = array<i32>} : memref<3x128x128xf32, #tpu.memory_space<vmem>>, vector<16xf32>,
        %mul3A_1052 = arith.mulf %get3A_1046, %get3A_1051 : vector<16xf32>
        %add3A_1053 = arith.addf %mul3A_1041, %mul3A_1052 : vector<16xf32>
        %get3A_1054 = arith.constant 0 : i32
        %get3A_1055 = arith.index_cast %get3A_1054 : i32 to index
        %get3A_1056 = arith.index_cast %add3A_1030 : i32 to index
        %get3A_1057 = arith.constant 32 : index
        %get3A_1058 = tpu.vector_load %arg8[%get3A_1055, %get3A_1056, %get3A_1057] {strides = array<i32>} : memref<3x128x128xf32, #tpu.memory_space<vmem>>, vector<16xf32>,
        %get3A_1059 = arith.constant 0 : i32
        %get3A_1060 = arith.index_cast %get3A_1059 : i32 to index
        %get3A_1061 = arith.index_cast %add3A_1030 : i32 to index
        %get3A_1062 = arith.constant 32 : index
        %get3A_1063 = tpu.vector_load %arg9[%get3A_1060, %get3A_1061, %get3A_1062] {strides = array<i32>} : memref<3x128x128xf32, #tpu.memory_space<vmem>>, vector<16xf32>,
        %mul3A_1064 = arith.mulf %get3A_1058, %get3A_1063 : vector<16xf32>
        %add3A_1065 = arith.addf %add3A_1053, %mul3A_1064 : vector<16xf32>
        %get3A_1066 = arith.constant 0 : i32
        %get3A_1067 = arith.index_cast %get3A_1066 : i32 to index
        %get3A_1068 = arith.index_cast %add3A_1030 : i32 to index
        %get3A_1069 = arith.constant 48 : index
        %get3A_1070 = tpu.vector_load %arg8[%get3A_1067, %get3A_1068, %get3A_1069] {strides = array<i32>} : memref<3x128x128xf32, #tpu.memory_space<vmem>>, vector<16xf32>,
        %get3A_1071 = arith.constant 0 : i32
        %get3A_1072 = arith.index_cast %get3A_1071 : i32 to index
        %get3A_1073 = arith.index_cast %add3A_1030 : i32 to index
        %get3A_1074 = arith.constant 48 : index
        %get3A_1075 = tpu.vector_load %arg9[%get3A_1072, %get3A_1073, %get3A_1074] {strides = array<i32>} : memref<3x128x128xf32, #tpu.memory_space<vmem>>, vector<16xf32>,
        %mul3A_1076 = arith.mulf %get3A_1070, %get3A_1075 : vector<16xf32>
        %add3A_1077 = arith.addf %add3A_1065, %mul3A_1076 : vector<16xf32>
        %get3A_1078 = arith.constant 0 : i32
        %get3A_1079 = arith.index_cast %get3A_1078 : i32 to index
        %get3A_1080 = arith.index_cast %add3A_1030 : i32 to index
        %get3A_1081 = arith.constant 64 : index
        %get3A_1082 = tpu.vector_load %arg8[%get3A_1079, %get3A_1080, %get3A_1081] {strides = array<i32>} : memref<3x128x128xf32, #tpu.memory_space<vmem>>, vector<16xf32>,
        %get3A_1083 = arith.constant 0 : i32
        %get3A_1084 = arith.index_cast %get3A_1083 : i32 to index
        %get3A_1085 = arith.index_cast %add3A_1030 : i32 to index
        %get3A_1086 = arith.constant 64 : index
        %get3A_1087 = tpu.vector_load %arg9[%get3A_1084, %get3A_1085, %get3A_1086] {strides = array<i32>} : memref<3x128x128xf32, #tpu.memory_space<vmem>>, vector<16xf32>,
        %mul3A_1088 = arith.mulf %get3A_1082, %get3A_1087 : vector<16xf32>
        %add3A_1089 = arith.addf %add3A_1077, %mul3A_1088 : vector<16xf32>
        %get3A_1090 = arith.constant 0 : i32
        %get3A_1091 = arith.index_cast %get3A_1090 : i32 to index
        %get3A_1092 = arith.index_cast %add3A_1030 : i32 to index
        %get3A_1093 = arith.constant 80 : index
        %get3A_1094 = tpu.vector_load %arg8[%get3A_1091, %get3A_1092, %get3A_1093] {strides = array<i32>} : memref<3x128x128xf32, #tpu.memory_space<vmem>>, vector<16xf32>,
        %get3A_1095 = arith.constant 0 : i32
        %get3A_1096 = arith.index_cast %get3A_1095 : i32 to index
        %get3A_1097 = arith.index_cast %add3A_1030 : i32 to index
        %get3A_1098 = arith.constant 80 : index
        %get3A_1099 = tpu.vector_load %arg9[%get3A_1096, %get3A_1097, %get3A_1098] {strides = array<i32>} : memref<3x128x128xf32, #tpu.memory_space<vmem>>, vector<16xf32>,
        %mul3A_1100 = arith.mulf %get3A_1094, %get3A_1099 : vector<16xf32>
        %add3A_1101 = arith.addf %add3A_1089, %mul3A_1100 : vector<16xf32>
        %get3A_1102 = arith.constant 0 : i32
        %get3A_1103 = arith.index_cast %get3A_1102 : i32 to index
        %get3A_1104 = arith.index_cast %add3A_1030 : i32 to index
        %get3A_1105 = arith.constant 96 : index
        %get3A_1106 = tpu.vector_load %arg8[%get3A_1103, %get3A_1104, %get3A_1105] {strides = array<i32>} : memref<3x128x128xf32, #tpu.memory_space<vmem>>, vector<16xf32>,
        %get3A_1107 = arith.constant 0 : i32
        %get3A_1108 = arith.index_cast %get3A_1107 : i32 to index
        %get3A_1109 = arith.index_cast %add3A_1030 : i32 to index
        %get3A_1110 = arith.constant 96 : index
        %get3A_1111 = tpu.vector_load %arg9[%get3A_1108, %get3A_1109, %get3A_1110] {strides = array<i32>} : memref<3x128x128xf32, #tpu.memory_space<vmem>>, vector<16xf32>,
        %mul3A_1112 = arith.mulf %get3A_1106, %get3A_1111 : vector<16xf32>
        %add3A_1113 = arith.addf %add3A_1101, %mul3A_1112 : vector<16xf32>
        %get3A_1114 = arith.constant 0 : i32
        %get3A_1115 = arith.index_cast %get3A_1114 : i32 to index
        %get3A_1116 = arith.index_cast %add3A_1030 : i32 to index
        %get3A_1117 = arith.constant 112 : index
        %get3A_1118 = tpu.vector_load %arg8[%get3A_1115, %get3A_1116, %get3A_1117] {strides = array<i32>} : memref<3x128x128xf32, #tpu.memory_space<vmem>>, vector<16xf32>,
        %get3A_1119 = arith.constant 0 : i32
        %get3A_1120 = arith.index_cast %get3A_1119 : i32 to index
        %get3A_1121 = arith.index_cast %add3A_1030 : i32 to index
        %get3A_1122 = arith.constant 112 : index
        %get3A_1123 = tpu.vector_load %arg9[%get3A_1120, %get3A_1121, %get3A_1122] {strides = array<i32>} : memref<3x128x128xf32, #tpu.memory_space<vmem>>, vector<16xf32>,
        %mul3A_1124 = arith.mulf %get3A_1118, %get3A_1123 : vector<16xf32>
        %add3A_1125 = arith.addf %add3A_1113, %mul3A_1124 : vector<16xf32>
        %swap3A_1126 = arith.constant 119 : index
        %swap3A_1127 = tpu.vector_load %arg11[%swap3A_1126] {strides = array<i32>} : memref<280xf32, #tpu.memory_space<vmem>>, vector<16xf32>,
        tpu.vector_store %arg11[%swap3A_1126], %add3A_1125 {strides = array<i32>} : memref<280xf32, #tpu.memory_space<vmem>>, vector<16xf32>,
        %mul3A_1128 = arith.constant 16 : i32
        %mul3A_1129 = arith.muli %scan3A_321, %mul3A_1128 : i32
        %add3A_1130 = arith.constant 8 : i32
        %add3A_1131 = arith.addi %mul3A_1129, %add3A_1130 : i32
        %get3A_1132 = arith.constant 0 : i32
        %get3A_1133 = arith.index_cast %get3A_1132 : i32 to index
        %get3A_1134 = arith.index_cast %add3A_1131 : i32 to index
        %get3A_1135 = arith.constant 0 : index
        %get3A_1136 = tpu.vector_load %arg8[%get3A_1133, %get3A_1134, %get3A_1135] {strides = array<i32>} : memref<3x128x128xf32, #tpu.memory_space<vmem>>, vector<16xf32>,
        %get3A_1137 = arith.constant 0 : i32
        %get3A_1138 = arith.index_cast %get3A_1137 : i32 to index
        %get3A_1139 = arith.index_cast %add3A_1131 : i32 to index
        %get3A_1140 = arith.constant 0 : index
        %get3A_1141 = tpu.vector_load %arg9[%get3A_1138, %get3A_1139, %get3A_1140] {strides = array<i32>} : memref<3x128x128xf32, #tpu.memory_space<vmem>>, vector<16xf32>,
        %mul3A_1142 = arith.mulf %get3A_1136, %get3A_1141 : vector<16xf32>
        %get3A_1143 = arith.constant 0 : i32
        %get3A_1144 = arith.index_cast %get3A_1143 : i32 to index
        %get3A_1145 = arith.index_cast %add3A_1131 : i32 to index
        %get3A_1146 = arith.constant 16 : index
        %get3A_1147 = tpu.vector_load %arg8[%get3A_1144, %get3A_1145, %get3A_1146] {strides = array<i32>} : memref<3x128x128xf32, #tpu.memory_space<vmem>>, vector<16xf32>,
        %get3A_1148 = arith.constant 0 : i32
        %get3A_1149 = arith.index_cast %get3A_1148 : i32 to index
        %get3A_1150 = arith.index_cast %add3A_1131 : i32 to index
        %get3A_1151 = arith.constant 16 : index
        %get3A_1152 = tpu.vector_load %arg9[%get3A_1149, %get3A_1150, %get3A_1151] {strides = array<i32>} : memref<3x128x128xf32, #tpu.memory_space<vmem>>, vector<16xf32>,
        %mul3A_1153 = arith.mulf %get3A_1147, %get3A_1152 : vector<16xf32>
        %add3A_1154 = arith.addf %mul3A_1142, %mul3A_1153 : vector<16xf32>
        %get3A_1155 = arith.constant 0 : i32
        %get3A_1156 = arith.index_cast %get3A_1155 : i32 to index
        %get3A_1157 = arith.index_cast %add3A_1131 : i32 to index
        %get3A_1158 = arith.constant 32 : index
        %get3A_1159 = tpu.vector_load %arg8[%get3A_1156, %get3A_1157, %get3A_1158] {strides = array<i32>} : memref<3x128x128xf32, #tpu.memory_space<vmem>>, vector<16xf32>,
        %get3A_1160 = arith.constant 0 : i32
        %get3A_1161 = arith.index_cast %get3A_1160 : i32 to index
        %get3A_1162 = arith.index_cast %add3A_1131 : i32 to index
        %get3A_1163 = arith.constant 32 : index
        %get3A_1164 = tpu.vector_load %arg9[%get3A_1161, %get3A_1162, %get3A_1163] {strides = array<i32>} : memref<3x128x128xf32, #tpu.memory_space<vmem>>, vector<16xf32>,
        %mul3A_1165 = arith.mulf %get3A_1159, %get3A_1164 : vector<16xf32>
        %add3A_1166 = arith.addf %add3A_1154, %mul3A_1165 : vector<16xf32>
        %get3A_1167 = arith.constant 0 : i32
        %get3A_1168 = arith.index_cast %get3A_1167 : i32 to index
        %get3A_1169 = arith.index_cast %add3A_1131 : i32 to index
        %get3A_1170 = arith.constant 48 : index
        %get3A_1171 = tpu.vector_load %arg8[%get3A_1168, %get3A_1169, %get3A_1170] {strides = array<i32>} : memref<3x128x128xf32, #tpu.memory_space<vmem>>, vector<16xf32>,
        %get3A_1172 = arith.constant 0 : i32
        %get3A_1173 = arith.index_cast %get3A_1172 : i32 to index
        %get3A_1174 = arith.index_cast %add3A_1131 : i32 to index
        %get3A_1175 = arith.constant 48 : index
        %get3A_1176 = tpu.vector_load %arg9[%get3A_1173, %get3A_1174, %get3A_1175] {strides = array<i32>} : memref<3x128x128xf32, #tpu.memory_space<vmem>>, vector<16xf32>,
        %mul3A_1177 = arith.mulf %get3A_1171, %get3A_1176 : vector<16xf32>
        %add3A_1178 = arith.addf %add3A_1166, %mul3A_1177 : vector<16xf32>
        %get3A_1179 = arith.constant 0 : i32
        %get3A_1180 = arith.index_cast %get3A_1179 : i32 to index
        %get3A_1181 = arith.index_cast %add3A_1131 : i32 to index
        %get3A_1182 = arith.constant 64 : index
        %get3A_1183 = tpu.vector_load %arg8[%get3A_1180, %get3A_1181, %get3A_1182] {strides = array<i32>} : memref<3x128x128xf32, #tpu.memory_space<vmem>>, vector<16xf32>,
        %get3A_1184 = arith.constant 0 : i32
        %get3A_1185 = arith.index_cast %get3A_1184 : i32 to index
        %get3A_1186 = arith.index_cast %add3A_1131 : i32 to index
        %get3A_1187 = arith.constant 64 : index
        %get3A_1188 = tpu.vector_load %arg9[%get3A_1185, %get3A_1186, %get3A_1187] {strides = array<i32>} : memref<3x128x128xf32, #tpu.memory_space<vmem>>, vector<16xf32>,
        %mul3A_1189 = arith.mulf %get3A_1183, %get3A_1188 : vector<16xf32>
        %add3A_1190 = arith.addf %add3A_1178, %mul3A_1189 : vector<16xf32>
        %get3A_1191 = arith.constant 0 : i32
        %get3A_1192 = arith.index_cast %get3A_1191 : i32 to index
        %get3A_1193 = arith.index_cast %add3A_1131 : i32 to index
        %get3A_1194 = arith.constant 80 : index
        %get3A_1195 = tpu.vector_load %arg8[%get3A_1192, %get3A_1193, %get3A_1194] {strides = array<i32>} : memref<3x128x128xf32, #tpu.memory_space<vmem>>, vector<16xf32>,
        %get3A_1196 = arith.constant 0 : i32
        %get3A_1197 = arith.index_cast %get3A_1196 : i32 to index
        %get3A_1198 = arith.index_cast %add3A_1131 : i32 to index
        %get3A_1199 = arith.constant 80 : index
        %get3A_1200 = tpu.vector_load %arg9[%get3A_1197, %get3A_1198, %get3A_1199] {strides = array<i32>} : memref<3x128x128xf32, #tpu.memory_space<vmem>>, vector<16xf32>,
        %mul3A_1201 = arith.mulf %get3A_1195, %get3A_1200 : vector<16xf32>
        %add3A_1202 = arith.addf %add3A_1190, %mul3A_1201 : vector<16xf32>
        %get3A_1203 = arith.constant 0 : i32
        %get3A_1204 = arith.index_cast %get3A_1203 : i32 to index
        %get3A_1205 = arith.index_cast %add3A_1131 : i32 to index
        %get3A_1206 = arith.constant 96 : index
        %get3A_1207 = tpu.vector_load %arg8[%get3A_1204, %get3A_1205, %get3A_1206] {strides = array<i32>} : memref<3x128x128xf32, #tpu.memory_space<vmem>>, vector<16xf32>,
        %get3A_1208 = arith.constant 0 : i32
        %get3A_1209 = arith.index_cast %get3A_1208 : i32 to index
        %get3A_1210 = arith.index_cast %add3A_1131 : i32 to index
        %get3A_1211 = arith.constant 96 : index
        %get3A_1212 = tpu.vector_load %arg9[%get3A_1209, %get3A_1210, %get3A_1211] {strides = array<i32>} : memref<3x128x128xf32, #tpu.memory_space<vmem>>, vector<16xf32>,
        %mul3A_1213 = arith.mulf %get3A_1207, %get3A_1212 : vector<16xf32>
        %add3A_1214 = arith.addf %add3A_1202, %mul3A_1213 : vector<16xf32>
        %get3A_1215 = arith.constant 0 : i32
        %get3A_1216 = arith.index_cast %get3A_1215 : i32 to index
        %get3A_1217 = arith.index_cast %add3A_1131 : i32 to index
        %get3A_1218 = arith.constant 112 : index
        %get3A_1219 = tpu.vector_load %arg8[%get3A_1216, %get3A_1217, %get3A_1218] {strides = array<i32>} : memref<3x128x128xf32, #tpu.memory_space<vmem>>, vector<16xf32>,
        %get3A_1220 = arith.constant 0 : i32
        %get3A_1221 = arith.index_cast %get3A_1220 : i32 to index
        %get3A_1222 = arith.index_cast %add3A_1131 : i32 to index
        %get3A_1223 = arith.constant 112 : index
        %get3A_1224 = tpu.vector_load %arg9[%get3A_1221, %get3A_1222, %get3A_1223] {strides = array<i32>} : memref<3x128x128xf32, #tpu.memory_space<vmem>>, vector<16xf32>,
        %mul3A_1225 = arith.mulf %get3A_1219, %get3A_1224 : vector<16xf32>
        %add3A_1226 = arith.addf %add3A_1214, %mul3A_1225 : vector<16xf32>
        %swap3A_1227 = arith.constant 136 : index
        %swap3A_1228 = tpu.vector_load %arg11[%swap3A_1227] {strides = array<i32>} : memref<280xf32, #tpu.memory_space<vmem>>, vector<16xf32>,
        tpu.vector_store %arg11[%swap3A_1227], %add3A_1226 {strides = array<i32>} : memref<280xf32, #tpu.memory_space<vmem>>, vector<16xf32>,
        %mul3A_1229 = arith.constant 16 : i32
        %mul3A_1230 = arith.muli %scan3A_321, %mul3A_1229 : i32
        %add3A_1231 = arith.constant 9 : i32
        %add3A_1232 = arith.addi %mul3A_1230, %add3A_1231 : i32
        %get3A_1233 = arith.constant 0 : i32
        %get3A_1234 = arith.index_cast %get3A_1233 : i32 to index
        %get3A_1235 = arith.index_cast %add3A_1232 : i32 to index
        %get3A_1236 = arith.constant 0 : index
        %get3A_1237 = tpu.vector_load %arg8[%get3A_1234, %get3A_1235, %get3A_1236] {strides = array<i32>} : memref<3x128x128xf32, #tpu.memory_space<vmem>>, vector<16xf32>,
        %get3A_1238 = arith.constant 0 : i32
        %get3A_1239 = arith.index_cast %get3A_1238 : i32 to index
        %get3A_1240 = arith.index_cast %add3A_1232 : i32 to index
        %get3A_1241 = arith.constant 0 : index
        %get3A_1242 = tpu.vector_load %arg9[%get3A_1239, %get3A_1240, %get3A_1241] {strides = array<i32>} : memref<3x128x128xf32, #tpu.memory_space<vmem>>, vector<16xf32>,
        %mul3A_1243 = arith.mulf %get3A_1237, %get3A_1242 : vector<16xf32>
        %get3A_1244 = arith.constant 0 : i32
        %get3A_1245 = arith.index_cast %get3A_1244 : i32 to index
        %get3A_1246 = arith.index_cast %add3A_1232 : i32 to index
        %get3A_1247 = arith.constant 16 : index
        %get3A_1248 = tpu.vector_load %arg8[%get3A_1245, %get3A_1246, %get3A_1247] {strides = array<i32>} : memref<3x128x128xf32, #tpu.memory_space<vmem>>, vector<16xf32>,
        %get3A_1249 = arith.constant 0 : i32
        %get3A_1250 = arith.index_cast %get3A_1249 : i32 to index
        %get3A_1251 = arith.index_cast %add3A_1232 : i32 to index
        %get3A_1252 = arith.constant 16 : index
        %get3A_1253 = tpu.vector_load %arg9[%get3A_1250, %get3A_1251, %get3A_1252] {strides = array<i32>} : memref<3x128x128xf32, #tpu.memory_space<vmem>>, vector<16xf32>,
        %mul3A_1254 = arith.mulf %get3A_1248, %get3A_1253 : vector<16xf32>
        %add3A_1255 = arith.addf %mul3A_1243, %mul3A_1254 : vector<16xf32>
        %get3A_1256 = arith.constant 0 : i32
        %get3A_1257 = arith.index_cast %get3A_1256 : i32 to index
        %get3A_1258 = arith.index_cast %add3A_1232 : i32 to index
        %get3A_1259 = arith.constant 32 : index
        %get3A_1260 = tpu.vector_load %arg8[%get3A_1257, %get3A_1258, %get3A_1259] {strides = array<i32>} : memref<3x128x128xf32, #tpu.memory_space<vmem>>, vector<16xf32>,
        %get3A_1261 = arith.constant 0 : i32
        %get3A_1262 = arith.index_cast %get3A_1261 : i32 to index
        %get3A_1263 = arith.index_cast %add3A_1232 : i32 to index
        %get3A_1264 = arith.constant 32 : index
        %get3A_1265 = tpu.vector_load %arg9[%get3A_1262, %get3A_1263, %get3A_1264] {strides = array<i32>} : memref<3x128x128xf32, #tpu.memory_space<vmem>>, vector<16xf32>,
        %mul3A_1266 = arith.mulf %get3A_1260, %get3A_1265 : vector<16xf32>
        %add3A_1267 = arith.addf %add3A_1255, %mul3A_1266 : vector<16xf32>
        %get3A_1268 = arith.constant 0 : i32
        %get3A_1269 = arith.index_cast %get3A_1268 : i32 to index
        %get3A_1270 = arith.index_cast %add3A_1232 : i32 to index
        %get3A_1271 = arith.constant 48 : index
        %get3A_1272 = tpu.vector_load %arg8[%get3A_1269, %get3A_1270, %get3A_1271] {strides = array<i32>} : memref<3x128x128xf32, #tpu.memory_space<vmem>>, vector<16xf32>,
        %get3A_1273 = arith.constant 0 : i32
        %get3A_1274 = arith.index_cast %get3A_1273 : i32 to index
        %get3A_1275 = arith.index_cast %add3A_1232 : i32 to index
        %get3A_1276 = arith.constant 48 : index
        %get3A_1277 = tpu.vector_load %arg9[%get3A_1274, %get3A_1275, %get3A_1276] {strides = array<i32>} : memref<3x128x128xf32, #tpu.memory_space<vmem>>, vector<16xf32>,
        %mul3A_1278 = arith.mulf %get3A_1272, %get3A_1277 : vector<16xf32>
        %add3A_1279 = arith.addf %add3A_1267, %mul3A_1278 : vector<16xf32>
        %get3A_1280 = arith.constant 0 : i32
        %get3A_1281 = arith.index_cast %get3A_1280 : i32 to index
        %get3A_1282 = arith.index_cast %add3A_1232 : i32 to index
        %get3A_1283 = arith.constant 64 : index
        %get3A_1284 = tpu.vector_load %arg8[%get3A_1281, %get3A_1282, %get3A_1283] {strides = array<i32>} : memref<3x128x128xf32, #tpu.memory_space<vmem>>, vector<16xf32>,
        %get3A_1285 = arith.constant 0 : i32
        %get3A_1286 = arith.index_cast %get3A_1285 : i32 to index
        %get3A_1287 = arith.index_cast %add3A_1232 : i32 to index
        %get3A_1288 = arith.constant 64 : index
        %get3A_1289 = tpu.vector_load %arg9[%get3A_1286, %get3A_1287, %get3A_1288] {strides = array<i32>} : memref<3x128x128xf32, #tpu.memory_space<vmem>>, vector<16xf32>,
        %mul3A_1290 = arith.mulf %get3A_1284, %get3A_1289 : vector<16xf32>
        %add3A_1291 = arith.addf %add3A_1279, %mul3A_1290 : vector<16xf32>
        %get3A_1292 = arith.constant 0 : i32
        %get3A_1293 = arith.index_cast %get3A_1292 : i32 to index
        %get3A_1294 = arith.index_cast %add3A_1232 : i32 to index
        %get3A_1295 = arith.constant 80 : index
        %get3A_1296 = tpu.vector_load %arg8[%get3A_1293, %get3A_1294, %get3A_1295] {strides = array<i32>} : memref<3x128x128xf32, #tpu.memory_space<vmem>>, vector<16xf32>,
        %get3A_1297 = arith.constant 0 : i32
        %get3A_1298 = arith.index_cast %get3A_1297 : i32 to index
        %get3A_1299 = arith.index_cast %add3A_1232 : i32 to index
        %get3A_1300 = arith.constant 80 : index
        %get3A_1301 = tpu.vector_load %arg9[%get3A_1298, %get3A_1299, %get3A_1300] {strides = array<i32>} : memref<3x128x128xf32, #tpu.memory_space<vmem>>, vector<16xf32>,
        %mul3A_1302 = arith.mulf %get3A_1296, %get3A_1301 : vector<16xf32>
        %add3A_1303 = arith.addf %add3A_1291, %mul3A_1302 : vector<16xf32>
        %get3A_1304 = arith.constant 0 : i32
        %get3A_1305 = arith.index_cast %get3A_1304 : i32 to index
        %get3A_1306 = arith.index_cast %add3A_1232 : i32 to index
        %get3A_1307 = arith.constant 96 : index
        %get3A_1308 = tpu.vector_load %arg8[%get3A_1305, %get3A_1306, %get3A_1307] {strides = array<i32>} : memref<3x128x128xf32, #tpu.memory_space<vmem>>, vector<16xf32>,
        %get3A_1309 = arith.constant 0 : i32
        %get3A_1310 = arith.index_cast %get3A_1309 : i32 to index
        %get3A_1311 = arith.index_cast %add3A_1232 : i32 to index
        %get3A_1312 = arith.constant 96 : index
        %get3A_1313 = tpu.vector_load %arg9[%get3A_1310, %get3A_1311, %get3A_1312] {strides = array<i32>} : memref<3x128x128xf32, #tpu.memory_space<vmem>>, vector<16xf32>,
        %mul3A_1314 = arith.mulf %get3A_1308, %get3A_1313 : vector<16xf32>
        %add3A_1315 = arith.addf %add3A_1303, %mul3A_1314 : vector<16xf32>
        %get3A_1316 = arith.constant 0 : i32
        %get3A_1317 = arith.index_cast %get3A_1316 : i32 to index
        %get3A_1318 = arith.index_cast %add3A_1232 : i32 to index
        %get3A_1319 = arith.constant 112 : index
        %get3A_1320 = tpu.vector_load %arg8[%get3A_1317, %get3A_1318, %get3A_1319] {strides = array<i32>} : memref<3x128x128xf32, #tpu.memory_space<vmem>>, vector<16xf32>,
        %get3A_1321 = arith.constant 0 : i32
        %get3A_1322 = arith.index_cast %get3A_1321 : i32 to index
        %get3A_1323 = arith.index_cast %add3A_1232 : i32 to index
        %get3A_1324 = arith.constant 112 : index
        %get3A_1325 = tpu.vector_load %arg9[%get3A_1322, %get3A_1323, %get3A_1324] {strides = array<i32>} : memref<3x128x128xf32, #tpu.memory_space<vmem>>, vector<16xf32>,
        %mul3A_1326 = arith.mulf %get3A_1320, %get3A_1325 : vector<16xf32>
        %add3A_1327 = arith.addf %add3A_1315, %mul3A_1326 : vector<16xf32>
        %swap3A_1328 = arith.constant 153 : index
        %swap3A_1329 = tpu.vector_load %arg11[%swap3A_1328] {strides = array<i32>} : memref<280xf32, #tpu.memory_space<vmem>>, vector<16xf32>,
        tpu.vector_store %arg11[%swap3A_1328], %add3A_1327 {strides = array<i32>} : memref<280xf32, #tpu.memory_space<vmem>>, vector<16xf32>,
        %mul3A_1330 = arith.constant 16 : i32
        %mul3A_1331 = arith.muli %scan3A_321, %mul3A_1330 : i32
        %add3A_1332 = arith.constant 10 : i32
        %add3A_1333 = arith.addi %mul3A_1331, %add3A_1332 : i32
        %get3A_1334 = arith.constant 0 : i32
        %get3A_1335 = arith.index_cast %get3A_1334 : i32 to index
        %get3A_1336 = arith.index_cast %add3A_1333 : i32 to index
        %get3A_1337 = arith.constant 0 : index
        %get3A_1338 = tpu.vector_load %arg8[%get3A_1335, %get3A_1336, %get3A_1337] {strides = array<i32>} : memref<3x128x128xf32, #tpu.memory_space<vmem>>, vector<16xf32>,
        %get3A_1339 = arith.constant 0 : i32
        %get3A_1340 = arith.index_cast %get3A_1339 : i32 to index
        %get3A_1341 = arith.index_cast %add3A_1333 : i32 to index
        %get3A_1342 = arith.constant 0 : index
        %get3A_1343 = tpu.vector_load %arg9[%get3A_1340, %get3A_1341, %get3A_1342] {strides = array<i32>} : memref<3x128x128xf32, #tpu.memory_space<vmem>>, vector<16xf32>,
        %mul3A_1344 = arith.mulf %get3A_1338, %get3A_1343 : vector<16xf32>
        %get3A_1345 = arith.constant 0 : i32
        %get3A_1346 = arith.index_cast %get3A_1345 : i32 to index
        %get3A_1347 = arith.index_cast %add3A_1333 : i32 to index
        %get3A_1348 = arith.constant 16 : index
        %get3A_1349 = tpu.vector_load %arg8[%get3A_1346, %get3A_1347, %get3A_1348] {strides = array<i32>} : memref<3x128x128xf32, #tpu.memory_space<vmem>>, vector<16xf32>,
        %get3A_1350 = arith.constant 0 : i32
        %get3A_1351 = arith.index_cast %get3A_1350 : i32 to index
        %get3A_1352 = arith.index_cast %add3A_1333 : i32 to index
        %get3A_1353 = arith.constant 16 : index
        %get3A_1354 = tpu.vector_load %arg9[%get3A_1351, %get3A_1352, %get3A_1353] {strides = array<i32>} : memref<3x128x128xf32, #tpu.memory_space<vmem>>, vector<16xf32>,
        %mul3A_1355 = arith.mulf %get3A_1349, %get3A_1354 : vector<16xf32>
        %add3A_1356 = arith.addf %mul3A_1344, %mul3A_1355 : vector<16xf32>
        %get3A_1357 = arith.constant 0 : i32
        %get3A_1358 = arith.index_cast %get3A_1357 : i32 to index
        %get3A_1359 = arith.index_cast %add3A_1333 : i32 to index
        %get3A_1360 = arith.constant 32 : index
        %get3A_1361 = tpu.vector_load %arg8[%get3A_1358, %get3A_1359, %get3A_1360] {strides = array<i32>} : memref<3x128x128xf32, #tpu.memory_space<vmem>>, vector<16xf32>,
        %get3A_1362 = arith.constant 0 : i32
        %get3A_1363 = arith.index_cast %get3A_1362 : i32 to index
        %get3A_1364 = arith.index_cast %add3A_1333 : i32 to index
        %get3A_1365 = arith.constant 32 : index
        %get3A_1366 = tpu.vector_load %arg9[%get3A_1363, %get3A_1364, %get3A_1365] {strides = array<i32>} : memref<3x128x128xf32, #tpu.memory_space<vmem>>, vector<16xf32>,
        %mul3A_1367 = arith.mulf %get3A_1361, %get3A_1366 : vector<16xf32>
        %add3A_1368 = arith.addf %add3A_1356, %mul3A_1367 : vector<16xf32>
        %get3A_1369 = arith.constant 0 : i32
        %get3A_1370 = arith.index_cast %get3A_1369 : i32 to index
        %get3A_1371 = arith.index_cast %add3A_1333 : i32 to index
        %get3A_1372 = arith.constant 48 : index
        %get3A_1373 = tpu.vector_load %arg8[%get3A_1370, %get3A_1371, %get3A_1372] {strides = array<i32>} : memref<3x128x128xf32, #tpu.memory_space<vmem>>, vector<16xf32>,
        %get3A_1374 = arith.constant 0 : i32
        %get3A_1375 = arith.index_cast %get3A_1374 : i32 to index
        %get3A_1376 = arith.index_cast %add3A_1333 : i32 to index
        %get3A_1377 = arith.constant 48 : index
        %get3A_1378 = tpu.vector_load %arg9[%get3A_1375, %get3A_1376, %get3A_1377] {strides = array<i32>} : memref<3x128x128xf32, #tpu.memory_space<vmem>>, vector<16xf32>,
        %mul3A_1379 = arith.mulf %get3A_1373, %get3A_1378 : vector<16xf32>
        %add3A_1380 = arith.addf %add3A_1368, %mul3A_1379 : vector<16xf32>
        %get3A_1381 = arith.constant 0 : i32
        %get3A_1382 = arith.index_cast %get3A_1381 : i32 to index
        %get3A_1383 = arith.index_cast %add3A_1333 : i32 to index
        %get3A_1384 = arith.constant 64 : index
        %get3A_1385 = tpu.vector_load %arg8[%get3A_1382, %get3A_1383, %get3A_1384] {strides = array<i32>} : memref<3x128x128xf32, #tpu.memory_space<vmem>>, vector<16xf32>,
        %get3A_1386 = arith.constant 0 : i32
        %get3A_1387 = arith.index_cast %get3A_1386 : i32 to index
        %get3A_1388 = arith.index_cast %add3A_1333 : i32 to index
        %get3A_1389 = arith.constant 64 : index
        %get3A_1390 = tpu.vector_load %arg9[%get3A_1387, %get3A_1388, %get3A_1389] {strides = array<i32>} : memref<3x128x128xf32, #tpu.memory_space<vmem>>, vector<16xf32>,
        %mul3A_1391 = arith.mulf %get3A_1385, %get3A_1390 : vector<16xf32>
        %add3A_1392 = arith.addf %add3A_1380, %mul3A_1391 : vector<16xf32>
        %get3A_1393 = arith.constant 0 : i32
        %get3A_1394 = arith.index_cast %get3A_1393 : i32 to index
        %get3A_1395 = arith.index_cast %add3A_1333 : i32 to index
        %get3A_1396 = arith.constant 80 : index
        %get3A_1397 = tpu.vector_load %arg8[%get3A_1394, %get3A_1395, %get3A_1396] {strides = array<i32>} : memref<3x128x128xf32, #tpu.memory_space<vmem>>, vector<16xf32>,
        %get3A_1398 = arith.constant 0 : i32
        %get3A_1399 = arith.index_cast %get3A_1398 : i32 to index
        %get3A_1400 = arith.index_cast %add3A_1333 : i32 to index
        %get3A_1401 = arith.constant 80 : index
        %get3A_1402 = tpu.vector_load %arg9[%get3A_1399, %get3A_1400, %get3A_1401] {strides = array<i32>} : memref<3x128x128xf32, #tpu.memory_space<vmem>>, vector<16xf32>,
        %mul3A_1403 = arith.mulf %get3A_1397, %get3A_1402 : vector<16xf32>
        %add3A_1404 = arith.addf %add3A_1392, %mul3A_1403 : vector<16xf32>
        %get3A_1405 = arith.constant 0 : i32
        %get3A_1406 = arith.index_cast %get3A_1405 : i32 to index
        %get3A_1407 = arith.index_cast %add3A_1333 : i32 to index
        %get3A_1408 = arith.constant 96 : index
        %get3A_1409 = tpu.vector_load %arg8[%get3A_1406, %get3A_1407, %get3A_1408] {strides = array<i32>} : memref<3x128x128xf32, #tpu.memory_space<vmem>>, vector<16xf32>,
        %get3A_1410 = arith.constant 0 : i32
        %get3A_1411 = arith.index_cast %get3A_1410 : i32 to index
        %get3A_1412 = arith.index_cast %add3A_1333 : i32 to index
        %get3A_1413 = arith.constant 96 : index
        %get3A_1414 = tpu.vector_load %arg9[%get3A_1411, %get3A_1412, %get3A_1413] {strides = array<i32>} : memref<3x128x128xf32, #tpu.memory_space<vmem>>, vector<16xf32>,
        %mul3A_1415 = arith.mulf %get3A_1409, %get3A_1414 : vector<16xf32>
        %add3A_1416 = arith.addf %add3A_1404, %mul3A_1415 : vector<16xf32>
        %get3A_1417 = arith.constant 0 : i32
        %get3A_1418 = arith.index_cast %get3A_1417 : i32 to index
        %get3A_1419 = arith.index_cast %add3A_1333 : i32 to index
        %get3A_1420 = arith.constant 112 : index
        %get3A_1421 = tpu.vector_load %arg8[%get3A_1418, %get3A_1419, %get3A_1420] {strides = array<i32>} : memref<3x128x128xf32, #tpu.memory_space<vmem>>, vector<16xf32>,
        %get3A_1422 = arith.constant 0 : i32
        %get3A_1423 = arith.index_cast %get3A_1422 : i32 to index
        %get3A_1424 = arith.index_cast %add3A_1333 : i32 to index
        %get3A_1425 = arith.constant 112 : index
        %get3A_1426 = tpu.vector_load %arg9[%get3A_1423, %get3A_1424, %get3A_1425] {strides = array<i32>} : memref<3x128x128xf32, #tpu.memory_space<vmem>>, vector<16xf32>,
        %mul3A_1427 = arith.mulf %get3A_1421, %get3A_1426 : vector<16xf32>
        %add3A_1428 = arith.addf %add3A_1416, %mul3A_1427 : vector<16xf32>
        %swap3A_1429 = arith.constant 170 : index
        %swap3A_1430 = tpu.vector_load %arg11[%swap3A_1429] {strides = array<i32>} : memref<280xf32, #tpu.memory_space<vmem>>, vector<16xf32>,
        tpu.vector_store %arg11[%swap3A_1429], %add3A_1428 {strides = array<i32>} : memref<280xf32, #tpu.memory_space<vmem>>, vector<16xf32>,
        %mul3A_1431 = arith.constant 16 : i32
        %mul3A_1432 = arith.muli %scan3A_321, %mul3A_1431 : i32
        %add3A_1433 = arith.constant 11 : i32
        %add3A_1434 = arith.addi %mul3A_1432, %add3A_1433 : i32
        %get3A_1435 = arith.constant 0 : i32
        %get3A_1436 = arith.index_cast %get3A_1435 : i32 to index
        %get3A_1437 = arith.index_cast %add3A_1434 : i32 to index
        %get3A_1438 = arith.constant 0 : index
        %get3A_1439 = tpu.vector_load %arg8[%get3A_1436, %get3A_1437, %get3A_1438] {strides = array<i32>} : memref<3x128x128xf32, #tpu.memory_space<vmem>>, vector<16xf32>,
        %get3A_1440 = arith.constant 0 : i32
        %get3A_1441 = arith.index_cast %get3A_1440 : i32 to index
        %get3A_1442 = arith.index_cast %add3A_1434 : i32 to index
        %get3A_1443 = arith.constant 0 : index
        %get3A_1444 = tpu.vector_load %arg9[%get3A_1441, %get3A_1442, %get3A_1443] {strides = array<i32>} : memref<3x128x128xf32, #tpu.memory_space<vmem>>, vector<16xf32>,
        %mul3A_1445 = arith.mulf %get3A_1439, %get3A_1444 : vector<16xf32>
        %get3A_1446 = arith.constant 0 : i32
        %get3A_1447 = arith.index_cast %get3A_1446 : i32 to index
        %get3A_1448 = arith.index_cast %add3A_1434 : i32 to index
        %get3A_1449 = arith.constant 16 : index
        %get3A_1450 = tpu.vector_load %arg8[%get3A_1447, %get3A_1448, %get3A_1449] {strides = array<i32>} : memref<3x128x128xf32, #tpu.memory_space<vmem>>, vector<16xf32>,
        %get3A_1451 = arith.constant 0 : i32
        %get3A_1452 = arith.index_cast %get3A_1451 : i32 to index
        %get3A_1453 = arith.index_cast %add3A_1434 : i32 to index
        %get3A_1454 = arith.constant 16 : index
        %get3A_1455 = tpu.vector_load %arg9[%get3A_1452, %get3A_1453, %get3A_1454] {strides = array<i32>} : memref<3x128x128xf32, #tpu.memory_space<vmem>>, vector<16xf32>,
        %mul3A_1456 = arith.mulf %get3A_1450, %get3A_1455 : vector<16xf32>
        %add3A_1457 = arith.addf %mul3A_1445, %mul3A_1456 : vector<16xf32>
        %get3A_1458 = arith.constant 0 : i32
        %get3A_1459 = arith.index_cast %get3A_1458 : i32 to index
        %get3A_1460 = arith.index_cast %add3A_1434 : i32 to index
        %get3A_1461 = arith.constant 32 : index
        %get3A_1462 = tpu.vector_load %arg8[%get3A_1459, %get3A_1460, %get3A_1461] {strides = array<i32>} : memref<3x128x128xf32, #tpu.memory_space<vmem>>, vector<16xf32>,
        %get3A_1463 = arith.constant 0 : i32
        %get3A_1464 = arith.index_cast %get3A_1463 : i32 to index
        %get3A_1465 = arith.index_cast %add3A_1434 : i32 to index
        %get3A_1466 = arith.constant 32 : index
        %get3A_1467 = tpu.vector_load %arg9[%get3A_1464, %get3A_1465, %get3A_1466] {strides = array<i32>} : memref<3x128x128xf32, #tpu.memory_space<vmem>>, vector<16xf32>,
        %mul3A_1468 = arith.mulf %get3A_1462, %get3A_1467 : vector<16xf32>
        %add3A_1469 = arith.addf %add3A_1457, %mul3A_1468 : vector<16xf32>
        %get3A_1470 = arith.constant 0 : i32
        %get3A_1471 = arith.index_cast %get3A_1470 : i32 to index
        %get3A_1472 = arith.index_cast %add3A_1434 : i32 to index
        %get3A_1473 = arith.constant 48 : index
        %get3A_1474 = tpu.vector_load %arg8[%get3A_1471, %get3A_1472, %get3A_1473] {strides = array<i32>} : memref<3x128x128xf32, #tpu.memory_space<vmem>>, vector<16xf32>,
        %get3A_1475 = arith.constant 0 : i32
        %get3A_1476 = arith.index_cast %get3A_1475 : i32 to index
        %get3A_1477 = arith.index_cast %add3A_1434 : i32 to index
        %get3A_1478 = arith.constant 48 : index
        %get3A_1479 = tpu.vector_load %arg9[%get3A_1476, %get3A_1477, %get3A_1478] {strides = array<i32>} : memref<3x128x128xf32, #tpu.memory_space<vmem>>, vector<16xf32>,
        %mul3A_1480 = arith.mulf %get3A_1474, %get3A_1479 : vector<16xf32>
        %add3A_1481 = arith.addf %add3A_1469, %mul3A_1480 : vector<16xf32>
        %get3A_1482 = arith.constant 0 : i32
        %get3A_1483 = arith.index_cast %get3A_1482 : i32 to index
        %get3A_1484 = arith.index_cast %add3A_1434 : i32 to index
        %get3A_1485 = arith.constant 64 : index
        %get3A_1486 = tpu.vector_load %arg8[%get3A_1483, %get3A_1484, %get3A_1485] {strides = array<i32>} : memref<3x128x128xf32, #tpu.memory_space<vmem>>, vector<16xf32>,
        %get3A_1487 = arith.constant 0 : i32
        %get3A_1488 = arith.index_cast %get3A_1487 : i32 to index
        %get3A_1489 = arith.index_cast %add3A_1434 : i32 to index
        %get3A_1490 = arith.constant 64 : index
        %get3A_1491 = tpu.vector_load %arg9[%get3A_1488, %get3A_1489, %get3A_1490] {strides = array<i32>} : memref<3x128x128xf32, #tpu.memory_space<vmem>>, vector<16xf32>,
        %mul3A_1492 = arith.mulf %get3A_1486, %get3A_1491 : vector<16xf32>
        %add3A_1493 = arith.addf %add3A_1481, %mul3A_1492 : vector<16xf32>
        %get3A_1494 = arith.constant 0 : i32
        %get3A_1495 = arith.index_cast %get3A_1494 : i32 to index
        %get3A_1496 = arith.index_cast %add3A_1434 : i32 to index
        %get3A_1497 = arith.constant 80 : index
        %get3A_1498 = tpu.vector_load %arg8[%get3A_1495, %get3A_1496, %get3A_1497] {strides = array<i32>} : memref<3x128x128xf32, #tpu.memory_space<vmem>>, vector<16xf32>,
        %get3A_1499 = arith.constant 0 : i32
        %get3A_1500 = arith.index_cast %get3A_1499 : i32 to index
        %get3A_1501 = arith.index_cast %add3A_1434 : i32 to index
        %get3A_1502 = arith.constant 80 : index
        %get3A_1503 = tpu.vector_load %arg9[%get3A_1500, %get3A_1501, %get3A_1502] {strides = array<i32>} : memref<3x128x128xf32, #tpu.memory_space<vmem>>, vector<16xf32>,
        %mul3A_1504 = arith.mulf %get3A_1498, %get3A_1503 : vector<16xf32>
        %add3A_1505 = arith.addf %add3A_1493, %mul3A_1504 : vector<16xf32>
        %get3A_1506 = arith.constant 0 : i32
        %get3A_1507 = arith.index_cast %get3A_1506 : i32 to index
        %get3A_1508 = arith.index_cast %add3A_1434 : i32 to index
        %get3A_1509 = arith.constant 96 : index
        %get3A_1510 = tpu.vector_load %arg8[%get3A_1507, %get3A_1508, %get3A_1509] {strides = array<i32>} : memref<3x128x128xf32, #tpu.memory_space<vmem>>, vector<16xf32>,
        %get3A_1511 = arith.constant 0 : i32
        %get3A_1512 = arith.index_cast %get3A_1511 : i32 to index
        %get3A_1513 = arith.index_cast %add3A_1434 : i32 to index
        %get3A_1514 = arith.constant 96 : index
        %get3A_1515 = tpu.vector_load %arg9[%get3A_1512, %get3A_1513, %get3A_1514] {strides = array<i32>} : memref<3x128x128xf32, #tpu.memory_space<vmem>>, vector<16xf32>,
        %mul3A_1516 = arith.mulf %get3A_1510, %get3A_1515 : vector<16xf32>
        %add3A_1517 = arith.addf %add3A_1505, %mul3A_1516 : vector<16xf32>
        %get3A_1518 = arith.constant 0 : i32
        %get3A_1519 = arith.index_cast %get3A_1518 : i32 to index
        %get3A_1520 = arith.index_cast %add3A_1434 : i32 to index
        %get3A_1521 = arith.constant 112 : index
        %get3A_1522 = tpu.vector_load %arg8[%get3A_1519, %get3A_1520, %get3A_1521] {strides = array<i32>} : memref<3x128x128xf32, #tpu.memory_space<vmem>>, vector<16xf32>,
        %get3A_1523 = arith.constant 0 : i32
        %get3A_1524 = arith.index_cast %get3A_1523 : i32 to index
        %get3A_1525 = arith.index_cast %add3A_1434 : i32 to index
        %get3A_1526 = arith.constant 112 : index
        %get3A_1527 = tpu.vector_load %arg9[%get3A_1524, %get3A_1525, %get3A_1526] {strides = array<i32>} : memref<3x128x128xf32, #tpu.memory_space<vmem>>, vector<16xf32>,
        %mul3A_1528 = arith.mulf %get3A_1522, %get3A_1527 : vector<16xf32>
        %add3A_1529 = arith.addf %add3A_1517, %mul3A_1528 : vector<16xf32>
        %swap3A_1530 = arith.constant 187 : index
        %swap3A_1531 = tpu.vector_load %arg11[%swap3A_1530] {strides = array<i32>} : memref<280xf32, #tpu.memory_space<vmem>>, vector<16xf32>,
        tpu.vector_store %arg11[%swap3A_1530], %add3A_1529 {strides = array<i32>} : memref<280xf32, #tpu.memory_space<vmem>>, vector<16xf32>,
        %mul3A_1532 = arith.constant 16 : i32
        %mul3A_1533 = arith.muli %scan3A_321, %mul3A_1532 : i32
        %add3A_1534 = arith.constant 12 : i32
        %add3A_1535 = arith.addi %mul3A_1533, %add3A_1534 : i32
        %get3A_1536 = arith.constant 0 : i32
        %get3A_1537 = arith.index_cast %get3A_1536 : i32 to index
        %get3A_1538 = arith.index_cast %add3A_1535 : i32 to index
        %get3A_1539 = arith.constant 0 : index
        %get3A_1540 = tpu.vector_load %arg8[%get3A_1537, %get3A_1538, %get3A_1539] {strides = array<i32>} : memref<3x128x128xf32, #tpu.memory_space<vmem>>, vector<16xf32>,
        %get3A_1541 = arith.constant 0 : i32
        %get3A_1542 = arith.index_cast %get3A_1541 : i32 to index
        %get3A_1543 = arith.index_cast %add3A_1535 : i32 to index
        %get3A_1544 = arith.constant 0 : index
        %get3A_1545 = tpu.vector_load %arg9[%get3A_1542, %get3A_1543, %get3A_1544] {strides = array<i32>} : memref<3x128x128xf32, #tpu.memory_space<vmem>>, vector<16xf32>,
        %mul3A_1546 = arith.mulf %get3A_1540, %get3A_1545 : vector<16xf32>
        %get3A_1547 = arith.constant 0 : i32
        %get3A_1548 = arith.index_cast %get3A_1547 : i32 to index
        %get3A_1549 = arith.index_cast %add3A_1535 : i32 to index
        %get3A_1550 = arith.constant 16 : index
        %get3A_1551 = tpu.vector_load %arg8[%get3A_1548, %get3A_1549, %get3A_1550] {strides = array<i32>} : memref<3x128x128xf32, #tpu.memory_space<vmem>>, vector<16xf32>,
        %get3A_1552 = arith.constant 0 : i32
        %get3A_1553 = arith.index_cast %get3A_1552 : i32 to index
        %get3A_1554 = arith.index_cast %add3A_1535 : i32 to index
        %get3A_1555 = arith.constant 16 : index
        %get3A_1556 = tpu.vector_load %arg9[%get3A_1553, %get3A_1554, %get3A_1555] {strides = array<i32>} : memref<3x128x128xf32, #tpu.memory_space<vmem>>, vector<16xf32>,
        %mul3A_1557 = arith.mulf %get3A_1551, %get3A_1556 : vector<16xf32>
        %add3A_1558 = arith.addf %mul3A_1546, %mul3A_1557 : vector<16xf32>
        %get3A_1559 = arith.constant 0 : i32
        %get3A_1560 = arith.index_cast %get3A_1559 : i32 to index
        %get3A_1561 = arith.index_cast %add3A_1535 : i32 to index
        %get3A_1562 = arith.constant 32 : index
        %get3A_1563 = tpu.vector_load %arg8[%get3A_1560, %get3A_1561, %get3A_1562] {strides = array<i32>} : memref<3x128x128xf32, #tpu.memory_space<vmem>>, vector<16xf32>,
        %get3A_1564 = arith.constant 0 : i32
        %get3A_1565 = arith.index_cast %get3A_1564 : i32 to index
        %get3A_1566 = arith.index_cast %add3A_1535 : i32 to index
        %get3A_1567 = arith.constant 32 : index
        %get3A_1568 = tpu.vector_load %arg9[%get3A_1565, %get3A_1566, %get3A_1567] {strides = array<i32>} : memref<3x128x128xf32, #tpu.memory_space<vmem>>, vector<16xf32>,
        %mul3A_1569 = arith.mulf %get3A_1563, %get3A_1568 : vector<16xf32>
        %add3A_1570 = arith.addf %add3A_1558, %mul3A_1569 : vector<16xf32>
        %get3A_1571 = arith.constant 0 : i32
        %get3A_1572 = arith.index_cast %get3A_1571 : i32 to index
        %get3A_1573 = arith.index_cast %add3A_1535 : i32 to index
        %get3A_1574 = arith.constant 48 : index
        %get3A_1575 = tpu.vector_load %arg8[%get3A_1572, %get3A_1573, %get3A_1574] {strides = array<i32>} : memref<3x128x128xf32, #tpu.memory_space<vmem>>, vector<16xf32>,
        %get3A_1576 = arith.constant 0 : i32
        %get3A_1577 = arith.index_cast %get3A_1576 : i32 to index
        %get3A_1578 = arith.index_cast %add3A_1535 : i32 to index
        %get3A_1579 = arith.constant 48 : index
        %get3A_1580 = tpu.vector_load %arg9[%get3A_1577, %get3A_1578, %get3A_1579] {strides = array<i32>} : memref<3x128x128xf32, #tpu.memory_space<vmem>>, vector<16xf32>,
        %mul3A_1581 = arith.mulf %get3A_1575, %get3A_1580 : vector<16xf32>
        %add3A_1582 = arith.addf %add3A_1570, %mul3A_1581 : vector<16xf32>
        %get3A_1583 = arith.constant 0 : i32
        %get3A_1584 = arith.index_cast %get3A_1583 : i32 to index
        %get3A_1585 = arith.index_cast %add3A_1535 : i32 to index
        %get3A_1586 = arith.constant 64 : index
        %get3A_1587 = tpu.vector_load %arg8[%get3A_1584, %get3A_1585, %get3A_1586] {strides = array<i32>} : memref<3x128x128xf32, #tpu.memory_space<vmem>>, vector<16xf32>,
        %get3A_1588 = arith.constant 0 : i32
        %get3A_1589 = arith.index_cast %get3A_1588 : i32 to index
        %get3A_1590 = arith.index_cast %add3A_1535 : i32 to index
        %get3A_1591 = arith.constant 64 : index
        %get3A_1592 = tpu.vector_load %arg9[%get3A_1589, %get3A_1590, %get3A_1591] {strides = array<i32>} : memref<3x128x128xf32, #tpu.memory_space<vmem>>, vector<16xf32>,
        %mul3A_1593 = arith.mulf %get3A_1587, %get3A_1592 : vector<16xf32>
        %add3A_1594 = arith.addf %add3A_1582, %mul3A_1593 : vector<16xf32>
        %get3A_1595 = arith.constant 0 : i32
        %get3A_1596 = arith.index_cast %get3A_1595 : i32 to index
        %get3A_1597 = arith.index_cast %add3A_1535 : i32 to index
        %get3A_1598 = arith.constant 80 : index
        %get3A_1599 = tpu.vector_load %arg8[%get3A_1596, %get3A_1597, %get3A_1598] {strides = array<i32>} : memref<3x128x128xf32, #tpu.memory_space<vmem>>, vector<16xf32>,
        %get3A_1600 = arith.constant 0 : i32
        %get3A_1601 = arith.index_cast %get3A_1600 : i32 to index
        %get3A_1602 = arith.index_cast %add3A_1535 : i32 to index
        %get3A_1603 = arith.constant 80 : index
        %get3A_1604 = tpu.vector_load %arg9[%get3A_1601, %get3A_1602, %get3A_1603] {strides = array<i32>} : memref<3x128x128xf32, #tpu.memory_space<vmem>>, vector<16xf32>,
        %mul3A_1605 = arith.mulf %get3A_1599, %get3A_1604 : vector<16xf32>
        %add3A_1606 = arith.addf %add3A_1594, %mul3A_1605 : vector<16xf32>
        %get3A_1607 = arith.constant 0 : i32
        %get3A_1608 = arith.index_cast %get3A_1607 : i32 to index
        %get3A_1609 = arith.index_cast %add3A_1535 : i32 to index
        %get3A_1610 = arith.constant 96 : index
        %get3A_1611 = tpu.vector_load %arg8[%get3A_1608, %get3A_1609, %get3A_1610] {strides = array<i32>} : memref<3x128x128xf32, #tpu.memory_space<vmem>>, vector<16xf32>,
        %get3A_1612 = arith.constant 0 : i32
        %get3A_1613 = arith.index_cast %get3A_1612 : i32 to index
        %get3A_1614 = arith.index_cast %add3A_1535 : i32 to index
        %get3A_1615 = arith.constant 96 : index
        %get3A_1616 = tpu.vector_load %arg9[%get3A_1613, %get3A_1614, %get3A_1615] {strides = array<i32>} : memref<3x128x128xf32, #tpu.memory_space<vmem>>, vector<16xf32>,
        %mul3A_1617 = arith.mulf %get3A_1611, %get3A_1616 : vector<16xf32>
        %add3A_1618 = arith.addf %add3A_1606, %mul3A_1617 : vector<16xf32>
        %get3A_1619 = arith.constant 0 : i32
        %get3A_1620 = arith.index_cast %get3A_1619 : i32 to index
        %get3A_1621 = arith.index_cast %add3A_1535 : i32 to index
        %get3A_1622 = arith.constant 112 : index
        %get3A_1623 = tpu.vector_load %arg8[%get3A_1620, %get3A_1621, %get3A_1622] {strides = array<i32>} : memref<3x128x128xf32, #tpu.memory_space<vmem>>, vector<16xf32>,
        %get3A_1624 = arith.constant 0 : i32
        %get3A_1625 = arith.index_cast %get3A_1624 : i32 to index
        %get3A_1626 = arith.index_cast %add3A_1535 : i32 to index
        %get3A_1627 = arith.constant 112 : index
        %get3A_1628 = tpu.vector_load %arg9[%get3A_1625, %get3A_1626, %get3A_1627] {strides = array<i32>} : memref<3x128x128xf32, #tpu.memory_space<vmem>>, vector<16xf32>,
        %mul3A_1629 = arith.mulf %get3A_1623, %get3A_1628 : vector<16xf32>
        %add3A_1630 = arith.addf %add3A_1618, %mul3A_1629 : vector<16xf32>
        %swap3A_1631 = arith.constant 204 : index
        %swap3A_1632 = tpu.vector_load %arg11[%swap3A_1631] {strides = array<i32>} : memref<280xf32, #tpu.memory_space<vmem>>, vector<16xf32>,
        tpu.vector_store %arg11[%swap3A_1631], %add3A_1630 {strides = array<i32>} : memref<280xf32, #tpu.memory_space<vmem>>, vector<16xf32>,
        %mul3A_1633 = arith.constant 16 : i32
        %mul3A_1634 = arith.muli %scan3A_321, %mul3A_1633 : i32
        %add3A_1635 = arith.constant 13 : i32
        %add3A_1636 = arith.addi %mul3A_1634, %add3A_1635 : i32
        %get3A_1637 = arith.constant 0 : i32
        %get3A_1638 = arith.index_cast %get3A_1637 : i32 to index
        %get3A_1639 = arith.index_cast %add3A_1636 : i32 to index
        %get3A_1640 = arith.constant 0 : index
        %get3A_1641 = tpu.vector_load %arg8[%get3A_1638, %get3A_1639, %get3A_1640] {strides = array<i32>} : memref<3x128x128xf32, #tpu.memory_space<vmem>>, vector<16xf32>,
        %get3A_1642 = arith.constant 0 : i32
        %get3A_1643 = arith.index_cast %get3A_1642 : i32 to index
        %get3A_1644 = arith.index_cast %add3A_1636 : i32 to index
        %get3A_1645 = arith.constant 0 : index
        %get3A_1646 = tpu.vector_load %arg9[%get3A_1643, %get3A_1644, %get3A_1645] {strides = array<i32>} : memref<3x128x128xf32, #tpu.memory_space<vmem>>, vector<16xf32>,
        %mul3A_1647 = arith.mulf %get3A_1641, %get3A_1646 : vector<16xf32>
        %get3A_1648 = arith.constant 0 : i32
        %get3A_1649 = arith.index_cast %get3A_1648 : i32 to index
        %get3A_1650 = arith.index_cast %add3A_1636 : i32 to index
        %get3A_1651 = arith.constant 16 : index
        %get3A_1652 = tpu.vector_load %arg8[%get3A_1649, %get3A_1650, %get3A_1651] {strides = array<i32>} : memref<3x128x128xf32, #tpu.memory_space<vmem>>, vector<16xf32>,
        %get3A_1653 = arith.constant 0 : i32
        %get3A_1654 = arith.index_cast %get3A_1653 : i32 to index
        %get3A_1655 = arith.index_cast %add3A_1636 : i32 to index
        %get3A_1656 = arith.constant 16 : index
        %get3A_1657 = tpu.vector_load %arg9[%get3A_1654, %get3A_1655, %get3A_1656] {strides = array<i32>} : memref<3x128x128xf32, #tpu.memory_space<vmem>>, vector<16xf32>,
        %mul3A_1658 = arith.mulf %get3A_1652, %get3A_1657 : vector<16xf32>
        %add3A_1659 = arith.addf %mul3A_1647, %mul3A_1658 : vector<16xf32>
        %get3A_1660 = arith.constant 0 : i32
        %get3A_1661 = arith.index_cast %get3A_1660 : i32 to index
        %get3A_1662 = arith.index_cast %add3A_1636 : i32 to index
        %get3A_1663 = arith.constant 32 : index
        %get3A_1664 = tpu.vector_load %arg8[%get3A_1661, %get3A_1662, %get3A_1663] {strides = array<i32>} : memref<3x128x128xf32, #tpu.memory_space<vmem>>, vector<16xf32>,
        %get3A_1665 = arith.constant 0 : i32
        %get3A_1666 = arith.index_cast %get3A_1665 : i32 to index
        %get3A_1667 = arith.index_cast %add3A_1636 : i32 to index
        %get3A_1668 = arith.constant 32 : index
        %get3A_1669 = tpu.vector_load %arg9[%get3A_1666, %get3A_1667, %get3A_1668] {strides = array<i32>} : memref<3x128x128xf32, #tpu.memory_space<vmem>>, vector<16xf32>,
        %mul3A_1670 = arith.mulf %get3A_1664, %get3A_1669 : vector<16xf32>
        %add3A_1671 = arith.addf %add3A_1659, %mul3A_1670 : vector<16xf32>
        %get3A_1672 = arith.constant 0 : i32
        %get3A_1673 = arith.index_cast %get3A_1672 : i32 to index
        %get3A_1674 = arith.index_cast %add3A_1636 : i32 to index
        %get3A_1675 = arith.constant 48 : index
        %get3A_1676 = tpu.vector_load %arg8[%get3A_1673, %get3A_1674, %get3A_1675] {strides = array<i32>} : memref<3x128x128xf32, #tpu.memory_space<vmem>>, vector<16xf32>,
        %get3A_1677 = arith.constant 0 : i32
        %get3A_1678 = arith.index_cast %get3A_1677 : i32 to index
        %get3A_1679 = arith.index_cast %add3A_1636 : i32 to index
        %get3A_1680 = arith.constant 48 : index
        %get3A_1681 = tpu.vector_load %arg9[%get3A_1678, %get3A_1679, %get3A_1680] {strides = array<i32>} : memref<3x128x128xf32, #tpu.memory_space<vmem>>, vector<16xf32>,
        %mul3A_1682 = arith.mulf %get3A_1676, %get3A_1681 : vector<16xf32>
        %add3A_1683 = arith.addf %add3A_1671, %mul3A_1682 : vector<16xf32>
        %get3A_1684 = arith.constant 0 : i32
        %get3A_1685 = arith.index_cast %get3A_1684 : i32 to index
        %get3A_1686 = arith.index_cast %add3A_1636 : i32 to index
        %get3A_1687 = arith.constant 64 : index
        %get3A_1688 = tpu.vector_load %arg8[%get3A_1685, %get3A_1686, %get3A_1687] {strides = array<i32>} : memref<3x128x128xf32, #tpu.memory_space<vmem>>, vector<16xf32>,
        %get3A_1689 = arith.constant 0 : i32
        %get3A_1690 = arith.index_cast %get3A_1689 : i32 to index
        %get3A_1691 = arith.index_cast %add3A_1636 : i32 to index
        %get3A_1692 = arith.constant 64 : index
        %get3A_1693 = tpu.vector_load %arg9[%get3A_1690, %get3A_1691, %get3A_1692] {strides = array<i32>} : memref<3x128x128xf32, #tpu.memory_space<vmem>>, vector<16xf32>,
        %mul3A_1694 = arith.mulf %get3A_1688, %get3A_1693 : vector<16xf32>
        %add3A_1695 = arith.addf %add3A_1683, %mul3A_1694 : vector<16xf32>
        %get3A_1696 = arith.constant 0 : i32
        %get3A_1697 = arith.index_cast %get3A_1696 : i32 to index
        %get3A_1698 = arith.index_cast %add3A_1636 : i32 to index
        %get3A_1699 = arith.constant 80 : index
        %get3A_1700 = tpu.vector_load %arg8[%get3A_1697, %get3A_1698, %get3A_1699] {strides = array<i32>} : memref<3x128x128xf32, #tpu.memory_space<vmem>>, vector<16xf32>,
        %get3A_1701 = arith.constant 0 : i32
        %get3A_1702 = arith.index_cast %get3A_1701 : i32 to index
        %get3A_1703 = arith.index_cast %add3A_1636 : i32 to index
        %get3A_1704 = arith.constant 80 : index
        %get3A_1705 = tpu.vector_load %arg9[%get3A_1702, %get3A_1703, %get3A_1704] {strides = array<i32>} : memref<3x128x128xf32, #tpu.memory_space<vmem>>, vector<16xf32>,
        %mul3A_1706 = arith.mulf %get3A_1700, %get3A_1705 : vector<16xf32>
        %add3A_1707 = arith.addf %add3A_1695, %mul3A_1706 : vector<16xf32>
        %get3A_1708 = arith.constant 0 : i32
        %get3A_1709 = arith.index_cast %get3A_1708 : i32 to index
        %get3A_1710 = arith.index_cast %add3A_1636 : i32 to index
        %get3A_1711 = arith.constant 96 : index
        %get3A_1712 = tpu.vector_load %arg8[%get3A_1709, %get3A_1710, %get3A_1711] {strides = array<i32>} : memref<3x128x128xf32, #tpu.memory_space<vmem>>, vector<16xf32>,
        %get3A_1713 = arith.constant 0 : i32
        %get3A_1714 = arith.index_cast %get3A_1713 : i32 to index
        %get3A_1715 = arith.index_cast %add3A_1636 : i32 to index
        %get3A_1716 = arith.constant 96 : index
        %get3A_1717 = tpu.vector_load %arg9[%get3A_1714, %get3A_1715, %get3A_1716] {strides = array<i32>} : memref<3x128x128xf32, #tpu.memory_space<vmem>>, vector<16xf32>,
        %mul3A_1718 = arith.mulf %get3A_1712, %get3A_1717 : vector<16xf32>
        %add3A_1719 = arith.addf %add3A_1707, %mul3A_1718 : vector<16xf32>
        %get3A_1720 = arith.constant 0 : i32
        %get3A_1721 = arith.index_cast %get3A_1720 : i32 to index
        %get3A_1722 = arith.index_cast %add3A_1636 : i32 to index
        %get3A_1723 = arith.constant 112 : index
        %get3A_1724 = tpu.vector_load %arg8[%get3A_1721, %get3A_1722, %get3A_1723] {strides = array<i32>} : memref<3x128x128xf32, #tpu.memory_space<vmem>>, vector<16xf32>,
        %get3A_1725 = arith.constant 0 : i32
        %get3A_1726 = arith.index_cast %get3A_1725 : i32 to index
        %get3A_1727 = arith.index_cast %add3A_1636 : i32 to index
        %get3A_1728 = arith.constant 112 : index
        %get3A_1729 = tpu.vector_load %arg9[%get3A_1726, %get3A_1727, %get3A_1728] {strides = array<i32>} : memref<3x128x128xf32, #tpu.memory_space<vmem>>, vector<16xf32>,
        %mul3A_1730 = arith.mulf %get3A_1724, %get3A_1729 : vector<16xf32>
        %add3A_1731 = arith.addf %add3A_1719, %mul3A_1730 : vector<16xf32>
        %swap3A_1732 = arith.constant 221 : index
        %swap3A_1733 = tpu.vector_load %arg11[%swap3A_1732] {strides = array<i32>} : memref<280xf32, #tpu.memory_space<vmem>>, vector<16xf32>,
        tpu.vector_store %arg11[%swap3A_1732], %add3A_1731 {strides = array<i32>} : memref<280xf32, #tpu.memory_space<vmem>>, vector<16xf32>,
        %mul3A_1734 = arith.constant 16 : i32
        %mul3A_1735 = arith.muli %scan3A_321, %mul3A_1734 : i32
        %add3A_1736 = arith.constant 14 : i32
        %add3A_1737 = arith.addi %mul3A_1735, %add3A_1736 : i32
        %get3A_1738 = arith.constant 0 : i32
        %get3A_1739 = arith.index_cast %get3A_1738 : i32 to index
        %get3A_1740 = arith.index_cast %add3A_1737 : i32 to index
        %get3A_1741 = arith.constant 0 : index
        %get3A_1742 = tpu.vector_load %arg8[%get3A_1739, %get3A_1740, %get3A_1741] {strides = array<i32>} : memref<3x128x128xf32, #tpu.memory_space<vmem>>, vector<16xf32>,
        %get3A_1743 = arith.constant 0 : i32
        %get3A_1744 = arith.index_cast %get3A_1743 : i32 to index
        %get3A_1745 = arith.index_cast %add3A_1737 : i32 to index
        %get3A_1746 = arith.constant 0 : index
        %get3A_1747 = tpu.vector_load %arg9[%get3A_1744, %get3A_1745, %get3A_1746] {strides = array<i32>} : memref<3x128x128xf32, #tpu.memory_space<vmem>>, vector<16xf32>,
        %mul3A_1748 = arith.mulf %get3A_1742, %get3A_1747 : vector<16xf32>
        %get3A_1749 = arith.constant 0 : i32
        %get3A_1750 = arith.index_cast %get3A_1749 : i32 to index
        %get3A_1751 = arith.index_cast %add3A_1737 : i32 to index
        %get3A_1752 = arith.constant 16 : index
        %get3A_1753 = tpu.vector_load %arg8[%get3A_1750, %get3A_1751, %get3A_1752] {strides = array<i32>} : memref<3x128x128xf32, #tpu.memory_space<vmem>>, vector<16xf32>,
        %get3A_1754 = arith.constant 0 : i32
        %get3A_1755 = arith.index_cast %get3A_1754 : i32 to index
        %get3A_1756 = arith.index_cast %add3A_1737 : i32 to index
        %get3A_1757 = arith.constant 16 : index
        %get3A_1758 = tpu.vector_load %arg9[%get3A_1755, %get3A_1756, %get3A_1757] {strides = array<i32>} : memref<3x128x128xf32, #tpu.memory_space<vmem>>, vector<16xf32>,
        %mul3A_1759 = arith.mulf %get3A_1753, %get3A_1758 : vector<16xf32>
        %add3A_1760 = arith.addf %mul3A_1748, %mul3A_1759 : vector<16xf32>
        %get3A_1761 = arith.constant 0 : i32
        %get3A_1762 = arith.index_cast %get3A_1761 : i32 to index
        %get3A_1763 = arith.index_cast %add3A_1737 : i32 to index
        %get3A_1764 = arith.constant 32 : index
        %get3A_1765 = tpu.vector_load %arg8[%get3A_1762, %get3A_1763, %get3A_1764] {strides = array<i32>} : memref<3x128x128xf32, #tpu.memory_space<vmem>>, vector<16xf32>,
        %get3A_1766 = arith.constant 0 : i32
        %get3A_1767 = arith.index_cast %get3A_1766 : i32 to index
        %get3A_1768 = arith.index_cast %add3A_1737 : i32 to index
        %get3A_1769 = arith.constant 32 : index
        %get3A_1770 = tpu.vector_load %arg9[%get3A_1767, %get3A_1768, %get3A_1769] {strides = array<i32>} : memref<3x128x128xf32, #tpu.memory_space<vmem>>, vector<16xf32>,
        %mul3A_1771 = arith.mulf %get3A_1765, %get3A_1770 : vector<16xf32>
        %add3A_1772 = arith.addf %add3A_1760, %mul3A_1771 : vector<16xf32>
        %get3A_1773 = arith.constant 0 : i32
        %get3A_1774 = arith.index_cast %get3A_1773 : i32 to index
        %get3A_1775 = arith.index_cast %add3A_1737 : i32 to index
        %get3A_1776 = arith.constant 48 : index
        %get3A_1777 = tpu.vector_load %arg8[%get3A_1774, %get3A_1775, %get3A_1776] {strides = array<i32>} : memref<3x128x128xf32, #tpu.memory_space<vmem>>, vector<16xf32>,
        %get3A_1778 = arith.constant 0 : i32
        %get3A_1779 = arith.index_cast %get3A_1778 : i32 to index
        %get3A_1780 = arith.index_cast %add3A_1737 : i32 to index
        %get3A_1781 = arith.constant 48 : index
        %get3A_1782 = tpu.vector_load %arg9[%get3A_1779, %get3A_1780, %get3A_1781] {strides = array<i32>} : memref<3x128x128xf32, #tpu.memory_space<vmem>>, vector<16xf32>,
        %mul3A_1783 = arith.mulf %get3A_1777, %get3A_1782 : vector<16xf32>
        %add3A_1784 = arith.addf %add3A_1772, %mul3A_1783 : vector<16xf32>
        %get3A_1785 = arith.constant 0 : i32
        %get3A_1786 = arith.index_cast %get3A_1785 : i32 to index
        %get3A_1787 = arith.index_cast %add3A_1737 : i32 to index
        %get3A_1788 = arith.constant 64 : index
        %get3A_1789 = tpu.vector_load %arg8[%get3A_1786, %get3A_1787, %get3A_1788] {strides = array<i32>} : memref<3x128x128xf32, #tpu.memory_space<vmem>>, vector<16xf32>,
        %get3A_1790 = arith.constant 0 : i32
        %get3A_1791 = arith.index_cast %get3A_1790 : i32 to index
        %get3A_1792 = arith.index_cast %add3A_1737 : i32 to index
        %get3A_1793 = arith.constant 64 : index
        %get3A_1794 = tpu.vector_load %arg9[%get3A_1791, %get3A_1792, %get3A_1793] {strides = array<i32>} : memref<3x128x128xf32, #tpu.memory_space<vmem>>, vector<16xf32>,
        %mul3A_1795 = arith.mulf %get3A_1789, %get3A_1794 : vector<16xf32>
        %add3A_1796 = arith.addf %add3A_1784, %mul3A_1795 : vector<16xf32>
        %get3A_1797 = arith.constant 0 : i32
        %get3A_1798 = arith.index_cast %get3A_1797 : i32 to index
        %get3A_1799 = arith.index_cast %add3A_1737 : i32 to index
        %get3A_1800 = arith.constant 80 : index
        %get3A_1801 = tpu.vector_load %arg8[%get3A_1798, %get3A_1799, %get3A_1800] {strides = array<i32>} : memref<3x128x128xf32, #tpu.memory_space<vmem>>, vector<16xf32>,
        %get3A_1802 = arith.constant 0 : i32
        %get3A_1803 = arith.index_cast %get3A_1802 : i32 to index
        %get3A_1804 = arith.index_cast %add3A_1737 : i32 to index
        %get3A_1805 = arith.constant 80 : index
        %get3A_1806 = tpu.vector_load %arg9[%get3A_1803, %get3A_1804, %get3A_1805] {strides = array<i32>} : memref<3x128x128xf32, #tpu.memory_space<vmem>>, vector<16xf32>,
        %mul3A_1807 = arith.mulf %get3A_1801, %get3A_1806 : vector<16xf32>
        %add3A_1808 = arith.addf %add3A_1796, %mul3A_1807 : vector<16xf32>
        %get3A_1809 = arith.constant 0 : i32
        %get3A_1810 = arith.index_cast %get3A_1809 : i32 to index
        %get3A_1811 = arith.index_cast %add3A_1737 : i32 to index
        %get3A_1812 = arith.constant 96 : index
        %get3A_1813 = tpu.vector_load %arg8[%get3A_1810, %get3A_1811, %get3A_1812] {strides = array<i32>} : memref<3x128x128xf32, #tpu.memory_space<vmem>>, vector<16xf32>,
        %get3A_1814 = arith.constant 0 : i32
        %get3A_1815 = arith.index_cast %get3A_1814 : i32 to index
        %get3A_1816 = arith.index_cast %add3A_1737 : i32 to index
        %get3A_1817 = arith.constant 96 : index
        %get3A_1818 = tpu.vector_load %arg9[%get3A_1815, %get3A_1816, %get3A_1817] {strides = array<i32>} : memref<3x128x128xf32, #tpu.memory_space<vmem>>, vector<16xf32>,
        %mul3A_1819 = arith.mulf %get3A_1813, %get3A_1818 : vector<16xf32>
        %add3A_1820 = arith.addf %add3A_1808, %mul3A_1819 : vector<16xf32>
        %get3A_1821 = arith.constant 0 : i32
        %get3A_1822 = arith.index_cast %get3A_1821 : i32 to index
        %get3A_1823 = arith.index_cast %add3A_1737 : i32 to index
        %get3A_1824 = arith.constant 112 : index
        %get3A_1825 = tpu.vector_load %arg8[%get3A_1822, %get3A_1823, %get3A_1824] {strides = array<i32>} : memref<3x128x128xf32, #tpu.memory_space<vmem>>, vector<16xf32>,
        %get3A_1826 = arith.constant 0 : i32
        %get3A_1827 = arith.index_cast %get3A_1826 : i32 to index
        %get3A_1828 = arith.index_cast %add3A_1737 : i32 to index
        %get3A_1829 = arith.constant 112 : index
        %get3A_1830 = tpu.vector_load %arg9[%get3A_1827, %get3A_1828, %get3A_1829] {strides = array<i32>} : memref<3x128x128xf32, #tpu.memory_space<vmem>>, vector<16xf32>,
        %mul3A_1831 = arith.mulf %get3A_1825, %get3A_1830 : vector<16xf32>
        %add3A_1832 = arith.addf %add3A_1820, %mul3A_1831 : vector<16xf32>
        %swap3A_1833 = arith.constant 238 : index
        %swap3A_1834 = tpu.vector_load %arg11[%swap3A_1833] {strides = array<i32>} : memref<280xf32, #tpu.memory_space<vmem>>, vector<16xf32>,
        tpu.vector_store %arg11[%swap3A_1833], %add3A_1832 {strides = array<i32>} : memref<280xf32, #tpu.memory_space<vmem>>, vector<16xf32>,
        %mul3A_1835 = arith.constant 16 : i32
        %mul3A_1836 = arith.muli %scan3A_321, %mul3A_1835 : i32
        %add3A_1837 = arith.constant 15 : i32
        %add3A_1838 = arith.addi %mul3A_1836, %add3A_1837 : i32
        %get3A_1839 = arith.constant 0 : i32
        %get3A_1840 = arith.index_cast %get3A_1839 : i32 to index
        %get3A_1841 = arith.index_cast %add3A_1838 : i32 to index
        %get3A_1842 = arith.constant 0 : index
        %get3A_1843 = tpu.vector_load %arg8[%get3A_1840, %get3A_1841, %get3A_1842] {strides = array<i32>} : memref<3x128x128xf32, #tpu.memory_space<vmem>>, vector<16xf32>,
        %get3A_1844 = arith.constant 0 : i32
        %get3A_1845 = arith.index_cast %get3A_1844 : i32 to index
        %get3A_1846 = arith.index_cast %add3A_1838 : i32 to index
        %get3A_1847 = arith.constant 0 : index
        %get3A_1848 = tpu.vector_load %arg9[%get3A_1845, %get3A_1846, %get3A_1847] {strides = array<i32>} : memref<3x128x128xf32, #tpu.memory_space<vmem>>, vector<16xf32>,
        %mul3A_1849 = arith.mulf %get3A_1843, %get3A_1848 : vector<16xf32>
        %get3A_1850 = arith.constant 0 : i32
        %get3A_1851 = arith.index_cast %get3A_1850 : i32 to index
        %get3A_1852 = arith.index_cast %add3A_1838 : i32 to index
        %get3A_1853 = arith.constant 16 : index
        %get3A_1854 = tpu.vector_load %arg8[%get3A_1851, %get3A_1852, %get3A_1853] {strides = array<i32>} : memref<3x128x128xf32, #tpu.memory_space<vmem>>, vector<16xf32>,
        %get3A_1855 = arith.constant 0 : i32
        %get3A_1856 = arith.index_cast %get3A_1855 : i32 to index
        %get3A_1857 = arith.index_cast %add3A_1838 : i32 to index
        %get3A_1858 = arith.constant 16 : index
        %get3A_1859 = tpu.vector_load %arg9[%get3A_1856, %get3A_1857, %get3A_1858] {strides = array<i32>} : memref<3x128x128xf32, #tpu.memory_space<vmem>>, vector<16xf32>,
        %mul3A_1860 = arith.mulf %get3A_1854, %get3A_1859 : vector<16xf32>
        %add3A_1861 = arith.addf %mul3A_1849, %mul3A_1860 : vector<16xf32>
        %get3A_1862 = arith.constant 0 : i32
        %get3A_1863 = arith.index_cast %get3A_1862 : i32 to index
        %get3A_1864 = arith.index_cast %add3A_1838 : i32 to index
        %get3A_1865 = arith.constant 32 : index
        %get3A_1866 = tpu.vector_load %arg8[%get3A_1863, %get3A_1864, %get3A_1865] {strides = array<i32>} : memref<3x128x128xf32, #tpu.memory_space<vmem>>, vector<16xf32>,
        %get3A_1867 = arith.constant 0 : i32
        %get3A_1868 = arith.index_cast %get3A_1867 : i32 to index
        %get3A_1869 = arith.index_cast %add3A_1838 : i32 to index
        %get3A_1870 = arith.constant 32 : index
        %get3A_1871 = tpu.vector_load %arg9[%get3A_1868, %get3A_1869, %get3A_1870] {strides = array<i32>} : memref<3x128x128xf32, #tpu.memory_space<vmem>>, vector<16xf32>,
        %mul3A_1872 = arith.mulf %get3A_1866, %get3A_1871 : vector<16xf32>
        %add3A_1873 = arith.addf %add3A_1861, %mul3A_1872 : vector<16xf32>
        %get3A_1874 = arith.constant 0 : i32
        %get3A_1875 = arith.index_cast %get3A_1874 : i32 to index
        %get3A_1876 = arith.index_cast %add3A_1838 : i32 to index
        %get3A_1877 = arith.constant 48 : index
        %get3A_1878 = tpu.vector_load %arg8[%get3A_1875, %get3A_1876, %get3A_1877] {strides = array<i32>} : memref<3x128x128xf32, #tpu.memory_space<vmem>>, vector<16xf32>,
        %get3A_1879 = arith.constant 0 : i32
        %get3A_1880 = arith.index_cast %get3A_1879 : i32 to index
        %get3A_1881 = arith.index_cast %add3A_1838 : i32 to index
        %get3A_1882 = arith.constant 48 : index
        %get3A_1883 = tpu.vector_load %arg9[%get3A_1880, %get3A_1881, %get3A_1882] {strides = array<i32>} : memref<3x128x128xf32, #tpu.memory_space<vmem>>, vector<16xf32>,
        %mul3A_1884 = arith.mulf %get3A_1878, %get3A_1883 : vector<16xf32>
        %add3A_1885 = arith.addf %add3A_1873, %mul3A_1884 : vector<16xf32>
        %get3A_1886 = arith.constant 0 : i32
        %get3A_1887 = arith.index_cast %get3A_1886 : i32 to index
        %get3A_1888 = arith.index_cast %add3A_1838 : i32 to index
        %get3A_1889 = arith.constant 64 : index
        %get3A_1890 = tpu.vector_load %arg8[%get3A_1887, %get3A_1888, %get3A_1889] {strides = array<i32>} : memref<3x128x128xf32, #tpu.memory_space<vmem>>, vector<16xf32>,
        %get3A_1891 = arith.constant 0 : i32
        %get3A_1892 = arith.index_cast %get3A_1891 : i32 to index
        %get3A_1893 = arith.index_cast %add3A_1838 : i32 to index
        %get3A_1894 = arith.constant 64 : index
        %get3A_1895 = tpu.vector_load %arg9[%get3A_1892, %get3A_1893, %get3A_1894] {strides = array<i32>} : memref<3x128x128xf32, #tpu.memory_space<vmem>>, vector<16xf32>,
        %mul3A_1896 = arith.mulf %get3A_1890, %get3A_1895 : vector<16xf32>
        %add3A_1897 = arith.addf %add3A_1885, %mul3A_1896 : vector<16xf32>
        %get3A_1898 = arith.constant 0 : i32
        %get3A_1899 = arith.index_cast %get3A_1898 : i32 to index
        %get3A_1900 = arith.index_cast %add3A_1838 : i32 to index
        %get3A_1901 = arith.constant 80 : index
        %get3A_1902 = tpu.vector_load %arg8[%get3A_1899, %get3A_1900, %get3A_1901] {strides = array<i32>} : memref<3x128x128xf32, #tpu.memory_space<vmem>>, vector<16xf32>,
        %get3A_1903 = arith.constant 0 : i32
        %get3A_1904 = arith.index_cast %get3A_1903 : i32 to index
        %get3A_1905 = arith.index_cast %add3A_1838 : i32 to index
        %get3A_1906 = arith.constant 80 : index
        %get3A_1907 = tpu.vector_load %arg9[%get3A_1904, %get3A_1905, %get3A_1906] {strides = array<i32>} : memref<3x128x128xf32, #tpu.memory_space<vmem>>, vector<16xf32>,
        %mul3A_1908 = arith.mulf %get3A_1902, %get3A_1907 : vector<16xf32>
        %add3A_1909 = arith.addf %add3A_1897, %mul3A_1908 : vector<16xf32>
        %get3A_1910 = arith.constant 0 : i32
        %get3A_1911 = arith.index_cast %get3A_1910 : i32 to index
        %get3A_1912 = arith.index_cast %add3A_1838 : i32 to index
        %get3A_1913 = arith.constant 96 : index
        %get3A_1914 = tpu.vector_load %arg8[%get3A_1911, %get3A_1912, %get3A_1913] {strides = array<i32>} : memref<3x128x128xf32, #tpu.memory_space<vmem>>, vector<16xf32>,
        %get3A_1915 = arith.constant 0 : i32
        %get3A_1916 = arith.index_cast %get3A_1915 : i32 to index
        %get3A_1917 = arith.index_cast %add3A_1838 : i32 to index
        %get3A_1918 = arith.constant 96 : index
        %get3A_1919 = tpu.vector_load %arg9[%get3A_1916, %get3A_1917, %get3A_1918] {strides = array<i32>} : memref<3x128x128xf32, #tpu.memory_space<vmem>>, vector<16xf32>,
        %mul3A_1920 = arith.mulf %get3A_1914, %get3A_1919 : vector<16xf32>
        %add3A_1921 = arith.addf %add3A_1909, %mul3A_1920 : vector<16xf32>
        %get3A_1922 = arith.constant 0 : i32
        %get3A_1923 = arith.index_cast %get3A_1922 : i32 to index
        %get3A_1924 = arith.index_cast %add3A_1838 : i32 to index
        %get3A_1925 = arith.constant 112 : index
        %get3A_1926 = tpu.vector_load %arg8[%get3A_1923, %get3A_1924, %get3A_1925] {strides = array<i32>} : memref<3x128x128xf32, #tpu.memory_space<vmem>>, vector<16xf32>,
        %get3A_1927 = arith.constant 0 : i32
        %get3A_1928 = arith.index_cast %get3A_1927 : i32 to index
        %get3A_1929 = arith.index_cast %add3A_1838 : i32 to index
        %get3A_1930 = arith.constant 112 : index
        %get3A_1931 = tpu.vector_load %arg9[%get3A_1928, %get3A_1929, %get3A_1930] {strides = array<i32>} : memref<3x128x128xf32, #tpu.memory_space<vmem>>, vector<16xf32>,
        %mul3A_1932 = arith.mulf %get3A_1926, %get3A_1931 : vector<16xf32>
        %add3A_1933 = arith.addf %add3A_1921, %mul3A_1932 : vector<16xf32>
        %swap3A_1934 = arith.constant 255 : index
        %swap3A_1935 = tpu.vector_load %arg11[%swap3A_1934] {strides = array<i32>} : memref<280xf32, #tpu.memory_space<vmem>>, vector<16xf32>,
        tpu.vector_store %arg11[%swap3A_1934], %add3A_1933 {strides = array<i32>} : memref<280xf32, #tpu.memory_space<vmem>>, vector<16xf32>,
        %add3A_1936 = arith.constant 0 : i32
        %add3A_1937 = vector.broadcast %add3A_1936 : i32 to vector<16xi32>
        %add3A_1938 = arith.addi %mul3A_5, %add3A_1937 : vector<16xi32>
        %gather3A = tpu.vector_load_idx %arg11[%add3A_1938] : memref<280xf32, #tpu.memory_space<vmem>>[vector<16xi32>], vector<16xf32>,
        %add3A_1939 = arith.constant 1 : i32
        %add3A_1940 = vector.broadcast %add3A_1939 : i32 to vector<16xi32>
        %add3A_1941 = arith.addi %mul3A_5, %add3A_1940 : vector<16xi32>
        %gather3A_1942 = tpu.vector_load_idx %arg11[%add3A_1941] : memref<280xf32, #tpu.memory_space<vmem>>[vector<16xi32>], vector<16xf32>,
        %add3A_1943 = arith.constant 2 : i32
        %add3A_1944 = vector.broadcast %add3A_1943 : i32 to vector<16xi32>
        %add3A_1945 = arith.addi %mul3A_5, %add3A_1944 : vector<16xi32>
        %gather3A_1946 = tpu.vector_load_idx %arg11[%add3A_1945] : memref<280xf32, #tpu.memory_space<vmem>>[vector<16xi32>], vector<16xf32>,
        %add3A_1947 = arith.constant 3 : i32
        %add3A_1948 = vector.broadcast %add3A_1947 : i32 to vector<16xi32>
        %add3A_1949 = arith.addi %mul3A_5, %add3A_1948 : vector<16xi32>
        %gather3A_1950 = tpu.vector_load_idx %arg11[%add3A_1949] : memref<280xf32, #tpu.memory_space<vmem>>[vector<16xi32>], vector<16xf32>,
        %add3A_1951 = arith.constant 4 : i32
        %add3A_1952 = vector.broadcast %add3A_1951 : i32 to vector<16xi32>
        %add3A_1953 = arith.addi %mul3A_5, %add3A_1952 : vector<16xi32>
        %gather3A_1954 = tpu.vector_load_idx %arg11[%add3A_1953] : memref<280xf32, #tpu.memory_space<vmem>>[vector<16xi32>], vector<16xf32>,
        %add3A_1955 = arith.constant 5 : i32
        %add3A_1956 = vector.broadcast %add3A_1955 : i32 to vector<16xi32>
        %add3A_1957 = arith.addi %mul3A_5, %add3A_1956 : vector<16xi32>
        %gather3A_1958 = tpu.vector_load_idx %arg11[%add3A_1957] : memref<280xf32, #tpu.memory_space<vmem>>[vector<16xi32>], vector<16xf32>,
        %add3A_1959 = arith.constant 6 : i32
        %add3A_1960 = vector.broadcast %add3A_1959 : i32 to vector<16xi32>
        %add3A_1961 = arith.addi %mul3A_5, %add3A_1960 : vector<16xi32>
        %gather3A_1962 = tpu.vector_load_idx %arg11[%add3A_1961] : memref<280xf32, #tpu.memory_space<vmem>>[vector<16xi32>], vector<16xf32>,
        %add3A_1963 = arith.constant 7 : i32
        %add3A_1964 = vector.broadcast %add3A_1963 : i32 to vector<16xi32>
        %add3A_1965 = arith.addi %mul3A_5, %add3A_1964 : vector<16xi32>
        %gather3A_1966 = tpu.vector_load_idx %arg11[%add3A_1965] : memref<280xf32, #tpu.memory_space<vmem>>[vector<16xi32>], vector<16xf32>,
        %add3A_1967 = arith.constant 8 : i32
        %add3A_1968 = vector.broadcast %add3A_1967 : i32 to vector<16xi32>
        %add3A_1969 = arith.addi %mul3A_5, %add3A_1968 : vector<16xi32>
        %gather3A_1970 = tpu.vector_load_idx %arg11[%add3A_1969] : memref<280xf32, #tpu.memory_space<vmem>>[vector<16xi32>], vector<16xf32>,
        %add3A_1971 = arith.constant 9 : i32
        %add3A_1972 = vector.broadcast %add3A_1971 : i32 to vector<16xi32>
        %add3A_1973 = arith.addi %mul3A_5, %add3A_1972 : vector<16xi32>
        %gather3A_1974 = tpu.vector_load_idx %arg11[%add3A_1973] : memref<280xf32, #tpu.memory_space<vmem>>[vector<16xi32>], vector<16xf32>,
        %add3A_1975 = arith.constant 10 : i32
        %add3A_1976 = vector.broadcast %add3A_1975 : i32 to vector<16xi32>
        %add3A_1977 = arith.addi %mul3A_5, %add3A_1976 : vector<16xi32>
        %gather3A_1978 = tpu.vector_load_idx %arg11[%add3A_1977] : memref<280xf32, #tpu.memory_space<vmem>>[vector<16xi32>], vector<16xf32>,
        %add3A_1979 = arith.constant 11 : i32
        %add3A_1980 = vector.broadcast %add3A_1979 : i32 to vector<16xi32>
        %add3A_1981 = arith.addi %mul3A_5, %add3A_1980 : vector<16xi32>
        %gather3A_1982 = tpu.vector_load_idx %arg11[%add3A_1981] : memref<280xf32, #tpu.memory_space<vmem>>[vector<16xi32>], vector<16xf32>,
        %add3A_1983 = arith.constant 12 : i32
        %add3A_1984 = vector.broadcast %add3A_1983 : i32 to vector<16xi32>
        %add3A_1985 = arith.addi %mul3A_5, %add3A_1984 : vector<16xi32>
        %gather3A_1986 = tpu.vector_load_idx %arg11[%add3A_1985] : memref<280xf32, #tpu.memory_space<vmem>>[vector<16xi32>], vector<16xf32>,
        %add3A_1987 = arith.constant 13 : i32
        %add3A_1988 = vector.broadcast %add3A_1987 : i32 to vector<16xi32>
        %add3A_1989 = arith.addi %mul3A_5, %add3A_1988 : vector<16xi32>
        %gather3A_1990 = tpu.vector_load_idx %arg11[%add3A_1989] : memref<280xf32, #tpu.memory_space<vmem>>[vector<16xi32>], vector<16xf32>,
        %add3A_1991 = arith.constant 14 : i32
        %add3A_1992 = vector.broadcast %add3A_1991 : i32 to vector<16xi32>
        %add3A_1993 = arith.addi %mul3A_5, %add3A_1992 : vector<16xi32>
        %gather3A_1994 = tpu.vector_load_idx %arg11[%add3A_1993] : memref<280xf32, #tpu.memory_space<vmem>>[vector<16xi32>], vector<16xf32>,
        %add3A_1995 = arith.constant 15 : i32
        %add3A_1996 = vector.broadcast %add3A_1995 : i32 to vector<16xi32>
        %add3A_1997 = arith.addi %mul3A_5, %add3A_1996 : vector<16xi32>
        %gather3A_1998 = tpu.vector_load_idx %arg11[%add3A_1997] : memref<280xf32, #tpu.memory_space<vmem>>[vector<16xi32>], vector<16xf32>,
        %add3A_1999 = arith.addf %gather3A, %gather3A_1942 : vector<16xf32>
        %add3A_2000 = arith.addf %gather3A_1946, %gather3A_1950 : vector<16xf32>
        %add3A_2001 = arith.addf %gather3A_1954, %gather3A_1958 : vector<16xf32>
        %add3A_2002 = arith.addf %gather3A_1962, %gather3A_1966 : vector<16xf32>
        %add3A_2003 = arith.addf %gather3A_1970, %gather3A_1974 : vector<16xf32>
        %add3A_2004 = arith.addf %gather3A_1978, %gather3A_1982 : vector<16xf32>
        %add3A_2005 = arith.addf %gather3A_1986, %gather3A_1990 : vector<16xf32>
        %add3A_2006 = arith.addf %gather3A_1994, %gather3A_1998 : vector<16xf32>
        %add3A_2007 = arith.addf %add3A_1999, %add3A_2000 : vector<16xf32>
        %add3A_2008 = arith.addf %add3A_2001, %add3A_2002 : vector<16xf32>
        %add3A_2009 = arith.addf %add3A_2003, %add3A_2004 : vector<16xf32>
        %add3A_2010 = arith.addf %add3A_2005, %add3A_2006 : vector<16xf32>
        %add3A_2011 = arith.addf %add3A_2007, %add3A_2008 : vector<16xf32>
        %add3A_2012 = arith.addf %add3A_2009, %add3A_2010 : vector<16xf32>
        %add3A_2013 = arith.addf %add3A_2011, %add3A_2012 : vector<16xf32>
        %neg3A = arith.constant 0.000000e+00 : f32
        %neg3A_2014 = vector.broadcast %neg3A : f32 to vector<16xf32>
        %neg3A_2015 = arith.subf %neg3A_2014, %add3A_2013 : vector<16xf32>
        %exp3A = math.exp %neg3A_2015 : vector<16xf32>
        %add3A_2016 = arith.constant 1.000000e+00 : f32
        %add3A_2017 = vector.broadcast %add3A_2016 : f32 to vector<16xf32>
        %add3A_2018 = arith.addf %add3A_2017, %exp3A : vector<16xf32>
        %div3A = arith.constant 1.000000e+00 : f32
        %div3A_2019 = vector.broadcast %div3A : f32 to vector<16xf32>
        %div3A_2020 = arith.divf %div3A_2019, %add3A_2018 : vector<16xf32>
        %mul3A_2021 = arith.constant 16 : i32
        %mul3A_2022 = arith.muli %scan3A_321, %mul3A_2021 : i32
        %add3A_2023 = arith.addi %multiple_of3A_178, %mul3A_2022 : i32
        %swap3A_2024 = arith.index_cast %add3A_2023 : i32 to index
        %swap3A_2025 = tpu.vector_load %arg10[%swap3A_2024] {strides = array<i32>} : memref<10000xf32, #tpu.memory_space<vmem>>, vector<16xf32>,
        tpu.vector_store %arg10[%swap3A_2024], %div3A_2020 {strides = array<i32>} : memref<10000xf32, #tpu.memory_space<vmem>>, vector<16xf32>,
      }
      %scan3A_184 = arith.constant 8 : i32
      %add3A_185 = arith.constant 3 : i32
      %add3A_186 = arith.addi %mul3A_118, %add3A_185 : i32
      %mul3A_187 = arith.constant 128 : i32
      %mul3A_188 = arith.muli %add3A_186, %mul3A_187 : i32
      %min3A_189 = arith.constant 9872 : i32
      %min3A_190 = arith.minsi %mul3A_188, %min3A_189 : i32
      %multiple_of3A_191 = tpu.assume_multiple %min3A_190, 8 : i32
      %dma_start3A_192 = arith.constant 0 : i32
      %dma_start3A_193 = arith.constant 0 : i32
      %dma_start3A_194 = arith.constant 0 : i32
      %dma_start3A_195 = tpu.memref_slice %arg8[%dma_start3A_192, %dma_start3A_193, %dma_start3A_194] : memref<3x128x128xf32, #tpu.memory_space<vmem>> -> memref<1x128x128xf32, #tpu.memory_space<vmem>>
      %dma_start3A_196 = tpu.memref_squeeze %dma_start3A_195 : memref<1x128x128xf32, #tpu.memory_space<vmem>> -> memref<128x128xf32, #tpu.memory_space<vmem>>
      %dma_start3A_197 = tpu.memref_slice %arg6[%multiple_of3A_191] : memref<10000xi32, #tpu.memory_space<vmem>> -> memref<128xi32, #tpu.memory_space<vmem>>
      %dma_start3A_198 = arith.constant 0 : i32
      %dma_start3A_199 = arith.constant 0 : i32
      %dma_start3A_200 = tpu.memref_slice %arg2[%dma_start3A_198, %dma_start3A_199] : memref<10000x128xf32, #tpu.memory_space<hbm>> -> memref<10000x128xf32, #tpu.memory_space<hbm>>
      tpu.enqueue_indirect_dma source(%dma_start3A_200 : memref<10000x128xf32, #tpu.memory_space<hbm>>) target(%dma_start3A_196 : memref<128x128xf32, #tpu.memory_space<vmem>>) offsets(%dma_start3A_197 : memref<128xi32, #tpu.memory_space<vmem>>) semaphore(%arg12 : memref<!tpu.dma_semaphore, #tpu.memory_space<semaphore_mem>>)
      %dma_start3A_201 = arith.constant 0 : i32
      %dma_start3A_202 = arith.constant 0 : i32
      %dma_start3A_203 = arith.constant 0 : i32
      %dma_start3A_204 = tpu.memref_slice %arg9[%dma_start3A_201, %dma_start3A_202, %dma_start3A_203] : memref<3x128x128xf32, #tpu.memory_space<vmem>> -> memref<1x128x128xf32, #tpu.memory_space<vmem>>
      %dma_start3A_205 = tpu.memref_squeeze %dma_start3A_204 : memref<1x128x128xf32, #tpu.memory_space<vmem>> -> memref<128x128xf32, #tpu.memory_space<vmem>>
      %dma_start3A_206 = tpu.memref_slice %arg7[%multiple_of3A_191] : memref<10000xi32, #tpu.memory_space<vmem>> -> memref<128xi32, #tpu.memory_space<vmem>>
      %dma_start3A_207 = arith.constant 0 : i32
      %dma_start3A_208 = arith.constant 0 : i32
      %dma_start3A_209 = tpu.memref_slice %arg2[%dma_start3A_207, %dma_start3A_208] : memref<10000x128xf32, #tpu.memory_space<hbm>> -> memref<10000x128xf32, #tpu.memory_space<hbm>>
      tpu.enqueue_indirect_dma source(%dma_start3A_209 : memref<10000x128xf32, #tpu.memory_space<hbm>>) target(%dma_start3A_205 : memref<128x128xf32, #tpu.memory_space<vmem>>) offsets(%dma_start3A_206 : memref<128xi32, #tpu.memory_space<vmem>>) semaphore(%arg13 : memref<!tpu.dma_semaphore, #tpu.memory_space<semaphore_mem>>)
      %dma_wait3A_210 = arith.constant 1 : i32
      %dma_wait3A_211 = arith.constant 0 : i32
      %dma_wait3A_212 = arith.constant 0 : i32
      %dma_wait3A_213 = tpu.memref_slice %arg8[%dma_wait3A_210, %dma_wait3A_211, %dma_wait3A_212] : memref<3x128x128xf32, #tpu.memory_space<vmem>> -> memref<1x128x128xf32, #tpu.memory_space<vmem>>
      %dma_wait3A_214 = tpu.memref_squeeze %dma_wait3A_213 : memref<1x128x128xf32, #tpu.memory_space<vmem>> -> memref<128x128xf32, #tpu.memory_space<vmem>>
      %dma_wait3A_215 = arith.constant 0 : i32
      %dma_wait3A_216 = arith.constant 0 : i32
      %dma_wait3A_217 = tpu.memref_slice %arg2[%dma_wait3A_215, %dma_wait3A_216] : memref<10000x128xf32, #tpu.memory_space<hbm>> -> memref<128x128xf32, #tpu.memory_space<hbm>>
      %dma_wait3A_218 = arith.constant 0 : i32
      %dma_wait3A_219 = arith.constant 0 : i32
      %dma_wait3A_220 = tpu.memref_slice %arg8[%dma_wait3A_210, %dma_wait3A_218, %dma_wait3A_219] : memref<3x128x128xf32, #tpu.memory_space<vmem>> -> memref<1x128x128xf32, #tpu.memory_space<vmem>>
      %dma_wait3A_221 = tpu.memref_squeeze %dma_wait3A_220 : memref<1x128x128xf32, #tpu.memory_space<vmem>> -> memref<128x128xf32, #tpu.memory_space<vmem>>
      %dma_wait3A_222 = arith.constant 0 : i32
      %dma_wait3A_223 = arith.constant 0 : i32
      %dma_wait3A_224 = tpu.memref_slice %arg2[%dma_wait3A_222, %dma_wait3A_223] : memref<10000x128xf32, #tpu.memory_space<hbm>> -> memref<128x128xf32, #tpu.memory_space<hbm>>
      tpu.wait_dma2 semaphore(%arg14 : memref<!tpu.dma_semaphore, #tpu.memory_space<semaphore_mem>>) src(%dma_wait3A_224 : memref<128x128xf32, #tpu.memory_space<hbm>>) dst(%dma_wait3A_221 : memref<128x128xf32, #tpu.memory_space<vmem>>)
      %dma_wait3A_225 = arith.constant 1 : i32
      %dma_wait3A_226 = arith.constant 0 : i32
      %dma_wait3A_227 = arith.constant 0 : i32
      %dma_wait3A_228 = tpu.memref_slice %arg9[%dma_wait3A_225, %dma_wait3A_226, %dma_wait3A_227] : memref<3x128x128xf32, #tpu.memory_space<vmem>> -> memref<1x128x128xf32, #tpu.memory_space<vmem>>
      %dma_wait3A_229 = tpu.memref_squeeze %dma_wait3A_228 : memref<1x128x128xf32, #tpu.memory_space<vmem>> -> memref<128x128xf32, #tpu.memory_space<vmem>>
      %dma_wait3A_230 = arith.constant 0 : i32
      %dma_wait3A_231 = arith.constant 0 : i32
      %dma_wait3A_232 = tpu.memref_slice %arg2[%dma_wait3A_230, %dma_wait3A_231] : memref<10000x128xf32, #tpu.memory_space<hbm>> -> memref<128x128xf32, #tpu.memory_space<hbm>>
      %dma_wait3A_233 = arith.constant 0 : i32
      %dma_wait3A_234 = arith.constant 0 : i32
      %dma_wait3A_235 = tpu.memref_slice %arg9[%dma_wait3A_225, %dma_wait3A_233, %dma_wait3A_234] : memref<3x128x128xf32, #tpu.memory_space<vmem>> -> memref<1x128x128xf32, #tpu.memory_space<vmem>>
      %dma_wait3A_236 = tpu.memref_squeeze %dma_wait3A_235 : memref<1x128x128xf32, #tpu.memory_space<vmem>> -> memref<128x128xf32, #tpu.memory_space<vmem>>
      %dma_wait3A_237 = arith.constant 0 : i32
      %dma_wait3A_238 = arith.constant 0 : i32
      %dma_wait3A_239 = tpu.memref_slice %arg2[%dma_wait3A_237, %dma_wait3A_238] : memref<10000x128xf32, #tpu.memory_space<hbm>> -> memref<128x128xf32, #tpu.memory_space<hbm>>
      tpu.wait_dma2 semaphore(%arg15 : memref<!tpu.dma_semaphore, #tpu.memory_space<semaphore_mem>>) src(%dma_wait3A_239 : memref<128x128xf32, #tpu.memory_space<hbm>>) dst(%dma_wait3A_236 : memref<128x128xf32, #tpu.memory_space<vmem>>)
      %add3A_240 = arith.constant 1 : i32
      %add3A_241 = arith.addi %mul3A_118, %add3A_240 : i32
      %mul3A_242 = arith.constant 128 : i32
      %mul3A_243 = arith.muli %add3A_241, %mul3A_242 : i32
      %min3A_244 = arith.constant 9872 : i32
      %min3A_245 = arith.minsi %mul3A_243, %min3A_244 : i32
      %multiple_of3A_246 = tpu.assume_multiple %min3A_245, 8 : i32
      %scan3A_247 = arith.constant 0 : i32
      %scan3A_248 = arith.constant 0 : i32
      %scan3A_249 = arith.constant 8 : i32
      %scan3A_250 = arith.addi %scan3A_248, %scan3A_249 : i32
      %scan3A_251 = arith.constant 1 : i32
      scf.for %scan3A_321 = %scan3A_248 to %scan3A_250 step %scan3A_251  : i32 {
        %mul3A_322 = arith.constant 16 : i32
        %mul3A_323 = arith.muli %scan3A_321, %mul3A_322 : i32
        %add3A_324 = arith.constant 0 : i32
        %add3A_325 = arith.addi %mul3A_323, %add3A_324 : i32
        %get3A = arith.constant 1 : i32
        %get3A_326 = arith.index_cast %get3A : i32 to index
        %get3A_327 = arith.index_cast %add3A_325 : i32 to index
        %get3A_328 = arith.constant 0 : index
        %get3A_329 = tpu.vector_load %arg8[%get3A_326, %get3A_327, %get3A_328] {strides = array<i32>} : memref<3x128x128xf32, #tpu.memory_space<vmem>>, vector<16xf32>,
        %get3A_330 = arith.constant 1 : i32
        %get3A_331 = arith.index_cast %get3A_330 : i32 to index
        %get3A_332 = arith.index_cast %add3A_325 : i32 to index
        %get3A_333 = arith.constant 0 : index
        %get3A_334 = tpu.vector_load %arg9[%get3A_331, %get3A_332, %get3A_333] {strides = array<i32>} : memref<3x128x128xf32, #tpu.memory_space<vmem>>, vector<16xf32>,
        %mul3A_335 = arith.mulf %get3A_329, %get3A_334 : vector<16xf32>
        %get3A_336 = arith.constant 1 : i32
        %get3A_337 = arith.index_cast %get3A_336 : i32 to index
        %get3A_338 = arith.index_cast %add3A_325 : i32 to index
        %get3A_339 = arith.constant 16 : index
        %get3A_340 = tpu.vector_load %arg8[%get3A_337, %get3A_338, %get3A_339] {strides = array<i32>} : memref<3x128x128xf32, #tpu.memory_space<vmem>>, vector<16xf32>,
        %get3A_341 = arith.constant 1 : i32
        %get3A_342 = arith.index_cast %get3A_341 : i32 to index
        %get3A_343 = arith.index_cast %add3A_325 : i32 to index
        %get3A_344 = arith.constant 16 : index
        %get3A_345 = tpu.vector_load %arg9[%get3A_342, %get3A_343, %get3A_344] {strides = array<i32>} : memref<3x128x128xf32, #tpu.memory_space<vmem>>, vector<16xf32>,
        %mul3A_346 = arith.mulf %get3A_340, %get3A_345 : vector<16xf32>
        %add3A_347 = arith.addf %mul3A_335, %mul3A_346 : vector<16xf32>
        %get3A_348 = arith.constant 1 : i32
        %get3A_349 = arith.index_cast %get3A_348 : i32 to index
        %get3A_350 = arith.index_cast %add3A_325 : i32 to index
        %get3A_351 = arith.constant 32 : index
        %get3A_352 = tpu.vector_load %arg8[%get3A_349, %get3A_350, %get3A_351] {strides = array<i32>} : memref<3x128x128xf32, #tpu.memory_space<vmem>>, vector<16xf32>,
        %get3A_353 = arith.constant 1 : i32
        %get3A_354 = arith.index_cast %get3A_353 : i32 to index
        %get3A_355 = arith.index_cast %add3A_325 : i32 to index
        %get3A_356 = arith.constant 32 : index
        %get3A_357 = tpu.vector_load %arg9[%get3A_354, %get3A_355, %get3A_356] {strides = array<i32>} : memref<3x128x128xf32, #tpu.memory_space<vmem>>, vector<16xf32>,
        %mul3A_358 = arith.mulf %get3A_352, %get3A_357 : vector<16xf32>
        %add3A_359 = arith.addf %add3A_347, %mul3A_358 : vector<16xf32>
        %get3A_360 = arith.constant 1 : i32
        %get3A_361 = arith.index_cast %get3A_360 : i32 to index
        %get3A_362 = arith.index_cast %add3A_325 : i32 to index
        %get3A_363 = arith.constant 48 : index
        %get3A_364 = tpu.vector_load %arg8[%get3A_361, %get3A_362, %get3A_363] {strides = array<i32>} : memref<3x128x128xf32, #tpu.memory_space<vmem>>, vector<16xf32>,
        %get3A_365 = arith.constant 1 : i32
        %get3A_366 = arith.index_cast %get3A_365 : i32 to index
        %get3A_367 = arith.index_cast %add3A_325 : i32 to index
        %get3A_368 = arith.constant 48 : index
        %get3A_369 = tpu.vector_load %arg9[%get3A_366, %get3A_367, %get3A_368] {strides = array<i32>} : memref<3x128x128xf32, #tpu.memory_space<vmem>>, vector<16xf32>,
        %mul3A_370 = arith.mulf %get3A_364, %get3A_369 : vector<16xf32>
        %add3A_371 = arith.addf %add3A_359, %mul3A_370 : vector<16xf32>
        %get3A_372 = arith.constant 1 : i32
        %get3A_373 = arith.index_cast %get3A_372 : i32 to index
        %get3A_374 = arith.index_cast %add3A_325 : i32 to index
        %get3A_375 = arith.constant 64 : index
        %get3A_376 = tpu.vector_load %arg8[%get3A_373, %get3A_374, %get3A_375] {strides = array<i32>} : memref<3x128x128xf32, #tpu.memory_space<vmem>>, vector<16xf32>,
        %get3A_377 = arith.constant 1 : i32
        %get3A_378 = arith.index_cast %get3A_377 : i32 to index
        %get3A_379 = arith.index_cast %add3A_325 : i32 to index
        %get3A_380 = arith.constant 64 : index
        %get3A_381 = tpu.vector_load %arg9[%get3A_378, %get3A_379, %get3A_380] {strides = array<i32>} : memref<3x128x128xf32, #tpu.memory_space<vmem>>, vector<16xf32>,
        %mul3A_382 = arith.mulf %get3A_376, %get3A_381 : vector<16xf32>
        %add3A_383 = arith.addf %add3A_371, %mul3A_382 : vector<16xf32>
        %get3A_384 = arith.constant 1 : i32
        %get3A_385 = arith.index_cast %get3A_384 : i32 to index
        %get3A_386 = arith.index_cast %add3A_325 : i32 to index
        %get3A_387 = arith.constant 80 : index
        %get3A_388 = tpu.vector_load %arg8[%get3A_385, %get3A_386, %get3A_387] {strides = array<i32>} : memref<3x128x128xf32, #tpu.memory_space<vmem>>, vector<16xf32>,
        %get3A_389 = arith.constant 1 : i32
        %get3A_390 = arith.index_cast %get3A_389 : i32 to index
        %get3A_391 = arith.index_cast %add3A_325 : i32 to index
        %get3A_392 = arith.constant 80 : index
        %get3A_393 = tpu.vector_load %arg9[%get3A_390, %get3A_391, %get3A_392] {strides = array<i32>} : memref<3x128x128xf32, #tpu.memory_space<vmem>>, vector<16xf32>,
        %mul3A_394 = arith.mulf %get3A_388, %get3A_393 : vector<16xf32>
        %add3A_395 = arith.addf %add3A_383, %mul3A_394 : vector<16xf32>
        %get3A_396 = arith.constant 1 : i32
        %get3A_397 = arith.index_cast %get3A_396 : i32 to index
        %get3A_398 = arith.index_cast %add3A_325 : i32 to index
        %get3A_399 = arith.constant 96 : index
        %get3A_400 = tpu.vector_load %arg8[%get3A_397, %get3A_398, %get3A_399] {strides = array<i32>} : memref<3x128x128xf32, #tpu.memory_space<vmem>>, vector<16xf32>,
        %get3A_401 = arith.constant 1 : i32
        %get3A_402 = arith.index_cast %get3A_401 : i32 to index
        %get3A_403 = arith.index_cast %add3A_325 : i32 to index
        %get3A_404 = arith.constant 96 : index
        %get3A_405 = tpu.vector_load %arg9[%get3A_402, %get3A_403, %get3A_404] {strides = array<i32>} : memref<3x128x128xf32, #tpu.memory_space<vmem>>, vector<16xf32>,
        %mul3A_406 = arith.mulf %get3A_400, %get3A_405 : vector<16xf32>
        %add3A_407 = arith.addf %add3A_395, %mul3A_406 : vector<16xf32>
        %get3A_408 = arith.constant 1 : i32
        %get3A_409 = arith.index_cast %get3A_408 : i32 to index
        %get3A_410 = arith.index_cast %add3A_325 : i32 to index
        %get3A_411 = arith.constant 112 : index
        %get3A_412 = tpu.vector_load %arg8[%get3A_409, %get3A_410, %get3A_411] {strides = array<i32>} : memref<3x128x128xf32, #tpu.memory_space<vmem>>, vector<16xf32>,
        %get3A_413 = arith.constant 1 : i32
        %get3A_414 = arith.index_cast %get3A_413 : i32 to index
        %get3A_415 = arith.index_cast %add3A_325 : i32 to index
        %get3A_416 = arith.constant 112 : index
        %get3A_417 = tpu.vector_load %arg9[%get3A_414, %get3A_415, %get3A_416] {strides = array<i32>} : memref<3x128x128xf32, #tpu.memory_space<vmem>>, vector<16xf32>,
        %mul3A_418 = arith.mulf %get3A_412, %get3A_417 : vector<16xf32>
        %add3A_419 = arith.addf %add3A_407, %mul3A_418 : vector<16xf32>
        %swap3A = arith.constant 0 : index
        %swap3A_420 = tpu.vector_load %arg11[%swap3A] {strides = array<i32>} : memref<280xf32, #tpu.memory_space<vmem>>, vector<16xf32>,
        tpu.vector_store %arg11[%swap3A], %add3A_419 {strides = array<i32>} : memref<280xf32, #tpu.memory_space<vmem>>, vector<16xf32>,
        %mul3A_421 = arith.constant 16 : i32
        %mul3A_422 = arith.muli %scan3A_321, %mul3A_421 : i32
        %add3A_423 = arith.constant 1 : i32
        %add3A_424 = arith.addi %mul3A_422, %add3A_423 : i32
        %get3A_425 = arith.constant 1 : i32
        %get3A_426 = arith.index_cast %get3A_425 : i32 to index
        %get3A_427 = arith.index_cast %add3A_424 : i32 to index
        %get3A_428 = arith.constant 0 : index
        %get3A_429 = tpu.vector_load %arg8[%get3A_426, %get3A_427, %get3A_428] {strides = array<i32>} : memref<3x128x128xf32, #tpu.memory_space<vmem>>, vector<16xf32>,
        %get3A_430 = arith.constant 1 : i32
        %get3A_431 = arith.index_cast %get3A_430 : i32 to index
        %get3A_432 = arith.index_cast %add3A_424 : i32 to index
        %get3A_433 = arith.constant 0 : index
        %get3A_434 = tpu.vector_load %arg9[%get3A_431, %get3A_432, %get3A_433] {strides = array<i32>} : memref<3x128x128xf32, #tpu.memory_space<vmem>>, vector<16xf32>,
        %mul3A_435 = arith.mulf %get3A_429, %get3A_434 : vector<16xf32>
        %get3A_436 = arith.constant 1 : i32
        %get3A_437 = arith.index_cast %get3A_436 : i32 to index
        %get3A_438 = arith.index_cast %add3A_424 : i32 to index
        %get3A_439 = arith.constant 16 : index
        %get3A_440 = tpu.vector_load %arg8[%get3A_437, %get3A_438, %get3A_439] {strides = array<i32>} : memref<3x128x128xf32, #tpu.memory_space<vmem>>, vector<16xf32>,
        %get3A_441 = arith.constant 1 : i32
        %get3A_442 = arith.index_cast %get3A_441 : i32 to index
        %get3A_443 = arith.index_cast %add3A_424 : i32 to index
        %get3A_444 = arith.constant 16 : index
        %get3A_445 = tpu.vector_load %arg9[%get3A_442, %get3A_443, %get3A_444] {strides = array<i32>} : memref<3x128x128xf32, #tpu.memory_space<vmem>>, vector<16xf32>,
        %mul3A_446 = arith.mulf %get3A_440, %get3A_445 : vector<16xf32>
        %add3A_447 = arith.addf %mul3A_435, %mul3A_446 : vector<16xf32>
        %get3A_448 = arith.constant 1 : i32
        %get3A_449 = arith.index_cast %get3A_448 : i32 to index
        %get3A_450 = arith.index_cast %add3A_424 : i32 to index
        %get3A_451 = arith.constant 32 : index
        %get3A_452 = tpu.vector_load %arg8[%get3A_449, %get3A_450, %get3A_451] {strides = array<i32>} : memref<3x128x128xf32, #tpu.memory_space<vmem>>, vector<16xf32>,
        %get3A_453 = arith.constant 1 : i32
        %get3A_454 = arith.index_cast %get3A_453 : i32 to index
        %get3A_455 = arith.index_cast %add3A_424 : i32 to index
        %get3A_456 = arith.constant 32 : index
        %get3A_457 = tpu.vector_load %arg9[%get3A_454, %get3A_455, %get3A_456] {strides = array<i32>} : memref<3x128x128xf32, #tpu.memory_space<vmem>>, vector<16xf32>,
        %mul3A_458 = arith.mulf %get3A_452, %get3A_457 : vector<16xf32>
        %add3A_459 = arith.addf %add3A_447, %mul3A_458 : vector<16xf32>
        %get3A_460 = arith.constant 1 : i32
        %get3A_461 = arith.index_cast %get3A_460 : i32 to index
        %get3A_462 = arith.index_cast %add3A_424 : i32 to index
        %get3A_463 = arith.constant 48 : index
        %get3A_464 = tpu.vector_load %arg8[%get3A_461, %get3A_462, %get3A_463] {strides = array<i32>} : memref<3x128x128xf32, #tpu.memory_space<vmem>>, vector<16xf32>,
        %get3A_465 = arith.constant 1 : i32
        %get3A_466 = arith.index_cast %get3A_465 : i32 to index
        %get3A_467 = arith.index_cast %add3A_424 : i32 to index
        %get3A_468 = arith.constant 48 : index
        %get3A_469 = tpu.vector_load %arg9[%get3A_466, %get3A_467, %get3A_468] {strides = array<i32>} : memref<3x128x128xf32, #tpu.memory_space<vmem>>, vector<16xf32>,
        %mul3A_470 = arith.mulf %get3A_464, %get3A_469 : vector<16xf32>
        %add3A_471 = arith.addf %add3A_459, %mul3A_470 : vector<16xf32>
        %get3A_472 = arith.constant 1 : i32
        %get3A_473 = arith.index_cast %get3A_472 : i32 to index
        %get3A_474 = arith.index_cast %add3A_424 : i32 to index
        %get3A_475 = arith.constant 64 : index
        %get3A_476 = tpu.vector_load %arg8[%get3A_473, %get3A_474, %get3A_475] {strides = array<i32>} : memref<3x128x128xf32, #tpu.memory_space<vmem>>, vector<16xf32>,
        %get3A_477 = arith.constant 1 : i32
        %get3A_478 = arith.index_cast %get3A_477 : i32 to index
        %get3A_479 = arith.index_cast %add3A_424 : i32 to index
        %get3A_480 = arith.constant 64 : index
        %get3A_481 = tpu.vector_load %arg9[%get3A_478, %get3A_479, %get3A_480] {strides = array<i32>} : memref<3x128x128xf32, #tpu.memory_space<vmem>>, vector<16xf32>,
        %mul3A_482 = arith.mulf %get3A_476, %get3A_481 : vector<16xf32>
        %add3A_483 = arith.addf %add3A_471, %mul3A_482 : vector<16xf32>
        %get3A_484 = arith.constant 1 : i32
        %get3A_485 = arith.index_cast %get3A_484 : i32 to index
        %get3A_486 = arith.index_cast %add3A_424 : i32 to index
        %get3A_487 = arith.constant 80 : index
        %get3A_488 = tpu.vector_load %arg8[%get3A_485, %get3A_486, %get3A_487] {strides = array<i32>} : memref<3x128x128xf32, #tpu.memory_space<vmem>>, vector<16xf32>,
        %get3A_489 = arith.constant 1 : i32
        %get3A_490 = arith.index_cast %get3A_489 : i32 to index
        %get3A_491 = arith.index_cast %add3A_424 : i32 to index
        %get3A_492 = arith.constant 80 : index
        %get3A_493 = tpu.vector_load %arg9[%get3A_490, %get3A_491, %get3A_492] {strides = array<i32>} : memref<3x128x128xf32, #tpu.memory_space<vmem>>, vector<16xf32>,
        %mul3A_494 = arith.mulf %get3A_488, %get3A_493 : vector<16xf32>
        %add3A_495 = arith.addf %add3A_483, %mul3A_494 : vector<16xf32>
        %get3A_496 = arith.constant 1 : i32
        %get3A_497 = arith.index_cast %get3A_496 : i32 to index
        %get3A_498 = arith.index_cast %add3A_424 : i32 to index
        %get3A_499 = arith.constant 96 : index
        %get3A_500 = tpu.vector_load %arg8[%get3A_497, %get3A_498, %get3A_499] {strides = array<i32>} : memref<3x128x128xf32, #tpu.memory_space<vmem>>, vector<16xf32>,
        %get3A_501 = arith.constant 1 : i32
        %get3A_502 = arith.index_cast %get3A_501 : i32 to index
        %get3A_503 = arith.index_cast %add3A_424 : i32 to index
        %get3A_504 = arith.constant 96 : index
        %get3A_505 = tpu.vector_load %arg9[%get3A_502, %get3A_503, %get3A_504] {strides = array<i32>} : memref<3x128x128xf32, #tpu.memory_space<vmem>>, vector<16xf32>,
        %mul3A_506 = arith.mulf %get3A_500, %get3A_505 : vector<16xf32>
        %add3A_507 = arith.addf %add3A_495, %mul3A_506 : vector<16xf32>
        %get3A_508 = arith.constant 1 : i32
        %get3A_509 = arith.index_cast %get3A_508 : i32 to index
        %get3A_510 = arith.index_cast %add3A_424 : i32 to index
        %get3A_511 = arith.constant 112 : index
        %get3A_512 = tpu.vector_load %arg8[%get3A_509, %get3A_510, %get3A_511] {strides = array<i32>} : memref<3x128x128xf32, #tpu.memory_space<vmem>>, vector<16xf32>,
        %get3A_513 = arith.constant 1 : i32
        %get3A_514 = arith.index_cast %get3A_513 : i32 to index
        %get3A_515 = arith.index_cast %add3A_424 : i32 to index
        %get3A_516 = arith.constant 112 : index
        %get3A_517 = tpu.vector_load %arg9[%get3A_514, %get3A_515, %get3A_516] {strides = array<i32>} : memref<3x128x128xf32, #tpu.memory_space<vmem>>, vector<16xf32>,
        %mul3A_518 = arith.mulf %get3A_512, %get3A_517 : vector<16xf32>
        %add3A_519 = arith.addf %add3A_507, %mul3A_518 : vector<16xf32>
        %swap3A_520 = arith.constant 17 : index
        %swap3A_521 = tpu.vector_load %arg11[%swap3A_520] {strides = array<i32>} : memref<280xf32, #tpu.memory_space<vmem>>, vector<16xf32>,
        tpu.vector_store %arg11[%swap3A_520], %add3A_519 {strides = array<i32>} : memref<280xf32, #tpu.memory_space<vmem>>, vector<16xf32>,
        %mul3A_522 = arith.constant 16 : i32
        %mul3A_523 = arith.muli %scan3A_321, %mul3A_522 : i32
        %add3A_524 = arith.constant 2 : i32
        %add3A_525 = arith.addi %mul3A_523, %add3A_524 : i32
        %get3A_526 = arith.constant 1 : i32
        %get3A_527 = arith.index_cast %get3A_526 : i32 to index
        %get3A_528 = arith.index_cast %add3A_525 : i32 to index
        %get3A_529 = arith.constant 0 : index
        %get3A_530 = tpu.vector_load %arg8[%get3A_527, %get3A_528, %get3A_529] {strides = array<i32>} : memref<3x128x128xf32, #tpu.memory_space<vmem>>, vector<16xf32>,
        %get3A_531 = arith.constant 1 : i32
        %get3A_532 = arith.index_cast %get3A_531 : i32 to index
        %get3A_533 = arith.index_cast %add3A_525 : i32 to index
        %get3A_534 = arith.constant 0 : index
        %get3A_535 = tpu.vector_load %arg9[%get3A_532, %get3A_533, %get3A_534] {strides = array<i32>} : memref<3x128x128xf32, #tpu.memory_space<vmem>>, vector<16xf32>,
        %mul3A_536 = arith.mulf %get3A_530, %get3A_535 : vector<16xf32>
        %get3A_537 = arith.constant 1 : i32
        %get3A_538 = arith.index_cast %get3A_537 : i32 to index
        %get3A_539 = arith.index_cast %add3A_525 : i32 to index
        %get3A_540 = arith.constant 16 : index
        %get3A_541 = tpu.vector_load %arg8[%get3A_538, %get3A_539, %get3A_540] {strides = array<i32>} : memref<3x128x128xf32, #tpu.memory_space<vmem>>, vector<16xf32>,
        %get3A_542 = arith.constant 1 : i32
        %get3A_543 = arith.index_cast %get3A_542 : i32 to index
        %get3A_544 = arith.index_cast %add3A_525 : i32 to index
        %get3A_545 = arith.constant 16 : index
        %get3A_546 = tpu.vector_load %arg9[%get3A_543, %get3A_544, %get3A_545] {strides = array<i32>} : memref<3x128x128xf32, #tpu.memory_space<vmem>>, vector<16xf32>,
        %mul3A_547 = arith.mulf %get3A_541, %get3A_546 : vector<16xf32>
        %add3A_548 = arith.addf %mul3A_536, %mul3A_547 : vector<16xf32>
        %get3A_549 = arith.constant 1 : i32
        %get3A_550 = arith.index_cast %get3A_549 : i32 to index
        %get3A_551 = arith.index_cast %add3A_525 : i32 to index
        %get3A_552 = arith.constant 32 : index
        %get3A_553 = tpu.vector_load %arg8[%get3A_550, %get3A_551, %get3A_552] {strides = array<i32>} : memref<3x128x128xf32, #tpu.memory_space<vmem>>, vector<16xf32>,
        %get3A_554 = arith.constant 1 : i32
        %get3A_555 = arith.index_cast %get3A_554 : i32 to index
        %get3A_556 = arith.index_cast %add3A_525 : i32 to index
        %get3A_557 = arith.constant 32 : index
        %get3A_558 = tpu.vector_load %arg9[%get3A_555, %get3A_556, %get3A_557] {strides = array<i32>} : memref<3x128x128xf32, #tpu.memory_space<vmem>>, vector<16xf32>,
        %mul3A_559 = arith.mulf %get3A_553, %get3A_558 : vector<16xf32>
        %add3A_560 = arith.addf %add3A_548, %mul3A_559 : vector<16xf32>
        %get3A_561 = arith.constant 1 : i32
        %get3A_562 = arith.index_cast %get3A_561 : i32 to index
        %get3A_563 = arith.index_cast %add3A_525 : i32 to index
        %get3A_564 = arith.constant 48 : index
        %get3A_565 = tpu.vector_load %arg8[%get3A_562, %get3A_563, %get3A_564] {strides = array<i32>} : memref<3x128x128xf32, #tpu.memory_space<vmem>>, vector<16xf32>,
        %get3A_566 = arith.constant 1 : i32
        %get3A_567 = arith.index_cast %get3A_566 : i32 to index
        %get3A_568 = arith.index_cast %add3A_525 : i32 to index
        %get3A_569 = arith.constant 48 : index
        %get3A_570 = tpu.vector_load %arg9[%get3A_567, %get3A_568, %get3A_569] {strides = array<i32>} : memref<3x128x128xf32, #tpu.memory_space<vmem>>, vector<16xf32>,
        %mul3A_571 = arith.mulf %get3A_565, %get3A_570 : vector<16xf32>
        %add3A_572 = arith.addf %add3A_560, %mul3A_571 : vector<16xf32>
        %get3A_573 = arith.constant 1 : i32
        %get3A_574 = arith.index_cast %get3A_573 : i32 to index
        %get3A_575 = arith.index_cast %add3A_525 : i32 to index
        %get3A_576 = arith.constant 64 : index
        %get3A_577 = tpu.vector_load %arg8[%get3A_574, %get3A_575, %get3A_576] {strides = array<i32>} : memref<3x128x128xf32, #tpu.memory_space<vmem>>, vector<16xf32>,
        %get3A_578 = arith.constant 1 : i32
        %get3A_579 = arith.index_cast %get3A_578 : i32 to index
        %get3A_580 = arith.index_cast %add3A_525 : i32 to index
        %get3A_581 = arith.constant 64 : index
        %get3A_582 = tpu.vector_load %arg9[%get3A_579, %get3A_580, %get3A_581] {strides = array<i32>} : memref<3x128x128xf32, #tpu.memory_space<vmem>>, vector<16xf32>,
        %mul3A_583 = arith.mulf %get3A_577, %get3A_582 : vector<16xf32>
        %add3A_584 = arith.addf %add3A_572, %mul3A_583 : vector<16xf32>
        %get3A_585 = arith.constant 1 : i32
        %get3A_586 = arith.index_cast %get3A_585 : i32 to index
        %get3A_587 = arith.index_cast %add3A_525 : i32 to index
        %get3A_588 = arith.constant 80 : index
        %get3A_589 = tpu.vector_load %arg8[%get3A_586, %get3A_587, %get3A_588] {strides = array<i32>} : memref<3x128x128xf32, #tpu.memory_space<vmem>>, vector<16xf32>,
        %get3A_590 = arith.constant 1 : i32
        %get3A_591 = arith.index_cast %get3A_590 : i32 to index
        %get3A_592 = arith.index_cast %add3A_525 : i32 to index
        %get3A_593 = arith.constant 80 : index
        %get3A_594 = tpu.vector_load %arg9[%get3A_591, %get3A_592, %get3A_593] {strides = array<i32>} : memref<3x128x128xf32, #tpu.memory_space<vmem>>, vector<16xf32>,
        %mul3A_595 = arith.mulf %get3A_589, %get3A_594 : vector<16xf32>
        %add3A_596 = arith.addf %add3A_584, %mul3A_595 : vector<16xf32>
        %get3A_597 = arith.constant 1 : i32
        %get3A_598 = arith.index_cast %get3A_597 : i32 to index
        %get3A_599 = arith.index_cast %add3A_525 : i32 to index
        %get3A_600 = arith.constant 96 : index
        %get3A_601 = tpu.vector_load %arg8[%get3A_598, %get3A_599, %get3A_600] {strides = array<i32>} : memref<3x128x128xf32, #tpu.memory_space<vmem>>, vector<16xf32>,
        %get3A_602 = arith.constant 1 : i32
        %get3A_603 = arith.index_cast %get3A_602 : i32 to index
        %get3A_604 = arith.index_cast %add3A_525 : i32 to index
        %get3A_605 = arith.constant 96 : index
        %get3A_606 = tpu.vector_load %arg9[%get3A_603, %get3A_604, %get3A_605] {strides = array<i32>} : memref<3x128x128xf32, #tpu.memory_space<vmem>>, vector<16xf32>,
        %mul3A_607 = arith.mulf %get3A_601, %get3A_606 : vector<16xf32>
        %add3A_608 = arith.addf %add3A_596, %mul3A_607 : vector<16xf32>
        %get3A_609 = arith.constant 1 : i32
        %get3A_610 = arith.index_cast %get3A_609 : i32 to index
        %get3A_611 = arith.index_cast %add3A_525 : i32 to index
        %get3A_612 = arith.constant 112 : index
        %get3A_613 = tpu.vector_load %arg8[%get3A_610, %get3A_611, %get3A_612] {strides = array<i32>} : memref<3x128x128xf32, #tpu.memory_space<vmem>>, vector<16xf32>,
        %get3A_614 = arith.constant 1 : i32
        %get3A_615 = arith.index_cast %get3A_614 : i32 to index
        %get3A_616 = arith.index_cast %add3A_525 : i32 to index
        %get3A_617 = arith.constant 112 : index
        %get3A_618 = tpu.vector_load %arg9[%get3A_615, %get3A_616, %get3A_617] {strides = array<i32>} : memref<3x128x128xf32, #tpu.memory_space<vmem>>, vector<16xf32>,
        %mul3A_619 = arith.mulf %get3A_613, %get3A_618 : vector<16xf32>
        %add3A_620 = arith.addf %add3A_608, %mul3A_619 : vector<16xf32>
        %swap3A_621 = arith.constant 34 : index
        %swap3A_622 = tpu.vector_load %arg11[%swap3A_621] {strides = array<i32>} : memref<280xf32, #tpu.memory_space<vmem>>, vector<16xf32>,
        tpu.vector_store %arg11[%swap3A_621], %add3A_620 {strides = array<i32>} : memref<280xf32, #tpu.memory_space<vmem>>, vector<16xf32>,
        %mul3A_623 = arith.constant 16 : i32
        %mul3A_624 = arith.muli %scan3A_321, %mul3A_623 : i32
        %add3A_625 = arith.constant 3 : i32
        %add3A_626 = arith.addi %mul3A_624, %add3A_625 : i32
        %get3A_627 = arith.constant 1 : i32
        %get3A_628 = arith.index_cast %get3A_627 : i32 to index
        %get3A_629 = arith.index_cast %add3A_626 : i32 to index
        %get3A_630 = arith.constant 0 : index
        %get3A_631 = tpu.vector_load %arg8[%get3A_628, %get3A_629, %get3A_630] {strides = array<i32>} : memref<3x128x128xf32, #tpu.memory_space<vmem>>, vector<16xf32>,
        %get3A_632 = arith.constant 1 : i32
        %get3A_633 = arith.index_cast %get3A_632 : i32 to index
        %get3A_634 = arith.index_cast %add3A_626 : i32 to index
        %get3A_635 = arith.constant 0 : index
        %get3A_636 = tpu.vector_load %arg9[%get3A_633, %get3A_634, %get3A_635] {strides = array<i32>} : memref<3x128x128xf32, #tpu.memory_space<vmem>>, vector<16xf32>,
        %mul3A_637 = arith.mulf %get3A_631, %get3A_636 : vector<16xf32>
        %get3A_638 = arith.constant 1 : i32
        %get3A_639 = arith.index_cast %get3A_638 : i32 to index
        %get3A_640 = arith.index_cast %add3A_626 : i32 to index
        %get3A_641 = arith.constant 16 : index
        %get3A_642 = tpu.vector_load %arg8[%get3A_639, %get3A_640, %get3A_641] {strides = array<i32>} : memref<3x128x128xf32, #tpu.memory_space<vmem>>, vector<16xf32>,
        %get3A_643 = arith.constant 1 : i32
        %get3A_644 = arith.index_cast %get3A_643 : i32 to index
        %get3A_645 = arith.index_cast %add3A_626 : i32 to index
        %get3A_646 = arith.constant 16 : index
        %get3A_647 = tpu.vector_load %arg9[%get3A_644, %get3A_645, %get3A_646] {strides = array<i32>} : memref<3x128x128xf32, #tpu.memory_space<vmem>>, vector<16xf32>,
        %mul3A_648 = arith.mulf %get3A_642, %get3A_647 : vector<16xf32>
        %add3A_649 = arith.addf %mul3A_637, %mul3A_648 : vector<16xf32>
        %get3A_650 = arith.constant 1 : i32
        %get3A_651 = arith.index_cast %get3A_650 : i32 to index
        %get3A_652 = arith.index_cast %add3A_626 : i32 to index
        %get3A_653 = arith.constant 32 : index
        %get3A_654 = tpu.vector_load %arg8[%get3A_651, %get3A_652, %get3A_653] {strides = array<i32>} : memref<3x128x128xf32, #tpu.memory_space<vmem>>, vector<16xf32>,
        %get3A_655 = arith.constant 1 : i32
        %get3A_656 = arith.index_cast %get3A_655 : i32 to index
        %get3A_657 = arith.index_cast %add3A_626 : i32 to index
        %get3A_658 = arith.constant 32 : index
        %get3A_659 = tpu.vector_load %arg9[%get3A_656, %get3A_657, %get3A_658] {strides = array<i32>} : memref<3x128x128xf32, #tpu.memory_space<vmem>>, vector<16xf32>,
        %mul3A_660 = arith.mulf %get3A_654, %get3A_659 : vector<16xf32>
        %add3A_661 = arith.addf %add3A_649, %mul3A_660 : vector<16xf32>
        %get3A_662 = arith.constant 1 : i32
        %get3A_663 = arith.index_cast %get3A_662 : i32 to index
        %get3A_664 = arith.index_cast %add3A_626 : i32 to index
        %get3A_665 = arith.constant 48 : index
        %get3A_666 = tpu.vector_load %arg8[%get3A_663, %get3A_664, %get3A_665] {strides = array<i32>} : memref<3x128x128xf32, #tpu.memory_space<vmem>>, vector<16xf32>,
        %get3A_667 = arith.constant 1 : i32
        %get3A_668 = arith.index_cast %get3A_667 : i32 to index
        %get3A_669 = arith.index_cast %add3A_626 : i32 to index
        %get3A_670 = arith.constant 48 : index
        %get3A_671 = tpu.vector_load %arg9[%get3A_668, %get3A_669, %get3A_670] {strides = array<i32>} : memref<3x128x128xf32, #tpu.memory_space<vmem>>, vector<16xf32>,
        %mul3A_672 = arith.mulf %get3A_666, %get3A_671 : vector<16xf32>
        %add3A_673 = arith.addf %add3A_661, %mul3A_672 : vector<16xf32>
        %get3A_674 = arith.constant 1 : i32
        %get3A_675 = arith.index_cast %get3A_674 : i32 to index
        %get3A_676 = arith.index_cast %add3A_626 : i32 to index
        %get3A_677 = arith.constant 64 : index
        %get3A_678 = tpu.vector_load %arg8[%get3A_675, %get3A_676, %get3A_677] {strides = array<i32>} : memref<3x128x128xf32, #tpu.memory_space<vmem>>, vector<16xf32>,
        %get3A_679 = arith.constant 1 : i32
        %get3A_680 = arith.index_cast %get3A_679 : i32 to index
        %get3A_681 = arith.index_cast %add3A_626 : i32 to index
        %get3A_682 = arith.constant 64 : index
        %get3A_683 = tpu.vector_load %arg9[%get3A_680, %get3A_681, %get3A_682] {strides = array<i32>} : memref<3x128x128xf32, #tpu.memory_space<vmem>>, vector<16xf32>,
        %mul3A_684 = arith.mulf %get3A_678, %get3A_683 : vector<16xf32>
        %add3A_685 = arith.addf %add3A_673, %mul3A_684 : vector<16xf32>
        %get3A_686 = arith.constant 1 : i32
        %get3A_687 = arith.index_cast %get3A_686 : i32 to index
        %get3A_688 = arith.index_cast %add3A_626 : i32 to index
        %get3A_689 = arith.constant 80 : index
        %get3A_690 = tpu.vector_load %arg8[%get3A_687, %get3A_688, %get3A_689] {strides = array<i32>} : memref<3x128x128xf32, #tpu.memory_space<vmem>>, vector<16xf32>,
        %get3A_691 = arith.constant 1 : i32
        %get3A_692 = arith.index_cast %get3A_691 : i32 to index
        %get3A_693 = arith.index_cast %add3A_626 : i32 to index
        %get3A_694 = arith.constant 80 : index
        %get3A_695 = tpu.vector_load %arg9[%get3A_692, %get3A_693, %get3A_694] {strides = array<i32>} : memref<3x128x128xf32, #tpu.memory_space<vmem>>, vector<16xf32>,
        %mul3A_696 = arith.mulf %get3A_690, %get3A_695 : vector<16xf32>
        %add3A_697 = arith.addf %add3A_685, %mul3A_696 : vector<16xf32>
        %get3A_698 = arith.constant 1 : i32
        %get3A_699 = arith.index_cast %get3A_698 : i32 to index
        %get3A_700 = arith.index_cast %add3A_626 : i32 to index
        %get3A_701 = arith.constant 96 : index
        %get3A_702 = tpu.vector_load %arg8[%get3A_699, %get3A_700, %get3A_701] {strides = array<i32>} : memref<3x128x128xf32, #tpu.memory_space<vmem>>, vector<16xf32>,
        %get3A_703 = arith.constant 1 : i32
        %get3A_704 = arith.index_cast %get3A_703 : i32 to index
        %get3A_705 = arith.index_cast %add3A_626 : i32 to index
        %get3A_706 = arith.constant 96 : index
        %get3A_707 = tpu.vector_load %arg9[%get3A_704, %get3A_705, %get3A_706] {strides = array<i32>} : memref<3x128x128xf32, #tpu.memory_space<vmem>>, vector<16xf32>,
        %mul3A_708 = arith.mulf %get3A_702, %get3A_707 : vector<16xf32>
        %add3A_709 = arith.addf %add3A_697, %mul3A_708 : vector<16xf32>
        %get3A_710 = arith.constant 1 : i32
        %get3A_711 = arith.index_cast %get3A_710 : i32 to index
        %get3A_712 = arith.index_cast %add3A_626 : i32 to index
        %get3A_713 = arith.constant 112 : index
        %get3A_714 = tpu.vector_load %arg8[%get3A_711, %get3A_712, %get3A_713] {strides = array<i32>} : memref<3x128x128xf32, #tpu.memory_space<vmem>>, vector<16xf32>,
        %get3A_715 = arith.constant 1 : i32
        %get3A_716 = arith.index_cast %get3A_715 : i32 to index
        %get3A_717 = arith.index_cast %add3A_626 : i32 to index
        %get3A_718 = arith.constant 112 : index
        %get3A_719 = tpu.vector_load %arg9[%get3A_716, %get3A_717, %get3A_718] {strides = array<i32>} : memref<3x128x128xf32, #tpu.memory_space<vmem>>, vector<16xf32>,
        %mul3A_720 = arith.mulf %get3A_714, %get3A_719 : vector<16xf32>
        %add3A_721 = arith.addf %add3A_709, %mul3A_720 : vector<16xf32>
        %swap3A_722 = arith.constant 51 : index
        %swap3A_723 = tpu.vector_load %arg11[%swap3A_722] {strides = array<i32>} : memref<280xf32, #tpu.memory_space<vmem>>, vector<16xf32>,
        tpu.vector_store %arg11[%swap3A_722], %add3A_721 {strides = array<i32>} : memref<280xf32, #tpu.memory_space<vmem>>, vector<16xf32>,
        %mul3A_724 = arith.constant 16 : i32
        %mul3A_725 = arith.muli %scan3A_321, %mul3A_724 : i32
        %add3A_726 = arith.constant 4 : i32
        %add3A_727 = arith.addi %mul3A_725, %add3A_726 : i32
        %get3A_728 = arith.constant 1 : i32
        %get3A_729 = arith.index_cast %get3A_728 : i32 to index
        %get3A_730 = arith.index_cast %add3A_727 : i32 to index
        %get3A_731 = arith.constant 0 : index
        %get3A_732 = tpu.vector_load %arg8[%get3A_729, %get3A_730, %get3A_731] {strides = array<i32>} : memref<3x128x128xf32, #tpu.memory_space<vmem>>, vector<16xf32>,
        %get3A_733 = arith.constant 1 : i32
        %get3A_734 = arith.index_cast %get3A_733 : i32 to index
        %get3A_735 = arith.index_cast %add3A_727 : i32 to index
        %get3A_736 = arith.constant 0 : index
        %get3A_737 = tpu.vector_load %arg9[%get3A_734, %get3A_735, %get3A_736] {strides = array<i32>} : memref<3x128x128xf32, #tpu.memory_space<vmem>>, vector<16xf32>,
        %mul3A_738 = arith.mulf %get3A_732, %get3A_737 : vector<16xf32>
        %get3A_739 = arith.constant 1 : i32
        %get3A_740 = arith.index_cast %get3A_739 : i32 to index
        %get3A_741 = arith.index_cast %add3A_727 : i32 to index
        %get3A_742 = arith.constant 16 : index
        %get3A_743 = tpu.vector_load %arg8[%get3A_740, %get3A_741, %get3A_742] {strides = array<i32>} : memref<3x128x128xf32, #tpu.memory_space<vmem>>, vector<16xf32>,
        %get3A_744 = arith.constant 1 : i32
        %get3A_745 = arith.index_cast %get3A_744 : i32 to index
        %get3A_746 = arith.index_cast %add3A_727 : i32 to index
        %get3A_747 = arith.constant 16 : index
        %get3A_748 = tpu.vector_load %arg9[%get3A_745, %get3A_746, %get3A_747] {strides = array<i32>} : memref<3x128x128xf32, #tpu.memory_space<vmem>>, vector<16xf32>,
        %mul3A_749 = arith.mulf %get3A_743, %get3A_748 : vector<16xf32>
        %add3A_750 = arith.addf %mul3A_738, %mul3A_749 : vector<16xf32>
        %get3A_751 = arith.constant 1 : i32
        %get3A_752 = arith.index_cast %get3A_751 : i32 to index
        %get3A_753 = arith.index_cast %add3A_727 : i32 to index
        %get3A_754 = arith.constant 32 : index
        %get3A_755 = tpu.vector_load %arg8[%get3A_752, %get3A_753, %get3A_754] {strides = array<i32>} : memref<3x128x128xf32, #tpu.memory_space<vmem>>, vector<16xf32>,
        %get3A_756 = arith.constant 1 : i32
        %get3A_757 = arith.index_cast %get3A_756 : i32 to index
        %get3A_758 = arith.index_cast %add3A_727 : i32 to index
        %get3A_759 = arith.constant 32 : index
        %get3A_760 = tpu.vector_load %arg9[%get3A_757, %get3A_758, %get3A_759] {strides = array<i32>} : memref<3x128x128xf32, #tpu.memory_space<vmem>>, vector<16xf32>,
        %mul3A_761 = arith.mulf %get3A_755, %get3A_760 : vector<16xf32>
        %add3A_762 = arith.addf %add3A_750, %mul3A_761 : vector<16xf32>
        %get3A_763 = arith.constant 1 : i32
        %get3A_764 = arith.index_cast %get3A_763 : i32 to index
        %get3A_765 = arith.index_cast %add3A_727 : i32 to index
        %get3A_766 = arith.constant 48 : index
        %get3A_767 = tpu.vector_load %arg8[%get3A_764, %get3A_765, %get3A_766] {strides = array<i32>} : memref<3x128x128xf32, #tpu.memory_space<vmem>>, vector<16xf32>,
        %get3A_768 = arith.constant 1 : i32
        %get3A_769 = arith.index_cast %get3A_768 : i32 to index
        %get3A_770 = arith.index_cast %add3A_727 : i32 to index
        %get3A_771 = arith.constant 48 : index
        %get3A_772 = tpu.vector_load %arg9[%get3A_769, %get3A_770, %get3A_771] {strides = array<i32>} : memref<3x128x128xf32, #tpu.memory_space<vmem>>, vector<16xf32>,
        %mul3A_773 = arith.mulf %get3A_767, %get3A_772 : vector<16xf32>
        %add3A_774 = arith.addf %add3A_762, %mul3A_773 : vector<16xf32>
        %get3A_775 = arith.constant 1 : i32
        %get3A_776 = arith.index_cast %get3A_775 : i32 to index
        %get3A_777 = arith.index_cast %add3A_727 : i32 to index
        %get3A_778 = arith.constant 64 : index
        %get3A_779 = tpu.vector_load %arg8[%get3A_776, %get3A_777, %get3A_778] {strides = array<i32>} : memref<3x128x128xf32, #tpu.memory_space<vmem>>, vector<16xf32>,
        %get3A_780 = arith.constant 1 : i32
        %get3A_781 = arith.index_cast %get3A_780 : i32 to index
        %get3A_782 = arith.index_cast %add3A_727 : i32 to index
        %get3A_783 = arith.constant 64 : index
        %get3A_784 = tpu.vector_load %arg9[%get3A_781, %get3A_782, %get3A_783] {strides = array<i32>} : memref<3x128x128xf32, #tpu.memory_space<vmem>>, vector<16xf32>,
        %mul3A_785 = arith.mulf %get3A_779, %get3A_784 : vector<16xf32>
        %add3A_786 = arith.addf %add3A_774, %mul3A_785 : vector<16xf32>
        %get3A_787 = arith.constant 1 : i32
        %get3A_788 = arith.index_cast %get3A_787 : i32 to index
        %get3A_789 = arith.index_cast %add3A_727 : i32 to index
        %get3A_790 = arith.constant 80 : index
        %get3A_791 = tpu.vector_load %arg8[%get3A_788, %get3A_789, %get3A_790] {strides = array<i32>} : memref<3x128x128xf32, #tpu.memory_space<vmem>>, vector<16xf32>,
        %get3A_792 = arith.constant 1 : i32
        %get3A_793 = arith.index_cast %get3A_792 : i32 to index
        %get3A_794 = arith.index_cast %add3A_727 : i32 to index
        %get3A_795 = arith.constant 80 : index
        %get3A_796 = tpu.vector_load %arg9[%get3A_793, %get3A_794, %get3A_795] {strides = array<i32>} : memref<3x128x128xf32, #tpu.memory_space<vmem>>, vector<16xf32>,
        %mul3A_797 = arith.mulf %get3A_791, %get3A_796 : vector<16xf32>
        %add3A_798 = arith.addf %add3A_786, %mul3A_797 : vector<16xf32>
        %get3A_799 = arith.constant 1 : i32
        %get3A_800 = arith.index_cast %get3A_799 : i32 to index
        %get3A_801 = arith.index_cast %add3A_727 : i32 to index
        %get3A_802 = arith.constant 96 : index
        %get3A_803 = tpu.vector_load %arg8[%get3A_800, %get3A_801, %get3A_802] {strides = array<i32>} : memref<3x128x128xf32, #tpu.memory_space<vmem>>, vector<16xf32>,
        %get3A_804 = arith.constant 1 : i32
        %get3A_805 = arith.index_cast %get3A_804 : i32 to index
        %get3A_806 = arith.index_cast %add3A_727 : i32 to index
        %get3A_807 = arith.constant 96 : index
        %get3A_808 = tpu.vector_load %arg9[%get3A_805, %get3A_806, %get3A_807] {strides = array<i32>} : memref<3x128x128xf32, #tpu.memory_space<vmem>>, vector<16xf32>,
        %mul3A_809 = arith.mulf %get3A_803, %get3A_808 : vector<16xf32>
        %add3A_810 = arith.addf %add3A_798, %mul3A_809 : vector<16xf32>
        %get3A_811 = arith.constant 1 : i32
        %get3A_812 = arith.index_cast %get3A_811 : i32 to index
        %get3A_813 = arith.index_cast %add3A_727 : i32 to index
        %get3A_814 = arith.constant 112 : index
        %get3A_815 = tpu.vector_load %arg8[%get3A_812, %get3A_813, %get3A_814] {strides = array<i32>} : memref<3x128x128xf32, #tpu.memory_space<vmem>>, vector<16xf32>,
        %get3A_816 = arith.constant 1 : i32
        %get3A_817 = arith.index_cast %get3A_816 : i32 to index
        %get3A_818 = arith.index_cast %add3A_727 : i32 to index
        %get3A_819 = arith.constant 112 : index
        %get3A_820 = tpu.vector_load %arg9[%get3A_817, %get3A_818, %get3A_819] {strides = array<i32>} : memref<3x128x128xf32, #tpu.memory_space<vmem>>, vector<16xf32>,
        %mul3A_821 = arith.mulf %get3A_815, %get3A_820 : vector<16xf32>
        %add3A_822 = arith.addf %add3A_810, %mul3A_821 : vector<16xf32>
        %swap3A_823 = arith.constant 68 : index
        %swap3A_824 = tpu.vector_load %arg11[%swap3A_823] {strides = array<i32>} : memref<280xf32, #tpu.memory_space<vmem>>, vector<16xf32>,
        tpu.vector_store %arg11[%swap3A_823], %add3A_822 {strides = array<i32>} : memref<280xf32, #tpu.memory_space<vmem>>, vector<16xf32>,
        %mul3A_825 = arith.constant 16 : i32
        %mul3A_826 = arith.muli %scan3A_321, %mul3A_825 : i32
        %add3A_827 = arith.constant 5 : i32
        %add3A_828 = arith.addi %mul3A_826, %add3A_827 : i32
        %get3A_829 = arith.constant 1 : i32
        %get3A_830 = arith.index_cast %get3A_829 : i32 to index
        %get3A_831 = arith.index_cast %add3A_828 : i32 to index
        %get3A_832 = arith.constant 0 : index
        %get3A_833 = tpu.vector_load %arg8[%get3A_830, %get3A_831, %get3A_832] {strides = array<i32>} : memref<3x128x128xf32, #tpu.memory_space<vmem>>, vector<16xf32>,
        %get3A_834 = arith.constant 1 : i32
        %get3A_835 = arith.index_cast %get3A_834 : i32 to index
        %get3A_836 = arith.index_cast %add3A_828 : i32 to index
        %get3A_837 = arith.constant 0 : index
        %get3A_838 = tpu.vector_load %arg9[%get3A_835, %get3A_836, %get3A_837] {strides = array<i32>} : memref<3x128x128xf32, #tpu.memory_space<vmem>>, vector<16xf32>,
        %mul3A_839 = arith.mulf %get3A_833, %get3A_838 : vector<16xf32>
        %get3A_840 = arith.constant 1 : i32
        %get3A_841 = arith.index_cast %get3A_840 : i32 to index
        %get3A_842 = arith.index_cast %add3A_828 : i32 to index
        %get3A_843 = arith.constant 16 : index
        %get3A_844 = tpu.vector_load %arg8[%get3A_841, %get3A_842, %get3A_843] {strides = array<i32>} : memref<3x128x128xf32, #tpu.memory_space<vmem>>, vector<16xf32>,
        %get3A_845 = arith.constant 1 : i32
        %get3A_846 = arith.index_cast %get3A_845 : i32 to index
        %get3A_847 = arith.index_cast %add3A_828 : i32 to index
        %get3A_848 = arith.constant 16 : index
        %get3A_849 = tpu.vector_load %arg9[%get3A_846, %get3A_847, %get3A_848] {strides = array<i32>} : memref<3x128x128xf32, #tpu.memory_space<vmem>>, vector<16xf32>,
        %mul3A_850 = arith.mulf %get3A_844, %get3A_849 : vector<16xf32>
        %add3A_851 = arith.addf %mul3A_839, %mul3A_850 : vector<16xf32>
        %get3A_852 = arith.constant 1 : i32
        %get3A_853 = arith.index_cast %get3A_852 : i32 to index
        %get3A_854 = arith.index_cast %add3A_828 : i32 to index
        %get3A_855 = arith.constant 32 : index
        %get3A_856 = tpu.vector_load %arg8[%get3A_853, %get3A_854, %get3A_855] {strides = array<i32>} : memref<3x128x128xf32, #tpu.memory_space<vmem>>, vector<16xf32>,
        %get3A_857 = arith.constant 1 : i32
        %get3A_858 = arith.index_cast %get3A_857 : i32 to index
        %get3A_859 = arith.index_cast %add3A_828 : i32 to index
        %get3A_860 = arith.constant 32 : index
        %get3A_861 = tpu.vector_load %arg9[%get3A_858, %get3A_859, %get3A_860] {strides = array<i32>} : memref<3x128x128xf32, #tpu.memory_space<vmem>>, vector<16xf32>,
        %mul3A_862 = arith.mulf %get3A_856, %get3A_861 : vector<16xf32>
        %add3A_863 = arith.addf %add3A_851, %mul3A_862 : vector<16xf32>
        %get3A_864 = arith.constant 1 : i32
        %get3A_865 = arith.index_cast %get3A_864 : i32 to index
        %get3A_866 = arith.index_cast %add3A_828 : i32 to index
        %get3A_867 = arith.constant 48 : index
        %get3A_868 = tpu.vector_load %arg8[%get3A_865, %get3A_866, %get3A_867] {strides = array<i32>} : memref<3x128x128xf32, #tpu.memory_space<vmem>>, vector<16xf32>,
        %get3A_869 = arith.constant 1 : i32
        %get3A_870 = arith.index_cast %get3A_869 : i32 to index
        %get3A_871 = arith.index_cast %add3A_828 : i32 to index
        %get3A_872 = arith.constant 48 : index
        %get3A_873 = tpu.vector_load %arg9[%get3A_870, %get3A_871, %get3A_872] {strides = array<i32>} : memref<3x128x128xf32, #tpu.memory_space<vmem>>, vector<16xf32>,
        %mul3A_874 = arith.mulf %get3A_868, %get3A_873 : vector<16xf32>
        %add3A_875 = arith.addf %add3A_863, %mul3A_874 : vector<16xf32>
        %get3A_876 = arith.constant 1 : i32
        %get3A_877 = arith.index_cast %get3A_876 : i32 to index
        %get3A_878 = arith.index_cast %add3A_828 : i32 to index
        %get3A_879 = arith.constant 64 : index
        %get3A_880 = tpu.vector_load %arg8[%get3A_877, %get3A_878, %get3A_879] {strides = array<i32>} : memref<3x128x128xf32, #tpu.memory_space<vmem>>, vector<16xf32>,
        %get3A_881 = arith.constant 1 : i32
        %get3A_882 = arith.index_cast %get3A_881 : i32 to index
        %get3A_883 = arith.index_cast %add3A_828 : i32 to index
        %get3A_884 = arith.constant 64 : index
        %get3A_885 = tpu.vector_load %arg9[%get3A_882, %get3A_883, %get3A_884] {strides = array<i32>} : memref<3x128x128xf32, #tpu.memory_space<vmem>>, vector<16xf32>,
        %mul3A_886 = arith.mulf %get3A_880, %get3A_885 : vector<16xf32>
        %add3A_887 = arith.addf %add3A_875, %mul3A_886 : vector<16xf32>
        %get3A_888 = arith.constant 1 : i32
        %get3A_889 = arith.index_cast %get3A_888 : i32 to index
        %get3A_890 = arith.index_cast %add3A_828 : i32 to index
        %get3A_891 = arith.constant 80 : index
        %get3A_892 = tpu.vector_load %arg8[%get3A_889, %get3A_890, %get3A_891] {strides = array<i32>} : memref<3x128x128xf32, #tpu.memory_space<vmem>>, vector<16xf32>,
        %get3A_893 = arith.constant 1 : i32
        %get3A_894 = arith.index_cast %get3A_893 : i32 to index
        %get3A_895 = arith.index_cast %add3A_828 : i32 to index
        %get3A_896 = arith.constant 80 : index
        %get3A_897 = tpu.vector_load %arg9[%get3A_894, %get3A_895, %get3A_896] {strides = array<i32>} : memref<3x128x128xf32, #tpu.memory_space<vmem>>, vector<16xf32>,
        %mul3A_898 = arith.mulf %get3A_892, %get3A_897 : vector<16xf32>
        %add3A_899 = arith.addf %add3A_887, %mul3A_898 : vector<16xf32>
        %get3A_900 = arith.constant 1 : i32
        %get3A_901 = arith.index_cast %get3A_900 : i32 to index
        %get3A_902 = arith.index_cast %add3A_828 : i32 to index
        %get3A_903 = arith.constant 96 : index
        %get3A_904 = tpu.vector_load %arg8[%get3A_901, %get3A_902, %get3A_903] {strides = array<i32>} : memref<3x128x128xf32, #tpu.memory_space<vmem>>, vector<16xf32>,
        %get3A_905 = arith.constant 1 : i32
        %get3A_906 = arith.index_cast %get3A_905 : i32 to index
        %get3A_907 = arith.index_cast %add3A_828 : i32 to index
        %get3A_908 = arith.constant 96 : index
        %get3A_909 = tpu.vector_load %arg9[%get3A_906, %get3A_907, %get3A_908] {strides = array<i32>} : memref<3x128x128xf32, #tpu.memory_space<vmem>>, vector<16xf32>,
        %mul3A_910 = arith.mulf %get3A_904, %get3A_909 : vector<16xf32>
        %add3A_911 = arith.addf %add3A_899, %mul3A_910 : vector<16xf32>
        %get3A_912 = arith.constant 1 : i32
        %get3A_913 = arith.index_cast %get3A_912 : i32 to index
        %get3A_914 = arith.index_cast %add3A_828 : i32 to index
        %get3A_915 = arith.constant 112 : index
        %get3A_916 = tpu.vector_load %arg8[%get3A_913, %get3A_914, %get3A_915] {strides = array<i32>} : memref<3x128x128xf32, #tpu.memory_space<vmem>>, vector<16xf32>,
        %get3A_917 = arith.constant 1 : i32
        %get3A_918 = arith.index_cast %get3A_917 : i32 to index
        %get3A_919 = arith.index_cast %add3A_828 : i32 to index
        %get3A_920 = arith.constant 112 : index
        %get3A_921 = tpu.vector_load %arg9[%get3A_918, %get3A_919, %get3A_920] {strides = array<i32>} : memref<3x128x128xf32, #tpu.memory_space<vmem>>, vector<16xf32>,
        %mul3A_922 = arith.mulf %get3A_916, %get3A_921 : vector<16xf32>
        %add3A_923 = arith.addf %add3A_911, %mul3A_922 : vector<16xf32>
        %swap3A_924 = arith.constant 85 : index
        %swap3A_925 = tpu.vector_load %arg11[%swap3A_924] {strides = array<i32>} : memref<280xf32, #tpu.memory_space<vmem>>, vector<16xf32>,
        tpu.vector_store %arg11[%swap3A_924], %add3A_923 {strides = array<i32>} : memref<280xf32, #tpu.memory_space<vmem>>, vector<16xf32>,
        %mul3A_926 = arith.constant 16 : i32
        %mul3A_927 = arith.muli %scan3A_321, %mul3A_926 : i32
        %add3A_928 = arith.constant 6 : i32
        %add3A_929 = arith.addi %mul3A_927, %add3A_928 : i32
        %get3A_930 = arith.constant 1 : i32
        %get3A_931 = arith.index_cast %get3A_930 : i32 to index
        %get3A_932 = arith.index_cast %add3A_929 : i32 to index
        %get3A_933 = arith.constant 0 : index
        %get3A_934 = tpu.vector_load %arg8[%get3A_931, %get3A_932, %get3A_933] {strides = array<i32>} : memref<3x128x128xf32, #tpu.memory_space<vmem>>, vector<16xf32>,
        %get3A_935 = arith.constant 1 : i32
        %get3A_936 = arith.index_cast %get3A_935 : i32 to index
        %get3A_937 = arith.index_cast %add3A_929 : i32 to index
        %get3A_938 = arith.constant 0 : index
        %get3A_939 = tpu.vector_load %arg9[%get3A_936, %get3A_937, %get3A_938] {strides = array<i32>} : memref<3x128x128xf32, #tpu.memory_space<vmem>>, vector<16xf32>,
        %mul3A_940 = arith.mulf %get3A_934, %get3A_939 : vector<16xf32>
        %get3A_941 = arith.constant 1 : i32
        %get3A_942 = arith.index_cast %get3A_941 : i32 to index
        %get3A_943 = arith.index_cast %add3A_929 : i32 to index
        %get3A_944 = arith.constant 16 : index
        %get3A_945 = tpu.vector_load %arg8[%get3A_942, %get3A_943, %get3A_944] {strides = array<i32>} : memref<3x128x128xf32, #tpu.memory_space<vmem>>, vector<16xf32>,
        %get3A_946 = arith.constant 1 : i32
        %get3A_947 = arith.index_cast %get3A_946 : i32 to index
        %get3A_948 = arith.index_cast %add3A_929 : i32 to index
        %get3A_949 = arith.constant 16 : index
        %get3A_950 = tpu.vector_load %arg9[%get3A_947, %get3A_948, %get3A_949] {strides = array<i32>} : memref<3x128x128xf32, #tpu.memory_space<vmem>>, vector<16xf32>,
        %mul3A_951 = arith.mulf %get3A_945, %get3A_950 : vector<16xf32>
        %add3A_952 = arith.addf %mul3A_940, %mul3A_951 : vector<16xf32>
        %get3A_953 = arith.constant 1 : i32
        %get3A_954 = arith.index_cast %get3A_953 : i32 to index
        %get3A_955 = arith.index_cast %add3A_929 : i32 to index
        %get3A_956 = arith.constant 32 : index
        %get3A_957 = tpu.vector_load %arg8[%get3A_954, %get3A_955, %get3A_956] {strides = array<i32>} : memref<3x128x128xf32, #tpu.memory_space<vmem>>, vector<16xf32>,
        %get3A_958 = arith.constant 1 : i32
        %get3A_959 = arith.index_cast %get3A_958 : i32 to index
        %get3A_960 = arith.index_cast %add3A_929 : i32 to index
        %get3A_961 = arith.constant 32 : index
        %get3A_962 = tpu.vector_load %arg9[%get3A_959, %get3A_960, %get3A_961] {strides = array<i32>} : memref<3x128x128xf32, #tpu.memory_space<vmem>>, vector<16xf32>,
        %mul3A_963 = arith.mulf %get3A_957, %get3A_962 : vector<16xf32>
        %add3A_964 = arith.addf %add3A_952, %mul3A_963 : vector<16xf32>
        %get3A_965 = arith.constant 1 : i32
        %get3A_966 = arith.index_cast %get3A_965 : i32 to index
        %get3A_967 = arith.index_cast %add3A_929 : i32 to index
        %get3A_968 = arith.constant 48 : index
        %get3A_969 = tpu.vector_load %arg8[%get3A_966, %get3A_967, %get3A_968] {strides = array<i32>} : memref<3x128x128xf32, #tpu.memory_space<vmem>>, vector<16xf32>,
        %get3A_970 = arith.constant 1 : i32
        %get3A_971 = arith.index_cast %get3A_970 : i32 to index
        %get3A_972 = arith.index_cast %add3A_929 : i32 to index
        %get3A_973 = arith.constant 48 : index
        %get3A_974 = tpu.vector_load %arg9[%get3A_971, %get3A_972, %get3A_973] {strides = array<i32>} : memref<3x128x128xf32, #tpu.memory_space<vmem>>, vector<16xf32>,
        %mul3A_975 = arith.mulf %get3A_969, %get3A_974 : vector<16xf32>
        %add3A_976 = arith.addf %add3A_964, %mul3A_975 : vector<16xf32>
        %get3A_977 = arith.constant 1 : i32
        %get3A_978 = arith.index_cast %get3A_977 : i32 to index
        %get3A_979 = arith.index_cast %add3A_929 : i32 to index
        %get3A_980 = arith.constant 64 : index
        %get3A_981 = tpu.vector_load %arg8[%get3A_978, %get3A_979, %get3A_980] {strides = array<i32>} : memref<3x128x128xf32, #tpu.memory_space<vmem>>, vector<16xf32>,
        %get3A_982 = arith.constant 1 : i32
        %get3A_983 = arith.index_cast %get3A_982 : i32 to index
        %get3A_984 = arith.index_cast %add3A_929 : i32 to index
        %get3A_985 = arith.constant 64 : index
        %get3A_986 = tpu.vector_load %arg9[%get3A_983, %get3A_984, %get3A_985] {strides = array<i32>} : memref<3x128x128xf32, #tpu.memory_space<vmem>>, vector<16xf32>,
        %mul3A_987 = arith.mulf %get3A_981, %get3A_986 : vector<16xf32>
        %add3A_988 = arith.addf %add3A_976, %mul3A_987 : vector<16xf32>
        %get3A_989 = arith.constant 1 : i32
        %get3A_990 = arith.index_cast %get3A_989 : i32 to index
        %get3A_991 = arith.index_cast %add3A_929 : i32 to index
        %get3A_992 = arith.constant 80 : index
        %get3A_993 = tpu.vector_load %arg8[%get3A_990, %get3A_991, %get3A_992] {strides = array<i32>} : memref<3x128x128xf32, #tpu.memory_space<vmem>>, vector<16xf32>,
        %get3A_994 = arith.constant 1 : i32
        %get3A_995 = arith.index_cast %get3A_994 : i32 to index
        %get3A_996 = arith.index_cast %add3A_929 : i32 to index
        %get3A_997 = arith.constant 80 : index
        %get3A_998 = tpu.vector_load %arg9[%get3A_995, %get3A_996, %get3A_997] {strides = array<i32>} : memref<3x128x128xf32, #tpu.memory_space<vmem>>, vector<16xf32>,
        %mul3A_999 = arith.mulf %get3A_993, %get3A_998 : vector<16xf32>
        %add3A_1000 = arith.addf %add3A_988, %mul3A_999 : vector<16xf32>
        %get3A_1001 = arith.constant 1 : i32
        %get3A_1002 = arith.index_cast %get3A_1001 : i32 to index
        %get3A_1003 = arith.index_cast %add3A_929 : i32 to index
        %get3A_1004 = arith.constant 96 : index
        %get3A_1005 = tpu.vector_load %arg8[%get3A_1002, %get3A_1003, %get3A_1004] {strides = array<i32>} : memref<3x128x128xf32, #tpu.memory_space<vmem>>, vector<16xf32>,
        %get3A_1006 = arith.constant 1 : i32
        %get3A_1007 = arith.index_cast %get3A_1006 : i32 to index
        %get3A_1008 = arith.index_cast %add3A_929 : i32 to index
        %get3A_1009 = arith.constant 96 : index
        %get3A_1010 = tpu.vector_load %arg9[%get3A_1007, %get3A_1008, %get3A_1009] {strides = array<i32>} : memref<3x128x128xf32, #tpu.memory_space<vmem>>, vector<16xf32>,
        %mul3A_1011 = arith.mulf %get3A_1005, %get3A_1010 : vector<16xf32>
        %add3A_1012 = arith.addf %add3A_1000, %mul3A_1011 : vector<16xf32>
        %get3A_1013 = arith.constant 1 : i32
        %get3A_1014 = arith.index_cast %get3A_1013 : i32 to index
        %get3A_1015 = arith.index_cast %add3A_929 : i32 to index
        %get3A_1016 = arith.constant 112 : index
        %get3A_1017 = tpu.vector_load %arg8[%get3A_1014, %get3A_1015, %get3A_1016] {strides = array<i32>} : memref<3x128x128xf32, #tpu.memory_space<vmem>>, vector<16xf32>,
        %get3A_1018 = arith.constant 1 : i32
        %get3A_1019 = arith.index_cast %get3A_1018 : i32 to index
        %get3A_1020 = arith.index_cast %add3A_929 : i32 to index
        %get3A_1021 = arith.constant 112 : index
        %get3A_1022 = tpu.vector_load %arg9[%get3A_1019, %get3A_1020, %get3A_1021] {strides = array<i32>} : memref<3x128x128xf32, #tpu.memory_space<vmem>>, vector<16xf32>,
        %mul3A_1023 = arith.mulf %get3A_1017, %get3A_1022 : vector<16xf32>
        %add3A_1024 = arith.addf %add3A_1012, %mul3A_1023 : vector<16xf32>
        %swap3A_1025 = arith.constant 102 : index
        %swap3A_1026 = tpu.vector_load %arg11[%swap3A_1025] {strides = array<i32>} : memref<280xf32, #tpu.memory_space<vmem>>, vector<16xf32>,
        tpu.vector_store %arg11[%swap3A_1025], %add3A_1024 {strides = array<i32>} : memref<280xf32, #tpu.memory_space<vmem>>, vector<16xf32>,
        %mul3A_1027 = arith.constant 16 : i32
        %mul3A_1028 = arith.muli %scan3A_321, %mul3A_1027 : i32
        %add3A_1029 = arith.constant 7 : i32
        %add3A_1030 = arith.addi %mul3A_1028, %add3A_1029 : i32
        %get3A_1031 = arith.constant 1 : i32
        %get3A_1032 = arith.index_cast %get3A_1031 : i32 to index
        %get3A_1033 = arith.index_cast %add3A_1030 : i32 to index
        %get3A_1034 = arith.constant 0 : index
        %get3A_1035 = tpu.vector_load %arg8[%get3A_1032, %get3A_1033, %get3A_1034] {strides = array<i32>} : memref<3x128x128xf32, #tpu.memory_space<vmem>>, vector<16xf32>,
        %get3A_1036 = arith.constant 1 : i32
        %get3A_1037 = arith.index_cast %get3A_1036 : i32 to index
        %get3A_1038 = arith.index_cast %add3A_1030 : i32 to index
        %get3A_1039 = arith.constant 0 : index
        %get3A_1040 = tpu.vector_load %arg9[%get3A_1037, %get3A_1038, %get3A_1039] {strides = array<i32>} : memref<3x128x128xf32, #tpu.memory_space<vmem>>, vector<16xf32>,
        %mul3A_1041 = arith.mulf %get3A_1035, %get3A_1040 : vector<16xf32>
        %get3A_1042 = arith.constant 1 : i32
        %get3A_1043 = arith.index_cast %get3A_1042 : i32 to index
        %get3A_1044 = arith.index_cast %add3A_1030 : i32 to index
        %get3A_1045 = arith.constant 16 : index
        %get3A_1046 = tpu.vector_load %arg8[%get3A_1043, %get3A_1044, %get3A_1045] {strides = array<i32>} : memref<3x128x128xf32, #tpu.memory_space<vmem>>, vector<16xf32>,
        %get3A_1047 = arith.constant 1 : i32
        %get3A_1048 = arith.index_cast %get3A_1047 : i32 to index
        %get3A_1049 = arith.index_cast %add3A_1030 : i32 to index
        %get3A_1050 = arith.constant 16 : index
        %get3A_1051 = tpu.vector_load %arg9[%get3A_1048, %get3A_1049, %get3A_1050] {strides = array<i32>} : memref<3x128x128xf32, #tpu.memory_space<vmem>>, vector<16xf32>,
        %mul3A_1052 = arith.mulf %get3A_1046, %get3A_1051 : vector<16xf32>
        %add3A_1053 = arith.addf %mul3A_1041, %mul3A_1052 : vector<16xf32>
        %get3A_1054 = arith.constant 1 : i32
        %get3A_1055 = arith.index_cast %get3A_1054 : i32 to index
        %get3A_1056 = arith.index_cast %add3A_1030 : i32 to index
        %get3A_1057 = arith.constant 32 : index
        %get3A_1058 = tpu.vector_load %arg8[%get3A_1055, %get3A_1056, %get3A_1057] {strides = array<i32>} : memref<3x128x128xf32, #tpu.memory_space<vmem>>, vector<16xf32>,
        %get3A_1059 = arith.constant 1 : i32
        %get3A_1060 = arith.index_cast %get3A_1059 : i32 to index
        %get3A_1061 = arith.index_cast %add3A_1030 : i32 to index
        %get3A_1062 = arith.constant 32 : index
        %get3A_1063 = tpu.vector_load %arg9[%get3A_1060, %get3A_1061, %get3A_1062] {strides = array<i32>} : memref<3x128x128xf32, #tpu.memory_space<vmem>>, vector<16xf32>,
        %mul3A_1064 = arith.mulf %get3A_1058, %get3A_1063 : vector<16xf32>
        %add3A_1065 = arith.addf %add3A_1053, %mul3A_1064 : vector<16xf32>
        %get3A_1066 = arith.constant 1 : i32
        %get3A_1067 = arith.index_cast %get3A_1066 : i32 to index
        %get3A_1068 = arith.index_cast %add3A_1030 : i32 to index
        %get3A_1069 = arith.constant 48 : index
        %get3A_1070 = tpu.vector_load %arg8[%get3A_1067, %get3A_1068, %get3A_1069] {strides = array<i32>} : memref<3x128x128xf32, #tpu.memory_space<vmem>>, vector<16xf32>,
        %get3A_1071 = arith.constant 1 : i32
        %get3A_1072 = arith.index_cast %get3A_1071 : i32 to index
        %get3A_1073 = arith.index_cast %add3A_1030 : i32 to index
        %get3A_1074 = arith.constant 48 : index
        %get3A_1075 = tpu.vector_load %arg9[%get3A_1072, %get3A_1073, %get3A_1074] {strides = array<i32>} : memref<3x128x128xf32, #tpu.memory_space<vmem>>, vector<16xf32>,
        %mul3A_1076 = arith.mulf %get3A_1070, %get3A_1075 : vector<16xf32>
        %add3A_1077 = arith.addf %add3A_1065, %mul3A_1076 : vector<16xf32>
        %get3A_1078 = arith.constant 1 : i32
        %get3A_1079 = arith.index_cast %get3A_1078 : i32 to index
        %get3A_1080 = arith.index_cast %add3A_1030 : i32 to index
        %get3A_1081 = arith.constant 64 : index
        %get3A_1082 = tpu.vector_load %arg8[%get3A_1079, %get3A_1080, %get3A_1081] {strides = array<i32>} : memref<3x128x128xf32, #tpu.memory_space<vmem>>, vector<16xf32>,
        %get3A_1083 = arith.constant 1 : i32
        %get3A_1084 = arith.index_cast %get3A_1083 : i32 to index
        %get3A_1085 = arith.index_cast %add3A_1030 : i32 to index
        %get3A_1086 = arith.constant 64 : index
        %get3A_1087 = tpu.vector_load %arg9[%get3A_1084, %get3A_1085, %get3A_1086] {strides = array<i32>} : memref<3x128x128xf32, #tpu.memory_space<vmem>>, vector<16xf32>,
        %mul3A_1088 = arith.mulf %get3A_1082, %get3A_1087 : vector<16xf32>
        %add3A_1089 = arith.addf %add3A_1077, %mul3A_1088 : vector<16xf32>
        %get3A_1090 = arith.constant 1 : i32
        %get3A_1091 = arith.index_cast %get3A_1090 : i32 to index
        %get3A_1092 = arith.index_cast %add3A_1030 : i32 to index
        %get3A_1093 = arith.constant 80 : index
        %get3A_1094 = tpu.vector_load %arg8[%get3A_1091, %get3A_1092, %get3A_1093] {strides = array<i32>} : memref<3x128x128xf32, #tpu.memory_space<vmem>>, vector<16xf32>,
        %get3A_1095 = arith.constant 1 : i32
        %get3A_1096 = arith.index_cast %get3A_1095 : i32 to index
        %get3A_1097 = arith.index_cast %add3A_1030 : i32 to index
        %get3A_1098 = arith.constant 80 : index
        %get3A_1099 = tpu.vector_load %arg9[%get3A_1096, %get3A_1097, %get3A_1098] {strides = array<i32>} : memref<3x128x128xf32, #tpu.memory_space<vmem>>, vector<16xf32>,
        %mul3A_1100 = arith.mulf %get3A_1094, %get3A_1099 : vector<16xf32>
        %add3A_1101 = arith.addf %add3A_1089, %mul3A_1100 : vector<16xf32>
        %get3A_1102 = arith.constant 1 : i32
        %get3A_1103 = arith.index_cast %get3A_1102 : i32 to index
        %get3A_1104 = arith.index_cast %add3A_1030 : i32 to index
        %get3A_1105 = arith.constant 96 : index
        %get3A_1106 = tpu.vector_load %arg8[%get3A_1103, %get3A_1104, %get3A_1105] {strides = array<i32>} : memref<3x128x128xf32, #tpu.memory_space<vmem>>, vector<16xf32>,
        %get3A_1107 = arith.constant 1 : i32
        %get3A_1108 = arith.index_cast %get3A_1107 : i32 to index
        %get3A_1109 = arith.index_cast %add3A_1030 : i32 to index
        %get3A_1110 = arith.constant 96 : index
        %get3A_1111 = tpu.vector_load %arg9[%get3A_1108, %get3A_1109, %get3A_1110] {strides = array<i32>} : memref<3x128x128xf32, #tpu.memory_space<vmem>>, vector<16xf32>,
        %mul3A_1112 = arith.mulf %get3A_1106, %get3A_1111 : vector<16xf32>
        %add3A_1113 = arith.addf %add3A_1101, %mul3A_1112 : vector<16xf32>
        %get3A_1114 = arith.constant 1 : i32
        %get3A_1115 = arith.index_cast %get3A_1114 : i32 to index
        %get3A_1116 = arith.index_cast %add3A_1030 : i32 to index
        %get3A_1117 = arith.constant 112 : index
        %get3A_1118 = tpu.vector_load %arg8[%get3A_1115, %get3A_1116, %get3A_1117] {strides = array<i32>} : memref<3x128x128xf32, #tpu.memory_space<vmem>>, vector<16xf32>,
        %get3A_1119 = arith.constant 1 : i32
        %get3A_1120 = arith.index_cast %get3A_1119 : i32 to index
        %get3A_1121 = arith.index_cast %add3A_1030 : i32 to index
        %get3A_1122 = arith.constant 112 : index
        %get3A_1123 = tpu.vector_load %arg9[%get3A_1120, %get3A_1121, %get3A_1122] {strides = array<i32>} : memref<3x128x128xf32, #tpu.memory_space<vmem>>, vector<16xf32>,
        %mul3A_1124 = arith.mulf %get3A_1118, %get3A_1123 : vector<16xf32>
        %add3A_1125 = arith.addf %add3A_1113, %mul3A_1124 : vector<16xf32>
        %swap3A_1126 = arith.constant 119 : index
        %swap3A_1127 = tpu.vector_load %arg11[%swap3A_1126] {strides = array<i32>} : memref<280xf32, #tpu.memory_space<vmem>>, vector<16xf32>,
        tpu.vector_store %arg11[%swap3A_1126], %add3A_1125 {strides = array<i32>} : memref<280xf32, #tpu.memory_space<vmem>>, vector<16xf32>,
        %mul3A_1128 = arith.constant 16 : i32
        %mul3A_1129 = arith.muli %scan3A_321, %mul3A_1128 : i32
        %add3A_1130 = arith.constant 8 : i32
        %add3A_1131 = arith.addi %mul3A_1129, %add3A_1130 : i32
        %get3A_1132 = arith.constant 1 : i32
        %get3A_1133 = arith.index_cast %get3A_1132 : i32 to index
        %get3A_1134 = arith.index_cast %add3A_1131 : i32 to index
        %get3A_1135 = arith.constant 0 : index
        %get3A_1136 = tpu.vector_load %arg8[%get3A_1133, %get3A_1134, %get3A_1135] {strides = array<i32>} : memref<3x128x128xf32, #tpu.memory_space<vmem>>, vector<16xf32>,
        %get3A_1137 = arith.constant 1 : i32
        %get3A_1138 = arith.index_cast %get3A_1137 : i32 to index
        %get3A_1139 = arith.index_cast %add3A_1131 : i32 to index
        %get3A_1140 = arith.constant 0 : index
        %get3A_1141 = tpu.vector_load %arg9[%get3A_1138, %get3A_1139, %get3A_1140] {strides = array<i32>} : memref<3x128x128xf32, #tpu.memory_space<vmem>>, vector<16xf32>,
        %mul3A_1142 = arith.mulf %get3A_1136, %get3A_1141 : vector<16xf32>
        %get3A_1143 = arith.constant 1 : i32
        %get3A_1144 = arith.index_cast %get3A_1143 : i32 to index
        %get3A_1145 = arith.index_cast %add3A_1131 : i32 to index
        %get3A_1146 = arith.constant 16 : index
        %get3A_1147 = tpu.vector_load %arg8[%get3A_1144, %get3A_1145, %get3A_1146] {strides = array<i32>} : memref<3x128x128xf32, #tpu.memory_space<vmem>>, vector<16xf32>,
        %get3A_1148 = arith.constant 1 : i32
        %get3A_1149 = arith.index_cast %get3A_1148 : i32 to index
        %get3A_1150 = arith.index_cast %add3A_1131 : i32 to index
        %get3A_1151 = arith.constant 16 : index
        %get3A_1152 = tpu.vector_load %arg9[%get3A_1149, %get3A_1150, %get3A_1151] {strides = array<i32>} : memref<3x128x128xf32, #tpu.memory_space<vmem>>, vector<16xf32>,
        %mul3A_1153 = arith.mulf %get3A_1147, %get3A_1152 : vector<16xf32>
        %add3A_1154 = arith.addf %mul3A_1142, %mul3A_1153 : vector<16xf32>
        %get3A_1155 = arith.constant 1 : i32
        %get3A_1156 = arith.index_cast %get3A_1155 : i32 to index
        %get3A_1157 = arith.index_cast %add3A_1131 : i32 to index
        %get3A_1158 = arith.constant 32 : index
        %get3A_1159 = tpu.vector_load %arg8[%get3A_1156, %get3A_1157, %get3A_1158] {strides = array<i32>} : memref<3x128x128xf32, #tpu.memory_space<vmem>>, vector<16xf32>,
        %get3A_1160 = arith.constant 1 : i32
        %get3A_1161 = arith.index_cast %get3A_1160 : i32 to index
        %get3A_1162 = arith.index_cast %add3A_1131 : i32 to index
        %get3A_1163 = arith.constant 32 : index
        %get3A_1164 = tpu.vector_load %arg9[%get3A_1161, %get3A_1162, %get3A_1163] {strides = array<i32>} : memref<3x128x128xf32, #tpu.memory_space<vmem>>, vector<16xf32>,
        %mul3A_1165 = arith.mulf %get3A_1159, %get3A_1164 : vector<16xf32>
        %add3A_1166 = arith.addf %add3A_1154, %mul3A_1165 : vector<16xf32>
        %get3A_1167 = arith.constant 1 : i32
        %get3A_1168 = arith.index_cast %get3A_1167 : i32 to index
        %get3A_1169 = arith.index_cast %add3A_1131 : i32 to index
        %get3A_1170 = arith.constant 48 : index
        %get3A_1171 = tpu.vector_load %arg8[%get3A_1168, %get3A_1169, %get3A_1170] {strides = array<i32>} : memref<3x128x128xf32, #tpu.memory_space<vmem>>, vector<16xf32>,
        %get3A_1172 = arith.constant 1 : i32
        %get3A_1173 = arith.index_cast %get3A_1172 : i32 to index
        %get3A_1174 = arith.index_cast %add3A_1131 : i32 to index
        %get3A_1175 = arith.constant 48 : index
        %get3A_1176 = tpu.vector_load %arg9[%get3A_1173, %get3A_1174, %get3A_1175] {strides = array<i32>} : memref<3x128x128xf32, #tpu.memory_space<vmem>>, vector<16xf32>,
        %mul3A_1177 = arith.mulf %get3A_1171, %get3A_1176 : vector<16xf32>
        %add3A_1178 = arith.addf %add3A_1166, %mul3A_1177 : vector<16xf32>
        %get3A_1179 = arith.constant 1 : i32
        %get3A_1180 = arith.index_cast %get3A_1179 : i32 to index
        %get3A_1181 = arith.index_cast %add3A_1131 : i32 to index
        %get3A_1182 = arith.constant 64 : index
        %get3A_1183 = tpu.vector_load %arg8[%get3A_1180, %get3A_1181, %get3A_1182] {strides = array<i32>} : memref<3x128x128xf32, #tpu.memory_space<vmem>>, vector<16xf32>,
        %get3A_1184 = arith.constant 1 : i32
        %get3A_1185 = arith.index_cast %get3A_1184 : i32 to index
        %get3A_1186 = arith.index_cast %add3A_1131 : i32 to index
        %get3A_1187 = arith.constant 64 : index
        %get3A_1188 = tpu.vector_load %arg9[%get3A_1185, %get3A_1186, %get3A_1187] {strides = array<i32>} : memref<3x128x128xf32, #tpu.memory_space<vmem>>, vector<16xf32>,
        %mul3A_1189 = arith.mulf %get3A_1183, %get3A_1188 : vector<16xf32>
        %add3A_1190 = arith.addf %add3A_1178, %mul3A_1189 : vector<16xf32>
        %get3A_1191 = arith.constant 1 : i32
        %get3A_1192 = arith.index_cast %get3A_1191 : i32 to index
        %get3A_1193 = arith.index_cast %add3A_1131 : i32 to index
        %get3A_1194 = arith.constant 80 : index
        %get3A_1195 = tpu.vector_load %arg8[%get3A_1192, %get3A_1193, %get3A_1194] {strides = array<i32>} : memref<3x128x128xf32, #tpu.memory_space<vmem>>, vector<16xf32>,
        %get3A_1196 = arith.constant 1 : i32
        %get3A_1197 = arith.index_cast %get3A_1196 : i32 to index
        %get3A_1198 = arith.index_cast %add3A_1131 : i32 to index
        %get3A_1199 = arith.constant 80 : index
        %get3A_1200 = tpu.vector_load %arg9[%get3A_1197, %get3A_1198, %get3A_1199] {strides = array<i32>} : memref<3x128x128xf32, #tpu.memory_space<vmem>>, vector<16xf32>,
        %mul3A_1201 = arith.mulf %get3A_1195, %get3A_1200 : vector<16xf32>
        %add3A_1202 = arith.addf %add3A_1190, %mul3A_1201 : vector<16xf32>
        %get3A_1203 = arith.constant 1 : i32
        %get3A_1204 = arith.index_cast %get3A_1203 : i32 to index
        %get3A_1205 = arith.index_cast %add3A_1131 : i32 to index
        %get3A_1206 = arith.constant 96 : index
        %get3A_1207 = tpu.vector_load %arg8[%get3A_1204, %get3A_1205, %get3A_1206] {strides = array<i32>} : memref<3x128x128xf32, #tpu.memory_space<vmem>>, vector<16xf32>,
        %get3A_1208 = arith.constant 1 : i32
        %get3A_1209 = arith.index_cast %get3A_1208 : i32 to index
        %get3A_1210 = arith.index_cast %add3A_1131 : i32 to index
        %get3A_1211 = arith.constant 96 : index
        %get3A_1212 = tpu.vector_load %arg9[%get3A_1209, %get3A_1210, %get3A_1211] {strides = array<i32>} : memref<3x128x128xf32, #tpu.memory_space<vmem>>, vector<16xf32>,
        %mul3A_1213 = arith.mulf %get3A_1207, %get3A_1212 : vector<16xf32>
        %add3A_1214 = arith.addf %add3A_1202, %mul3A_1213 : vector<16xf32>
        %get3A_1215 = arith.constant 1 : i32
        %get3A_1216 = arith.index_cast %get3A_1215 : i32 to index
        %get3A_1217 = arith.index_cast %add3A_1131 : i32 to index
        %get3A_1218 = arith.constant 112 : index
        %get3A_1219 = tpu.vector_load %arg8[%get3A_1216, %get3A_1217, %get3A_1218] {strides = array<i32>} : memref<3x128x128xf32, #tpu.memory_space<vmem>>, vector<16xf32>,
        %get3A_1220 = arith.constant 1 : i32
        %get3A_1221 = arith.index_cast %get3A_1220 : i32 to index
        %get3A_1222 = arith.index_cast %add3A_1131 : i32 to index
        %get3A_1223 = arith.constant 112 : index
        %get3A_1224 = tpu.vector_load %arg9[%get3A_1221, %get3A_1222, %get3A_1223] {strides = array<i32>} : memref<3x128x128xf32, #tpu.memory_space<vmem>>, vector<16xf32>,
        %mul3A_1225 = arith.mulf %get3A_1219, %get3A_1224 : vector<16xf32>
        %add3A_1226 = arith.addf %add3A_1214, %mul3A_1225 : vector<16xf32>
        %swap3A_1227 = arith.constant 136 : index
        %swap3A_1228 = tpu.vector_load %arg11[%swap3A_1227] {strides = array<i32>} : memref<280xf32, #tpu.memory_space<vmem>>, vector<16xf32>,
        tpu.vector_store %arg11[%swap3A_1227], %add3A_1226 {strides = array<i32>} : memref<280xf32, #tpu.memory_space<vmem>>, vector<16xf32>,
        %mul3A_1229 = arith.constant 16 : i32
        %mul3A_1230 = arith.muli %scan3A_321, %mul3A_1229 : i32
        %add3A_1231 = arith.constant 9 : i32
        %add3A_1232 = arith.addi %mul3A_1230, %add3A_1231 : i32
        %get3A_1233 = arith.constant 1 : i32
        %get3A_1234 = arith.index_cast %get3A_1233 : i32 to index
        %get3A_1235 = arith.index_cast %add3A_1232 : i32 to index
        %get3A_1236 = arith.constant 0 : index
        %get3A_1237 = tpu.vector_load %arg8[%get3A_1234, %get3A_1235, %get3A_1236] {strides = array<i32>} : memref<3x128x128xf32, #tpu.memory_space<vmem>>, vector<16xf32>,
        %get3A_1238 = arith.constant 1 : i32
        %get3A_1239 = arith.index_cast %get3A_1238 : i32 to index
        %get3A_1240 = arith.index_cast %add3A_1232 : i32 to index
        %get3A_1241 = arith.constant 0 : index
        %get3A_1242 = tpu.vector_load %arg9[%get3A_1239, %get3A_1240, %get3A_1241] {strides = array<i32>} : memref<3x128x128xf32, #tpu.memory_space<vmem>>, vector<16xf32>,
        %mul3A_1243 = arith.mulf %get3A_1237, %get3A_1242 : vector<16xf32>
        %get3A_1244 = arith.constant 1 : i32
        %get3A_1245 = arith.index_cast %get3A_1244 : i32 to index
        %get3A_1246 = arith.index_cast %add3A_1232 : i32 to index
        %get3A_1247 = arith.constant 16 : index
        %get3A_1248 = tpu.vector_load %arg8[%get3A_1245, %get3A_1246, %get3A_1247] {strides = array<i32>} : memref<3x128x128xf32, #tpu.memory_space<vmem>>, vector<16xf32>,
        %get3A_1249 = arith.constant 1 : i32
        %get3A_1250 = arith.index_cast %get3A_1249 : i32 to index
        %get3A_1251 = arith.index_cast %add3A_1232 : i32 to index
        %get3A_1252 = arith.constant 16 : index
        %get3A_1253 = tpu.vector_load %arg9[%get3A_1250, %get3A_1251, %get3A_1252] {strides = array<i32>} : memref<3x128x128xf32, #tpu.memory_space<vmem>>, vector<16xf32>,
        %mul3A_1254 = arith.mulf %get3A_1248, %get3A_1253 : vector<16xf32>
        %add3A_1255 = arith.addf %mul3A_1243, %mul3A_1254 : vector<16xf32>
        %get3A_1256 = arith.constant 1 : i32
        %get3A_1257 = arith.index_cast %get3A_1256 : i32 to index
        %get3A_1258 = arith.index_cast %add3A_1232 : i32 to index
        %get3A_1259 = arith.constant 32 : index
        %get3A_1260 = tpu.vector_load %arg8[%get3A_1257, %get3A_1258, %get3A_1259] {strides = array<i32>} : memref<3x128x128xf32, #tpu.memory_space<vmem>>, vector<16xf32>,
        %get3A_1261 = arith.constant 1 : i32
        %get3A_1262 = arith.index_cast %get3A_1261 : i32 to index
        %get3A_1263 = arith.index_cast %add3A_1232 : i32 to index
        %get3A_1264 = arith.constant 32 : index
        %get3A_1265 = tpu.vector_load %arg9[%get3A_1262, %get3A_1263, %get3A_1264] {strides = array<i32>} : memref<3x128x128xf32, #tpu.memory_space<vmem>>, vector<16xf32>,
        %mul3A_1266 = arith.mulf %get3A_1260, %get3A_1265 : vector<16xf32>
        %add3A_1267 = arith.addf %add3A_1255, %mul3A_1266 : vector<16xf32>
        %get3A_1268 = arith.constant 1 : i32
        %get3A_1269 = arith.index_cast %get3A_1268 : i32 to index
        %get3A_1270 = arith.index_cast %add3A_1232 : i32 to index
        %get3A_1271 = arith.constant 48 : index
        %get3A_1272 = tpu.vector_load %arg8[%get3A_1269, %get3A_1270, %get3A_1271] {strides = array<i32>} : memref<3x128x128xf32, #tpu.memory_space<vmem>>, vector<16xf32>,
        %get3A_1273 = arith.constant 1 : i32
        %get3A_1274 = arith.index_cast %get3A_1273 : i32 to index
        %get3A_1275 = arith.index_cast %add3A_1232 : i32 to index
        %get3A_1276 = arith.constant 48 : index
        %get3A_1277 = tpu.vector_load %arg9[%get3A_1274, %get3A_1275, %get3A_1276] {strides = array<i32>} : memref<3x128x128xf32, #tpu.memory_space<vmem>>, vector<16xf32>,
        %mul3A_1278 = arith.mulf %get3A_1272, %get3A_1277 : vector<16xf32>
        %add3A_1279 = arith.addf %add3A_1267, %mul3A_1278 : vector<16xf32>
        %get3A_1280 = arith.constant 1 : i32
        %get3A_1281 = arith.index_cast %get3A_1280 : i32 to index
        %get3A_1282 = arith.index_cast %add3A_1232 : i32 to index
        %get3A_1283 = arith.constant 64 : index
        %get3A_1284 = tpu.vector_load %arg8[%get3A_1281, %get3A_1282, %get3A_1283] {strides = array<i32>} : memref<3x128x128xf32, #tpu.memory_space<vmem>>, vector<16xf32>,
        %get3A_1285 = arith.constant 1 : i32
        %get3A_1286 = arith.index_cast %get3A_1285 : i32 to index
        %get3A_1287 = arith.index_cast %add3A_1232 : i32 to index
        %get3A_1288 = arith.constant 64 : index
        %get3A_1289 = tpu.vector_load %arg9[%get3A_1286, %get3A_1287, %get3A_1288] {strides = array<i32>} : memref<3x128x128xf32, #tpu.memory_space<vmem>>, vector<16xf32>,
        %mul3A_1290 = arith.mulf %get3A_1284, %get3A_1289 : vector<16xf32>
        %add3A_1291 = arith.addf %add3A_1279, %mul3A_1290 : vector<16xf32>
        %get3A_1292 = arith.constant 1 : i32
        %get3A_1293 = arith.index_cast %get3A_1292 : i32 to index
        %get3A_1294 = arith.index_cast %add3A_1232 : i32 to index
        %get3A_1295 = arith.constant 80 : index
        %get3A_1296 = tpu.vector_load %arg8[%get3A_1293, %get3A_1294, %get3A_1295] {strides = array<i32>} : memref<3x128x128xf32, #tpu.memory_space<vmem>>, vector<16xf32>,
        %get3A_1297 = arith.constant 1 : i32
        %get3A_1298 = arith.index_cast %get3A_1297 : i32 to index
        %get3A_1299 = arith.index_cast %add3A_1232 : i32 to index
        %get3A_1300 = arith.constant 80 : index
        %get3A_1301 = tpu.vector_load %arg9[%get3A_1298, %get3A_1299, %get3A_1300] {strides = array<i32>} : memref<3x128x128xf32, #tpu.memory_space<vmem>>, vector<16xf32>,
        %mul3A_1302 = arith.mulf %get3A_1296, %get3A_1301 : vector<16xf32>
        %add3A_1303 = arith.addf %add3A_1291, %mul3A_1302 : vector<16xf32>
        %get3A_1304 = arith.constant 1 : i32
        %get3A_1305 = arith.index_cast %get3A_1304 : i32 to index
        %get3A_1306 = arith.index_cast %add3A_1232 : i32 to index
        %get3A_1307 = arith.constant 96 : index
        %get3A_1308 = tpu.vector_load %arg8[%get3A_1305, %get3A_1306, %get3A_1307] {strides = array<i32>} : memref<3x128x128xf32, #tpu.memory_space<vmem>>, vector<16xf32>,
        %get3A_1309 = arith.constant 1 : i32
        %get3A_1310 = arith.index_cast %get3A_1309 : i32 to index
        %get3A_1311 = arith.index_cast %add3A_1232 : i32 to index
        %get3A_1312 = arith.constant 96 : index
        %get3A_1313 = tpu.vector_load %arg9[%get3A_1310, %get3A_1311, %get3A_1312] {strides = array<i32>} : memref<3x128x128xf32, #tpu.memory_space<vmem>>, vector<16xf32>,
        %mul3A_1314 = arith.mulf %get3A_1308, %get3A_1313 : vector<16xf32>
        %add3A_1315 = arith.addf %add3A_1303, %mul3A_1314 : vector<16xf32>
        %get3A_1316 = arith.constant 1 : i32
        %get3A_1317 = arith.index_cast %get3A_1316 : i32 to index
        %get3A_1318 = arith.index_cast %add3A_1232 : i32 to index
        %get3A_1319 = arith.constant 112 : index
        %get3A_1320 = tpu.vector_load %arg8[%get3A_1317, %get3A_1318, %get3A_1319] {strides = array<i32>} : memref<3x128x128xf32, #tpu.memory_space<vmem>>, vector<16xf32>,
        %get3A_1321 = arith.constant 1 : i32
        %get3A_1322 = arith.index_cast %get3A_1321 : i32 to index
        %get3A_1323 = arith.index_cast %add3A_1232 : i32 to index
        %get3A_1324 = arith.constant 112 : index
        %get3A_1325 = tpu.vector_load %arg9[%get3A_1322, %get3A_1323, %get3A_1324] {strides = array<i32>} : memref<3x128x128xf32, #tpu.memory_space<vmem>>, vector<16xf32>,
        %mul3A_1326 = arith.mulf %get3A_1320, %get3A_1325 : vector<16xf32>
        %add3A_1327 = arith.addf %add3A_1315, %mul3A_1326 : vector<16xf32>
        %swap3A_1328 = arith.constant 153 : index
        %swap3A_1329 = tpu.vector_load %arg11[%swap3A_1328] {strides = array<i32>} : memref<280xf32, #tpu.memory_space<vmem>>, vector<16xf32>,
        tpu.vector_store %arg11[%swap3A_1328], %add3A_1327 {strides = array<i32>} : memref<280xf32, #tpu.memory_space<vmem>>, vector<16xf32>,
        %mul3A_1330 = arith.constant 16 : i32
        %mul3A_1331 = arith.muli %scan3A_321, %mul3A_1330 : i32
        %add3A_1332 = arith.constant 10 : i32
        %add3A_1333 = arith.addi %mul3A_1331, %add3A_1332 : i32
        %get3A_1334 = arith.constant 1 : i32
        %get3A_1335 = arith.index_cast %get3A_1334 : i32 to index
        %get3A_1336 = arith.index_cast %add3A_1333 : i32 to index
        %get3A_1337 = arith.constant 0 : index
        %get3A_1338 = tpu.vector_load %arg8[%get3A_1335, %get3A_1336, %get3A_1337] {strides = array<i32>} : memref<3x128x128xf32, #tpu.memory_space<vmem>>, vector<16xf32>,
        %get3A_1339 = arith.constant 1 : i32
        %get3A_1340 = arith.index_cast %get3A_1339 : i32 to index
        %get3A_1341 = arith.index_cast %add3A_1333 : i32 to index
        %get3A_1342 = arith.constant 0 : index
        %get3A_1343 = tpu.vector_load %arg9[%get3A_1340, %get3A_1341, %get3A_1342] {strides = array<i32>} : memref<3x128x128xf32, #tpu.memory_space<vmem>>, vector<16xf32>,
        %mul3A_1344 = arith.mulf %get3A_1338, %get3A_1343 : vector<16xf32>
        %get3A_1345 = arith.constant 1 : i32
        %get3A_1346 = arith.index_cast %get3A_1345 : i32 to index
        %get3A_1347 = arith.index_cast %add3A_1333 : i32 to index
        %get3A_1348 = arith.constant 16 : index
        %get3A_1349 = tpu.vector_load %arg8[%get3A_1346, %get3A_1347, %get3A_1348] {strides = array<i32>} : memref<3x128x128xf32, #tpu.memory_space<vmem>>, vector<16xf32>,
        %get3A_1350 = arith.constant 1 : i32
        %get3A_1351 = arith.index_cast %get3A_1350 : i32 to index
        %get3A_1352 = arith.index_cast %add3A_1333 : i32 to index
        %get3A_1353 = arith.constant 16 : index
        %get3A_1354 = tpu.vector_load %arg9[%get3A_1351, %get3A_1352, %get3A_1353] {strides = array<i32>} : memref<3x128x128xf32, #tpu.memory_space<vmem>>, vector<16xf32>,
        %mul3A_1355 = arith.mulf %get3A_1349, %get3A_1354 : vector<16xf32>
        %add3A_1356 = arith.addf %mul3A_1344, %mul3A_1355 : vector<16xf32>
        %get3A_1357 = arith.constant 1 : i32
        %get3A_1358 = arith.index_cast %get3A_1357 : i32 to index
        %get3A_1359 = arith.index_cast %add3A_1333 : i32 to index
        %get3A_1360 = arith.constant 32 : index
        %get3A_1361 = tpu.vector_load %arg8[%get3A_1358, %get3A_1359, %get3A_1360] {strides = array<i32>} : memref<3x128x128xf32, #tpu.memory_space<vmem>>, vector<16xf32>,
        %get3A_1362 = arith.constant 1 : i32
        %get3A_1363 = arith.index_cast %get3A_1362 : i32 to index
        %get3A_1364 = arith.index_cast %add3A_1333 : i32 to index
        %get3A_1365 = arith.constant 32 : index
        %get3A_1366 = tpu.vector_load %arg9[%get3A_1363, %get3A_1364, %get3A_1365] {strides = array<i32>} : memref<3x128x128xf32, #tpu.memory_space<vmem>>, vector<16xf32>,
        %mul3A_1367 = arith.mulf %get3A_1361, %get3A_1366 : vector<16xf32>
        %add3A_1368 = arith.addf %add3A_1356, %mul3A_1367 : vector<16xf32>
        %get3A_1369 = arith.constant 1 : i32
        %get3A_1370 = arith.index_cast %get3A_1369 : i32 to index
        %get3A_1371 = arith.index_cast %add3A_1333 : i32 to index
        %get3A_1372 = arith.constant 48 : index
        %get3A_1373 = tpu.vector_load %arg8[%get3A_1370, %get3A_1371, %get3A_1372] {strides = array<i32>} : memref<3x128x128xf32, #tpu.memory_space<vmem>>, vector<16xf32>,
        %get3A_1374 = arith.constant 1 : i32
        %get3A_1375 = arith.index_cast %get3A_1374 : i32 to index
        %get3A_1376 = arith.index_cast %add3A_1333 : i32 to index
        %get3A_1377 = arith.constant 48 : index
        %get3A_1378 = tpu.vector_load %arg9[%get3A_1375, %get3A_1376, %get3A_1377] {strides = array<i32>} : memref<3x128x128xf32, #tpu.memory_space<vmem>>, vector<16xf32>,
        %mul3A_1379 = arith.mulf %get3A_1373, %get3A_1378 : vector<16xf32>
        %add3A_1380 = arith.addf %add3A_1368, %mul3A_1379 : vector<16xf32>
        %get3A_1381 = arith.constant 1 : i32
        %get3A_1382 = arith.index_cast %get3A_1381 : i32 to index
        %get3A_1383 = arith.index_cast %add3A_1333 : i32 to index
        %get3A_1384 = arith.constant 64 : index
        %get3A_1385 = tpu.vector_load %arg8[%get3A_1382, %get3A_1383, %get3A_1384] {strides = array<i32>} : memref<3x128x128xf32, #tpu.memory_space<vmem>>, vector<16xf32>,
        %get3A_1386 = arith.constant 1 : i32
        %get3A_1387 = arith.index_cast %get3A_1386 : i32 to index
        %get3A_1388 = arith.index_cast %add3A_1333 : i32 to index
        %get3A_1389 = arith.constant 64 : index
        %get3A_1390 = tpu.vector_load %arg9[%get3A_1387, %get3A_1388, %get3A_1389] {strides = array<i32>} : memref<3x128x128xf32, #tpu.memory_space<vmem>>, vector<16xf32>,
        %mul3A_1391 = arith.mulf %get3A_1385, %get3A_1390 : vector<16xf32>
        %add3A_1392 = arith.addf %add3A_1380, %mul3A_1391 : vector<16xf32>
        %get3A_1393 = arith.constant 1 : i32
        %get3A_1394 = arith.index_cast %get3A_1393 : i32 to index
        %get3A_1395 = arith.index_cast %add3A_1333 : i32 to index
        %get3A_1396 = arith.constant 80 : index
        %get3A_1397 = tpu.vector_load %arg8[%get3A_1394, %get3A_1395, %get3A_1396] {strides = array<i32>} : memref<3x128x128xf32, #tpu.memory_space<vmem>>, vector<16xf32>,
        %get3A_1398 = arith.constant 1 : i32
        %get3A_1399 = arith.index_cast %get3A_1398 : i32 to index
        %get3A_1400 = arith.index_cast %add3A_1333 : i32 to index
        %get3A_1401 = arith.constant 80 : index
        %get3A_1402 = tpu.vector_load %arg9[%get3A_1399, %get3A_1400, %get3A_1401] {strides = array<i32>} : memref<3x128x128xf32, #tpu.memory_space<vmem>>, vector<16xf32>,
        %mul3A_1403 = arith.mulf %get3A_1397, %get3A_1402 : vector<16xf32>
        %add3A_1404 = arith.addf %add3A_1392, %mul3A_1403 : vector<16xf32>
        %get3A_1405 = arith.constant 1 : i32
        %get3A_1406 = arith.index_cast %get3A_1405 : i32 to index
        %get3A_1407 = arith.index_cast %add3A_1333 : i32 to index
        %get3A_1408 = arith.constant 96 : index
        %get3A_1409 = tpu.vector_load %arg8[%get3A_1406, %get3A_1407, %get3A_1408] {strides = array<i32>} : memref<3x128x128xf32, #tpu.memory_space<vmem>>, vector<16xf32>,
        %get3A_1410 = arith.constant 1 : i32
        %get3A_1411 = arith.index_cast %get3A_1410 : i32 to index
        %get3A_1412 = arith.index_cast %add3A_1333 : i32 to index
        %get3A_1413 = arith.constant 96 : index
        %get3A_1414 = tpu.vector_load %arg9[%get3A_1411, %get3A_1412, %get3A_1413] {strides = array<i32>} : memref<3x128x128xf32, #tpu.memory_space<vmem>>, vector<16xf32>,
        %mul3A_1415 = arith.mulf %get3A_1409, %get3A_1414 : vector<16xf32>
        %add3A_1416 = arith.addf %add3A_1404, %mul3A_1415 : vector<16xf32>
        %get3A_1417 = arith.constant 1 : i32
        %get3A_1418 = arith.index_cast %get3A_1417 : i32 to index
        %get3A_1419 = arith.index_cast %add3A_1333 : i32 to index
        %get3A_1420 = arith.constant 112 : index
        %get3A_1421 = tpu.vector_load %arg8[%get3A_1418, %get3A_1419, %get3A_1420] {strides = array<i32>} : memref<3x128x128xf32, #tpu.memory_space<vmem>>, vector<16xf32>,
        %get3A_1422 = arith.constant 1 : i32
        %get3A_1423 = arith.index_cast %get3A_1422 : i32 to index
        %get3A_1424 = arith.index_cast %add3A_1333 : i32 to index
        %get3A_1425 = arith.constant 112 : index
        %get3A_1426 = tpu.vector_load %arg9[%get3A_1423, %get3A_1424, %get3A_1425] {strides = array<i32>} : memref<3x128x128xf32, #tpu.memory_space<vmem>>, vector<16xf32>,
        %mul3A_1427 = arith.mulf %get3A_1421, %get3A_1426 : vector<16xf32>
        %add3A_1428 = arith.addf %add3A_1416, %mul3A_1427 : vector<16xf32>
        %swap3A_1429 = arith.constant 170 : index
        %swap3A_1430 = tpu.vector_load %arg11[%swap3A_1429] {strides = array<i32>} : memref<280xf32, #tpu.memory_space<vmem>>, vector<16xf32>,
        tpu.vector_store %arg11[%swap3A_1429], %add3A_1428 {strides = array<i32>} : memref<280xf32, #tpu.memory_space<vmem>>, vector<16xf32>,
        %mul3A_1431 = arith.constant 16 : i32
        %mul3A_1432 = arith.muli %scan3A_321, %mul3A_1431 : i32
        %add3A_1433 = arith.constant 11 : i32
        %add3A_1434 = arith.addi %mul3A_1432, %add3A_1433 : i32
        %get3A_1435 = arith.constant 1 : i32
        %get3A_1436 = arith.index_cast %get3A_1435 : i32 to index
        %get3A_1437 = arith.index_cast %add3A_1434 : i32 to index
        %get3A_1438 = arith.constant 0 : index
        %get3A_1439 = tpu.vector_load %arg8[%get3A_1436, %get3A_1437, %get3A_1438] {strides = array<i32>} : memref<3x128x128xf32, #tpu.memory_space<vmem>>, vector<16xf32>,
        %get3A_1440 = arith.constant 1 : i32
        %get3A_1441 = arith.index_cast %get3A_1440 : i32 to index
        %get3A_1442 = arith.index_cast %add3A_1434 : i32 to index
        %get3A_1443 = arith.constant 0 : index
        %get3A_1444 = tpu.vector_load %arg9[%get3A_1441, %get3A_1442, %get3A_1443] {strides = array<i32>} : memref<3x128x128xf32, #tpu.memory_space<vmem>>, vector<16xf32>,
        %mul3A_1445 = arith.mulf %get3A_1439, %get3A_1444 : vector<16xf32>
        %get3A_1446 = arith.constant 1 : i32
        %get3A_1447 = arith.index_cast %get3A_1446 : i32 to index
        %get3A_1448 = arith.index_cast %add3A_1434 : i32 to index
        %get3A_1449 = arith.constant 16 : index
        %get3A_1450 = tpu.vector_load %arg8[%get3A_1447, %get3A_1448, %get3A_1449] {strides = array<i32>} : memref<3x128x128xf32, #tpu.memory_space<vmem>>, vector<16xf32>,
        %get3A_1451 = arith.constant 1 : i32
        %get3A_1452 = arith.index_cast %get3A_1451 : i32 to index
        %get3A_1453 = arith.index_cast %add3A_1434 : i32 to index
        %get3A_1454 = arith.constant 16 : index
        %get3A_1455 = tpu.vector_load %arg9[%get3A_1452, %get3A_1453, %get3A_1454] {strides = array<i32>} : memref<3x128x128xf32, #tpu.memory_space<vmem>>, vector<16xf32>,
        %mul3A_1456 = arith.mulf %get3A_1450, %get3A_1455 : vector<16xf32>
        %add3A_1457 = arith.addf %mul3A_1445, %mul3A_1456 : vector<16xf32>
        %get3A_1458 = arith.constant 1 : i32
        %get3A_1459 = arith.index_cast %get3A_1458 : i32 to index
        %get3A_1460 = arith.index_cast %add3A_1434 : i32 to index
        %get3A_1461 = arith.constant 32 : index
        %get3A_1462 = tpu.vector_load %arg8[%get3A_1459, %get3A_1460, %get3A_1461] {strides = array<i32>} : memref<3x128x128xf32, #tpu.memory_space<vmem>>, vector<16xf32>,
        %get3A_1463 = arith.constant 1 : i32
        %get3A_1464 = arith.index_cast %get3A_1463 : i32 to index
        %get3A_1465 = arith.index_cast %add3A_1434 : i32 to index
        %get3A_1466 = arith.constant 32 : index
        %get3A_1467 = tpu.vector_load %arg9[%get3A_1464, %get3A_1465, %get3A_1466] {strides = array<i32>} : memref<3x128x128xf32, #tpu.memory_space<vmem>>, vector<16xf32>,
        %mul3A_1468 = arith.mulf %get3A_1462, %get3A_1467 : vector<16xf32>
        %add3A_1469 = arith.addf %add3A_1457, %mul3A_1468 : vector<16xf32>
        %get3A_1470 = arith.constant 1 : i32
        %get3A_1471 = arith.index_cast %get3A_1470 : i32 to index
        %get3A_1472 = arith.index_cast %add3A_1434 : i32 to index
        %get3A_1473 = arith.constant 48 : index
        %get3A_1474 = tpu.vector_load %arg8[%get3A_1471, %get3A_1472, %get3A_1473] {strides = array<i32>} : memref<3x128x128xf32, #tpu.memory_space<vmem>>, vector<16xf32>,
        %get3A_1475 = arith.constant 1 : i32
        %get3A_1476 = arith.index_cast %get3A_1475 : i32 to index
        %get3A_1477 = arith.index_cast %add3A_1434 : i32 to index
        %get3A_1478 = arith.constant 48 : index
        %get3A_1479 = tpu.vector_load %arg9[%get3A_1476, %get3A_1477, %get3A_1478] {strides = array<i32>} : memref<3x128x128xf32, #tpu.memory_space<vmem>>, vector<16xf32>,
        %mul3A_1480 = arith.mulf %get3A_1474, %get3A_1479 : vector<16xf32>
        %add3A_1481 = arith.addf %add3A_1469, %mul3A_1480 : vector<16xf32>
        %get3A_1482 = arith.constant 1 : i32
        %get3A_1483 = arith.index_cast %get3A_1482 : i32 to index
        %get3A_1484 = arith.index_cast %add3A_1434 : i32 to index
        %get3A_1485 = arith.constant 64 : index
        %get3A_1486 = tpu.vector_load %arg8[%get3A_1483, %get3A_1484, %get3A_1485] {strides = array<i32>} : memref<3x128x128xf32, #tpu.memory_space<vmem>>, vector<16xf32>,
        %get3A_1487 = arith.constant 1 : i32
        %get3A_1488 = arith.index_cast %get3A_1487 : i32 to index
        %get3A_1489 = arith.index_cast %add3A_1434 : i32 to index
        %get3A_1490 = arith.constant 64 : index
        %get3A_1491 = tpu.vector_load %arg9[%get3A_1488, %get3A_1489, %get3A_1490] {strides = array<i32>} : memref<3x128x128xf32, #tpu.memory_space<vmem>>, vector<16xf32>,
        %mul3A_1492 = arith.mulf %get3A_1486, %get3A_1491 : vector<16xf32>
        %add3A_1493 = arith.addf %add3A_1481, %mul3A_1492 : vector<16xf32>
        %get3A_1494 = arith.constant 1 : i32
        %get3A_1495 = arith.index_cast %get3A_1494 : i32 to index
        %get3A_1496 = arith.index_cast %add3A_1434 : i32 to index
        %get3A_1497 = arith.constant 80 : index
        %get3A_1498 = tpu.vector_load %arg8[%get3A_1495, %get3A_1496, %get3A_1497] {strides = array<i32>} : memref<3x128x128xf32, #tpu.memory_space<vmem>>, vector<16xf32>,
        %get3A_1499 = arith.constant 1 : i32
        %get3A_1500 = arith.index_cast %get3A_1499 : i32 to index
        %get3A_1501 = arith.index_cast %add3A_1434 : i32 to index
        %get3A_1502 = arith.constant 80 : index
        %get3A_1503 = tpu.vector_load %arg9[%get3A_1500, %get3A_1501, %get3A_1502] {strides = array<i32>} : memref<3x128x128xf32, #tpu.memory_space<vmem>>, vector<16xf32>,
        %mul3A_1504 = arith.mulf %get3A_1498, %get3A_1503 : vector<16xf32>
        %add3A_1505 = arith.addf %add3A_1493, %mul3A_1504 : vector<16xf32>
        %get3A_1506 = arith.constant 1 : i32
        %get3A_1507 = arith.index_cast %get3A_1506 : i32 to index
        %get3A_1508 = arith.index_cast %add3A_1434 : i32 to index
        %get3A_1509 = arith.constant 96 : index
        %get3A_1510 = tpu.vector_load %arg8[%get3A_1507, %get3A_1508, %get3A_1509] {strides = array<i32>} : memref<3x128x128xf32, #tpu.memory_space<vmem>>, vector<16xf32>,
        %get3A_1511 = arith.constant 1 : i32
        %get3A_1512 = arith.index_cast %get3A_1511 : i32 to index
        %get3A_1513 = arith.index_cast %add3A_1434 : i32 to index
        %get3A_1514 = arith.constant 96 : index
        %get3A_1515 = tpu.vector_load %arg9[%get3A_1512, %get3A_1513, %get3A_1514] {strides = array<i32>} : memref<3x128x128xf32, #tpu.memory_space<vmem>>, vector<16xf32>,
        %mul3A_1516 = arith.mulf %get3A_1510, %get3A_1515 : vector<16xf32>
        %add3A_1517 = arith.addf %add3A_1505, %mul3A_1516 : vector<16xf32>
        %get3A_1518 = arith.constant 1 : i32
        %get3A_1519 = arith.index_cast %get3A_1518 : i32 to index
        %get3A_1520 = arith.index_cast %add3A_1434 : i32 to index
        %get3A_1521 = arith.constant 112 : index
        %get3A_1522 = tpu.vector_load %arg8[%get3A_1519, %get3A_1520, %get3A_1521] {strides = array<i32>} : memref<3x128x128xf32, #tpu.memory_space<vmem>>, vector<16xf32>,
        %get3A_1523 = arith.constant 1 : i32
        %get3A_1524 = arith.index_cast %get3A_1523 : i32 to index
        %get3A_1525 = arith.index_cast %add3A_1434 : i32 to index
        %get3A_1526 = arith.constant 112 : index
        %get3A_1527 = tpu.vector_load %arg9[%get3A_1524, %get3A_1525, %get3A_1526] {strides = array<i32>} : memref<3x128x128xf32, #tpu.memory_space<vmem>>, vector<16xf32>,
        %mul3A_1528 = arith.mulf %get3A_1522, %get3A_1527 : vector<16xf32>
        %add3A_1529 = arith.addf %add3A_1517, %mul3A_1528 : vector<16xf32>
        %swap3A_1530 = arith.constant 187 : index
        %swap3A_1531 = tpu.vector_load %arg11[%swap3A_1530] {strides = array<i32>} : memref<280xf32, #tpu.memory_space<vmem>>, vector<16xf32>,
        tpu.vector_store %arg11[%swap3A_1530], %add3A_1529 {strides = array<i32>} : memref<280xf32, #tpu.memory_space<vmem>>, vector<16xf32>,
        %mul3A_1532 = arith.constant 16 : i32
        %mul3A_1533 = arith.muli %scan3A_321, %mul3A_1532 : i32
        %add3A_1534 = arith.constant 12 : i32
        %add3A_1535 = arith.addi %mul3A_1533, %add3A_1534 : i32
        %get3A_1536 = arith.constant 1 : i32
        %get3A_1537 = arith.index_cast %get3A_1536 : i32 to index
        %get3A_1538 = arith.index_cast %add3A_1535 : i32 to index
        %get3A_1539 = arith.constant 0 : index
        %get3A_1540 = tpu.vector_load %arg8[%get3A_1537, %get3A_1538, %get3A_1539] {strides = array<i32>} : memref<3x128x128xf32, #tpu.memory_space<vmem>>, vector<16xf32>,
        %get3A_1541 = arith.constant 1 : i32
        %get3A_1542 = arith.index_cast %get3A_1541 : i32 to index
        %get3A_1543 = arith.index_cast %add3A_1535 : i32 to index
        %get3A_1544 = arith.constant 0 : index
        %get3A_1545 = tpu.vector_load %arg9[%get3A_1542, %get3A_1543, %get3A_1544] {strides = array<i32>} : memref<3x128x128xf32, #tpu.memory_space<vmem>>, vector<16xf32>,
        %mul3A_1546 = arith.mulf %get3A_1540, %get3A_1545 : vector<16xf32>
        %get3A_1547 = arith.constant 1 : i32
        %get3A_1548 = arith.index_cast %get3A_1547 : i32 to index
        %get3A_1549 = arith.index_cast %add3A_1535 : i32 to index
        %get3A_1550 = arith.constant 16 : index
        %get3A_1551 = tpu.vector_load %arg8[%get3A_1548, %get3A_1549, %get3A_1550] {strides = array<i32>} : memref<3x128x128xf32, #tpu.memory_space<vmem>>, vector<16xf32>,
        %get3A_1552 = arith.constant 1 : i32
        %get3A_1553 = arith.index_cast %get3A_1552 : i32 to index
        %get3A_1554 = arith.index_cast %add3A_1535 : i32 to index
        %get3A_1555 = arith.constant 16 : index
        %get3A_1556 = tpu.vector_load %arg9[%get3A_1553, %get3A_1554, %get3A_1555] {strides = array<i32>} : memref<3x128x128xf32, #tpu.memory_space<vmem>>, vector<16xf32>,
        %mul3A_1557 = arith.mulf %get3A_1551, %get3A_1556 : vector<16xf32>
        %add3A_1558 = arith.addf %mul3A_1546, %mul3A_1557 : vector<16xf32>
        %get3A_1559 = arith.constant 1 : i32
        %get3A_1560 = arith.index_cast %get3A_1559 : i32 to index
        %get3A_1561 = arith.index_cast %add3A_1535 : i32 to index
        %get3A_1562 = arith.constant 32 : index
        %get3A_1563 = tpu.vector_load %arg8[%get3A_1560, %get3A_1561, %get3A_1562] {strides = array<i32>} : memref<3x128x128xf32, #tpu.memory_space<vmem>>, vector<16xf32>,
        %get3A_1564 = arith.constant 1 : i32
        %get3A_1565 = arith.index_cast %get3A_1564 : i32 to index
        %get3A_1566 = arith.index_cast %add3A_1535 : i32 to index
        %get3A_1567 = arith.constant 32 : index
        %get3A_1568 = tpu.vector_load %arg9[%get3A_1565, %get3A_1566, %get3A_1567] {strides = array<i32>} : memref<3x128x128xf32, #tpu.memory_space<vmem>>, vector<16xf32>,
        %mul3A_1569 = arith.mulf %get3A_1563, %get3A_1568 : vector<16xf32>
        %add3A_1570 = arith.addf %add3A_1558, %mul3A_1569 : vector<16xf32>
        %get3A_1571 = arith.constant 1 : i32
        %get3A_1572 = arith.index_cast %get3A_1571 : i32 to index
        %get3A_1573 = arith.index_cast %add3A_1535 : i32 to index
        %get3A_1574 = arith.constant 48 : index
        %get3A_1575 = tpu.vector_load %arg8[%get3A_1572, %get3A_1573, %get3A_1574] {strides = array<i32>} : memref<3x128x128xf32, #tpu.memory_space<vmem>>, vector<16xf32>,
        %get3A_1576 = arith.constant 1 : i32
        %get3A_1577 = arith.index_cast %get3A_1576 : i32 to index
        %get3A_1578 = arith.index_cast %add3A_1535 : i32 to index
        %get3A_1579 = arith.constant 48 : index
        %get3A_1580 = tpu.vector_load %arg9[%get3A_1577, %get3A_1578, %get3A_1579] {strides = array<i32>} : memref<3x128x128xf32, #tpu.memory_space<vmem>>, vector<16xf32>,
        %mul3A_1581 = arith.mulf %get3A_1575, %get3A_1580 : vector<16xf32>
        %add3A_1582 = arith.addf %add3A_1570, %mul3A_1581 : vector<16xf32>
        %get3A_1583 = arith.constant 1 : i32
        %get3A_1584 = arith.index_cast %get3A_1583 : i32 to index
        %get3A_1585 = arith.index_cast %add3A_1535 : i32 to index
        %get3A_1586 = arith.constant 64 : index
        %get3A_1587 = tpu.vector_load %arg8[%get3A_1584, %get3A_1585, %get3A_1586] {strides = array<i32>} : memref<3x128x128xf32, #tpu.memory_space<vmem>>, vector<16xf32>,
        %get3A_1588 = arith.constant 1 : i32
        %get3A_1589 = arith.index_cast %get3A_1588 : i32 to index
        %get3A_1590 = arith.index_cast %add3A_1535 : i32 to index
        %get3A_1591 = arith.constant 64 : index
        %get3A_1592 = tpu.vector_load %arg9[%get3A_1589, %get3A_1590, %get3A_1591] {strides = array<i32>} : memref<3x128x128xf32, #tpu.memory_space<vmem>>, vector<16xf32>,
        %mul3A_1593 = arith.mulf %get3A_1587, %get3A_1592 : vector<16xf32>
        %add3A_1594 = arith.addf %add3A_1582, %mul3A_1593 : vector<16xf32>
        %get3A_1595 = arith.constant 1 : i32
        %get3A_1596 = arith.index_cast %get3A_1595 : i32 to index
        %get3A_1597 = arith.index_cast %add3A_1535 : i32 to index
        %get3A_1598 = arith.constant 80 : index
        %get3A_1599 = tpu.vector_load %arg8[%get3A_1596, %get3A_1597, %get3A_1598] {strides = array<i32>} : memref<3x128x128xf32, #tpu.memory_space<vmem>>, vector<16xf32>,
        %get3A_1600 = arith.constant 1 : i32
        %get3A_1601 = arith.index_cast %get3A_1600 : i32 to index
        %get3A_1602 = arith.index_cast %add3A_1535 : i32 to index
        %get3A_1603 = arith.constant 80 : index
        %get3A_1604 = tpu.vector_load %arg9[%get3A_1601, %get3A_1602, %get3A_1603] {strides = array<i32>} : memref<3x128x128xf32, #tpu.memory_space<vmem>>, vector<16xf32>,
        %mul3A_1605 = arith.mulf %get3A_1599, %get3A_1604 : vector<16xf32>
        %add3A_1606 = arith.addf %add3A_1594, %mul3A_1605 : vector<16xf32>
        %get3A_1607 = arith.constant 1 : i32
        %get3A_1608 = arith.index_cast %get3A_1607 : i32 to index
        %get3A_1609 = arith.index_cast %add3A_1535 : i32 to index
        %get3A_1610 = arith.constant 96 : index
        %get3A_1611 = tpu.vector_load %arg8[%get3A_1608, %get3A_1609, %get3A_1610] {strides = array<i32>} : memref<3x128x128xf32, #tpu.memory_space<vmem>>, vector<16xf32>,
        %get3A_1612 = arith.constant 1 : i32
        %get3A_1613 = arith.index_cast %get3A_1612 : i32 to index
        %get3A_1614 = arith.index_cast %add3A_1535 : i32 to index
        %get3A_1615 = arith.constant 96 : index
        %get3A_1616 = tpu.vector_load %arg9[%get3A_1613, %get3A_1614, %get3A_1615] {strides = array<i32>} : memref<3x128x128xf32, #tpu.memory_space<vmem>>, vector<16xf32>,
        %mul3A_1617 = arith.mulf %get3A_1611, %get3A_1616 : vector<16xf32>
        %add3A_1618 = arith.addf %add3A_1606, %mul3A_1617 : vector<16xf32>
        %get3A_1619 = arith.constant 1 : i32
        %get3A_1620 = arith.index_cast %get3A_1619 : i32 to index
        %get3A_1621 = arith.index_cast %add3A_1535 : i32 to index
        %get3A_1622 = arith.constant 112 : index
        %get3A_1623 = tpu.vector_load %arg8[%get3A_1620, %get3A_1621, %get3A_1622] {strides = array<i32>} : memref<3x128x128xf32, #tpu.memory_space<vmem>>, vector<16xf32>,
        %get3A_1624 = arith.constant 1 : i32
        %get3A_1625 = arith.index_cast %get3A_1624 : i32 to index
        %get3A_1626 = arith.index_cast %add3A_1535 : i32 to index
        %get3A_1627 = arith.constant 112 : index
        %get3A_1628 = tpu.vector_load %arg9[%get3A_1625, %get3A_1626, %get3A_1627] {strides = array<i32>} : memref<3x128x128xf32, #tpu.memory_space<vmem>>, vector<16xf32>,
        %mul3A_1629 = arith.mulf %get3A_1623, %get3A_1628 : vector<16xf32>
        %add3A_1630 = arith.addf %add3A_1618, %mul3A_1629 : vector<16xf32>
        %swap3A_1631 = arith.constant 204 : index
        %swap3A_1632 = tpu.vector_load %arg11[%swap3A_1631] {strides = array<i32>} : memref<280xf32, #tpu.memory_space<vmem>>, vector<16xf32>,
        tpu.vector_store %arg11[%swap3A_1631], %add3A_1630 {strides = array<i32>} : memref<280xf32, #tpu.memory_space<vmem>>, vector<16xf32>,
        %mul3A_1633 = arith.constant 16 : i32
        %mul3A_1634 = arith.muli %scan3A_321, %mul3A_1633 : i32
        %add3A_1635 = arith.constant 13 : i32
        %add3A_1636 = arith.addi %mul3A_1634, %add3A_1635 : i32
        %get3A_1637 = arith.constant 1 : i32
        %get3A_1638 = arith.index_cast %get3A_1637 : i32 to index
        %get3A_1639 = arith.index_cast %add3A_1636 : i32 to index
        %get3A_1640 = arith.constant 0 : index
        %get3A_1641 = tpu.vector_load %arg8[%get3A_1638, %get3A_1639, %get3A_1640] {strides = array<i32>} : memref<3x128x128xf32, #tpu.memory_space<vmem>>, vector<16xf32>,
        %get3A_1642 = arith.constant 1 : i32
        %get3A_1643 = arith.index_cast %get3A_1642 : i32 to index
        %get3A_1644 = arith.index_cast %add3A_1636 : i32 to index
        %get3A_1645 = arith.constant 0 : index
        %get3A_1646 = tpu.vector_load %arg9[%get3A_1643, %get3A_1644, %get3A_1645] {strides = array<i32>} : memref<3x128x128xf32, #tpu.memory_space<vmem>>, vector<16xf32>,
        %mul3A_1647 = arith.mulf %get3A_1641, %get3A_1646 : vector<16xf32>
        %get3A_1648 = arith.constant 1 : i32
        %get3A_1649 = arith.index_cast %get3A_1648 : i32 to index
        %get3A_1650 = arith.index_cast %add3A_1636 : i32 to index
        %get3A_1651 = arith.constant 16 : index
        %get3A_1652 = tpu.vector_load %arg8[%get3A_1649, %get3A_1650, %get3A_1651] {strides = array<i32>} : memref<3x128x128xf32, #tpu.memory_space<vmem>>, vector<16xf32>,
        %get3A_1653 = arith.constant 1 : i32
        %get3A_1654 = arith.index_cast %get3A_1653 : i32 to index
        %get3A_1655 = arith.index_cast %add3A_1636 : i32 to index
        %get3A_1656 = arith.constant 16 : index
        %get3A_1657 = tpu.vector_load %arg9[%get3A_1654, %get3A_1655, %get3A_1656] {strides = array<i32>} : memref<3x128x128xf32, #tpu.memory_space<vmem>>, vector<16xf32>,
        %mul3A_1658 = arith.mulf %get3A_1652, %get3A_1657 : vector<16xf32>
        %add3A_1659 = arith.addf %mul3A_1647, %mul3A_1658 : vector<16xf32>
        %get3A_1660 = arith.constant 1 : i32
        %get3A_1661 = arith.index_cast %get3A_1660 : i32 to index
        %get3A_1662 = arith.index_cast %add3A_1636 : i32 to index
        %get3A_1663 = arith.constant 32 : index
        %get3A_1664 = tpu.vector_load %arg8[%get3A_1661, %get3A_1662, %get3A_1663] {strides = array<i32>} : memref<3x128x128xf32, #tpu.memory_space<vmem>>, vector<16xf32>,
        %get3A_1665 = arith.constant 1 : i32
        %get3A_1666 = arith.index_cast %get3A_1665 : i32 to index
        %get3A_1667 = arith.index_cast %add3A_1636 : i32 to index
        %get3A_1668 = arith.constant 32 : index
        %get3A_1669 = tpu.vector_load %arg9[%get3A_1666, %get3A_1667, %get3A_1668] {strides = array<i32>} : memref<3x128x128xf32, #tpu.memory_space<vmem>>, vector<16xf32>,
        %mul3A_1670 = arith.mulf %get3A_1664, %get3A_1669 : vector<16xf32>
        %add3A_1671 = arith.addf %add3A_1659, %mul3A_1670 : vector<16xf32>
        %get3A_1672 = arith.constant 1 : i32
        %get3A_1673 = arith.index_cast %get3A_1672 : i32 to index
        %get3A_1674 = arith.index_cast %add3A_1636 : i32 to index
        %get3A_1675 = arith.constant 48 : index
        %get3A_1676 = tpu.vector_load %arg8[%get3A_1673, %get3A_1674, %get3A_1675] {strides = array<i32>} : memref<3x128x128xf32, #tpu.memory_space<vmem>>, vector<16xf32>,
        %get3A_1677 = arith.constant 1 : i32
        %get3A_1678 = arith.index_cast %get3A_1677 : i32 to index
        %get3A_1679 = arith.index_cast %add3A_1636 : i32 to index
        %get3A_1680 = arith.constant 48 : index
        %get3A_1681 = tpu.vector_load %arg9[%get3A_1678, %get3A_1679, %get3A_1680] {strides = array<i32>} : memref<3x128x128xf32, #tpu.memory_space<vmem>>, vector<16xf32>,
        %mul3A_1682 = arith.mulf %get3A_1676, %get3A_1681 : vector<16xf32>
        %add3A_1683 = arith.addf %add3A_1671, %mul3A_1682 : vector<16xf32>
        %get3A_1684 = arith.constant 1 : i32
        %get3A_1685 = arith.index_cast %get3A_1684 : i32 to index
        %get3A_1686 = arith.index_cast %add3A_1636 : i32 to index
        %get3A_1687 = arith.constant 64 : index
        %get3A_1688 = tpu.vector_load %arg8[%get3A_1685, %get3A_1686, %get3A_1687] {strides = array<i32>} : memref<3x128x128xf32, #tpu.memory_space<vmem>>, vector<16xf32>,
        %get3A_1689 = arith.constant 1 : i32
        %get3A_1690 = arith.index_cast %get3A_1689 : i32 to index
        %get3A_1691 = arith.index_cast %add3A_1636 : i32 to index
        %get3A_1692 = arith.constant 64 : index
        %get3A_1693 = tpu.vector_load %arg9[%get3A_1690, %get3A_1691, %get3A_1692] {strides = array<i32>} : memref<3x128x128xf32, #tpu.memory_space<vmem>>, vector<16xf32>,
        %mul3A_1694 = arith.mulf %get3A_1688, %get3A_1693 : vector<16xf32>
        %add3A_1695 = arith.addf %add3A_1683, %mul3A_1694 : vector<16xf32>
        %get3A_1696 = arith.constant 1 : i32
        %get3A_1697 = arith.index_cast %get3A_1696 : i32 to index
        %get3A_1698 = arith.index_cast %add3A_1636 : i32 to index
        %get3A_1699 = arith.constant 80 : index
        %get3A_1700 = tpu.vector_load %arg8[%get3A_1697, %get3A_1698, %get3A_1699] {strides = array<i32>} : memref<3x128x128xf32, #tpu.memory_space<vmem>>, vector<16xf32>,
        %get3A_1701 = arith.constant 1 : i32
        %get3A_1702 = arith.index_cast %get3A_1701 : i32 to index
        %get3A_1703 = arith.index_cast %add3A_1636 : i32 to index
        %get3A_1704 = arith.constant 80 : index
        %get3A_1705 = tpu.vector_load %arg9[%get3A_1702, %get3A_1703, %get3A_1704] {strides = array<i32>} : memref<3x128x128xf32, #tpu.memory_space<vmem>>, vector<16xf32>,
        %mul3A_1706 = arith.mulf %get3A_1700, %get3A_1705 : vector<16xf32>
        %add3A_1707 = arith.addf %add3A_1695, %mul3A_1706 : vector<16xf32>
        %get3A_1708 = arith.constant 1 : i32
        %get3A_1709 = arith.index_cast %get3A_1708 : i32 to index
        %get3A_1710 = arith.index_cast %add3A_1636 : i32 to index
        %get3A_1711 = arith.constant 96 : index
        %get3A_1712 = tpu.vector_load %arg8[%get3A_1709, %get3A_1710, %get3A_1711] {strides = array<i32>} : memref<3x128x128xf32, #tpu.memory_space<vmem>>, vector<16xf32>,
        %get3A_1713 = arith.constant 1 : i32
        %get3A_1714 = arith.index_cast %get3A_1713 : i32 to index
        %get3A_1715 = arith.index_cast %add3A_1636 : i32 to index
        %get3A_1716 = arith.constant 96 : index
        %get3A_1717 = tpu.vector_load %arg9[%get3A_1714, %get3A_1715, %get3A_1716] {strides = array<i32>} : memref<3x128x128xf32, #tpu.memory_space<vmem>>, vector<16xf32>,
        %mul3A_1718 = arith.mulf %get3A_1712, %get3A_1717 : vector<16xf32>
        %add3A_1719 = arith.addf %add3A_1707, %mul3A_1718 : vector<16xf32>
        %get3A_1720 = arith.constant 1 : i32
        %get3A_1721 = arith.index_cast %get3A_1720 : i32 to index
        %get3A_1722 = arith.index_cast %add3A_1636 : i32 to index
        %get3A_1723 = arith.constant 112 : index
        %get3A_1724 = tpu.vector_load %arg8[%get3A_1721, %get3A_1722, %get3A_1723] {strides = array<i32>} : memref<3x128x128xf32, #tpu.memory_space<vmem>>, vector<16xf32>,
        %get3A_1725 = arith.constant 1 : i32
        %get3A_1726 = arith.index_cast %get3A_1725 : i32 to index
        %get3A_1727 = arith.index_cast %add3A_1636 : i32 to index
        %get3A_1728 = arith.constant 112 : index
        %get3A_1729 = tpu.vector_load %arg9[%get3A_1726, %get3A_1727, %get3A_1728] {strides = array<i32>} : memref<3x128x128xf32, #tpu.memory_space<vmem>>, vector<16xf32>,
        %mul3A_1730 = arith.mulf %get3A_1724, %get3A_1729 : vector<16xf32>
        %add3A_1731 = arith.addf %add3A_1719, %mul3A_1730 : vector<16xf32>
        %swap3A_1732 = arith.constant 221 : index
        %swap3A_1733 = tpu.vector_load %arg11[%swap3A_1732] {strides = array<i32>} : memref<280xf32, #tpu.memory_space<vmem>>, vector<16xf32>,
        tpu.vector_store %arg11[%swap3A_1732], %add3A_1731 {strides = array<i32>} : memref<280xf32, #tpu.memory_space<vmem>>, vector<16xf32>,
        %mul3A_1734 = arith.constant 16 : i32
        %mul3A_1735 = arith.muli %scan3A_321, %mul3A_1734 : i32
        %add3A_1736 = arith.constant 14 : i32
        %add3A_1737 = arith.addi %mul3A_1735, %add3A_1736 : i32
        %get3A_1738 = arith.constant 1 : i32
        %get3A_1739 = arith.index_cast %get3A_1738 : i32 to index
        %get3A_1740 = arith.index_cast %add3A_1737 : i32 to index
        %get3A_1741 = arith.constant 0 : index
        %get3A_1742 = tpu.vector_load %arg8[%get3A_1739, %get3A_1740, %get3A_1741] {strides = array<i32>} : memref<3x128x128xf32, #tpu.memory_space<vmem>>, vector<16xf32>,
        %get3A_1743 = arith.constant 1 : i32
        %get3A_1744 = arith.index_cast %get3A_1743 : i32 to index
        %get3A_1745 = arith.index_cast %add3A_1737 : i32 to index
        %get3A_1746 = arith.constant 0 : index
        %get3A_1747 = tpu.vector_load %arg9[%get3A_1744, %get3A_1745, %get3A_1746] {strides = array<i32>} : memref<3x128x128xf32, #tpu.memory_space<vmem>>, vector<16xf32>,
        %mul3A_1748 = arith.mulf %get3A_1742, %get3A_1747 : vector<16xf32>
        %get3A_1749 = arith.constant 1 : i32
        %get3A_1750 = arith.index_cast %get3A_1749 : i32 to index
        %get3A_1751 = arith.index_cast %add3A_1737 : i32 to index
        %get3A_1752 = arith.constant 16 : index
        %get3A_1753 = tpu.vector_load %arg8[%get3A_1750, %get3A_1751, %get3A_1752] {strides = array<i32>} : memref<3x128x128xf32, #tpu.memory_space<vmem>>, vector<16xf32>,
        %get3A_1754 = arith.constant 1 : i32
        %get3A_1755 = arith.index_cast %get3A_1754 : i32 to index
        %get3A_1756 = arith.index_cast %add3A_1737 : i32 to index
        %get3A_1757 = arith.constant 16 : index
        %get3A_1758 = tpu.vector_load %arg9[%get3A_1755, %get3A_1756, %get3A_1757] {strides = array<i32>} : memref<3x128x128xf32, #tpu.memory_space<vmem>>, vector<16xf32>,
        %mul3A_1759 = arith.mulf %get3A_1753, %get3A_1758 : vector<16xf32>
        %add3A_1760 = arith.addf %mul3A_1748, %mul3A_1759 : vector<16xf32>
        %get3A_1761 = arith.constant 1 : i32
        %get3A_1762 = arith.index_cast %get3A_1761 : i32 to index
        %get3A_1763 = arith.index_cast %add3A_1737 : i32 to index
        %get3A_1764 = arith.constant 32 : index
        %get3A_1765 = tpu.vector_load %arg8[%get3A_1762, %get3A_1763, %get3A_1764] {strides = array<i32>} : memref<3x128x128xf32, #tpu.memory_space<vmem>>, vector<16xf32>,
        %get3A_1766 = arith.constant 1 : i32
        %get3A_1767 = arith.index_cast %get3A_1766 : i32 to index
        %get3A_1768 = arith.index_cast %add3A_1737 : i32 to index
        %get3A_1769 = arith.constant 32 : index
        %get3A_1770 = tpu.vector_load %arg9[%get3A_1767, %get3A_1768, %get3A_1769] {strides = array<i32>} : memref<3x128x128xf32, #tpu.memory_space<vmem>>, vector<16xf32>,
        %mul3A_1771 = arith.mulf %get3A_1765, %get3A_1770 : vector<16xf32>
        %add3A_1772 = arith.addf %add3A_1760, %mul3A_1771 : vector<16xf32>
        %get3A_1773 = arith.constant 1 : i32
        %get3A_1774 = arith.index_cast %get3A_1773 : i32 to index
        %get3A_1775 = arith.index_cast %add3A_1737 : i32 to index
        %get3A_1776 = arith.constant 48 : index
        %get3A_1777 = tpu.vector_load %arg8[%get3A_1774, %get3A_1775, %get3A_1776] {strides = array<i32>} : memref<3x128x128xf32, #tpu.memory_space<vmem>>, vector<16xf32>,
        %get3A_1778 = arith.constant 1 : i32
        %get3A_1779 = arith.index_cast %get3A_1778 : i32 to index
        %get3A_1780 = arith.index_cast %add3A_1737 : i32 to index
        %get3A_1781 = arith.constant 48 : index
        %get3A_1782 = tpu.vector_load %arg9[%get3A_1779, %get3A_1780, %get3A_1781] {strides = array<i32>} : memref<3x128x128xf32, #tpu.memory_space<vmem>>, vector<16xf32>,
        %mul3A_1783 = arith.mulf %get3A_1777, %get3A_1782 : vector<16xf32>
        %add3A_1784 = arith.addf %add3A_1772, %mul3A_1783 : vector<16xf32>
        %get3A_1785 = arith.constant 1 : i32
        %get3A_1786 = arith.index_cast %get3A_1785 : i32 to index
        %get3A_1787 = arith.index_cast %add3A_1737 : i32 to index
        %get3A_1788 = arith.constant 64 : index
        %get3A_1789 = tpu.vector_load %arg8[%get3A_1786, %get3A_1787, %get3A_1788] {strides = array<i32>} : memref<3x128x128xf32, #tpu.memory_space<vmem>>, vector<16xf32>,
        %get3A_1790 = arith.constant 1 : i32
        %get3A_1791 = arith.index_cast %get3A_1790 : i32 to index
        %get3A_1792 = arith.index_cast %add3A_1737 : i32 to index
        %get3A_1793 = arith.constant 64 : index
        %get3A_1794 = tpu.vector_load %arg9[%get3A_1791, %get3A_1792, %get3A_1793] {strides = array<i32>} : memref<3x128x128xf32, #tpu.memory_space<vmem>>, vector<16xf32>,
        %mul3A_1795 = arith.mulf %get3A_1789, %get3A_1794 : vector<16xf32>
        %add3A_1796 = arith.addf %add3A_1784, %mul3A_1795 : vector<16xf32>
        %get3A_1797 = arith.constant 1 : i32
        %get3A_1798 = arith.index_cast %get3A_1797 : i32 to index
        %get3A_1799 = arith.index_cast %add3A_1737 : i32 to index
        %get3A_1800 = arith.constant 80 : index
        %get3A_1801 = tpu.vector_load %arg8[%get3A_1798, %get3A_1799, %get3A_1800] {strides = array<i32>} : memref<3x128x128xf32, #tpu.memory_space<vmem>>, vector<16xf32>,
        %get3A_1802 = arith.constant 1 : i32
        %get3A_1803 = arith.index_cast %get3A_1802 : i32 to index
        %get3A_1804 = arith.index_cast %add3A_1737 : i32 to index
        %get3A_1805 = arith.constant 80 : index
        %get3A_1806 = tpu.vector_load %arg9[%get3A_1803, %get3A_1804, %get3A_1805] {strides = array<i32>} : memref<3x128x128xf32, #tpu.memory_space<vmem>>, vector<16xf32>,
        %mul3A_1807 = arith.mulf %get3A_1801, %get3A_1806 : vector<16xf32>
        %add3A_1808 = arith.addf %add3A_1796, %mul3A_1807 : vector<16xf32>
        %get3A_1809 = arith.constant 1 : i32
        %get3A_1810 = arith.index_cast %get3A_1809 : i32 to index
        %get3A_1811 = arith.index_cast %add3A_1737 : i32 to index
        %get3A_1812 = arith.constant 96 : index
        %get3A_1813 = tpu.vector_load %arg8[%get3A_1810, %get3A_1811, %get3A_1812] {strides = array<i32>} : memref<3x128x128xf32, #tpu.memory_space<vmem>>, vector<16xf32>,
        %get3A_1814 = arith.constant 1 : i32
        %get3A_1815 = arith.index_cast %get3A_1814 : i32 to index
        %get3A_1816 = arith.index_cast %add3A_1737 : i32 to index
        %get3A_1817 = arith.constant 96 : index
        %get3A_1818 = tpu.vector_load %arg9[%get3A_1815, %get3A_1816, %get3A_1817] {strides = array<i32>} : memref<3x128x128xf32, #tpu.memory_space<vmem>>, vector<16xf32>,
        %mul3A_1819 = arith.mulf %get3A_1813, %get3A_1818 : vector<16xf32>
        %add3A_1820 = arith.addf %add3A_1808, %mul3A_1819 : vector<16xf32>
        %get3A_1821 = arith.constant 1 : i32
        %get3A_1822 = arith.index_cast %get3A_1821 : i32 to index
        %get3A_1823 = arith.index_cast %add3A_1737 : i32 to index
        %get3A_1824 = arith.constant 112 : index
        %get3A_1825 = tpu.vector_load %arg8[%get3A_1822, %get3A_1823, %get3A_1824] {strides = array<i32>} : memref<3x128x128xf32, #tpu.memory_space<vmem>>, vector<16xf32>,
        %get3A_1826 = arith.constant 1 : i32
        %get3A_1827 = arith.index_cast %get3A_1826 : i32 to index
        %get3A_1828 = arith.index_cast %add3A_1737 : i32 to index
        %get3A_1829 = arith.constant 112 : index
        %get3A_1830 = tpu.vector_load %arg9[%get3A_1827, %get3A_1828, %get3A_1829] {strides = array<i32>} : memref<3x128x128xf32, #tpu.memory_space<vmem>>, vector<16xf32>,
        %mul3A_1831 = arith.mulf %get3A_1825, %get3A_1830 : vector<16xf32>
        %add3A_1832 = arith.addf %add3A_1820, %mul3A_1831 : vector<16xf32>
        %swap3A_1833 = arith.constant 238 : index
        %swap3A_1834 = tpu.vector_load %arg11[%swap3A_1833] {strides = array<i32>} : memref<280xf32, #tpu.memory_space<vmem>>, vector<16xf32>,
        tpu.vector_store %arg11[%swap3A_1833], %add3A_1832 {strides = array<i32>} : memref<280xf32, #tpu.memory_space<vmem>>, vector<16xf32>,
        %mul3A_1835 = arith.constant 16 : i32
        %mul3A_1836 = arith.muli %scan3A_321, %mul3A_1835 : i32
        %add3A_1837 = arith.constant 15 : i32
        %add3A_1838 = arith.addi %mul3A_1836, %add3A_1837 : i32
        %get3A_1839 = arith.constant 1 : i32
        %get3A_1840 = arith.index_cast %get3A_1839 : i32 to index
        %get3A_1841 = arith.index_cast %add3A_1838 : i32 to index
        %get3A_1842 = arith.constant 0 : index
        %get3A_1843 = tpu.vector_load %arg8[%get3A_1840, %get3A_1841, %get3A_1842] {strides = array<i32>} : memref<3x128x128xf32, #tpu.memory_space<vmem>>, vector<16xf32>,
        %get3A_1844 = arith.constant 1 : i32
        %get3A_1845 = arith.index_cast %get3A_1844 : i32 to index
        %get3A_1846 = arith.index_cast %add3A_1838 : i32 to index
        %get3A_1847 = arith.constant 0 : index
        %get3A_1848 = tpu.vector_load %arg9[%get3A_1845, %get3A_1846, %get3A_1847] {strides = array<i32>} : memref<3x128x128xf32, #tpu.memory_space<vmem>>, vector<16xf32>,
        %mul3A_1849 = arith.mulf %get3A_1843, %get3A_1848 : vector<16xf32>
        %get3A_1850 = arith.constant 1 : i32
        %get3A_1851 = arith.index_cast %get3A_1850 : i32 to index
        %get3A_1852 = arith.index_cast %add3A_1838 : i32 to index
        %get3A_1853 = arith.constant 16 : index
        %get3A_1854 = tpu.vector_load %arg8[%get3A_1851, %get3A_1852, %get3A_1853] {strides = array<i32>} : memref<3x128x128xf32, #tpu.memory_space<vmem>>, vector<16xf32>,
        %get3A_1855 = arith.constant 1 : i32
        %get3A_1856 = arith.index_cast %get3A_1855 : i32 to index
        %get3A_1857 = arith.index_cast %add3A_1838 : i32 to index
        %get3A_1858 = arith.constant 16 : index
        %get3A_1859 = tpu.vector_load %arg9[%get3A_1856, %get3A_1857, %get3A_1858] {strides = array<i32>} : memref<3x128x128xf32, #tpu.memory_space<vmem>>, vector<16xf32>,
        %mul3A_1860 = arith.mulf %get3A_1854, %get3A_1859 : vector<16xf32>
        %add3A_1861 = arith.addf %mul3A_1849, %mul3A_1860 : vector<16xf32>
        %get3A_1862 = arith.constant 1 : i32
        %get3A_1863 = arith.index_cast %get3A_1862 : i32 to index
        %get3A_1864 = arith.index_cast %add3A_1838 : i32 to index
        %get3A_1865 = arith.constant 32 : index
        %get3A_1866 = tpu.vector_load %arg8[%get3A_1863, %get3A_1864, %get3A_1865] {strides = array<i32>} : memref<3x128x128xf32, #tpu.memory_space<vmem>>, vector<16xf32>,
        %get3A_1867 = arith.constant 1 : i32
        %get3A_1868 = arith.index_cast %get3A_1867 : i32 to index
        %get3A_1869 = arith.index_cast %add3A_1838 : i32 to index
        %get3A_1870 = arith.constant 32 : index
        %get3A_1871 = tpu.vector_load %arg9[%get3A_1868, %get3A_1869, %get3A_1870] {strides = array<i32>} : memref<3x128x128xf32, #tpu.memory_space<vmem>>, vector<16xf32>,
        %mul3A_1872 = arith.mulf %get3A_1866, %get3A_1871 : vector<16xf32>
        %add3A_1873 = arith.addf %add3A_1861, %mul3A_1872 : vector<16xf32>
        %get3A_1874 = arith.constant 1 : i32
        %get3A_1875 = arith.index_cast %get3A_1874 : i32 to index
        %get3A_1876 = arith.index_cast %add3A_1838 : i32 to index
        %get3A_1877 = arith.constant 48 : index
        %get3A_1878 = tpu.vector_load %arg8[%get3A_1875, %get3A_1876, %get3A_1877] {strides = array<i32>} : memref<3x128x128xf32, #tpu.memory_space<vmem>>, vector<16xf32>,
        %get3A_1879 = arith.constant 1 : i32
        %get3A_1880 = arith.index_cast %get3A_1879 : i32 to index
        %get3A_1881 = arith.index_cast %add3A_1838 : i32 to index
        %get3A_1882 = arith.constant 48 : index
        %get3A_1883 = tpu.vector_load %arg9[%get3A_1880, %get3A_1881, %get3A_1882] {strides = array<i32>} : memref<3x128x128xf32, #tpu.memory_space<vmem>>, vector<16xf32>,
        %mul3A_1884 = arith.mulf %get3A_1878, %get3A_1883 : vector<16xf32>
        %add3A_1885 = arith.addf %add3A_1873, %mul3A_1884 : vector<16xf32>
        %get3A_1886 = arith.constant 1 : i32
        %get3A_1887 = arith.index_cast %get3A_1886 : i32 to index
        %get3A_1888 = arith.index_cast %add3A_1838 : i32 to index
        %get3A_1889 = arith.constant 64 : index
        %get3A_1890 = tpu.vector_load %arg8[%get3A_1887, %get3A_1888, %get3A_1889] {strides = array<i32>} : memref<3x128x128xf32, #tpu.memory_space<vmem>>, vector<16xf32>,
        %get3A_1891 = arith.constant 1 : i32
        %get3A_1892 = arith.index_cast %get3A_1891 : i32 to index
        %get3A_1893 = arith.index_cast %add3A_1838 : i32 to index
        %get3A_1894 = arith.constant 64 : index
        %get3A_1895 = tpu.vector_load %arg9[%get3A_1892, %get3A_1893, %get3A_1894] {strides = array<i32>} : memref<3x128x128xf32, #tpu.memory_space<vmem>>, vector<16xf32>,
        %mul3A_1896 = arith.mulf %get3A_1890, %get3A_1895 : vector<16xf32>
        %add3A_1897 = arith.addf %add3A_1885, %mul3A_1896 : vector<16xf32>
        %get3A_1898 = arith.constant 1 : i32
        %get3A_1899 = arith.index_cast %get3A_1898 : i32 to index
        %get3A_1900 = arith.index_cast %add3A_1838 : i32 to index
        %get3A_1901 = arith.constant 80 : index
        %get3A_1902 = tpu.vector_load %arg8[%get3A_1899, %get3A_1900, %get3A_1901] {strides = array<i32>} : memref<3x128x128xf32, #tpu.memory_space<vmem>>, vector<16xf32>,
        %get3A_1903 = arith.constant 1 : i32
        %get3A_1904 = arith.index_cast %get3A_1903 : i32 to index
        %get3A_1905 = arith.index_cast %add3A_1838 : i32 to index
        %get3A_1906 = arith.constant 80 : index
        %get3A_1907 = tpu.vector_load %arg9[%get3A_1904, %get3A_1905, %get3A_1906] {strides = array<i32>} : memref<3x128x128xf32, #tpu.memory_space<vmem>>, vector<16xf32>,
        %mul3A_1908 = arith.mulf %get3A_1902, %get3A_1907 : vector<16xf32>
        %add3A_1909 = arith.addf %add3A_1897, %mul3A_1908 : vector<16xf32>
        %get3A_1910 = arith.constant 1 : i32
        %get3A_1911 = arith.index_cast %get3A_1910 : i32 to index
        %get3A_1912 = arith.index_cast %add3A_1838 : i32 to index
        %get3A_1913 = arith.constant 96 : index
        %get3A_1914 = tpu.vector_load %arg8[%get3A_1911, %get3A_1912, %get3A_1913] {strides = array<i32>} : memref<3x128x128xf32, #tpu.memory_space<vmem>>, vector<16xf32>,
        %get3A_1915 = arith.constant 1 : i32
        %get3A_1916 = arith.index_cast %get3A_1915 : i32 to index
        %get3A_1917 = arith.index_cast %add3A_1838 : i32 to index
        %get3A_1918 = arith.constant 96 : index
        %get3A_1919 = tpu.vector_load %arg9[%get3A_1916, %get3A_1917, %get3A_1918] {strides = array<i32>} : memref<3x128x128xf32, #tpu.memory_space<vmem>>, vector<16xf32>,
        %mul3A_1920 = arith.mulf %get3A_1914, %get3A_1919 : vector<16xf32>
        %add3A_1921 = arith.addf %add3A_1909, %mul3A_1920 : vector<16xf32>
        %get3A_1922 = arith.constant 1 : i32
        %get3A_1923 = arith.index_cast %get3A_1922 : i32 to index
        %get3A_1924 = arith.index_cast %add3A_1838 : i32 to index
        %get3A_1925 = arith.constant 112 : index
        %get3A_1926 = tpu.vector_load %arg8[%get3A_1923, %get3A_1924, %get3A_1925] {strides = array<i32>} : memref<3x128x128xf32, #tpu.memory_space<vmem>>, vector<16xf32>,
        %get3A_1927 = arith.constant 1 : i32
        %get3A_1928 = arith.index_cast %get3A_1927 : i32 to index
        %get3A_1929 = arith.index_cast %add3A_1838 : i32 to index
        %get3A_1930 = arith.constant 112 : index
        %get3A_1931 = tpu.vector_load %arg9[%get3A_1928, %get3A_1929, %get3A_1930] {strides = array<i32>} : memref<3x128x128xf32, #tpu.memory_space<vmem>>, vector<16xf32>,
        %mul3A_1932 = arith.mulf %get3A_1926, %get3A_1931 : vector<16xf32>
        %add3A_1933 = arith.addf %add3A_1921, %mul3A_1932 : vector<16xf32>
        %swap3A_1934 = arith.constant 255 : index
        %swap3A_1935 = tpu.vector_load %arg11[%swap3A_1934] {strides = array<i32>} : memref<280xf32, #tpu.memory_space<vmem>>, vector<16xf32>,
        tpu.vector_store %arg11[%swap3A_1934], %add3A_1933 {strides = array<i32>} : memref<280xf32, #tpu.memory_space<vmem>>, vector<16xf32>,
        %add3A_1936 = arith.constant 0 : i32
        %add3A_1937 = vector.broadcast %add3A_1936 : i32 to vector<16xi32>
        %add3A_1938 = arith.addi %mul3A_5, %add3A_1937 : vector<16xi32>
        %gather3A = tpu.vector_load_idx %arg11[%add3A_1938] : memref<280xf32, #tpu.memory_space<vmem>>[vector<16xi32>], vector<16xf32>,
        %add3A_1939 = arith.constant 1 : i32
        %add3A_1940 = vector.broadcast %add3A_1939 : i32 to vector<16xi32>
        %add3A_1941 = arith.addi %mul3A_5, %add3A_1940 : vector<16xi32>
        %gather3A_1942 = tpu.vector_load_idx %arg11[%add3A_1941] : memref<280xf32, #tpu.memory_space<vmem>>[vector<16xi32>], vector<16xf32>,
        %add3A_1943 = arith.constant 2 : i32
        %add3A_1944 = vector.broadcast %add3A_1943 : i32 to vector<16xi32>
        %add3A_1945 = arith.addi %mul3A_5, %add3A_1944 : vector<16xi32>
        %gather3A_1946 = tpu.vector_load_idx %arg11[%add3A_1945] : memref<280xf32, #tpu.memory_space<vmem>>[vector<16xi32>], vector<16xf32>,
        %add3A_1947 = arith.constant 3 : i32
        %add3A_1948 = vector.broadcast %add3A_1947 : i32 to vector<16xi32>
        %add3A_1949 = arith.addi %mul3A_5, %add3A_1948 : vector<16xi32>
        %gather3A_1950 = tpu.vector_load_idx %arg11[%add3A_1949] : memref<280xf32, #tpu.memory_space<vmem>>[vector<16xi32>], vector<16xf32>,
        %add3A_1951 = arith.constant 4 : i32
        %add3A_1952 = vector.broadcast %add3A_1951 : i32 to vector<16xi32>
        %add3A_1953 = arith.addi %mul3A_5, %add3A_1952 : vector<16xi32>
        %gather3A_1954 = tpu.vector_load_idx %arg11[%add3A_1953] : memref<280xf32, #tpu.memory_space<vmem>>[vector<16xi32>], vector<16xf32>,
        %add3A_1955 = arith.constant 5 : i32
        %add3A_1956 = vector.broadcast %add3A_1955 : i32 to vector<16xi32>
        %add3A_1957 = arith.addi %mul3A_5, %add3A_1956 : vector<16xi32>
        %gather3A_1958 = tpu.vector_load_idx %arg11[%add3A_1957] : memref<280xf32, #tpu.memory_space<vmem>>[vector<16xi32>], vector<16xf32>,
        %add3A_1959 = arith.constant 6 : i32
        %add3A_1960 = vector.broadcast %add3A_1959 : i32 to vector<16xi32>
        %add3A_1961 = arith.addi %mul3A_5, %add3A_1960 : vector<16xi32>
        %gather3A_1962 = tpu.vector_load_idx %arg11[%add3A_1961] : memref<280xf32, #tpu.memory_space<vmem>>[vector<16xi32>], vector<16xf32>,
        %add3A_1963 = arith.constant 7 : i32
        %add3A_1964 = vector.broadcast %add3A_1963 : i32 to vector<16xi32>
        %add3A_1965 = arith.addi %mul3A_5, %add3A_1964 : vector<16xi32>
        %gather3A_1966 = tpu.vector_load_idx %arg11[%add3A_1965] : memref<280xf32, #tpu.memory_space<vmem>>[vector<16xi32>], vector<16xf32>,
        %add3A_1967 = arith.constant 8 : i32
        %add3A_1968 = vector.broadcast %add3A_1967 : i32 to vector<16xi32>
        %add3A_1969 = arith.addi %mul3A_5, %add3A_1968 : vector<16xi32>
        %gather3A_1970 = tpu.vector_load_idx %arg11[%add3A_1969] : memref<280xf32, #tpu.memory_space<vmem>>[vector<16xi32>], vector<16xf32>,
        %add3A_1971 = arith.constant 9 : i32
        %add3A_1972 = vector.broadcast %add3A_1971 : i32 to vector<16xi32>
        %add3A_1973 = arith.addi %mul3A_5, %add3A_1972 : vector<16xi32>
        %gather3A_1974 = tpu.vector_load_idx %arg11[%add3A_1973] : memref<280xf32, #tpu.memory_space<vmem>>[vector<16xi32>], vector<16xf32>,
        %add3A_1975 = arith.constant 10 : i32
        %add3A_1976 = vector.broadcast %add3A_1975 : i32 to vector<16xi32>
        %add3A_1977 = arith.addi %mul3A_5, %add3A_1976 : vector<16xi32>
        %gather3A_1978 = tpu.vector_load_idx %arg11[%add3A_1977] : memref<280xf32, #tpu.memory_space<vmem>>[vector<16xi32>], vector<16xf32>,
        %add3A_1979 = arith.constant 11 : i32
        %add3A_1980 = vector.broadcast %add3A_1979 : i32 to vector<16xi32>
        %add3A_1981 = arith.addi %mul3A_5, %add3A_1980 : vector<16xi32>
        %gather3A_1982 = tpu.vector_load_idx %arg11[%add3A_1981] : memref<280xf32, #tpu.memory_space<vmem>>[vector<16xi32>], vector<16xf32>,
        %add3A_1983 = arith.constant 12 : i32
        %add3A_1984 = vector.broadcast %add3A_1983 : i32 to vector<16xi32>
        %add3A_1985 = arith.addi %mul3A_5, %add3A_1984 : vector<16xi32>
        %gather3A_1986 = tpu.vector_load_idx %arg11[%add3A_1985] : memref<280xf32, #tpu.memory_space<vmem>>[vector<16xi32>], vector<16xf32>,
        %add3A_1987 = arith.constant 13 : i32
        %add3A_1988 = vector.broadcast %add3A_1987 : i32 to vector<16xi32>
        %add3A_1989 = arith.addi %mul3A_5, %add3A_1988 : vector<16xi32>
        %gather3A_1990 = tpu.vector_load_idx %arg11[%add3A_1989] : memref<280xf32, #tpu.memory_space<vmem>>[vector<16xi32>], vector<16xf32>,
        %add3A_1991 = arith.constant 14 : i32
        %add3A_1992 = vector.broadcast %add3A_1991 : i32 to vector<16xi32>
        %add3A_1993 = arith.addi %mul3A_5, %add3A_1992 : vector<16xi32>
        %gather3A_1994 = tpu.vector_load_idx %arg11[%add3A_1993] : memref<280xf32, #tpu.memory_space<vmem>>[vector<16xi32>], vector<16xf32>,
        %add3A_1995 = arith.constant 15 : i32
        %add3A_1996 = vector.broadcast %add3A_1995 : i32 to vector<16xi32>
        %add3A_1997 = arith.addi %mul3A_5, %add3A_1996 : vector<16xi32>
        %gather3A_1998 = tpu.vector_load_idx %arg11[%add3A_1997] : memref<280xf32, #tpu.memory_space<vmem>>[vector<16xi32>], vector<16xf32>,
        %add3A_1999 = arith.addf %gather3A, %gather3A_1942 : vector<16xf32>
        %add3A_2000 = arith.addf %gather3A_1946, %gather3A_1950 : vector<16xf32>
        %add3A_2001 = arith.addf %gather3A_1954, %gather3A_1958 : vector<16xf32>
        %add3A_2002 = arith.addf %gather3A_1962, %gather3A_1966 : vector<16xf32>
        %add3A_2003 = arith.addf %gather3A_1970, %gather3A_1974 : vector<16xf32>
        %add3A_2004 = arith.addf %gather3A_1978, %gather3A_1982 : vector<16xf32>
        %add3A_2005 = arith.addf %gather3A_1986, %gather3A_1990 : vector<16xf32>
        %add3A_2006 = arith.addf %gather3A_1994, %gather3A_1998 : vector<16xf32>
        %add3A_2007 = arith.addf %add3A_1999, %add3A_2000 : vector<16xf32>
        %add3A_2008 = arith.addf %add3A_2001, %add3A_2002 : vector<16xf32>
        %add3A_2009 = arith.addf %add3A_2003, %add3A_2004 : vector<16xf32>
        %add3A_2010 = arith.addf %add3A_2005, %add3A_2006 : vector<16xf32>
        %add3A_2011 = arith.addf %add3A_2007, %add3A_2008 : vector<16xf32>
        %add3A_2012 = arith.addf %add3A_2009, %add3A_2010 : vector<16xf32>
        %add3A_2013 = arith.addf %add3A_2011, %add3A_2012 : vector<16xf32>
        %neg3A = arith.constant 0.000000e+00 : f32
        %neg3A_2014 = vector.broadcast %neg3A : f32 to vector<16xf32>
        %neg3A_2015 = arith.subf %neg3A_2014, %add3A_2013 : vector<16xf32>
        %exp3A = math.exp %neg3A_2015 : vector<16xf32>
        %add3A_2016 = arith.constant 1.000000e+00 : f32
        %add3A_2017 = vector.broadcast %add3A_2016 : f32 to vector<16xf32>
        %add3A_2018 = arith.addf %add3A_2017, %exp3A : vector<16xf32>
        %div3A = arith.constant 1.000000e+00 : f32
        %div3A_2019 = vector.broadcast %div3A : f32 to vector<16xf32>
        %div3A_2020 = arith.divf %div3A_2019, %add3A_2018 : vector<16xf32>
        %mul3A_2021 = arith.constant 16 : i32
        %mul3A_2022 = arith.muli %scan3A_321, %mul3A_2021 : i32
        %add3A_2023 = arith.addi %multiple_of3A_246, %mul3A_2022 : i32
        %swap3A_2024 = arith.index_cast %add3A_2023 : i32 to index
        %swap3A_2025 = tpu.vector_load %arg10[%swap3A_2024] {strides = array<i32>} : memref<10000xf32, #tpu.memory_space<vmem>>, vector<16xf32>,
        tpu.vector_store %arg10[%swap3A_2024], %div3A_2020 {strides = array<i32>} : memref<10000xf32, #tpu.memory_space<vmem>>, vector<16xf32>,
      }
      %scan3A_252 = arith.constant 8 : i32
      %add3A_253 = arith.constant 4 : i32
      %add3A_254 = arith.addi %mul3A_118, %add3A_253 : i32
      %mul3A_255 = arith.constant 128 : i32
      %mul3A_256 = arith.muli %add3A_254, %mul3A_255 : i32
      %min3A_257 = arith.constant 9872 : i32
      %min3A_258 = arith.minsi %mul3A_256, %min3A_257 : i32
      %multiple_of3A_259 = tpu.assume_multiple %min3A_258, 8 : i32
      %dma_start3A_260 = arith.constant 1 : i32
      %dma_start3A_261 = arith.constant 0 : i32
      %dma_start3A_262 = arith.constant 0 : i32
      %dma_start3A_263 = tpu.memref_slice %arg8[%dma_start3A_260, %dma_start3A_261, %dma_start3A_262] : memref<3x128x128xf32, #tpu.memory_space<vmem>> -> memref<1x128x128xf32, #tpu.memory_space<vmem>>
      %dma_start3A_264 = tpu.memref_squeeze %dma_start3A_263 : memref<1x128x128xf32, #tpu.memory_space<vmem>> -> memref<128x128xf32, #tpu.memory_space<vmem>>
      %dma_start3A_265 = tpu.memref_slice %arg6[%multiple_of3A_259] : memref<10000xi32, #tpu.memory_space<vmem>> -> memref<128xi32, #tpu.memory_space<vmem>>
      %dma_start3A_266 = arith.constant 0 : i32
      %dma_start3A_267 = arith.constant 0 : i32
      %dma_start3A_268 = tpu.memref_slice %arg2[%dma_start3A_266, %dma_start3A_267] : memref<10000x128xf32, #tpu.memory_space<hbm>> -> memref<10000x128xf32, #tpu.memory_space<hbm>>
      tpu.enqueue_indirect_dma source(%dma_start3A_268 : memref<10000x128xf32, #tpu.memory_space<hbm>>) target(%dma_start3A_264 : memref<128x128xf32, #tpu.memory_space<vmem>>) offsets(%dma_start3A_265 : memref<128xi32, #tpu.memory_space<vmem>>) semaphore(%arg14 : memref<!tpu.dma_semaphore, #tpu.memory_space<semaphore_mem>>)
      %dma_start3A_269 = arith.constant 1 : i32
      %dma_start3A_270 = arith.constant 0 : i32
      %dma_start3A_271 = arith.constant 0 : i32
      %dma_start3A_272 = tpu.memref_slice %arg9[%dma_start3A_269, %dma_start3A_270, %dma_start3A_271] : memref<3x128x128xf32, #tpu.memory_space<vmem>> -> memref<1x128x128xf32, #tpu.memory_space<vmem>>
      %dma_start3A_273 = tpu.memref_squeeze %dma_start3A_272 : memref<1x128x128xf32, #tpu.memory_space<vmem>> -> memref<128x128xf32, #tpu.memory_space<vmem>>
      %dma_start3A_274 = tpu.memref_slice %arg7[%multiple_of3A_259] : memref<10000xi32, #tpu.memory_space<vmem>> -> memref<128xi32, #tpu.memory_space<vmem>>
      %dma_start3A_275 = arith.constant 0 : i32
      %dma_start3A_276 = arith.constant 0 : i32
      %dma_start3A_277 = tpu.memref_slice %arg2[%dma_start3A_275, %dma_start3A_276] : memref<10000x128xf32, #tpu.memory_space<hbm>> -> memref<10000x128xf32, #tpu.memory_space<hbm>>
      tpu.enqueue_indirect_dma source(%dma_start3A_277 : memref<10000x128xf32, #tpu.memory_space<hbm>>) target(%dma_start3A_273 : memref<128x128xf32, #tpu.memory_space<vmem>>) offsets(%dma_start3A_274 : memref<128xi32, #tpu.memory_space<vmem>>) semaphore(%arg15 : memref<!tpu.dma_semaphore, #tpu.memory_space<semaphore_mem>>)
      %dma_wait3A_278 = arith.constant 2 : i32
      %dma_wait3A_279 = arith.constant 0 : i32
      %dma_wait3A_280 = arith.constant 0 : i32
      %dma_wait3A_281 = tpu.memref_slice %arg8[%dma_wait3A_278, %dma_wait3A_279, %dma_wait3A_280] : memref<3x128x128xf32, #tpu.memory_space<vmem>> -> memref<1x128x128xf32, #tpu.memory_space<vmem>>
      %dma_wait3A_282 = tpu.memref_squeeze %dma_wait3A_281 : memref<1x128x128xf32, #tpu.memory_space<vmem>> -> memref<128x128xf32, #tpu.memory_space<vmem>>
      %dma_wait3A_283 = arith.constant 0 : i32
      %dma_wait3A_284 = arith.constant 0 : i32
      %dma_wait3A_285 = tpu.memref_slice %arg2[%dma_wait3A_283, %dma_wait3A_284] : memref<10000x128xf32, #tpu.memory_space<hbm>> -> memref<128x128xf32, #tpu.memory_space<hbm>>
      %dma_wait3A_286 = arith.constant 0 : i32
      %dma_wait3A_287 = arith.constant 0 : i32
      %dma_wait3A_288 = tpu.memref_slice %arg8[%dma_wait3A_278, %dma_wait3A_286, %dma_wait3A_287] : memref<3x128x128xf32, #tpu.memory_space<vmem>> -> memref<1x128x128xf32, #tpu.memory_space<vmem>>
      %dma_wait3A_289 = tpu.memref_squeeze %dma_wait3A_288 : memref<1x128x128xf32, #tpu.memory_space<vmem>> -> memref<128x128xf32, #tpu.memory_space<vmem>>
      %dma_wait3A_290 = arith.constant 0 : i32
      %dma_wait3A_291 = arith.constant 0 : i32
      %dma_wait3A_292 = tpu.memref_slice %arg2[%dma_wait3A_290, %dma_wait3A_291] : memref<10000x128xf32, #tpu.memory_space<hbm>> -> memref<128x128xf32, #tpu.memory_space<hbm>>
      tpu.wait_dma2 semaphore(%arg16 : memref<!tpu.dma_semaphore, #tpu.memory_space<semaphore_mem>>) src(%dma_wait3A_292 : memref<128x128xf32, #tpu.memory_space<hbm>>) dst(%dma_wait3A_289 : memref<128x128xf32, #tpu.memory_space<vmem>>)
      %dma_wait3A_293 = arith.constant 2 : i32
      %dma_wait3A_294 = arith.constant 0 : i32
      %dma_wait3A_295 = arith.constant 0 : i32
      %dma_wait3A_296 = tpu.memref_slice %arg9[%dma_wait3A_293, %dma_wait3A_294, %dma_wait3A_295] : memref<3x128x128xf32, #tpu.memory_space<vmem>> -> memref<1x128x128xf32, #tpu.memory_space<vmem>>
      %dma_wait3A_297 = tpu.memref_squeeze %dma_wait3A_296 : memref<1x128x128xf32, #tpu.memory_space<vmem>> -> memref<128x128xf32, #tpu.memory_space<vmem>>
      %dma_wait3A_298 = arith.constant 0 : i32
      %dma_wait3A_299 = arith.constant 0 : i32
      %dma_wait3A_300 = tpu.memref_slice %arg2[%dma_wait3A_298, %dma_wait3A_299] : memref<10000x128xf32, #tpu.memory_space<hbm>> -> memref<128x128xf32, #tpu.memory_space<hbm>>
      %dma_wait3A_301 = arith.constant 0 : i32
      %dma_wait3A_302 = arith.constant 0 : i32
      %dma_wait3A_303 = tpu.memref_slice %arg9[%dma_wait3A_293, %dma_wait3A_301, %dma_wait3A_302] : memref<3x128x128xf32, #tpu.memory_space<vmem>> -> memref<1x128x128xf32, #tpu.memory_space<vmem>>
      %dma_wait3A_304 = tpu.memref_squeeze %dma_wait3A_303 : memref<1x128x128xf32, #tpu.memory_space<vmem>> -> memref<128x128xf32, #tpu.memory_space<vmem>>
      %dma_wait3A_305 = arith.constant 0 : i32
      %dma_wait3A_306 = arith.constant 0 : i32
      %dma_wait3A_307 = tpu.memref_slice %arg2[%dma_wait3A_305, %dma_wait3A_306] : memref<10000x128xf32, #tpu.memory_space<hbm>> -> memref<128x128xf32, #tpu.memory_space<hbm>>
      tpu.wait_dma2 semaphore(%arg17 : memref<!tpu.dma_semaphore, #tpu.memory_space<semaphore_mem>>) src(%dma_wait3A_307 : memref<128x128xf32, #tpu.memory_space<hbm>>) dst(%dma_wait3A_304 : memref<128x128xf32, #tpu.memory_space<vmem>>)
      %add3A_308 = arith.constant 2 : i32
      %add3A_309 = arith.addi %mul3A_118, %add3A_308 : i32
      %mul3A_310 = arith.constant 128 : i32
      %mul3A_311 = arith.muli %add3A_309, %mul3A_310 : i32
      %min3A_312 = arith.constant 9872 : i32
      %min3A_313 = arith.minsi %mul3A_311, %min3A_312 : i32
      %multiple_of3A_314 = tpu.assume_multiple %min3A_313, 8 : i32
      %scan3A_315 = arith.constant 0 : i32
      %scan3A_316 = arith.constant 0 : i32
      %scan3A_317 = arith.constant 8 : i32
      %scan3A_318 = arith.addi %scan3A_316, %scan3A_317 : i32
      %scan3A_319 = arith.constant 1 : i32
      scf.for %scan3A_321 = %scan3A_316 to %scan3A_318 step %scan3A_319  : i32 {
        %mul3A_322 = arith.constant 16 : i32
        %mul3A_323 = arith.muli %scan3A_321, %mul3A_322 : i32
        %add3A_324 = arith.constant 0 : i32
        %add3A_325 = arith.addi %mul3A_323, %add3A_324 : i32
        %get3A = arith.constant 2 : i32
        %get3A_326 = arith.index_cast %get3A : i32 to index
        %get3A_327 = arith.index_cast %add3A_325 : i32 to index
        %get3A_328 = arith.constant 0 : index
        %get3A_329 = tpu.vector_load %arg8[%get3A_326, %get3A_327, %get3A_328] {strides = array<i32>} : memref<3x128x128xf32, #tpu.memory_space<vmem>>, vector<16xf32>,
        %get3A_330 = arith.constant 2 : i32
        %get3A_331 = arith.index_cast %get3A_330 : i32 to index
        %get3A_332 = arith.index_cast %add3A_325 : i32 to index
        %get3A_333 = arith.constant 0 : index
        %get3A_334 = tpu.vector_load %arg9[%get3A_331, %get3A_332, %get3A_333] {strides = array<i32>} : memref<3x128x128xf32, #tpu.memory_space<vmem>>, vector<16xf32>,
        %mul3A_335 = arith.mulf %get3A_329, %get3A_334 : vector<16xf32>
        %get3A_336 = arith.constant 2 : i32
        %get3A_337 = arith.index_cast %get3A_336 : i32 to index
        %get3A_338 = arith.index_cast %add3A_325 : i32 to index
        %get3A_339 = arith.constant 16 : index
        %get3A_340 = tpu.vector_load %arg8[%get3A_337, %get3A_338, %get3A_339] {strides = array<i32>} : memref<3x128x128xf32, #tpu.memory_space<vmem>>, vector<16xf32>,
        %get3A_341 = arith.constant 2 : i32
        %get3A_342 = arith.index_cast %get3A_341 : i32 to index
        %get3A_343 = arith.index_cast %add3A_325 : i32 to index
        %get3A_344 = arith.constant 16 : index
        %get3A_345 = tpu.vector_load %arg9[%get3A_342, %get3A_343, %get3A_344] {strides = array<i32>} : memref<3x128x128xf32, #tpu.memory_space<vmem>>, vector<16xf32>,
        %mul3A_346 = arith.mulf %get3A_340, %get3A_345 : vector<16xf32>
        %add3A_347 = arith.addf %mul3A_335, %mul3A_346 : vector<16xf32>
        %get3A_348 = arith.constant 2 : i32
        %get3A_349 = arith.index_cast %get3A_348 : i32 to index
        %get3A_350 = arith.index_cast %add3A_325 : i32 to index
        %get3A_351 = arith.constant 32 : index
        %get3A_352 = tpu.vector_load %arg8[%get3A_349, %get3A_350, %get3A_351] {strides = array<i32>} : memref<3x128x128xf32, #tpu.memory_space<vmem>>, vector<16xf32>,
        %get3A_353 = arith.constant 2 : i32
        %get3A_354 = arith.index_cast %get3A_353 : i32 to index
        %get3A_355 = arith.index_cast %add3A_325 : i32 to index
        %get3A_356 = arith.constant 32 : index
        %get3A_357 = tpu.vector_load %arg9[%get3A_354, %get3A_355, %get3A_356] {strides = array<i32>} : memref<3x128x128xf32, #tpu.memory_space<vmem>>, vector<16xf32>,
        %mul3A_358 = arith.mulf %get3A_352, %get3A_357 : vector<16xf32>
        %add3A_359 = arith.addf %add3A_347, %mul3A_358 : vector<16xf32>
        %get3A_360 = arith.constant 2 : i32
        %get3A_361 = arith.index_cast %get3A_360 : i32 to index
        %get3A_362 = arith.index_cast %add3A_325 : i32 to index
        %get3A_363 = arith.constant 48 : index
        %get3A_364 = tpu.vector_load %arg8[%get3A_361, %get3A_362, %get3A_363] {strides = array<i32>} : memref<3x128x128xf32, #tpu.memory_space<vmem>>, vector<16xf32>,
        %get3A_365 = arith.constant 2 : i32
        %get3A_366 = arith.index_cast %get3A_365 : i32 to index
        %get3A_367 = arith.index_cast %add3A_325 : i32 to index
        %get3A_368 = arith.constant 48 : index
        %get3A_369 = tpu.vector_load %arg9[%get3A_366, %get3A_367, %get3A_368] {strides = array<i32>} : memref<3x128x128xf32, #tpu.memory_space<vmem>>, vector<16xf32>,
        %mul3A_370 = arith.mulf %get3A_364, %get3A_369 : vector<16xf32>
        %add3A_371 = arith.addf %add3A_359, %mul3A_370 : vector<16xf32>
        %get3A_372 = arith.constant 2 : i32
        %get3A_373 = arith.index_cast %get3A_372 : i32 to index
        %get3A_374 = arith.index_cast %add3A_325 : i32 to index
        %get3A_375 = arith.constant 64 : index
        %get3A_376 = tpu.vector_load %arg8[%get3A_373, %get3A_374, %get3A_375] {strides = array<i32>} : memref<3x128x128xf32, #tpu.memory_space<vmem>>, vector<16xf32>,
        %get3A_377 = arith.constant 2 : i32
        %get3A_378 = arith.index_cast %get3A_377 : i32 to index
        %get3A_379 = arith.index_cast %add3A_325 : i32 to index
        %get3A_380 = arith.constant 64 : index
        %get3A_381 = tpu.vector_load %arg9[%get3A_378, %get3A_379, %get3A_380] {strides = array<i32>} : memref<3x128x128xf32, #tpu.memory_space<vmem>>, vector<16xf32>,
        %mul3A_382 = arith.mulf %get3A_376, %get3A_381 : vector<16xf32>
        %add3A_383 = arith.addf %add3A_371, %mul3A_382 : vector<16xf32>
        %get3A_384 = arith.constant 2 : i32
        %get3A_385 = arith.index_cast %get3A_384 : i32 to index
        %get3A_386 = arith.index_cast %add3A_325 : i32 to index
        %get3A_387 = arith.constant 80 : index
        %get3A_388 = tpu.vector_load %arg8[%get3A_385, %get3A_386, %get3A_387] {strides = array<i32>} : memref<3x128x128xf32, #tpu.memory_space<vmem>>, vector<16xf32>,
        %get3A_389 = arith.constant 2 : i32
        %get3A_390 = arith.index_cast %get3A_389 : i32 to index
        %get3A_391 = arith.index_cast %add3A_325 : i32 to index
        %get3A_392 = arith.constant 80 : index
        %get3A_393 = tpu.vector_load %arg9[%get3A_390, %get3A_391, %get3A_392] {strides = array<i32>} : memref<3x128x128xf32, #tpu.memory_space<vmem>>, vector<16xf32>,
        %mul3A_394 = arith.mulf %get3A_388, %get3A_393 : vector<16xf32>
        %add3A_395 = arith.addf %add3A_383, %mul3A_394 : vector<16xf32>
        %get3A_396 = arith.constant 2 : i32
        %get3A_397 = arith.index_cast %get3A_396 : i32 to index
        %get3A_398 = arith.index_cast %add3A_325 : i32 to index
        %get3A_399 = arith.constant 96 : index
        %get3A_400 = tpu.vector_load %arg8[%get3A_397, %get3A_398, %get3A_399] {strides = array<i32>} : memref<3x128x128xf32, #tpu.memory_space<vmem>>, vector<16xf32>,
        %get3A_401 = arith.constant 2 : i32
        %get3A_402 = arith.index_cast %get3A_401 : i32 to index
        %get3A_403 = arith.index_cast %add3A_325 : i32 to index
        %get3A_404 = arith.constant 96 : index
        %get3A_405 = tpu.vector_load %arg9[%get3A_402, %get3A_403, %get3A_404] {strides = array<i32>} : memref<3x128x128xf32, #tpu.memory_space<vmem>>, vector<16xf32>,
        %mul3A_406 = arith.mulf %get3A_400, %get3A_405 : vector<16xf32>
        %add3A_407 = arith.addf %add3A_395, %mul3A_406 : vector<16xf32>
        %get3A_408 = arith.constant 2 : i32
        %get3A_409 = arith.index_cast %get3A_408 : i32 to index
        %get3A_410 = arith.index_cast %add3A_325 : i32 to index
        %get3A_411 = arith.constant 112 : index
        %get3A_412 = tpu.vector_load %arg8[%get3A_409, %get3A_410, %get3A_411] {strides = array<i32>} : memref<3x128x128xf32, #tpu.memory_space<vmem>>, vector<16xf32>,
        %get3A_413 = arith.constant 2 : i32
        %get3A_414 = arith.index_cast %get3A_413 : i32 to index
        %get3A_415 = arith.index_cast %add3A_325 : i32 to index
        %get3A_416 = arith.constant 112 : index
        %get3A_417 = tpu.vector_load %arg9[%get3A_414, %get3A_415, %get3A_416] {strides = array<i32>} : memref<3x128x128xf32, #tpu.memory_space<vmem>>, vector<16xf32>,
        %mul3A_418 = arith.mulf %get3A_412, %get3A_417 : vector<16xf32>
        %add3A_419 = arith.addf %add3A_407, %mul3A_418 : vector<16xf32>
        %swap3A = arith.constant 0 : index
        %swap3A_420 = tpu.vector_load %arg11[%swap3A] {strides = array<i32>} : memref<280xf32, #tpu.memory_space<vmem>>, vector<16xf32>,
        tpu.vector_store %arg11[%swap3A], %add3A_419 {strides = array<i32>} : memref<280xf32, #tpu.memory_space<vmem>>, vector<16xf32>,
        %mul3A_421 = arith.constant 16 : i32
        %mul3A_422 = arith.muli %scan3A_321, %mul3A_421 : i32
        %add3A_423 = arith.constant 1 : i32
        %add3A_424 = arith.addi %mul3A_422, %add3A_423 : i32
        %get3A_425 = arith.constant 2 : i32
        %get3A_426 = arith.index_cast %get3A_425 : i32 to index
        %get3A_427 = arith.index_cast %add3A_424 : i32 to index
        %get3A_428 = arith.constant 0 : index
        %get3A_429 = tpu.vector_load %arg8[%get3A_426, %get3A_427, %get3A_428] {strides = array<i32>} : memref<3x128x128xf32, #tpu.memory_space<vmem>>, vector<16xf32>,
        %get3A_430 = arith.constant 2 : i32
        %get3A_431 = arith.index_cast %get3A_430 : i32 to index
        %get3A_432 = arith.index_cast %add3A_424 : i32 to index
        %get3A_433 = arith.constant 0 : index
        %get3A_434 = tpu.vector_load %arg9[%get3A_431, %get3A_432, %get3A_433] {strides = array<i32>} : memref<3x128x128xf32, #tpu.memory_space<vmem>>, vector<16xf32>,
        %mul3A_435 = arith.mulf %get3A_429, %get3A_434 : vector<16xf32>
        %get3A_436 = arith.constant 2 : i32
        %get3A_437 = arith.index_cast %get3A_436 : i32 to index
        %get3A_438 = arith.index_cast %add3A_424 : i32 to index
        %get3A_439 = arith.constant 16 : index
        %get3A_440 = tpu.vector_load %arg8[%get3A_437, %get3A_438, %get3A_439] {strides = array<i32>} : memref<3x128x128xf32, #tpu.memory_space<vmem>>, vector<16xf32>,
        %get3A_441 = arith.constant 2 : i32
        %get3A_442 = arith.index_cast %get3A_441 : i32 to index
        %get3A_443 = arith.index_cast %add3A_424 : i32 to index
        %get3A_444 = arith.constant 16 : index
        %get3A_445 = tpu.vector_load %arg9[%get3A_442, %get3A_443, %get3A_444] {strides = array<i32>} : memref<3x128x128xf32, #tpu.memory_space<vmem>>, vector<16xf32>,
        %mul3A_446 = arith.mulf %get3A_440, %get3A_445 : vector<16xf32>
        %add3A_447 = arith.addf %mul3A_435, %mul3A_446 : vector<16xf32>
        %get3A_448 = arith.constant 2 : i32
        %get3A_449 = arith.index_cast %get3A_448 : i32 to index
        %get3A_450 = arith.index_cast %add3A_424 : i32 to index
        %get3A_451 = arith.constant 32 : index
        %get3A_452 = tpu.vector_load %arg8[%get3A_449, %get3A_450, %get3A_451] {strides = array<i32>} : memref<3x128x128xf32, #tpu.memory_space<vmem>>, vector<16xf32>,
        %get3A_453 = arith.constant 2 : i32
        %get3A_454 = arith.index_cast %get3A_453 : i32 to index
        %get3A_455 = arith.index_cast %add3A_424 : i32 to index
        %get3A_456 = arith.constant 32 : index
        %get3A_457 = tpu.vector_load %arg9[%get3A_454, %get3A_455, %get3A_456] {strides = array<i32>} : memref<3x128x128xf32, #tpu.memory_space<vmem>>, vector<16xf32>,
        %mul3A_458 = arith.mulf %get3A_452, %get3A_457 : vector<16xf32>
        %add3A_459 = arith.addf %add3A_447, %mul3A_458 : vector<16xf32>
        %get3A_460 = arith.constant 2 : i32
        %get3A_461 = arith.index_cast %get3A_460 : i32 to index
        %get3A_462 = arith.index_cast %add3A_424 : i32 to index
        %get3A_463 = arith.constant 48 : index
        %get3A_464 = tpu.vector_load %arg8[%get3A_461, %get3A_462, %get3A_463] {strides = array<i32>} : memref<3x128x128xf32, #tpu.memory_space<vmem>>, vector<16xf32>,
        %get3A_465 = arith.constant 2 : i32
        %get3A_466 = arith.index_cast %get3A_465 : i32 to index
        %get3A_467 = arith.index_cast %add3A_424 : i32 to index
        %get3A_468 = arith.constant 48 : index
        %get3A_469 = tpu.vector_load %arg9[%get3A_466, %get3A_467, %get3A_468] {strides = array<i32>} : memref<3x128x128xf32, #tpu.memory_space<vmem>>, vector<16xf32>,
        %mul3A_470 = arith.mulf %get3A_464, %get3A_469 : vector<16xf32>
        %add3A_471 = arith.addf %add3A_459, %mul3A_470 : vector<16xf32>
        %get3A_472 = arith.constant 2 : i32
        %get3A_473 = arith.index_cast %get3A_472 : i32 to index
        %get3A_474 = arith.index_cast %add3A_424 : i32 to index
        %get3A_475 = arith.constant 64 : index
        %get3A_476 = tpu.vector_load %arg8[%get3A_473, %get3A_474, %get3A_475] {strides = array<i32>} : memref<3x128x128xf32, #tpu.memory_space<vmem>>, vector<16xf32>,
        %get3A_477 = arith.constant 2 : i32
        %get3A_478 = arith.index_cast %get3A_477 : i32 to index
        %get3A_479 = arith.index_cast %add3A_424 : i32 to index
        %get3A_480 = arith.constant 64 : index
        %get3A_481 = tpu.vector_load %arg9[%get3A_478, %get3A_479, %get3A_480] {strides = array<i32>} : memref<3x128x128xf32, #tpu.memory_space<vmem>>, vector<16xf32>,
        %mul3A_482 = arith.mulf %get3A_476, %get3A_481 : vector<16xf32>
        %add3A_483 = arith.addf %add3A_471, %mul3A_482 : vector<16xf32>
        %get3A_484 = arith.constant 2 : i32
        %get3A_485 = arith.index_cast %get3A_484 : i32 to index
        %get3A_486 = arith.index_cast %add3A_424 : i32 to index
        %get3A_487 = arith.constant 80 : index
        %get3A_488 = tpu.vector_load %arg8[%get3A_485, %get3A_486, %get3A_487] {strides = array<i32>} : memref<3x128x128xf32, #tpu.memory_space<vmem>>, vector<16xf32>,
        %get3A_489 = arith.constant 2 : i32
        %get3A_490 = arith.index_cast %get3A_489 : i32 to index
        %get3A_491 = arith.index_cast %add3A_424 : i32 to index
        %get3A_492 = arith.constant 80 : index
        %get3A_493 = tpu.vector_load %arg9[%get3A_490, %get3A_491, %get3A_492] {strides = array<i32>} : memref<3x128x128xf32, #tpu.memory_space<vmem>>, vector<16xf32>,
        %mul3A_494 = arith.mulf %get3A_488, %get3A_493 : vector<16xf32>
        %add3A_495 = arith.addf %add3A_483, %mul3A_494 : vector<16xf32>
        %get3A_496 = arith.constant 2 : i32
        %get3A_497 = arith.index_cast %get3A_496 : i32 to index
        %get3A_498 = arith.index_cast %add3A_424 : i32 to index
        %get3A_499 = arith.constant 96 : index
        %get3A_500 = tpu.vector_load %arg8[%get3A_497, %get3A_498, %get3A_499] {strides = array<i32>} : memref<3x128x128xf32, #tpu.memory_space<vmem>>, vector<16xf32>,
        %get3A_501 = arith.constant 2 : i32
        %get3A_502 = arith.index_cast %get3A_501 : i32 to index
        %get3A_503 = arith.index_cast %add3A_424 : i32 to index
        %get3A_504 = arith.constant 96 : index
        %get3A_505 = tpu.vector_load %arg9[%get3A_502, %get3A_503, %get3A_504] {strides = array<i32>} : memref<3x128x128xf32, #tpu.memory_space<vmem>>, vector<16xf32>,
        %mul3A_506 = arith.mulf %get3A_500, %get3A_505 : vector<16xf32>
        %add3A_507 = arith.addf %add3A_495, %mul3A_506 : vector<16xf32>
        %get3A_508 = arith.constant 2 : i32
        %get3A_509 = arith.index_cast %get3A_508 : i32 to index
        %get3A_510 = arith.index_cast %add3A_424 : i32 to index
        %get3A_511 = arith.constant 112 : index
        %get3A_512 = tpu.vector_load %arg8[%get3A_509, %get3A_510, %get3A_511] {strides = array<i32>} : memref<3x128x128xf32, #tpu.memory_space<vmem>>, vector<16xf32>,
        %get3A_513 = arith.constant 2 : i32
        %get3A_514 = arith.index_cast %get3A_513 : i32 to index
        %get3A_515 = arith.index_cast %add3A_424 : i32 to index
        %get3A_516 = arith.constant 112 : index
        %get3A_517 = tpu.vector_load %arg9[%get3A_514, %get3A_515, %get3A_516] {strides = array<i32>} : memref<3x128x128xf32, #tpu.memory_space<vmem>>, vector<16xf32>,
        %mul3A_518 = arith.mulf %get3A_512, %get3A_517 : vector<16xf32>
        %add3A_519 = arith.addf %add3A_507, %mul3A_518 : vector<16xf32>
        %swap3A_520 = arith.constant 17 : index
        %swap3A_521 = tpu.vector_load %arg11[%swap3A_520] {strides = array<i32>} : memref<280xf32, #tpu.memory_space<vmem>>, vector<16xf32>,
        tpu.vector_store %arg11[%swap3A_520], %add3A_519 {strides = array<i32>} : memref<280xf32, #tpu.memory_space<vmem>>, vector<16xf32>,
        %mul3A_522 = arith.constant 16 : i32
        %mul3A_523 = arith.muli %scan3A_321, %mul3A_522 : i32
        %add3A_524 = arith.constant 2 : i32
        %add3A_525 = arith.addi %mul3A_523, %add3A_524 : i32
        %get3A_526 = arith.constant 2 : i32
        %get3A_527 = arith.index_cast %get3A_526 : i32 to index
        %get3A_528 = arith.index_cast %add3A_525 : i32 to index
        %get3A_529 = arith.constant 0 : index
        %get3A_530 = tpu.vector_load %arg8[%get3A_527, %get3A_528, %get3A_529] {strides = array<i32>} : memref<3x128x128xf32, #tpu.memory_space<vmem>>, vector<16xf32>,
        %get3A_531 = arith.constant 2 : i32
        %get3A_532 = arith.index_cast %get3A_531 : i32 to index
        %get3A_533 = arith.index_cast %add3A_525 : i32 to index
        %get3A_534 = arith.constant 0 : index
        %get3A_535 = tpu.vector_load %arg9[%get3A_532, %get3A_533, %get3A_534] {strides = array<i32>} : memref<3x128x128xf32, #tpu.memory_space<vmem>>, vector<16xf32>,
        %mul3A_536 = arith.mulf %get3A_530, %get3A_535 : vector<16xf32>
        %get3A_537 = arith.constant 2 : i32
        %get3A_538 = arith.index_cast %get3A_537 : i32 to index
        %get3A_539 = arith.index_cast %add3A_525 : i32 to index
        %get3A_540 = arith.constant 16 : index
        %get3A_541 = tpu.vector_load %arg8[%get3A_538, %get3A_539, %get3A_540] {strides = array<i32>} : memref<3x128x128xf32, #tpu.memory_space<vmem>>, vector<16xf32>,
        %get3A_542 = arith.constant 2 : i32
        %get3A_543 = arith.index_cast %get3A_542 : i32 to index
        %get3A_544 = arith.index_cast %add3A_525 : i32 to index
        %get3A_545 = arith.constant 16 : index
        %get3A_546 = tpu.vector_load %arg9[%get3A_543, %get3A_544, %get3A_545] {strides = array<i32>} : memref<3x128x128xf32, #tpu.memory_space<vmem>>, vector<16xf32>,
        %mul3A_547 = arith.mulf %get3A_541, %get3A_546 : vector<16xf32>
        %add3A_548 = arith.addf %mul3A_536, %mul3A_547 : vector<16xf32>
        %get3A_549 = arith.constant 2 : i32
        %get3A_550 = arith.index_cast %get3A_549 : i32 to index
        %get3A_551 = arith.index_cast %add3A_525 : i32 to index
        %get3A_552 = arith.constant 32 : index
        %get3A_553 = tpu.vector_load %arg8[%get3A_550, %get3A_551, %get3A_552] {strides = array<i32>} : memref<3x128x128xf32, #tpu.memory_space<vmem>>, vector<16xf32>,
        %get3A_554 = arith.constant 2 : i32
        %get3A_555 = arith.index_cast %get3A_554 : i32 to index
        %get3A_556 = arith.index_cast %add3A_525 : i32 to index
        %get3A_557 = arith.constant 32 : index
        %get3A_558 = tpu.vector_load %arg9[%get3A_555, %get3A_556, %get3A_557] {strides = array<i32>} : memref<3x128x128xf32, #tpu.memory_space<vmem>>, vector<16xf32>,
        %mul3A_559 = arith.mulf %get3A_553, %get3A_558 : vector<16xf32>
        %add3A_560 = arith.addf %add3A_548, %mul3A_559 : vector<16xf32>
        %get3A_561 = arith.constant 2 : i32
        %get3A_562 = arith.index_cast %get3A_561 : i32 to index
        %get3A_563 = arith.index_cast %add3A_525 : i32 to index
        %get3A_564 = arith.constant 48 : index
        %get3A_565 = tpu.vector_load %arg8[%get3A_562, %get3A_563, %get3A_564] {strides = array<i32>} : memref<3x128x128xf32, #tpu.memory_space<vmem>>, vector<16xf32>,
        %get3A_566 = arith.constant 2 : i32
        %get3A_567 = arith.index_cast %get3A_566 : i32 to index
        %get3A_568 = arith.index_cast %add3A_525 : i32 to index
        %get3A_569 = arith.constant 48 : index
        %get3A_570 = tpu.vector_load %arg9[%get3A_567, %get3A_568, %get3A_569] {strides = array<i32>} : memref<3x128x128xf32, #tpu.memory_space<vmem>>, vector<16xf32>,
        %mul3A_571 = arith.mulf %get3A_565, %get3A_570 : vector<16xf32>
        %add3A_572 = arith.addf %add3A_560, %mul3A_571 : vector<16xf32>
        %get3A_573 = arith.constant 2 : i32
        %get3A_574 = arith.index_cast %get3A_573 : i32 to index
        %get3A_575 = arith.index_cast %add3A_525 : i32 to index
        %get3A_576 = arith.constant 64 : index
        %get3A_577 = tpu.vector_load %arg8[%get3A_574, %get3A_575, %get3A_576] {strides = array<i32>} : memref<3x128x128xf32, #tpu.memory_space<vmem>>, vector<16xf32>,
        %get3A_578 = arith.constant 2 : i32
        %get3A_579 = arith.index_cast %get3A_578 : i32 to index
        %get3A_580 = arith.index_cast %add3A_525 : i32 to index
        %get3A_581 = arith.constant 64 : index
        %get3A_582 = tpu.vector_load %arg9[%get3A_579, %get3A_580, %get3A_581] {strides = array<i32>} : memref<3x128x128xf32, #tpu.memory_space<vmem>>, vector<16xf32>,
        %mul3A_583 = arith.mulf %get3A_577, %get3A_582 : vector<16xf32>
        %add3A_584 = arith.addf %add3A_572, %mul3A_583 : vector<16xf32>
        %get3A_585 = arith.constant 2 : i32
        %get3A_586 = arith.index_cast %get3A_585 : i32 to index
        %get3A_587 = arith.index_cast %add3A_525 : i32 to index
        %get3A_588 = arith.constant 80 : index
        %get3A_589 = tpu.vector_load %arg8[%get3A_586, %get3A_587, %get3A_588] {strides = array<i32>} : memref<3x128x128xf32, #tpu.memory_space<vmem>>, vector<16xf32>,
        %get3A_590 = arith.constant 2 : i32
        %get3A_591 = arith.index_cast %get3A_590 : i32 to index
        %get3A_592 = arith.index_cast %add3A_525 : i32 to index
        %get3A_593 = arith.constant 80 : index
        %get3A_594 = tpu.vector_load %arg9[%get3A_591, %get3A_592, %get3A_593] {strides = array<i32>} : memref<3x128x128xf32, #tpu.memory_space<vmem>>, vector<16xf32>,
        %mul3A_595 = arith.mulf %get3A_589, %get3A_594 : vector<16xf32>
        %add3A_596 = arith.addf %add3A_584, %mul3A_595 : vector<16xf32>
        %get3A_597 = arith.constant 2 : i32
        %get3A_598 = arith.index_cast %get3A_597 : i32 to index
        %get3A_599 = arith.index_cast %add3A_525 : i32 to index
        %get3A_600 = arith.constant 96 : index
        %get3A_601 = tpu.vector_load %arg8[%get3A_598, %get3A_599, %get3A_600] {strides = array<i32>} : memref<3x128x128xf32, #tpu.memory_space<vmem>>, vector<16xf32>,
        %get3A_602 = arith.constant 2 : i32
        %get3A_603 = arith.index_cast %get3A_602 : i32 to index
        %get3A_604 = arith.index_cast %add3A_525 : i32 to index
        %get3A_605 = arith.constant 96 : index
        %get3A_606 = tpu.vector_load %arg9[%get3A_603, %get3A_604, %get3A_605] {strides = array<i32>} : memref<3x128x128xf32, #tpu.memory_space<vmem>>, vector<16xf32>,
        %mul3A_607 = arith.mulf %get3A_601, %get3A_606 : vector<16xf32>
        %add3A_608 = arith.addf %add3A_596, %mul3A_607 : vector<16xf32>
        %get3A_609 = arith.constant 2 : i32
        %get3A_610 = arith.index_cast %get3A_609 : i32 to index
        %get3A_611 = arith.index_cast %add3A_525 : i32 to index
        %get3A_612 = arith.constant 112 : index
        %get3A_613 = tpu.vector_load %arg8[%get3A_610, %get3A_611, %get3A_612] {strides = array<i32>} : memref<3x128x128xf32, #tpu.memory_space<vmem>>, vector<16xf32>,
        %get3A_614 = arith.constant 2 : i32
        %get3A_615 = arith.index_cast %get3A_614 : i32 to index
        %get3A_616 = arith.index_cast %add3A_525 : i32 to index
        %get3A_617 = arith.constant 112 : index
        %get3A_618 = tpu.vector_load %arg9[%get3A_615, %get3A_616, %get3A_617] {strides = array<i32>} : memref<3x128x128xf32, #tpu.memory_space<vmem>>, vector<16xf32>,
        %mul3A_619 = arith.mulf %get3A_613, %get3A_618 : vector<16xf32>
        %add3A_620 = arith.addf %add3A_608, %mul3A_619 : vector<16xf32>
        %swap3A_621 = arith.constant 34 : index
        %swap3A_622 = tpu.vector_load %arg11[%swap3A_621] {strides = array<i32>} : memref<280xf32, #tpu.memory_space<vmem>>, vector<16xf32>,
        tpu.vector_store %arg11[%swap3A_621], %add3A_620 {strides = array<i32>} : memref<280xf32, #tpu.memory_space<vmem>>, vector<16xf32>,
        %mul3A_623 = arith.constant 16 : i32
        %mul3A_624 = arith.muli %scan3A_321, %mul3A_623 : i32
        %add3A_625 = arith.constant 3 : i32
        %add3A_626 = arith.addi %mul3A_624, %add3A_625 : i32
        %get3A_627 = arith.constant 2 : i32
        %get3A_628 = arith.index_cast %get3A_627 : i32 to index
        %get3A_629 = arith.index_cast %add3A_626 : i32 to index
        %get3A_630 = arith.constant 0 : index
        %get3A_631 = tpu.vector_load %arg8[%get3A_628, %get3A_629, %get3A_630] {strides = array<i32>} : memref<3x128x128xf32, #tpu.memory_space<vmem>>, vector<16xf32>,
        %get3A_632 = arith.constant 2 : i32
        %get3A_633 = arith.index_cast %get3A_632 : i32 to index
        %get3A_634 = arith.index_cast %add3A_626 : i32 to index
        %get3A_635 = arith.constant 0 : index
        %get3A_636 = tpu.vector_load %arg9[%get3A_633, %get3A_634, %get3A_635] {strides = array<i32>} : memref<3x128x128xf32, #tpu.memory_space<vmem>>, vector<16xf32>,
        %mul3A_637 = arith.mulf %get3A_631, %get3A_636 : vector<16xf32>
        %get3A_638 = arith.constant 2 : i32
        %get3A_639 = arith.index_cast %get3A_638 : i32 to index
        %get3A_640 = arith.index_cast %add3A_626 : i32 to index
        %get3A_641 = arith.constant 16 : index
        %get3A_642 = tpu.vector_load %arg8[%get3A_639, %get3A_640, %get3A_641] {strides = array<i32>} : memref<3x128x128xf32, #tpu.memory_space<vmem>>, vector<16xf32>,
        %get3A_643 = arith.constant 2 : i32
        %get3A_644 = arith.index_cast %get3A_643 : i32 to index
        %get3A_645 = arith.index_cast %add3A_626 : i32 to index
        %get3A_646 = arith.constant 16 : index
        %get3A_647 = tpu.vector_load %arg9[%get3A_644, %get3A_645, %get3A_646] {strides = array<i32>} : memref<3x128x128xf32, #tpu.memory_space<vmem>>, vector<16xf32>,
        %mul3A_648 = arith.mulf %get3A_642, %get3A_647 : vector<16xf32>
        %add3A_649 = arith.addf %mul3A_637, %mul3A_648 : vector<16xf32>
        %get3A_650 = arith.constant 2 : i32
        %get3A_651 = arith.index_cast %get3A_650 : i32 to index
        %get3A_652 = arith.index_cast %add3A_626 : i32 to index
        %get3A_653 = arith.constant 32 : index
        %get3A_654 = tpu.vector_load %arg8[%get3A_651, %get3A_652, %get3A_653] {strides = array<i32>} : memref<3x128x128xf32, #tpu.memory_space<vmem>>, vector<16xf32>,
        %get3A_655 = arith.constant 2 : i32
        %get3A_656 = arith.index_cast %get3A_655 : i32 to index
        %get3A_657 = arith.index_cast %add3A_626 : i32 to index
        %get3A_658 = arith.constant 32 : index
        %get3A_659 = tpu.vector_load %arg9[%get3A_656, %get3A_657, %get3A_658] {strides = array<i32>} : memref<3x128x128xf32, #tpu.memory_space<vmem>>, vector<16xf32>,
        %mul3A_660 = arith.mulf %get3A_654, %get3A_659 : vector<16xf32>
        %add3A_661 = arith.addf %add3A_649, %mul3A_660 : vector<16xf32>
        %get3A_662 = arith.constant 2 : i32
        %get3A_663 = arith.index_cast %get3A_662 : i32 to index
        %get3A_664 = arith.index_cast %add3A_626 : i32 to index
        %get3A_665 = arith.constant 48 : index
        %get3A_666 = tpu.vector_load %arg8[%get3A_663, %get3A_664, %get3A_665] {strides = array<i32>} : memref<3x128x128xf32, #tpu.memory_space<vmem>>, vector<16xf32>,
        %get3A_667 = arith.constant 2 : i32
        %get3A_668 = arith.index_cast %get3A_667 : i32 to index
        %get3A_669 = arith.index_cast %add3A_626 : i32 to index
        %get3A_670 = arith.constant 48 : index
        %get3A_671 = tpu.vector_load %arg9[%get3A_668, %get3A_669, %get3A_670] {strides = array<i32>} : memref<3x128x128xf32, #tpu.memory_space<vmem>>, vector<16xf32>,
        %mul3A_672 = arith.mulf %get3A_666, %get3A_671 : vector<16xf32>
        %add3A_673 = arith.addf %add3A_661, %mul3A_672 : vector<16xf32>
        %get3A_674 = arith.constant 2 : i32
        %get3A_675 = arith.index_cast %get3A_674 : i32 to index
        %get3A_676 = arith.index_cast %add3A_626 : i32 to index
        %get3A_677 = arith.constant 64 : index
        %get3A_678 = tpu.vector_load %arg8[%get3A_675, %get3A_676, %get3A_677] {strides = array<i32>} : memref<3x128x128xf32, #tpu.memory_space<vmem>>, vector<16xf32>,
        %get3A_679 = arith.constant 2 : i32
        %get3A_680 = arith.index_cast %get3A_679 : i32 to index
        %get3A_681 = arith.index_cast %add3A_626 : i32 to index
        %get3A_682 = arith.constant 64 : index
        %get3A_683 = tpu.vector_load %arg9[%get3A_680, %get3A_681, %get3A_682] {strides = array<i32>} : memref<3x128x128xf32, #tpu.memory_space<vmem>>, vector<16xf32>,
        %mul3A_684 = arith.mulf %get3A_678, %get3A_683 : vector<16xf32>
        %add3A_685 = arith.addf %add3A_673, %mul3A_684 : vector<16xf32>
        %get3A_686 = arith.constant 2 : i32
        %get3A_687 = arith.index_cast %get3A_686 : i32 to index
        %get3A_688 = arith.index_cast %add3A_626 : i32 to index
        %get3A_689 = arith.constant 80 : index
        %get3A_690 = tpu.vector_load %arg8[%get3A_687, %get3A_688, %get3A_689] {strides = array<i32>} : memref<3x128x128xf32, #tpu.memory_space<vmem>>, vector<16xf32>,
        %get3A_691 = arith.constant 2 : i32
        %get3A_692 = arith.index_cast %get3A_691 : i32 to index
        %get3A_693 = arith.index_cast %add3A_626 : i32 to index
        %get3A_694 = arith.constant 80 : index
        %get3A_695 = tpu.vector_load %arg9[%get3A_692, %get3A_693, %get3A_694] {strides = array<i32>} : memref<3x128x128xf32, #tpu.memory_space<vmem>>, vector<16xf32>,
        %mul3A_696 = arith.mulf %get3A_690, %get3A_695 : vector<16xf32>
        %add3A_697 = arith.addf %add3A_685, %mul3A_696 : vector<16xf32>
        %get3A_698 = arith.constant 2 : i32
        %get3A_699 = arith.index_cast %get3A_698 : i32 to index
        %get3A_700 = arith.index_cast %add3A_626 : i32 to index
        %get3A_701 = arith.constant 96 : index
        %get3A_702 = tpu.vector_load %arg8[%get3A_699, %get3A_700, %get3A_701] {strides = array<i32>} : memref<3x128x128xf32, #tpu.memory_space<vmem>>, vector<16xf32>,
        %get3A_703 = arith.constant 2 : i32
        %get3A_704 = arith.index_cast %get3A_703 : i32 to index
        %get3A_705 = arith.index_cast %add3A_626 : i32 to index
        %get3A_706 = arith.constant 96 : index
        %get3A_707 = tpu.vector_load %arg9[%get3A_704, %get3A_705, %get3A_706] {strides = array<i32>} : memref<3x128x128xf32, #tpu.memory_space<vmem>>, vector<16xf32>,
        %mul3A_708 = arith.mulf %get3A_702, %get3A_707 : vector<16xf32>
        %add3A_709 = arith.addf %add3A_697, %mul3A_708 : vector<16xf32>
        %get3A_710 = arith.constant 2 : i32
        %get3A_711 = arith.index_cast %get3A_710 : i32 to index
        %get3A_712 = arith.index_cast %add3A_626 : i32 to index
        %get3A_713 = arith.constant 112 : index
        %get3A_714 = tpu.vector_load %arg8[%get3A_711, %get3A_712, %get3A_713] {strides = array<i32>} : memref<3x128x128xf32, #tpu.memory_space<vmem>>, vector<16xf32>,
        %get3A_715 = arith.constant 2 : i32
        %get3A_716 = arith.index_cast %get3A_715 : i32 to index
        %get3A_717 = arith.index_cast %add3A_626 : i32 to index
        %get3A_718 = arith.constant 112 : index
        %get3A_719 = tpu.vector_load %arg9[%get3A_716, %get3A_717, %get3A_718] {strides = array<i32>} : memref<3x128x128xf32, #tpu.memory_space<vmem>>, vector<16xf32>,
        %mul3A_720 = arith.mulf %get3A_714, %get3A_719 : vector<16xf32>
        %add3A_721 = arith.addf %add3A_709, %mul3A_720 : vector<16xf32>
        %swap3A_722 = arith.constant 51 : index
        %swap3A_723 = tpu.vector_load %arg11[%swap3A_722] {strides = array<i32>} : memref<280xf32, #tpu.memory_space<vmem>>, vector<16xf32>,
        tpu.vector_store %arg11[%swap3A_722], %add3A_721 {strides = array<i32>} : memref<280xf32, #tpu.memory_space<vmem>>, vector<16xf32>,
        %mul3A_724 = arith.constant 16 : i32
        %mul3A_725 = arith.muli %scan3A_321, %mul3A_724 : i32
        %add3A_726 = arith.constant 4 : i32
        %add3A_727 = arith.addi %mul3A_725, %add3A_726 : i32
        %get3A_728 = arith.constant 2 : i32
        %get3A_729 = arith.index_cast %get3A_728 : i32 to index
        %get3A_730 = arith.index_cast %add3A_727 : i32 to index
        %get3A_731 = arith.constant 0 : index
        %get3A_732 = tpu.vector_load %arg8[%get3A_729, %get3A_730, %get3A_731] {strides = array<i32>} : memref<3x128x128xf32, #tpu.memory_space<vmem>>, vector<16xf32>,
        %get3A_733 = arith.constant 2 : i32
        %get3A_734 = arith.index_cast %get3A_733 : i32 to index
        %get3A_735 = arith.index_cast %add3A_727 : i32 to index
        %get3A_736 = arith.constant 0 : index
        %get3A_737 = tpu.vector_load %arg9[%get3A_734, %get3A_735, %get3A_736] {strides = array<i32>} : memref<3x128x128xf32, #tpu.memory_space<vmem>>, vector<16xf32>,
        %mul3A_738 = arith.mulf %get3A_732, %get3A_737 : vector<16xf32>
        %get3A_739 = arith.constant 2 : i32
        %get3A_740 = arith.index_cast %get3A_739 : i32 to index
        %get3A_741 = arith.index_cast %add3A_727 : i32 to index
        %get3A_742 = arith.constant 16 : index
        %get3A_743 = tpu.vector_load %arg8[%get3A_740, %get3A_741, %get3A_742] {strides = array<i32>} : memref<3x128x128xf32, #tpu.memory_space<vmem>>, vector<16xf32>,
        %get3A_744 = arith.constant 2 : i32
        %get3A_745 = arith.index_cast %get3A_744 : i32 to index
        %get3A_746 = arith.index_cast %add3A_727 : i32 to index
        %get3A_747 = arith.constant 16 : index
        %get3A_748 = tpu.vector_load %arg9[%get3A_745, %get3A_746, %get3A_747] {strides = array<i32>} : memref<3x128x128xf32, #tpu.memory_space<vmem>>, vector<16xf32>,
        %mul3A_749 = arith.mulf %get3A_743, %get3A_748 : vector<16xf32>
        %add3A_750 = arith.addf %mul3A_738, %mul3A_749 : vector<16xf32>
        %get3A_751 = arith.constant 2 : i32
        %get3A_752 = arith.index_cast %get3A_751 : i32 to index
        %get3A_753 = arith.index_cast %add3A_727 : i32 to index
        %get3A_754 = arith.constant 32 : index
        %get3A_755 = tpu.vector_load %arg8[%get3A_752, %get3A_753, %get3A_754] {strides = array<i32>} : memref<3x128x128xf32, #tpu.memory_space<vmem>>, vector<16xf32>,
        %get3A_756 = arith.constant 2 : i32
        %get3A_757 = arith.index_cast %get3A_756 : i32 to index
        %get3A_758 = arith.index_cast %add3A_727 : i32 to index
        %get3A_759 = arith.constant 32 : index
        %get3A_760 = tpu.vector_load %arg9[%get3A_757, %get3A_758, %get3A_759] {strides = array<i32>} : memref<3x128x128xf32, #tpu.memory_space<vmem>>, vector<16xf32>,
        %mul3A_761 = arith.mulf %get3A_755, %get3A_760 : vector<16xf32>
        %add3A_762 = arith.addf %add3A_750, %mul3A_761 : vector<16xf32>
        %get3A_763 = arith.constant 2 : i32
        %get3A_764 = arith.index_cast %get3A_763 : i32 to index
        %get3A_765 = arith.index_cast %add3A_727 : i32 to index
        %get3A_766 = arith.constant 48 : index
        %get3A_767 = tpu.vector_load %arg8[%get3A_764, %get3A_765, %get3A_766] {strides = array<i32>} : memref<3x128x128xf32, #tpu.memory_space<vmem>>, vector<16xf32>,
        %get3A_768 = arith.constant 2 : i32
        %get3A_769 = arith.index_cast %get3A_768 : i32 to index
        %get3A_770 = arith.index_cast %add3A_727 : i32 to index
        %get3A_771 = arith.constant 48 : index
        %get3A_772 = tpu.vector_load %arg9[%get3A_769, %get3A_770, %get3A_771] {strides = array<i32>} : memref<3x128x128xf32, #tpu.memory_space<vmem>>, vector<16xf32>,
        %mul3A_773 = arith.mulf %get3A_767, %get3A_772 : vector<16xf32>
        %add3A_774 = arith.addf %add3A_762, %mul3A_773 : vector<16xf32>
        %get3A_775 = arith.constant 2 : i32
        %get3A_776 = arith.index_cast %get3A_775 : i32 to index
        %get3A_777 = arith.index_cast %add3A_727 : i32 to index
        %get3A_778 = arith.constant 64 : index
        %get3A_779 = tpu.vector_load %arg8[%get3A_776, %get3A_777, %get3A_778] {strides = array<i32>} : memref<3x128x128xf32, #tpu.memory_space<vmem>>, vector<16xf32>,
        %get3A_780 = arith.constant 2 : i32
        %get3A_781 = arith.index_cast %get3A_780 : i32 to index
        %get3A_782 = arith.index_cast %add3A_727 : i32 to index
        %get3A_783 = arith.constant 64 : index
        %get3A_784 = tpu.vector_load %arg9[%get3A_781, %get3A_782, %get3A_783] {strides = array<i32>} : memref<3x128x128xf32, #tpu.memory_space<vmem>>, vector<16xf32>,
        %mul3A_785 = arith.mulf %get3A_779, %get3A_784 : vector<16xf32>
        %add3A_786 = arith.addf %add3A_774, %mul3A_785 : vector<16xf32>
        %get3A_787 = arith.constant 2 : i32
        %get3A_788 = arith.index_cast %get3A_787 : i32 to index
        %get3A_789 = arith.index_cast %add3A_727 : i32 to index
        %get3A_790 = arith.constant 80 : index
        %get3A_791 = tpu.vector_load %arg8[%get3A_788, %get3A_789, %get3A_790] {strides = array<i32>} : memref<3x128x128xf32, #tpu.memory_space<vmem>>, vector<16xf32>,
        %get3A_792 = arith.constant 2 : i32
        %get3A_793 = arith.index_cast %get3A_792 : i32 to index
        %get3A_794 = arith.index_cast %add3A_727 : i32 to index
        %get3A_795 = arith.constant 80 : index
        %get3A_796 = tpu.vector_load %arg9[%get3A_793, %get3A_794, %get3A_795] {strides = array<i32>} : memref<3x128x128xf32, #tpu.memory_space<vmem>>, vector<16xf32>,
        %mul3A_797 = arith.mulf %get3A_791, %get3A_796 : vector<16xf32>
        %add3A_798 = arith.addf %add3A_786, %mul3A_797 : vector<16xf32>
        %get3A_799 = arith.constant 2 : i32
        %get3A_800 = arith.index_cast %get3A_799 : i32 to index
        %get3A_801 = arith.index_cast %add3A_727 : i32 to index
        %get3A_802 = arith.constant 96 : index
        %get3A_803 = tpu.vector_load %arg8[%get3A_800, %get3A_801, %get3A_802] {strides = array<i32>} : memref<3x128x128xf32, #tpu.memory_space<vmem>>, vector<16xf32>,
        %get3A_804 = arith.constant 2 : i32
        %get3A_805 = arith.index_cast %get3A_804 : i32 to index
        %get3A_806 = arith.index_cast %add3A_727 : i32 to index
        %get3A_807 = arith.constant 96 : index
        %get3A_808 = tpu.vector_load %arg9[%get3A_805, %get3A_806, %get3A_807] {strides = array<i32>} : memref<3x128x128xf32, #tpu.memory_space<vmem>>, vector<16xf32>,
        %mul3A_809 = arith.mulf %get3A_803, %get3A_808 : vector<16xf32>
        %add3A_810 = arith.addf %add3A_798, %mul3A_809 : vector<16xf32>
        %get3A_811 = arith.constant 2 : i32
        %get3A_812 = arith.index_cast %get3A_811 : i32 to index
        %get3A_813 = arith.index_cast %add3A_727 : i32 to index
        %get3A_814 = arith.constant 112 : index
        %get3A_815 = tpu.vector_load %arg8[%get3A_812, %get3A_813, %get3A_814] {strides = array<i32>} : memref<3x128x128xf32, #tpu.memory_space<vmem>>, vector<16xf32>,
        %get3A_816 = arith.constant 2 : i32
        %get3A_817 = arith.index_cast %get3A_816 : i32 to index
        %get3A_818 = arith.index_cast %add3A_727 : i32 to index
        %get3A_819 = arith.constant 112 : index
        %get3A_820 = tpu.vector_load %arg9[%get3A_817, %get3A_818, %get3A_819] {strides = array<i32>} : memref<3x128x128xf32, #tpu.memory_space<vmem>>, vector<16xf32>,
        %mul3A_821 = arith.mulf %get3A_815, %get3A_820 : vector<16xf32>
        %add3A_822 = arith.addf %add3A_810, %mul3A_821 : vector<16xf32>
        %swap3A_823 = arith.constant 68 : index
        %swap3A_824 = tpu.vector_load %arg11[%swap3A_823] {strides = array<i32>} : memref<280xf32, #tpu.memory_space<vmem>>, vector<16xf32>,
        tpu.vector_store %arg11[%swap3A_823], %add3A_822 {strides = array<i32>} : memref<280xf32, #tpu.memory_space<vmem>>, vector<16xf32>,
        %mul3A_825 = arith.constant 16 : i32
        %mul3A_826 = arith.muli %scan3A_321, %mul3A_825 : i32
        %add3A_827 = arith.constant 5 : i32
        %add3A_828 = arith.addi %mul3A_826, %add3A_827 : i32
        %get3A_829 = arith.constant 2 : i32
        %get3A_830 = arith.index_cast %get3A_829 : i32 to index
        %get3A_831 = arith.index_cast %add3A_828 : i32 to index
        %get3A_832 = arith.constant 0 : index
        %get3A_833 = tpu.vector_load %arg8[%get3A_830, %get3A_831, %get3A_832] {strides = array<i32>} : memref<3x128x128xf32, #tpu.memory_space<vmem>>, vector<16xf32>,
        %get3A_834 = arith.constant 2 : i32
        %get3A_835 = arith.index_cast %get3A_834 : i32 to index
        %get3A_836 = arith.index_cast %add3A_828 : i32 to index
        %get3A_837 = arith.constant 0 : index
        %get3A_838 = tpu.vector_load %arg9[%get3A_835, %get3A_836, %get3A_837] {strides = array<i32>} : memref<3x128x128xf32, #tpu.memory_space<vmem>>, vector<16xf32>,
        %mul3A_839 = arith.mulf %get3A_833, %get3A_838 : vector<16xf32>
        %get3A_840 = arith.constant 2 : i32
        %get3A_841 = arith.index_cast %get3A_840 : i32 to index
        %get3A_842 = arith.index_cast %add3A_828 : i32 to index
        %get3A_843 = arith.constant 16 : index
        %get3A_844 = tpu.vector_load %arg8[%get3A_841, %get3A_842, %get3A_843] {strides = array<i32>} : memref<3x128x128xf32, #tpu.memory_space<vmem>>, vector<16xf32>,
        %get3A_845 = arith.constant 2 : i32
        %get3A_846 = arith.index_cast %get3A_845 : i32 to index
        %get3A_847 = arith.index_cast %add3A_828 : i32 to index
        %get3A_848 = arith.constant 16 : index
        %get3A_849 = tpu.vector_load %arg9[%get3A_846, %get3A_847, %get3A_848] {strides = array<i32>} : memref<3x128x128xf32, #tpu.memory_space<vmem>>, vector<16xf32>,
        %mul3A_850 = arith.mulf %get3A_844, %get3A_849 : vector<16xf32>
        %add3A_851 = arith.addf %mul3A_839, %mul3A_850 : vector<16xf32>
        %get3A_852 = arith.constant 2 : i32
        %get3A_853 = arith.index_cast %get3A_852 : i32 to index
        %get3A_854 = arith.index_cast %add3A_828 : i32 to index
        %get3A_855 = arith.constant 32 : index
        %get3A_856 = tpu.vector_load %arg8[%get3A_853, %get3A_854, %get3A_855] {strides = array<i32>} : memref<3x128x128xf32, #tpu.memory_space<vmem>>, vector<16xf32>,
        %get3A_857 = arith.constant 2 : i32
        %get3A_858 = arith.index_cast %get3A_857 : i32 to index
        %get3A_859 = arith.index_cast %add3A_828 : i32 to index
        %get3A_860 = arith.constant 32 : index
        %get3A_861 = tpu.vector_load %arg9[%get3A_858, %get3A_859, %get3A_860] {strides = array<i32>} : memref<3x128x128xf32, #tpu.memory_space<vmem>>, vector<16xf32>,
        %mul3A_862 = arith.mulf %get3A_856, %get3A_861 : vector<16xf32>
        %add3A_863 = arith.addf %add3A_851, %mul3A_862 : vector<16xf32>
        %get3A_864 = arith.constant 2 : i32
        %get3A_865 = arith.index_cast %get3A_864 : i32 to index
        %get3A_866 = arith.index_cast %add3A_828 : i32 to index
        %get3A_867 = arith.constant 48 : index
        %get3A_868 = tpu.vector_load %arg8[%get3A_865, %get3A_866, %get3A_867] {strides = array<i32>} : memref<3x128x128xf32, #tpu.memory_space<vmem>>, vector<16xf32>,
        %get3A_869 = arith.constant 2 : i32
        %get3A_870 = arith.index_cast %get3A_869 : i32 to index
        %get3A_871 = arith.index_cast %add3A_828 : i32 to index
        %get3A_872 = arith.constant 48 : index
        %get3A_873 = tpu.vector_load %arg9[%get3A_870, %get3A_871, %get3A_872] {strides = array<i32>} : memref<3x128x128xf32, #tpu.memory_space<vmem>>, vector<16xf32>,
        %mul3A_874 = arith.mulf %get3A_868, %get3A_873 : vector<16xf32>
        %add3A_875 = arith.addf %add3A_863, %mul3A_874 : vector<16xf32>
        %get3A_876 = arith.constant 2 : i32
        %get3A_877 = arith.index_cast %get3A_876 : i32 to index
        %get3A_878 = arith.index_cast %add3A_828 : i32 to index
        %get3A_879 = arith.constant 64 : index
        %get3A_880 = tpu.vector_load %arg8[%get3A_877, %get3A_878, %get3A_879] {strides = array<i32>} : memref<3x128x128xf32, #tpu.memory_space<vmem>>, vector<16xf32>,
        %get3A_881 = arith.constant 2 : i32
        %get3A_882 = arith.index_cast %get3A_881 : i32 to index
        %get3A_883 = arith.index_cast %add3A_828 : i32 to index
        %get3A_884 = arith.constant 64 : index
        %get3A_885 = tpu.vector_load %arg9[%get3A_882, %get3A_883, %get3A_884] {strides = array<i32>} : memref<3x128x128xf32, #tpu.memory_space<vmem>>, vector<16xf32>,
        %mul3A_886 = arith.mulf %get3A_880, %get3A_885 : vector<16xf32>
        %add3A_887 = arith.addf %add3A_875, %mul3A_886 : vector<16xf32>
        %get3A_888 = arith.constant 2 : i32
        %get3A_889 = arith.index_cast %get3A_888 : i32 to index
        %get3A_890 = arith.index_cast %add3A_828 : i32 to index
        %get3A_891 = arith.constant 80 : index
        %get3A_892 = tpu.vector_load %arg8[%get3A_889, %get3A_890, %get3A_891] {strides = array<i32>} : memref<3x128x128xf32, #tpu.memory_space<vmem>>, vector<16xf32>,
        %get3A_893 = arith.constant 2 : i32
        %get3A_894 = arith.index_cast %get3A_893 : i32 to index
        %get3A_895 = arith.index_cast %add3A_828 : i32 to index
        %get3A_896 = arith.constant 80 : index
        %get3A_897 = tpu.vector_load %arg9[%get3A_894, %get3A_895, %get3A_896] {strides = array<i32>} : memref<3x128x128xf32, #tpu.memory_space<vmem>>, vector<16xf32>,
        %mul3A_898 = arith.mulf %get3A_892, %get3A_897 : vector<16xf32>
        %add3A_899 = arith.addf %add3A_887, %mul3A_898 : vector<16xf32>
        %get3A_900 = arith.constant 2 : i32
        %get3A_901 = arith.index_cast %get3A_900 : i32 to index
        %get3A_902 = arith.index_cast %add3A_828 : i32 to index
        %get3A_903 = arith.constant 96 : index
        %get3A_904 = tpu.vector_load %arg8[%get3A_901, %get3A_902, %get3A_903] {strides = array<i32>} : memref<3x128x128xf32, #tpu.memory_space<vmem>>, vector<16xf32>,
        %get3A_905 = arith.constant 2 : i32
        %get3A_906 = arith.index_cast %get3A_905 : i32 to index
        %get3A_907 = arith.index_cast %add3A_828 : i32 to index
        %get3A_908 = arith.constant 96 : index
        %get3A_909 = tpu.vector_load %arg9[%get3A_906, %get3A_907, %get3A_908] {strides = array<i32>} : memref<3x128x128xf32, #tpu.memory_space<vmem>>, vector<16xf32>,
        %mul3A_910 = arith.mulf %get3A_904, %get3A_909 : vector<16xf32>
        %add3A_911 = arith.addf %add3A_899, %mul3A_910 : vector<16xf32>
        %get3A_912 = arith.constant 2 : i32
        %get3A_913 = arith.index_cast %get3A_912 : i32 to index
        %get3A_914 = arith.index_cast %add3A_828 : i32 to index
        %get3A_915 = arith.constant 112 : index
        %get3A_916 = tpu.vector_load %arg8[%get3A_913, %get3A_914, %get3A_915] {strides = array<i32>} : memref<3x128x128xf32, #tpu.memory_space<vmem>>, vector<16xf32>,
        %get3A_917 = arith.constant 2 : i32
        %get3A_918 = arith.index_cast %get3A_917 : i32 to index
        %get3A_919 = arith.index_cast %add3A_828 : i32 to index
        %get3A_920 = arith.constant 112 : index
        %get3A_921 = tpu.vector_load %arg9[%get3A_918, %get3A_919, %get3A_920] {strides = array<i32>} : memref<3x128x128xf32, #tpu.memory_space<vmem>>, vector<16xf32>,
        %mul3A_922 = arith.mulf %get3A_916, %get3A_921 : vector<16xf32>
        %add3A_923 = arith.addf %add3A_911, %mul3A_922 : vector<16xf32>
        %swap3A_924 = arith.constant 85 : index
        %swap3A_925 = tpu.vector_load %arg11[%swap3A_924] {strides = array<i32>} : memref<280xf32, #tpu.memory_space<vmem>>, vector<16xf32>,
        tpu.vector_store %arg11[%swap3A_924], %add3A_923 {strides = array<i32>} : memref<280xf32, #tpu.memory_space<vmem>>, vector<16xf32>,
        %mul3A_926 = arith.constant 16 : i32
        %mul3A_927 = arith.muli %scan3A_321, %mul3A_926 : i32
        %add3A_928 = arith.constant 6 : i32
        %add3A_929 = arith.addi %mul3A_927, %add3A_928 : i32
        %get3A_930 = arith.constant 2 : i32
        %get3A_931 = arith.index_cast %get3A_930 : i32 to index
        %get3A_932 = arith.index_cast %add3A_929 : i32 to index
        %get3A_933 = arith.constant 0 : index
        %get3A_934 = tpu.vector_load %arg8[%get3A_931, %get3A_932, %get3A_933] {strides = array<i32>} : memref<3x128x128xf32, #tpu.memory_space<vmem>>, vector<16xf32>,
        %get3A_935 = arith.constant 2 : i32
        %get3A_936 = arith.index_cast %get3A_935 : i32 to index
        %get3A_937 = arith.index_cast %add3A_929 : i32 to index
        %get3A_938 = arith.constant 0 : index
        %get3A_939 = tpu.vector_load %arg9[%get3A_936, %get3A_937, %get3A_938] {strides = array<i32>} : memref<3x128x128xf32, #tpu.memory_space<vmem>>, vector<16xf32>,
        %mul3A_940 = arith.mulf %get3A_934, %get3A_939 : vector<16xf32>
        %get3A_941 = arith.constant 2 : i32
        %get3A_942 = arith.index_cast %get3A_941 : i32 to index
        %get3A_943 = arith.index_cast %add3A_929 : i32 to index
        %get3A_944 = arith.constant 16 : index
        %get3A_945 = tpu.vector_load %arg8[%get3A_942, %get3A_943, %get3A_944] {strides = array<i32>} : memref<3x128x128xf32, #tpu.memory_space<vmem>>, vector<16xf32>,
        %get3A_946 = arith.constant 2 : i32
        %get3A_947 = arith.index_cast %get3A_946 : i32 to index
        %get3A_948 = arith.index_cast %add3A_929 : i32 to index
        %get3A_949 = arith.constant 16 : index
        %get3A_950 = tpu.vector_load %arg9[%get3A_947, %get3A_948, %get3A_949] {strides = array<i32>} : memref<3x128x128xf32, #tpu.memory_space<vmem>>, vector<16xf32>,
        %mul3A_951 = arith.mulf %get3A_945, %get3A_950 : vector<16xf32>
        %add3A_952 = arith.addf %mul3A_940, %mul3A_951 : vector<16xf32>
        %get3A_953 = arith.constant 2 : i32
        %get3A_954 = arith.index_cast %get3A_953 : i32 to index
        %get3A_955 = arith.index_cast %add3A_929 : i32 to index
        %get3A_956 = arith.constant 32 : index
        %get3A_957 = tpu.vector_load %arg8[%get3A_954, %get3A_955, %get3A_956] {strides = array<i32>} : memref<3x128x128xf32, #tpu.memory_space<vmem>>, vector<16xf32>,
        %get3A_958 = arith.constant 2 : i32
        %get3A_959 = arith.index_cast %get3A_958 : i32 to index
        %get3A_960 = arith.index_cast %add3A_929 : i32 to index
        %get3A_961 = arith.constant 32 : index
        %get3A_962 = tpu.vector_load %arg9[%get3A_959, %get3A_960, %get3A_961] {strides = array<i32>} : memref<3x128x128xf32, #tpu.memory_space<vmem>>, vector<16xf32>,
        %mul3A_963 = arith.mulf %get3A_957, %get3A_962 : vector<16xf32>
        %add3A_964 = arith.addf %add3A_952, %mul3A_963 : vector<16xf32>
        %get3A_965 = arith.constant 2 : i32
        %get3A_966 = arith.index_cast %get3A_965 : i32 to index
        %get3A_967 = arith.index_cast %add3A_929 : i32 to index
        %get3A_968 = arith.constant 48 : index
        %get3A_969 = tpu.vector_load %arg8[%get3A_966, %get3A_967, %get3A_968] {strides = array<i32>} : memref<3x128x128xf32, #tpu.memory_space<vmem>>, vector<16xf32>,
        %get3A_970 = arith.constant 2 : i32
        %get3A_971 = arith.index_cast %get3A_970 : i32 to index
        %get3A_972 = arith.index_cast %add3A_929 : i32 to index
        %get3A_973 = arith.constant 48 : index
        %get3A_974 = tpu.vector_load %arg9[%get3A_971, %get3A_972, %get3A_973] {strides = array<i32>} : memref<3x128x128xf32, #tpu.memory_space<vmem>>, vector<16xf32>,
        %mul3A_975 = arith.mulf %get3A_969, %get3A_974 : vector<16xf32>
        %add3A_976 = arith.addf %add3A_964, %mul3A_975 : vector<16xf32>
        %get3A_977 = arith.constant 2 : i32
        %get3A_978 = arith.index_cast %get3A_977 : i32 to index
        %get3A_979 = arith.index_cast %add3A_929 : i32 to index
        %get3A_980 = arith.constant 64 : index
        %get3A_981 = tpu.vector_load %arg8[%get3A_978, %get3A_979, %get3A_980] {strides = array<i32>} : memref<3x128x128xf32, #tpu.memory_space<vmem>>, vector<16xf32>,
        %get3A_982 = arith.constant 2 : i32
        %get3A_983 = arith.index_cast %get3A_982 : i32 to index
        %get3A_984 = arith.index_cast %add3A_929 : i32 to index
        %get3A_985 = arith.constant 64 : index
        %get3A_986 = tpu.vector_load %arg9[%get3A_983, %get3A_984, %get3A_985] {strides = array<i32>} : memref<3x128x128xf32, #tpu.memory_space<vmem>>, vector<16xf32>,
        %mul3A_987 = arith.mulf %get3A_981, %get3A_986 : vector<16xf32>
        %add3A_988 = arith.addf %add3A_976, %mul3A_987 : vector<16xf32>
        %get3A_989 = arith.constant 2 : i32
        %get3A_990 = arith.index_cast %get3A_989 : i32 to index
        %get3A_991 = arith.index_cast %add3A_929 : i32 to index
        %get3A_992 = arith.constant 80 : index
        %get3A_993 = tpu.vector_load %arg8[%get3A_990, %get3A_991, %get3A_992] {strides = array<i32>} : memref<3x128x128xf32, #tpu.memory_space<vmem>>, vector<16xf32>,
        %get3A_994 = arith.constant 2 : i32
        %get3A_995 = arith.index_cast %get3A_994 : i32 to index
        %get3A_996 = arith.index_cast %add3A_929 : i32 to index
        %get3A_997 = arith.constant 80 : index
        %get3A_998 = tpu.vector_load %arg9[%get3A_995, %get3A_996, %get3A_997] {strides = array<i32>} : memref<3x128x128xf32, #tpu.memory_space<vmem>>, vector<16xf32>,
        %mul3A_999 = arith.mulf %get3A_993, %get3A_998 : vector<16xf32>
        %add3A_1000 = arith.addf %add3A_988, %mul3A_999 : vector<16xf32>
        %get3A_1001 = arith.constant 2 : i32
        %get3A_1002 = arith.index_cast %get3A_1001 : i32 to index
        %get3A_1003 = arith.index_cast %add3A_929 : i32 to index
        %get3A_1004 = arith.constant 96 : index
        %get3A_1005 = tpu.vector_load %arg8[%get3A_1002, %get3A_1003, %get3A_1004] {strides = array<i32>} : memref<3x128x128xf32, #tpu.memory_space<vmem>>, vector<16xf32>,
        %get3A_1006 = arith.constant 2 : i32
        %get3A_1007 = arith.index_cast %get3A_1006 : i32 to index
        %get3A_1008 = arith.index_cast %add3A_929 : i32 to index
        %get3A_1009 = arith.constant 96 : index
        %get3A_1010 = tpu.vector_load %arg9[%get3A_1007, %get3A_1008, %get3A_1009] {strides = array<i32>} : memref<3x128x128xf32, #tpu.memory_space<vmem>>, vector<16xf32>,
        %mul3A_1011 = arith.mulf %get3A_1005, %get3A_1010 : vector<16xf32>
        %add3A_1012 = arith.addf %add3A_1000, %mul3A_1011 : vector<16xf32>
        %get3A_1013 = arith.constant 2 : i32
        %get3A_1014 = arith.index_cast %get3A_1013 : i32 to index
        %get3A_1015 = arith.index_cast %add3A_929 : i32 to index
        %get3A_1016 = arith.constant 112 : index
        %get3A_1017 = tpu.vector_load %arg8[%get3A_1014, %get3A_1015, %get3A_1016] {strides = array<i32>} : memref<3x128x128xf32, #tpu.memory_space<vmem>>, vector<16xf32>,
        %get3A_1018 = arith.constant 2 : i32
        %get3A_1019 = arith.index_cast %get3A_1018 : i32 to index
        %get3A_1020 = arith.index_cast %add3A_929 : i32 to index
        %get3A_1021 = arith.constant 112 : index
        %get3A_1022 = tpu.vector_load %arg9[%get3A_1019, %get3A_1020, %get3A_1021] {strides = array<i32>} : memref<3x128x128xf32, #tpu.memory_space<vmem>>, vector<16xf32>,
        %mul3A_1023 = arith.mulf %get3A_1017, %get3A_1022 : vector<16xf32>
        %add3A_1024 = arith.addf %add3A_1012, %mul3A_1023 : vector<16xf32>
        %swap3A_1025 = arith.constant 102 : index
        %swap3A_1026 = tpu.vector_load %arg11[%swap3A_1025] {strides = array<i32>} : memref<280xf32, #tpu.memory_space<vmem>>, vector<16xf32>,
        tpu.vector_store %arg11[%swap3A_1025], %add3A_1024 {strides = array<i32>} : memref<280xf32, #tpu.memory_space<vmem>>, vector<16xf32>,
        %mul3A_1027 = arith.constant 16 : i32
        %mul3A_1028 = arith.muli %scan3A_321, %mul3A_1027 : i32
        %add3A_1029 = arith.constant 7 : i32
        %add3A_1030 = arith.addi %mul3A_1028, %add3A_1029 : i32
        %get3A_1031 = arith.constant 2 : i32
        %get3A_1032 = arith.index_cast %get3A_1031 : i32 to index
        %get3A_1033 = arith.index_cast %add3A_1030 : i32 to index
        %get3A_1034 = arith.constant 0 : index
        %get3A_1035 = tpu.vector_load %arg8[%get3A_1032, %get3A_1033, %get3A_1034] {strides = array<i32>} : memref<3x128x128xf32, #tpu.memory_space<vmem>>, vector<16xf32>,
        %get3A_1036 = arith.constant 2 : i32
        %get3A_1037 = arith.index_cast %get3A_1036 : i32 to index
        %get3A_1038 = arith.index_cast %add3A_1030 : i32 to index
        %get3A_1039 = arith.constant 0 : index
        %get3A_1040 = tpu.vector_load %arg9[%get3A_1037, %get3A_1038, %get3A_1039] {strides = array<i32>} : memref<3x128x128xf32, #tpu.memory_space<vmem>>, vector<16xf32>,
        %mul3A_1041 = arith.mulf %get3A_1035, %get3A_1040 : vector<16xf32>
        %get3A_1042 = arith.constant 2 : i32
        %get3A_1043 = arith.index_cast %get3A_1042 : i32 to index
        %get3A_1044 = arith.index_cast %add3A_1030 : i32 to index
        %get3A_1045 = arith.constant 16 : index
        %get3A_1046 = tpu.vector_load %arg8[%get3A_1043, %get3A_1044, %get3A_1045] {strides = array<i32>} : memref<3x128x128xf32, #tpu.memory_space<vmem>>, vector<16xf32>,
        %get3A_1047 = arith.constant 2 : i32
        %get3A_1048 = arith.index_cast %get3A_1047 : i32 to index
        %get3A_1049 = arith.index_cast %add3A_1030 : i32 to index
        %get3A_1050 = arith.constant 16 : index
        %get3A_1051 = tpu.vector_load %arg9[%get3A_1048, %get3A_1049, %get3A_1050] {strides = array<i32>} : memref<3x128x128xf32, #tpu.memory_space<vmem>>, vector<16xf32>,
        %mul3A_1052 = arith.mulf %get3A_1046, %get3A_1051 : vector<16xf32>
        %add3A_1053 = arith.addf %mul3A_1041, %mul3A_1052 : vector<16xf32>
        %get3A_1054 = arith.constant 2 : i32
        %get3A_1055 = arith.index_cast %get3A_1054 : i32 to index
        %get3A_1056 = arith.index_cast %add3A_1030 : i32 to index
        %get3A_1057 = arith.constant 32 : index
        %get3A_1058 = tpu.vector_load %arg8[%get3A_1055, %get3A_1056, %get3A_1057] {strides = array<i32>} : memref<3x128x128xf32, #tpu.memory_space<vmem>>, vector<16xf32>,
        %get3A_1059 = arith.constant 2 : i32
        %get3A_1060 = arith.index_cast %get3A_1059 : i32 to index
        %get3A_1061 = arith.index_cast %add3A_1030 : i32 to index
        %get3A_1062 = arith.constant 32 : index
        %get3A_1063 = tpu.vector_load %arg9[%get3A_1060, %get3A_1061, %get3A_1062] {strides = array<i32>} : memref<3x128x128xf32, #tpu.memory_space<vmem>>, vector<16xf32>,
        %mul3A_1064 = arith.mulf %get3A_1058, %get3A_1063 : vector<16xf32>
        %add3A_1065 = arith.addf %add3A_1053, %mul3A_1064 : vector<16xf32>
        %get3A_1066 = arith.constant 2 : i32
        %get3A_1067 = arith.index_cast %get3A_1066 : i32 to index
        %get3A_1068 = arith.index_cast %add3A_1030 : i32 to index
        %get3A_1069 = arith.constant 48 : index
        %get3A_1070 = tpu.vector_load %arg8[%get3A_1067, %get3A_1068, %get3A_1069] {strides = array<i32>} : memref<3x128x128xf32, #tpu.memory_space<vmem>>, vector<16xf32>,
        %get3A_1071 = arith.constant 2 : i32
        %get3A_1072 = arith.index_cast %get3A_1071 : i32 to index
        %get3A_1073 = arith.index_cast %add3A_1030 : i32 to index
        %get3A_1074 = arith.constant 48 : index
        %get3A_1075 = tpu.vector_load %arg9[%get3A_1072, %get3A_1073, %get3A_1074] {strides = array<i32>} : memref<3x128x128xf32, #tpu.memory_space<vmem>>, vector<16xf32>,
        %mul3A_1076 = arith.mulf %get3A_1070, %get3A_1075 : vector<16xf32>
        %add3A_1077 = arith.addf %add3A_1065, %mul3A_1076 : vector<16xf32>
        %get3A_1078 = arith.constant 2 : i32
        %get3A_1079 = arith.index_cast %get3A_1078 : i32 to index
        %get3A_1080 = arith.index_cast %add3A_1030 : i32 to index
        %get3A_1081 = arith.constant 64 : index
        %get3A_1082 = tpu.vector_load %arg8[%get3A_1079, %get3A_1080, %get3A_1081] {strides = array<i32>} : memref<3x128x128xf32, #tpu.memory_space<vmem>>, vector<16xf32>,
        %get3A_1083 = arith.constant 2 : i32
        %get3A_1084 = arith.index_cast %get3A_1083 : i32 to index
        %get3A_1085 = arith.index_cast %add3A_1030 : i32 to index
        %get3A_1086 = arith.constant 64 : index
        %get3A_1087 = tpu.vector_load %arg9[%get3A_1084, %get3A_1085, %get3A_1086] {strides = array<i32>} : memref<3x128x128xf32, #tpu.memory_space<vmem>>, vector<16xf32>,
        %mul3A_1088 = arith.mulf %get3A_1082, %get3A_1087 : vector<16xf32>
        %add3A_1089 = arith.addf %add3A_1077, %mul3A_1088 : vector<16xf32>
        %get3A_1090 = arith.constant 2 : i32
        %get3A_1091 = arith.index_cast %get3A_1090 : i32 to index
        %get3A_1092 = arith.index_cast %add3A_1030 : i32 to index
        %get3A_1093 = arith.constant 80 : index
        %get3A_1094 = tpu.vector_load %arg8[%get3A_1091, %get3A_1092, %get3A_1093] {strides = array<i32>} : memref<3x128x128xf32, #tpu.memory_space<vmem>>, vector<16xf32>,
        %get3A_1095 = arith.constant 2 : i32
        %get3A_1096 = arith.index_cast %get3A_1095 : i32 to index
        %get3A_1097 = arith.index_cast %add3A_1030 : i32 to index
        %get3A_1098 = arith.constant 80 : index
        %get3A_1099 = tpu.vector_load %arg9[%get3A_1096, %get3A_1097, %get3A_1098] {strides = array<i32>} : memref<3x128x128xf32, #tpu.memory_space<vmem>>, vector<16xf32>,
        %mul3A_1100 = arith.mulf %get3A_1094, %get3A_1099 : vector<16xf32>
        %add3A_1101 = arith.addf %add3A_1089, %mul3A_1100 : vector<16xf32>
        %get3A_1102 = arith.constant 2 : i32
        %get3A_1103 = arith.index_cast %get3A_1102 : i32 to index
        %get3A_1104 = arith.index_cast %add3A_1030 : i32 to index
        %get3A_1105 = arith.constant 96 : index
        %get3A_1106 = tpu.vector_load %arg8[%get3A_1103, %get3A_1104, %get3A_1105] {strides = array<i32>} : memref<3x128x128xf32, #tpu.memory_space<vmem>>, vector<16xf32>,
        %get3A_1107 = arith.constant 2 : i32
        %get3A_1108 = arith.index_cast %get3A_1107 : i32 to index
        %get3A_1109 = arith.index_cast %add3A_1030 : i32 to index
        %get3A_1110 = arith.constant 96 : index
        %get3A_1111 = tpu.vector_load %arg9[%get3A_1108, %get3A_1109, %get3A_1110] {strides = array<i32>} : memref<3x128x128xf32, #tpu.memory_space<vmem>>, vector<16xf32>,
        %mul3A_1112 = arith.mulf %get3A_1106, %get3A_1111 : vector<16xf32>
        %add3A_1113 = arith.addf %add3A_1101, %mul3A_1112 : vector<16xf32>
        %get3A_1114 = arith.constant 2 : i32
        %get3A_1115 = arith.index_cast %get3A_1114 : i32 to index
        %get3A_1116 = arith.index_cast %add3A_1030 : i32 to index
        %get3A_1117 = arith.constant 112 : index
        %get3A_1118 = tpu.vector_load %arg8[%get3A_1115, %get3A_1116, %get3A_1117] {strides = array<i32>} : memref<3x128x128xf32, #tpu.memory_space<vmem>>, vector<16xf32>,
        %get3A_1119 = arith.constant 2 : i32
        %get3A_1120 = arith.index_cast %get3A_1119 : i32 to index
        %get3A_1121 = arith.index_cast %add3A_1030 : i32 to index
        %get3A_1122 = arith.constant 112 : index
        %get3A_1123 = tpu.vector_load %arg9[%get3A_1120, %get3A_1121, %get3A_1122] {strides = array<i32>} : memref<3x128x128xf32, #tpu.memory_space<vmem>>, vector<16xf32>,
        %mul3A_1124 = arith.mulf %get3A_1118, %get3A_1123 : vector<16xf32>
        %add3A_1125 = arith.addf %add3A_1113, %mul3A_1124 : vector<16xf32>
        %swap3A_1126 = arith.constant 119 : index
        %swap3A_1127 = tpu.vector_load %arg11[%swap3A_1126] {strides = array<i32>} : memref<280xf32, #tpu.memory_space<vmem>>, vector<16xf32>,
        tpu.vector_store %arg11[%swap3A_1126], %add3A_1125 {strides = array<i32>} : memref<280xf32, #tpu.memory_space<vmem>>, vector<16xf32>,
        %mul3A_1128 = arith.constant 16 : i32
        %mul3A_1129 = arith.muli %scan3A_321, %mul3A_1128 : i32
        %add3A_1130 = arith.constant 8 : i32
        %add3A_1131 = arith.addi %mul3A_1129, %add3A_1130 : i32
        %get3A_1132 = arith.constant 2 : i32
        %get3A_1133 = arith.index_cast %get3A_1132 : i32 to index
        %get3A_1134 = arith.index_cast %add3A_1131 : i32 to index
        %get3A_1135 = arith.constant 0 : index
        %get3A_1136 = tpu.vector_load %arg8[%get3A_1133, %get3A_1134, %get3A_1135] {strides = array<i32>} : memref<3x128x128xf32, #tpu.memory_space<vmem>>, vector<16xf32>,
        %get3A_1137 = arith.constant 2 : i32
        %get3A_1138 = arith.index_cast %get3A_1137 : i32 to index
        %get3A_1139 = arith.index_cast %add3A_1131 : i32 to index
        %get3A_1140 = arith.constant 0 : index
        %get3A_1141 = tpu.vector_load %arg9[%get3A_1138, %get3A_1139, %get3A_1140] {strides = array<i32>} : memref<3x128x128xf32, #tpu.memory_space<vmem>>, vector<16xf32>,
        %mul3A_1142 = arith.mulf %get3A_1136, %get3A_1141 : vector<16xf32>
        %get3A_1143 = arith.constant 2 : i32
        %get3A_1144 = arith.index_cast %get3A_1143 : i32 to index
        %get3A_1145 = arith.index_cast %add3A_1131 : i32 to index
        %get3A_1146 = arith.constant 16 : index
        %get3A_1147 = tpu.vector_load %arg8[%get3A_1144, %get3A_1145, %get3A_1146] {strides = array<i32>} : memref<3x128x128xf32, #tpu.memory_space<vmem>>, vector<16xf32>,
        %get3A_1148 = arith.constant 2 : i32
        %get3A_1149 = arith.index_cast %get3A_1148 : i32 to index
        %get3A_1150 = arith.index_cast %add3A_1131 : i32 to index
        %get3A_1151 = arith.constant 16 : index
        %get3A_1152 = tpu.vector_load %arg9[%get3A_1149, %get3A_1150, %get3A_1151] {strides = array<i32>} : memref<3x128x128xf32, #tpu.memory_space<vmem>>, vector<16xf32>,
        %mul3A_1153 = arith.mulf %get3A_1147, %get3A_1152 : vector<16xf32>
        %add3A_1154 = arith.addf %mul3A_1142, %mul3A_1153 : vector<16xf32>
        %get3A_1155 = arith.constant 2 : i32
        %get3A_1156 = arith.index_cast %get3A_1155 : i32 to index
        %get3A_1157 = arith.index_cast %add3A_1131 : i32 to index
        %get3A_1158 = arith.constant 32 : index
        %get3A_1159 = tpu.vector_load %arg8[%get3A_1156, %get3A_1157, %get3A_1158] {strides = array<i32>} : memref<3x128x128xf32, #tpu.memory_space<vmem>>, vector<16xf32>,
        %get3A_1160 = arith.constant 2 : i32
        %get3A_1161 = arith.index_cast %get3A_1160 : i32 to index
        %get3A_1162 = arith.index_cast %add3A_1131 : i32 to index
        %get3A_1163 = arith.constant 32 : index
        %get3A_1164 = tpu.vector_load %arg9[%get3A_1161, %get3A_1162, %get3A_1163] {strides = array<i32>} : memref<3x128x128xf32, #tpu.memory_space<vmem>>, vector<16xf32>,
        %mul3A_1165 = arith.mulf %get3A_1159, %get3A_1164 : vector<16xf32>
        %add3A_1166 = arith.addf %add3A_1154, %mul3A_1165 : vector<16xf32>
        %get3A_1167 = arith.constant 2 : i32
        %get3A_1168 = arith.index_cast %get3A_1167 : i32 to index
        %get3A_1169 = arith.index_cast %add3A_1131 : i32 to index
        %get3A_1170 = arith.constant 48 : index
        %get3A_1171 = tpu.vector_load %arg8[%get3A_1168, %get3A_1169, %get3A_1170] {strides = array<i32>} : memref<3x128x128xf32, #tpu.memory_space<vmem>>, vector<16xf32>,
        %get3A_1172 = arith.constant 2 : i32
        %get3A_1173 = arith.index_cast %get3A_1172 : i32 to index
        %get3A_1174 = arith.index_cast %add3A_1131 : i32 to index
        %get3A_1175 = arith.constant 48 : index
        %get3A_1176 = tpu.vector_load %arg9[%get3A_1173, %get3A_1174, %get3A_1175] {strides = array<i32>} : memref<3x128x128xf32, #tpu.memory_space<vmem>>, vector<16xf32>,
        %mul3A_1177 = arith.mulf %get3A_1171, %get3A_1176 : vector<16xf32>
        %add3A_1178 = arith.addf %add3A_1166, %mul3A_1177 : vector<16xf32>
        %get3A_1179 = arith.constant 2 : i32
        %get3A_1180 = arith.index_cast %get3A_1179 : i32 to index
        %get3A_1181 = arith.index_cast %add3A_1131 : i32 to index
        %get3A_1182 = arith.constant 64 : index
        %get3A_1183 = tpu.vector_load %arg8[%get3A_1180, %get3A_1181, %get3A_1182] {strides = array<i32>} : memref<3x128x128xf32, #tpu.memory_space<vmem>>, vector<16xf32>,
        %get3A_1184 = arith.constant 2 : i32
        %get3A_1185 = arith.index_cast %get3A_1184 : i32 to index
        %get3A_1186 = arith.index_cast %add3A_1131 : i32 to index
        %get3A_1187 = arith.constant 64 : index
        %get3A_1188 = tpu.vector_load %arg9[%get3A_1185, %get3A_1186, %get3A_1187] {strides = array<i32>} : memref<3x128x128xf32, #tpu.memory_space<vmem>>, vector<16xf32>,
        %mul3A_1189 = arith.mulf %get3A_1183, %get3A_1188 : vector<16xf32>
        %add3A_1190 = arith.addf %add3A_1178, %mul3A_1189 : vector<16xf32>
        %get3A_1191 = arith.constant 2 : i32
        %get3A_1192 = arith.index_cast %get3A_1191 : i32 to index
        %get3A_1193 = arith.index_cast %add3A_1131 : i32 to index
        %get3A_1194 = arith.constant 80 : index
        %get3A_1195 = tpu.vector_load %arg8[%get3A_1192, %get3A_1193, %get3A_1194] {strides = array<i32>} : memref<3x128x128xf32, #tpu.memory_space<vmem>>, vector<16xf32>,
        %get3A_1196 = arith.constant 2 : i32
        %get3A_1197 = arith.index_cast %get3A_1196 : i32 to index
        %get3A_1198 = arith.index_cast %add3A_1131 : i32 to index
        %get3A_1199 = arith.constant 80 : index
        %get3A_1200 = tpu.vector_load %arg9[%get3A_1197, %get3A_1198, %get3A_1199] {strides = array<i32>} : memref<3x128x128xf32, #tpu.memory_space<vmem>>, vector<16xf32>,
        %mul3A_1201 = arith.mulf %get3A_1195, %get3A_1200 : vector<16xf32>
        %add3A_1202 = arith.addf %add3A_1190, %mul3A_1201 : vector<16xf32>
        %get3A_1203 = arith.constant 2 : i32
        %get3A_1204 = arith.index_cast %get3A_1203 : i32 to index
        %get3A_1205 = arith.index_cast %add3A_1131 : i32 to index
        %get3A_1206 = arith.constant 96 : index
        %get3A_1207 = tpu.vector_load %arg8[%get3A_1204, %get3A_1205, %get3A_1206] {strides = array<i32>} : memref<3x128x128xf32, #tpu.memory_space<vmem>>, vector<16xf32>,
        %get3A_1208 = arith.constant 2 : i32
        %get3A_1209 = arith.index_cast %get3A_1208 : i32 to index
        %get3A_1210 = arith.index_cast %add3A_1131 : i32 to index
        %get3A_1211 = arith.constant 96 : index
        %get3A_1212 = tpu.vector_load %arg9[%get3A_1209, %get3A_1210, %get3A_1211] {strides = array<i32>} : memref<3x128x128xf32, #tpu.memory_space<vmem>>, vector<16xf32>,
        %mul3A_1213 = arith.mulf %get3A_1207, %get3A_1212 : vector<16xf32>
        %add3A_1214 = arith.addf %add3A_1202, %mul3A_1213 : vector<16xf32>
        %get3A_1215 = arith.constant 2 : i32
        %get3A_1216 = arith.index_cast %get3A_1215 : i32 to index
        %get3A_1217 = arith.index_cast %add3A_1131 : i32 to index
        %get3A_1218 = arith.constant 112 : index
        %get3A_1219 = tpu.vector_load %arg8[%get3A_1216, %get3A_1217, %get3A_1218] {strides = array<i32>} : memref<3x128x128xf32, #tpu.memory_space<vmem>>, vector<16xf32>,
        %get3A_1220 = arith.constant 2 : i32
        %get3A_1221 = arith.index_cast %get3A_1220 : i32 to index
        %get3A_1222 = arith.index_cast %add3A_1131 : i32 to index
        %get3A_1223 = arith.constant 112 : index
        %get3A_1224 = tpu.vector_load %arg9[%get3A_1221, %get3A_1222, %get3A_1223] {strides = array<i32>} : memref<3x128x128xf32, #tpu.memory_space<vmem>>, vector<16xf32>,
        %mul3A_1225 = arith.mulf %get3A_1219, %get3A_1224 : vector<16xf32>
        %add3A_1226 = arith.addf %add3A_1214, %mul3A_1225 : vector<16xf32>
        %swap3A_1227 = arith.constant 136 : index
        %swap3A_1228 = tpu.vector_load %arg11[%swap3A_1227] {strides = array<i32>} : memref<280xf32, #tpu.memory_space<vmem>>, vector<16xf32>,
        tpu.vector_store %arg11[%swap3A_1227], %add3A_1226 {strides = array<i32>} : memref<280xf32, #tpu.memory_space<vmem>>, vector<16xf32>,
        %mul3A_1229 = arith.constant 16 : i32
        %mul3A_1230 = arith.muli %scan3A_321, %mul3A_1229 : i32
        %add3A_1231 = arith.constant 9 : i32
        %add3A_1232 = arith.addi %mul3A_1230, %add3A_1231 : i32
        %get3A_1233 = arith.constant 2 : i32
        %get3A_1234 = arith.index_cast %get3A_1233 : i32 to index
        %get3A_1235 = arith.index_cast %add3A_1232 : i32 to index
        %get3A_1236 = arith.constant 0 : index
        %get3A_1237 = tpu.vector_load %arg8[%get3A_1234, %get3A_1235, %get3A_1236] {strides = array<i32>} : memref<3x128x128xf32, #tpu.memory_space<vmem>>, vector<16xf32>,
        %get3A_1238 = arith.constant 2 : i32
        %get3A_1239 = arith.index_cast %get3A_1238 : i32 to index
        %get3A_1240 = arith.index_cast %add3A_1232 : i32 to index
        %get3A_1241 = arith.constant 0 : index
        %get3A_1242 = tpu.vector_load %arg9[%get3A_1239, %get3A_1240, %get3A_1241] {strides = array<i32>} : memref<3x128x128xf32, #tpu.memory_space<vmem>>, vector<16xf32>,
        %mul3A_1243 = arith.mulf %get3A_1237, %get3A_1242 : vector<16xf32>
        %get3A_1244 = arith.constant 2 : i32
        %get3A_1245 = arith.index_cast %get3A_1244 : i32 to index
        %get3A_1246 = arith.index_cast %add3A_1232 : i32 to index
        %get3A_1247 = arith.constant 16 : index
        %get3A_1248 = tpu.vector_load %arg8[%get3A_1245, %get3A_1246, %get3A_1247] {strides = array<i32>} : memref<3x128x128xf32, #tpu.memory_space<vmem>>, vector<16xf32>,
        %get3A_1249 = arith.constant 2 : i32
        %get3A_1250 = arith.index_cast %get3A_1249 : i32 to index
        %get3A_1251 = arith.index_cast %add3A_1232 : i32 to index
        %get3A_1252 = arith.constant 16 : index
        %get3A_1253 = tpu.vector_load %arg9[%get3A_1250, %get3A_1251, %get3A_1252] {strides = array<i32>} : memref<3x128x128xf32, #tpu.memory_space<vmem>>, vector<16xf32>,
        %mul3A_1254 = arith.mulf %get3A_1248, %get3A_1253 : vector<16xf32>
        %add3A_1255 = arith.addf %mul3A_1243, %mul3A_1254 : vector<16xf32>
        %get3A_1256 = arith.constant 2 : i32
        %get3A_1257 = arith.index_cast %get3A_1256 : i32 to index
        %get3A_1258 = arith.index_cast %add3A_1232 : i32 to index
        %get3A_1259 = arith.constant 32 : index
        %get3A_1260 = tpu.vector_load %arg8[%get3A_1257, %get3A_1258, %get3A_1259] {strides = array<i32>} : memref<3x128x128xf32, #tpu.memory_space<vmem>>, vector<16xf32>,
        %get3A_1261 = arith.constant 2 : i32
        %get3A_1262 = arith.index_cast %get3A_1261 : i32 to index
        %get3A_1263 = arith.index_cast %add3A_1232 : i32 to index
        %get3A_1264 = arith.constant 32 : index
        %get3A_1265 = tpu.vector_load %arg9[%get3A_1262, %get3A_1263, %get3A_1264] {strides = array<i32>} : memref<3x128x128xf32, #tpu.memory_space<vmem>>, vector<16xf32>,
        %mul3A_1266 = arith.mulf %get3A_1260, %get3A_1265 : vector<16xf32>
        %add3A_1267 = arith.addf %add3A_1255, %mul3A_1266 : vector<16xf32>
        %get3A_1268 = arith.constant 2 : i32
        %get3A_1269 = arith.index_cast %get3A_1268 : i32 to index
        %get3A_1270 = arith.index_cast %add3A_1232 : i32 to index
        %get3A_1271 = arith.constant 48 : index
        %get3A_1272 = tpu.vector_load %arg8[%get3A_1269, %get3A_1270, %get3A_1271] {strides = array<i32>} : memref<3x128x128xf32, #tpu.memory_space<vmem>>, vector<16xf32>,
        %get3A_1273 = arith.constant 2 : i32
        %get3A_1274 = arith.index_cast %get3A_1273 : i32 to index
        %get3A_1275 = arith.index_cast %add3A_1232 : i32 to index
        %get3A_1276 = arith.constant 48 : index
        %get3A_1277 = tpu.vector_load %arg9[%get3A_1274, %get3A_1275, %get3A_1276] {strides = array<i32>} : memref<3x128x128xf32, #tpu.memory_space<vmem>>, vector<16xf32>,
        %mul3A_1278 = arith.mulf %get3A_1272, %get3A_1277 : vector<16xf32>
        %add3A_1279 = arith.addf %add3A_1267, %mul3A_1278 : vector<16xf32>
        %get3A_1280 = arith.constant 2 : i32
        %get3A_1281 = arith.index_cast %get3A_1280 : i32 to index
        %get3A_1282 = arith.index_cast %add3A_1232 : i32 to index
        %get3A_1283 = arith.constant 64 : index
        %get3A_1284 = tpu.vector_load %arg8[%get3A_1281, %get3A_1282, %get3A_1283] {strides = array<i32>} : memref<3x128x128xf32, #tpu.memory_space<vmem>>, vector<16xf32>,
        %get3A_1285 = arith.constant 2 : i32
        %get3A_1286 = arith.index_cast %get3A_1285 : i32 to index
        %get3A_1287 = arith.index_cast %add3A_1232 : i32 to index
        %get3A_1288 = arith.constant 64 : index
        %get3A_1289 = tpu.vector_load %arg9[%get3A_1286, %get3A_1287, %get3A_1288] {strides = array<i32>} : memref<3x128x128xf32, #tpu.memory_space<vmem>>, vector<16xf32>,
        %mul3A_1290 = arith.mulf %get3A_1284, %get3A_1289 : vector<16xf32>
        %add3A_1291 = arith.addf %add3A_1279, %mul3A_1290 : vector<16xf32>
        %get3A_1292 = arith.constant 2 : i32
        %get3A_1293 = arith.index_cast %get3A_1292 : i32 to index
        %get3A_1294 = arith.index_cast %add3A_1232 : i32 to index
        %get3A_1295 = arith.constant 80 : index
        %get3A_1296 = tpu.vector_load %arg8[%get3A_1293, %get3A_1294, %get3A_1295] {strides = array<i32>} : memref<3x128x128xf32, #tpu.memory_space<vmem>>, vector<16xf32>,
        %get3A_1297 = arith.constant 2 : i32
        %get3A_1298 = arith.index_cast %get3A_1297 : i32 to index
        %get3A_1299 = arith.index_cast %add3A_1232 : i32 to index
        %get3A_1300 = arith.constant 80 : index
        %get3A_1301 = tpu.vector_load %arg9[%get3A_1298, %get3A_1299, %get3A_1300] {strides = array<i32>} : memref<3x128x128xf32, #tpu.memory_space<vmem>>, vector<16xf32>,
        %mul3A_1302 = arith.mulf %get3A_1296, %get3A_1301 : vector<16xf32>
        %add3A_1303 = arith.addf %add3A_1291, %mul3A_1302 : vector<16xf32>
        %get3A_1304 = arith.constant 2 : i32
        %get3A_1305 = arith.index_cast %get3A_1304 : i32 to index
        %get3A_1306 = arith.index_cast %add3A_1232 : i32 to index
        %get3A_1307 = arith.constant 96 : index
        %get3A_1308 = tpu.vector_load %arg8[%get3A_1305, %get3A_1306, %get3A_1307] {strides = array<i32>} : memref<3x128x128xf32, #tpu.memory_space<vmem>>, vector<16xf32>,
        %get3A_1309 = arith.constant 2 : i32
        %get3A_1310 = arith.index_cast %get3A_1309 : i32 to index
        %get3A_1311 = arith.index_cast %add3A_1232 : i32 to index
        %get3A_1312 = arith.constant 96 : index
        %get3A_1313 = tpu.vector_load %arg9[%get3A_1310, %get3A_1311, %get3A_1312] {strides = array<i32>} : memref<3x128x128xf32, #tpu.memory_space<vmem>>, vector<16xf32>,
        %mul3A_1314 = arith.mulf %get3A_1308, %get3A_1313 : vector<16xf32>
        %add3A_1315 = arith.addf %add3A_1303, %mul3A_1314 : vector<16xf32>
        %get3A_1316 = arith.constant 2 : i32
        %get3A_1317 = arith.index_cast %get3A_1316 : i32 to index
        %get3A_1318 = arith.index_cast %add3A_1232 : i32 to index
        %get3A_1319 = arith.constant 112 : index
        %get3A_1320 = tpu.vector_load %arg8[%get3A_1317, %get3A_1318, %get3A_1319] {strides = array<i32>} : memref<3x128x128xf32, #tpu.memory_space<vmem>>, vector<16xf32>,
        %get3A_1321 = arith.constant 2 : i32
        %get3A_1322 = arith.index_cast %get3A_1321 : i32 to index
        %get3A_1323 = arith.index_cast %add3A_1232 : i32 to index
        %get3A_1324 = arith.constant 112 : index
        %get3A_1325 = tpu.vector_load %arg9[%get3A_1322, %get3A_1323, %get3A_1324] {strides = array<i32>} : memref<3x128x128xf32, #tpu.memory_space<vmem>>, vector<16xf32>,
        %mul3A_1326 = arith.mulf %get3A_1320, %get3A_1325 : vector<16xf32>
        %add3A_1327 = arith.addf %add3A_1315, %mul3A_1326 : vector<16xf32>
        %swap3A_1328 = arith.constant 153 : index
        %swap3A_1329 = tpu.vector_load %arg11[%swap3A_1328] {strides = array<i32>} : memref<280xf32, #tpu.memory_space<vmem>>, vector<16xf32>,
        tpu.vector_store %arg11[%swap3A_1328], %add3A_1327 {strides = array<i32>} : memref<280xf32, #tpu.memory_space<vmem>>, vector<16xf32>,
        %mul3A_1330 = arith.constant 16 : i32
        %mul3A_1331 = arith.muli %scan3A_321, %mul3A_1330 : i32
        %add3A_1332 = arith.constant 10 : i32
        %add3A_1333 = arith.addi %mul3A_1331, %add3A_1332 : i32
        %get3A_1334 = arith.constant 2 : i32
        %get3A_1335 = arith.index_cast %get3A_1334 : i32 to index
        %get3A_1336 = arith.index_cast %add3A_1333 : i32 to index
        %get3A_1337 = arith.constant 0 : index
        %get3A_1338 = tpu.vector_load %arg8[%get3A_1335, %get3A_1336, %get3A_1337] {strides = array<i32>} : memref<3x128x128xf32, #tpu.memory_space<vmem>>, vector<16xf32>,
        %get3A_1339 = arith.constant 2 : i32
        %get3A_1340 = arith.index_cast %get3A_1339 : i32 to index
        %get3A_1341 = arith.index_cast %add3A_1333 : i32 to index
        %get3A_1342 = arith.constant 0 : index
        %get3A_1343 = tpu.vector_load %arg9[%get3A_1340, %get3A_1341, %get3A_1342] {strides = array<i32>} : memref<3x128x128xf32, #tpu.memory_space<vmem>>, vector<16xf32>,
        %mul3A_1344 = arith.mulf %get3A_1338, %get3A_1343 : vector<16xf32>
        %get3A_1345 = arith.constant 2 : i32
        %get3A_1346 = arith.index_cast %get3A_1345 : i32 to index
        %get3A_1347 = arith.index_cast %add3A_1333 : i32 to index
        %get3A_1348 = arith.constant 16 : index
        %get3A_1349 = tpu.vector_load %arg8[%get3A_1346, %get3A_1347, %get3A_1348] {strides = array<i32>} : memref<3x128x128xf32, #tpu.memory_space<vmem>>, vector<16xf32>,
        %get3A_1350 = arith.constant 2 : i32
        %get3A_1351 = arith.index_cast %get3A_1350 : i32 to index
        %get3A_1352 = arith.index_cast %add3A_1333 : i32 to index
        %get3A_1353 = arith.constant 16 : index
        %get3A_1354 = tpu.vector_load %arg9[%get3A_1351, %get3A_1352, %get3A_1353] {strides = array<i32>} : memref<3x128x128xf32, #tpu.memory_space<vmem>>, vector<16xf32>,
        %mul3A_1355 = arith.mulf %get3A_1349, %get3A_1354 : vector<16xf32>
        %add3A_1356 = arith.addf %mul3A_1344, %mul3A_1355 : vector<16xf32>
        %get3A_1357 = arith.constant 2 : i32
        %get3A_1358 = arith.index_cast %get3A_1357 : i32 to index
        %get3A_1359 = arith.index_cast %add3A_1333 : i32 to index
        %get3A_1360 = arith.constant 32 : index
        %get3A_1361 = tpu.vector_load %arg8[%get3A_1358, %get3A_1359, %get3A_1360] {strides = array<i32>} : memref<3x128x128xf32, #tpu.memory_space<vmem>>, vector<16xf32>,
        %get3A_1362 = arith.constant 2 : i32
        %get3A_1363 = arith.index_cast %get3A_1362 : i32 to index
        %get3A_1364 = arith.index_cast %add3A_1333 : i32 to index
        %get3A_1365 = arith.constant 32 : index
        %get3A_1366 = tpu.vector_load %arg9[%get3A_1363, %get3A_1364, %get3A_1365] {strides = array<i32>} : memref<3x128x128xf32, #tpu.memory_space<vmem>>, vector<16xf32>,
        %mul3A_1367 = arith.mulf %get3A_1361, %get3A_1366 : vector<16xf32>
        %add3A_1368 = arith.addf %add3A_1356, %mul3A_1367 : vector<16xf32>
        %get3A_1369 = arith.constant 2 : i32
        %get3A_1370 = arith.index_cast %get3A_1369 : i32 to index
        %get3A_1371 = arith.index_cast %add3A_1333 : i32 to index
        %get3A_1372 = arith.constant 48 : index
        %get3A_1373 = tpu.vector_load %arg8[%get3A_1370, %get3A_1371, %get3A_1372] {strides = array<i32>} : memref<3x128x128xf32, #tpu.memory_space<vmem>>, vector<16xf32>,
        %get3A_1374 = arith.constant 2 : i32
        %get3A_1375 = arith.index_cast %get3A_1374 : i32 to index
        %get3A_1376 = arith.index_cast %add3A_1333 : i32 to index
        %get3A_1377 = arith.constant 48 : index
        %get3A_1378 = tpu.vector_load %arg9[%get3A_1375, %get3A_1376, %get3A_1377] {strides = array<i32>} : memref<3x128x128xf32, #tpu.memory_space<vmem>>, vector<16xf32>,
        %mul3A_1379 = arith.mulf %get3A_1373, %get3A_1378 : vector<16xf32>
        %add3A_1380 = arith.addf %add3A_1368, %mul3A_1379 : vector<16xf32>
        %get3A_1381 = arith.constant 2 : i32
        %get3A_1382 = arith.index_cast %get3A_1381 : i32 to index
        %get3A_1383 = arith.index_cast %add3A_1333 : i32 to index
        %get3A_1384 = arith.constant 64 : index
        %get3A_1385 = tpu.vector_load %arg8[%get3A_1382, %get3A_1383, %get3A_1384] {strides = array<i32>} : memref<3x128x128xf32, #tpu.memory_space<vmem>>, vector<16xf32>,
        %get3A_1386 = arith.constant 2 : i32
        %get3A_1387 = arith.index_cast %get3A_1386 : i32 to index
        %get3A_1388 = arith.index_cast %add3A_1333 : i32 to index
        %get3A_1389 = arith.constant 64 : index
        %get3A_1390 = tpu.vector_load %arg9[%get3A_1387, %get3A_1388, %get3A_1389] {strides = array<i32>} : memref<3x128x128xf32, #tpu.memory_space<vmem>>, vector<16xf32>,
        %mul3A_1391 = arith.mulf %get3A_1385, %get3A_1390 : vector<16xf32>
        %add3A_1392 = arith.addf %add3A_1380, %mul3A_1391 : vector<16xf32>
        %get3A_1393 = arith.constant 2 : i32
        %get3A_1394 = arith.index_cast %get3A_1393 : i32 to index
        %get3A_1395 = arith.index_cast %add3A_1333 : i32 to index
        %get3A_1396 = arith.constant 80 : index
        %get3A_1397 = tpu.vector_load %arg8[%get3A_1394, %get3A_1395, %get3A_1396] {strides = array<i32>} : memref<3x128x128xf32, #tpu.memory_space<vmem>>, vector<16xf32>,
        %get3A_1398 = arith.constant 2 : i32
        %get3A_1399 = arith.index_cast %get3A_1398 : i32 to index
        %get3A_1400 = arith.index_cast %add3A_1333 : i32 to index
        %get3A_1401 = arith.constant 80 : index
        %get3A_1402 = tpu.vector_load %arg9[%get3A_1399, %get3A_1400, %get3A_1401] {strides = array<i32>} : memref<3x128x128xf32, #tpu.memory_space<vmem>>, vector<16xf32>,
        %mul3A_1403 = arith.mulf %get3A_1397, %get3A_1402 : vector<16xf32>
        %add3A_1404 = arith.addf %add3A_1392, %mul3A_1403 : vector<16xf32>
        %get3A_1405 = arith.constant 2 : i32
        %get3A_1406 = arith.index_cast %get3A_1405 : i32 to index
        %get3A_1407 = arith.index_cast %add3A_1333 : i32 to index
        %get3A_1408 = arith.constant 96 : index
        %get3A_1409 = tpu.vector_load %arg8[%get3A_1406, %get3A_1407, %get3A_1408] {strides = array<i32>} : memref<3x128x128xf32, #tpu.memory_space<vmem>>, vector<16xf32>,
        %get3A_1410 = arith.constant 2 : i32
        %get3A_1411 = arith.index_cast %get3A_1410 : i32 to index
        %get3A_1412 = arith.index_cast %add3A_1333 : i32 to index
        %get3A_1413 = arith.constant 96 : index
        %get3A_1414 = tpu.vector_load %arg9[%get3A_1411, %get3A_1412, %get3A_1413] {strides = array<i32>} : memref<3x128x128xf32, #tpu.memory_space<vmem>>, vector<16xf32>,
        %mul3A_1415 = arith.mulf %get3A_1409, %get3A_1414 : vector<16xf32>
        %add3A_1416 = arith.addf %add3A_1404, %mul3A_1415 : vector<16xf32>
        %get3A_1417 = arith.constant 2 : i32
        %get3A_1418 = arith.index_cast %get3A_1417 : i32 to index
        %get3A_1419 = arith.index_cast %add3A_1333 : i32 to index
        %get3A_1420 = arith.constant 112 : index
        %get3A_1421 = tpu.vector_load %arg8[%get3A_1418, %get3A_1419, %get3A_1420] {strides = array<i32>} : memref<3x128x128xf32, #tpu.memory_space<vmem>>, vector<16xf32>,
        %get3A_1422 = arith.constant 2 : i32
        %get3A_1423 = arith.index_cast %get3A_1422 : i32 to index
        %get3A_1424 = arith.index_cast %add3A_1333 : i32 to index
        %get3A_1425 = arith.constant 112 : index
        %get3A_1426 = tpu.vector_load %arg9[%get3A_1423, %get3A_1424, %get3A_1425] {strides = array<i32>} : memref<3x128x128xf32, #tpu.memory_space<vmem>>, vector<16xf32>,
        %mul3A_1427 = arith.mulf %get3A_1421, %get3A_1426 : vector<16xf32>
        %add3A_1428 = arith.addf %add3A_1416, %mul3A_1427 : vector<16xf32>
        %swap3A_1429 = arith.constant 170 : index
        %swap3A_1430 = tpu.vector_load %arg11[%swap3A_1429] {strides = array<i32>} : memref<280xf32, #tpu.memory_space<vmem>>, vector<16xf32>,
        tpu.vector_store %arg11[%swap3A_1429], %add3A_1428 {strides = array<i32>} : memref<280xf32, #tpu.memory_space<vmem>>, vector<16xf32>,
        %mul3A_1431 = arith.constant 16 : i32
        %mul3A_1432 = arith.muli %scan3A_321, %mul3A_1431 : i32
        %add3A_1433 = arith.constant 11 : i32
        %add3A_1434 = arith.addi %mul3A_1432, %add3A_1433 : i32
        %get3A_1435 = arith.constant 2 : i32
        %get3A_1436 = arith.index_cast %get3A_1435 : i32 to index
        %get3A_1437 = arith.index_cast %add3A_1434 : i32 to index
        %get3A_1438 = arith.constant 0 : index
        %get3A_1439 = tpu.vector_load %arg8[%get3A_1436, %get3A_1437, %get3A_1438] {strides = array<i32>} : memref<3x128x128xf32, #tpu.memory_space<vmem>>, vector<16xf32>,
        %get3A_1440 = arith.constant 2 : i32
        %get3A_1441 = arith.index_cast %get3A_1440 : i32 to index
        %get3A_1442 = arith.index_cast %add3A_1434 : i32 to index
        %get3A_1443 = arith.constant 0 : index
        %get3A_1444 = tpu.vector_load %arg9[%get3A_1441, %get3A_1442, %get3A_1443] {strides = array<i32>} : memref<3x128x128xf32, #tpu.memory_space<vmem>>, vector<16xf32>,
        %mul3A_1445 = arith.mulf %get3A_1439, %get3A_1444 : vector<16xf32>
        %get3A_1446 = arith.constant 2 : i32
        %get3A_1447 = arith.index_cast %get3A_1446 : i32 to index
        %get3A_1448 = arith.index_cast %add3A_1434 : i32 to index
        %get3A_1449 = arith.constant 16 : index
        %get3A_1450 = tpu.vector_load %arg8[%get3A_1447, %get3A_1448, %get3A_1449] {strides = array<i32>} : memref<3x128x128xf32, #tpu.memory_space<vmem>>, vector<16xf32>,
        %get3A_1451 = arith.constant 2 : i32
        %get3A_1452 = arith.index_cast %get3A_1451 : i32 to index
        %get3A_1453 = arith.index_cast %add3A_1434 : i32 to index
        %get3A_1454 = arith.constant 16 : index
        %get3A_1455 = tpu.vector_load %arg9[%get3A_1452, %get3A_1453, %get3A_1454] {strides = array<i32>} : memref<3x128x128xf32, #tpu.memory_space<vmem>>, vector<16xf32>,
        %mul3A_1456 = arith.mulf %get3A_1450, %get3A_1455 : vector<16xf32>
        %add3A_1457 = arith.addf %mul3A_1445, %mul3A_1456 : vector<16xf32>
        %get3A_1458 = arith.constant 2 : i32
        %get3A_1459 = arith.index_cast %get3A_1458 : i32 to index
        %get3A_1460 = arith.index_cast %add3A_1434 : i32 to index
        %get3A_1461 = arith.constant 32 : index
        %get3A_1462 = tpu.vector_load %arg8[%get3A_1459, %get3A_1460, %get3A_1461] {strides = array<i32>} : memref<3x128x128xf32, #tpu.memory_space<vmem>>, vector<16xf32>,
        %get3A_1463 = arith.constant 2 : i32
        %get3A_1464 = arith.index_cast %get3A_1463 : i32 to index
        %get3A_1465 = arith.index_cast %add3A_1434 : i32 to index
        %get3A_1466 = arith.constant 32 : index
        %get3A_1467 = tpu.vector_load %arg9[%get3A_1464, %get3A_1465, %get3A_1466] {strides = array<i32>} : memref<3x128x128xf32, #tpu.memory_space<vmem>>, vector<16xf32>,
        %mul3A_1468 = arith.mulf %get3A_1462, %get3A_1467 : vector<16xf32>
        %add3A_1469 = arith.addf %add3A_1457, %mul3A_1468 : vector<16xf32>
        %get3A_1470 = arith.constant 2 : i32
        %get3A_1471 = arith.index_cast %get3A_1470 : i32 to index
        %get3A_1472 = arith.index_cast %add3A_1434 : i32 to index
        %get3A_1473 = arith.constant 48 : index
        %get3A_1474 = tpu.vector_load %arg8[%get3A_1471, %get3A_1472, %get3A_1473] {strides = array<i32>} : memref<3x128x128xf32, #tpu.memory_space<vmem>>, vector<16xf32>,
        %get3A_1475 = arith.constant 2 : i32
        %get3A_1476 = arith.index_cast %get3A_1475 : i32 to index
        %get3A_1477 = arith.index_cast %add3A_1434 : i32 to index
        %get3A_1478 = arith.constant 48 : index
        %get3A_1479 = tpu.vector_load %arg9[%get3A_1476, %get3A_1477, %get3A_1478] {strides = array<i32>} : memref<3x128x128xf32, #tpu.memory_space<vmem>>, vector<16xf32>,
        %mul3A_1480 = arith.mulf %get3A_1474, %get3A_1479 : vector<16xf32>
        %add3A_1481 = arith.addf %add3A_1469, %mul3A_1480 : vector<16xf32>
        %get3A_1482 = arith.constant 2 : i32
        %get3A_1483 = arith.index_cast %get3A_1482 : i32 to index
        %get3A_1484 = arith.index_cast %add3A_1434 : i32 to index
        %get3A_1485 = arith.constant 64 : index
        %get3A_1486 = tpu.vector_load %arg8[%get3A_1483, %get3A_1484, %get3A_1485] {strides = array<i32>} : memref<3x128x128xf32, #tpu.memory_space<vmem>>, vector<16xf32>,
        %get3A_1487 = arith.constant 2 : i32
        %get3A_1488 = arith.index_cast %get3A_1487 : i32 to index
        %get3A_1489 = arith.index_cast %add3A_1434 : i32 to index
        %get3A_1490 = arith.constant 64 : index
        %get3A_1491 = tpu.vector_load %arg9[%get3A_1488, %get3A_1489, %get3A_1490] {strides = array<i32>} : memref<3x128x128xf32, #tpu.memory_space<vmem>>, vector<16xf32>,
        %mul3A_1492 = arith.mulf %get3A_1486, %get3A_1491 : vector<16xf32>
        %add3A_1493 = arith.addf %add3A_1481, %mul3A_1492 : vector<16xf32>
        %get3A_1494 = arith.constant 2 : i32
        %get3A_1495 = arith.index_cast %get3A_1494 : i32 to index
        %get3A_1496 = arith.index_cast %add3A_1434 : i32 to index
        %get3A_1497 = arith.constant 80 : index
        %get3A_1498 = tpu.vector_load %arg8[%get3A_1495, %get3A_1496, %get3A_1497] {strides = array<i32>} : memref<3x128x128xf32, #tpu.memory_space<vmem>>, vector<16xf32>,
        %get3A_1499 = arith.constant 2 : i32
        %get3A_1500 = arith.index_cast %get3A_1499 : i32 to index
        %get3A_1501 = arith.index_cast %add3A_1434 : i32 to index
        %get3A_1502 = arith.constant 80 : index
        %get3A_1503 = tpu.vector_load %arg9[%get3A_1500, %get3A_1501, %get3A_1502] {strides = array<i32>} : memref<3x128x128xf32, #tpu.memory_space<vmem>>, vector<16xf32>,
        %mul3A_1504 = arith.mulf %get3A_1498, %get3A_1503 : vector<16xf32>
        %add3A_1505 = arith.addf %add3A_1493, %mul3A_1504 : vector<16xf32>
        %get3A_1506 = arith.constant 2 : i32
        %get3A_1507 = arith.index_cast %get3A_1506 : i32 to index
        %get3A_1508 = arith.index_cast %add3A_1434 : i32 to index
        %get3A_1509 = arith.constant 96 : index
        %get3A_1510 = tpu.vector_load %arg8[%get3A_1507, %get3A_1508, %get3A_1509] {strides = array<i32>} : memref<3x128x128xf32, #tpu.memory_space<vmem>>, vector<16xf32>,
        %get3A_1511 = arith.constant 2 : i32
        %get3A_1512 = arith.index_cast %get3A_1511 : i32 to index
        %get3A_1513 = arith.index_cast %add3A_1434 : i32 to index
        %get3A_1514 = arith.constant 96 : index
        %get3A_1515 = tpu.vector_load %arg9[%get3A_1512, %get3A_1513, %get3A_1514] {strides = array<i32>} : memref<3x128x128xf32, #tpu.memory_space<vmem>>, vector<16xf32>,
        %mul3A_1516 = arith.mulf %get3A_1510, %get3A_1515 : vector<16xf32>
        %add3A_1517 = arith.addf %add3A_1505, %mul3A_1516 : vector<16xf32>
        %get3A_1518 = arith.constant 2 : i32
        %get3A_1519 = arith.index_cast %get3A_1518 : i32 to index
        %get3A_1520 = arith.index_cast %add3A_1434 : i32 to index
        %get3A_1521 = arith.constant 112 : index
        %get3A_1522 = tpu.vector_load %arg8[%get3A_1519, %get3A_1520, %get3A_1521] {strides = array<i32>} : memref<3x128x128xf32, #tpu.memory_space<vmem>>, vector<16xf32>,
        %get3A_1523 = arith.constant 2 : i32
        %get3A_1524 = arith.index_cast %get3A_1523 : i32 to index
        %get3A_1525 = arith.index_cast %add3A_1434 : i32 to index
        %get3A_1526 = arith.constant 112 : index
        %get3A_1527 = tpu.vector_load %arg9[%get3A_1524, %get3A_1525, %get3A_1526] {strides = array<i32>} : memref<3x128x128xf32, #tpu.memory_space<vmem>>, vector<16xf32>,
        %mul3A_1528 = arith.mulf %get3A_1522, %get3A_1527 : vector<16xf32>
        %add3A_1529 = arith.addf %add3A_1517, %mul3A_1528 : vector<16xf32>
        %swap3A_1530 = arith.constant 187 : index
        %swap3A_1531 = tpu.vector_load %arg11[%swap3A_1530] {strides = array<i32>} : memref<280xf32, #tpu.memory_space<vmem>>, vector<16xf32>,
        tpu.vector_store %arg11[%swap3A_1530], %add3A_1529 {strides = array<i32>} : memref<280xf32, #tpu.memory_space<vmem>>, vector<16xf32>,
        %mul3A_1532 = arith.constant 16 : i32
        %mul3A_1533 = arith.muli %scan3A_321, %mul3A_1532 : i32
        %add3A_1534 = arith.constant 12 : i32
        %add3A_1535 = arith.addi %mul3A_1533, %add3A_1534 : i32
        %get3A_1536 = arith.constant 2 : i32
        %get3A_1537 = arith.index_cast %get3A_1536 : i32 to index
        %get3A_1538 = arith.index_cast %add3A_1535 : i32 to index
        %get3A_1539 = arith.constant 0 : index
        %get3A_1540 = tpu.vector_load %arg8[%get3A_1537, %get3A_1538, %get3A_1539] {strides = array<i32>} : memref<3x128x128xf32, #tpu.memory_space<vmem>>, vector<16xf32>,
        %get3A_1541 = arith.constant 2 : i32
        %get3A_1542 = arith.index_cast %get3A_1541 : i32 to index
        %get3A_1543 = arith.index_cast %add3A_1535 : i32 to index
        %get3A_1544 = arith.constant 0 : index
        %get3A_1545 = tpu.vector_load %arg9[%get3A_1542, %get3A_1543, %get3A_1544] {strides = array<i32>} : memref<3x128x128xf32, #tpu.memory_space<vmem>>, vector<16xf32>,
        %mul3A_1546 = arith.mulf %get3A_1540, %get3A_1545 : vector<16xf32>
        %get3A_1547 = arith.constant 2 : i32
        %get3A_1548 = arith.index_cast %get3A_1547 : i32 to index
        %get3A_1549 = arith.index_cast %add3A_1535 : i32 to index
        %get3A_1550 = arith.constant 16 : index
        %get3A_1551 = tpu.vector_load %arg8[%get3A_1548, %get3A_1549, %get3A_1550] {strides = array<i32>} : memref<3x128x128xf32, #tpu.memory_space<vmem>>, vector<16xf32>,
        %get3A_1552 = arith.constant 2 : i32
        %get3A_1553 = arith.index_cast %get3A_1552 : i32 to index
        %get3A_1554 = arith.index_cast %add3A_1535 : i32 to index
        %get3A_1555 = arith.constant 16 : index
        %get3A_1556 = tpu.vector_load %arg9[%get3A_1553, %get3A_1554, %get3A_1555] {strides = array<i32>} : memref<3x128x128xf32, #tpu.memory_space<vmem>>, vector<16xf32>,
        %mul3A_1557 = arith.mulf %get3A_1551, %get3A_1556 : vector<16xf32>
        %add3A_1558 = arith.addf %mul3A_1546, %mul3A_1557 : vector<16xf32>
        %get3A_1559 = arith.constant 2 : i32
        %get3A_1560 = arith.index_cast %get3A_1559 : i32 to index
        %get3A_1561 = arith.index_cast %add3A_1535 : i32 to index
        %get3A_1562 = arith.constant 32 : index
        %get3A_1563 = tpu.vector_load %arg8[%get3A_1560, %get3A_1561, %get3A_1562] {strides = array<i32>} : memref<3x128x128xf32, #tpu.memory_space<vmem>>, vector<16xf32>,
        %get3A_1564 = arith.constant 2 : i32
        %get3A_1565 = arith.index_cast %get3A_1564 : i32 to index
        %get3A_1566 = arith.index_cast %add3A_1535 : i32 to index
        %get3A_1567 = arith.constant 32 : index
        %get3A_1568 = tpu.vector_load %arg9[%get3A_1565, %get3A_1566, %get3A_1567] {strides = array<i32>} : memref<3x128x128xf32, #tpu.memory_space<vmem>>, vector<16xf32>,
        %mul3A_1569 = arith.mulf %get3A_1563, %get3A_1568 : vector<16xf32>
        %add3A_1570 = arith.addf %add3A_1558, %mul3A_1569 : vector<16xf32>
        %get3A_1571 = arith.constant 2 : i32
        %get3A_1572 = arith.index_cast %get3A_1571 : i32 to index
        %get3A_1573 = arith.index_cast %add3A_1535 : i32 to index
        %get3A_1574 = arith.constant 48 : index
        %get3A_1575 = tpu.vector_load %arg8[%get3A_1572, %get3A_1573, %get3A_1574] {strides = array<i32>} : memref<3x128x128xf32, #tpu.memory_space<vmem>>, vector<16xf32>,
        %get3A_1576 = arith.constant 2 : i32
        %get3A_1577 = arith.index_cast %get3A_1576 : i32 to index
        %get3A_1578 = arith.index_cast %add3A_1535 : i32 to index
        %get3A_1579 = arith.constant 48 : index
        %get3A_1580 = tpu.vector_load %arg9[%get3A_1577, %get3A_1578, %get3A_1579] {strides = array<i32>} : memref<3x128x128xf32, #tpu.memory_space<vmem>>, vector<16xf32>,
        %mul3A_1581 = arith.mulf %get3A_1575, %get3A_1580 : vector<16xf32>
        %add3A_1582 = arith.addf %add3A_1570, %mul3A_1581 : vector<16xf32>
        %get3A_1583 = arith.constant 2 : i32
        %get3A_1584 = arith.index_cast %get3A_1583 : i32 to index
        %get3A_1585 = arith.index_cast %add3A_1535 : i32 to index
        %get3A_1586 = arith.constant 64 : index
        %get3A_1587 = tpu.vector_load %arg8[%get3A_1584, %get3A_1585, %get3A_1586] {strides = array<i32>} : memref<3x128x128xf32, #tpu.memory_space<vmem>>, vector<16xf32>,
        %get3A_1588 = arith.constant 2 : i32
        %get3A_1589 = arith.index_cast %get3A_1588 : i32 to index
        %get3A_1590 = arith.index_cast %add3A_1535 : i32 to index
        %get3A_1591 = arith.constant 64 : index
        %get3A_1592 = tpu.vector_load %arg9[%get3A_1589, %get3A_1590, %get3A_1591] {strides = array<i32>} : memref<3x128x128xf32, #tpu.memory_space<vmem>>, vector<16xf32>,
        %mul3A_1593 = arith.mulf %get3A_1587, %get3A_1592 : vector<16xf32>
        %add3A_1594 = arith.addf %add3A_1582, %mul3A_1593 : vector<16xf32>
        %get3A_1595 = arith.constant 2 : i32
        %get3A_1596 = arith.index_cast %get3A_1595 : i32 to index
        %get3A_1597 = arith.index_cast %add3A_1535 : i32 to index
        %get3A_1598 = arith.constant 80 : index
        %get3A_1599 = tpu.vector_load %arg8[%get3A_1596, %get3A_1597, %get3A_1598] {strides = array<i32>} : memref<3x128x128xf32, #tpu.memory_space<vmem>>, vector<16xf32>,
        %get3A_1600 = arith.constant 2 : i32
        %get3A_1601 = arith.index_cast %get3A_1600 : i32 to index
        %get3A_1602 = arith.index_cast %add3A_1535 : i32 to index
        %get3A_1603 = arith.constant 80 : index
        %get3A_1604 = tpu.vector_load %arg9[%get3A_1601, %get3A_1602, %get3A_1603] {strides = array<i32>} : memref<3x128x128xf32, #tpu.memory_space<vmem>>, vector<16xf32>,
        %mul3A_1605 = arith.mulf %get3A_1599, %get3A_1604 : vector<16xf32>
        %add3A_1606 = arith.addf %add3A_1594, %mul3A_1605 : vector<16xf32>
        %get3A_1607 = arith.constant 2 : i32
        %get3A_1608 = arith.index_cast %get3A_1607 : i32 to index
        %get3A_1609 = arith.index_cast %add3A_1535 : i32 to index
        %get3A_1610 = arith.constant 96 : index
        %get3A_1611 = tpu.vector_load %arg8[%get3A_1608, %get3A_1609, %get3A_1610] {strides = array<i32>} : memref<3x128x128xf32, #tpu.memory_space<vmem>>, vector<16xf32>,
        %get3A_1612 = arith.constant 2 : i32
        %get3A_1613 = arith.index_cast %get3A_1612 : i32 to index
        %get3A_1614 = arith.index_cast %add3A_1535 : i32 to index
        %get3A_1615 = arith.constant 96 : index
        %get3A_1616 = tpu.vector_load %arg9[%get3A_1613, %get3A_1614, %get3A_1615] {strides = array<i32>} : memref<3x128x128xf32, #tpu.memory_space<vmem>>, vector<16xf32>,
        %mul3A_1617 = arith.mulf %get3A_1611, %get3A_1616 : vector<16xf32>
        %add3A_1618 = arith.addf %add3A_1606, %mul3A_1617 : vector<16xf32>
        %get3A_1619 = arith.constant 2 : i32
        %get3A_1620 = arith.index_cast %get3A_1619 : i32 to index
        %get3A_1621 = arith.index_cast %add3A_1535 : i32 to index
        %get3A_1622 = arith.constant 112 : index
        %get3A_1623 = tpu.vector_load %arg8[%get3A_1620, %get3A_1621, %get3A_1622] {strides = array<i32>} : memref<3x128x128xf32, #tpu.memory_space<vmem>>, vector<16xf32>,
        %get3A_1624 = arith.constant 2 : i32
        %get3A_1625 = arith.index_cast %get3A_1624 : i32 to index
        %get3A_1626 = arith.index_cast %add3A_1535 : i32 to index
        %get3A_1627 = arith.constant 112 : index
        %get3A_1628 = tpu.vector_load %arg9[%get3A_1625, %get3A_1626, %get3A_1627] {strides = array<i32>} : memref<3x128x128xf32, #tpu.memory_space<vmem>>, vector<16xf32>,
        %mul3A_1629 = arith.mulf %get3A_1623, %get3A_1628 : vector<16xf32>
        %add3A_1630 = arith.addf %add3A_1618, %mul3A_1629 : vector<16xf32>
        %swap3A_1631 = arith.constant 204 : index
        %swap3A_1632 = tpu.vector_load %arg11[%swap3A_1631] {strides = array<i32>} : memref<280xf32, #tpu.memory_space<vmem>>, vector<16xf32>,
        tpu.vector_store %arg11[%swap3A_1631], %add3A_1630 {strides = array<i32>} : memref<280xf32, #tpu.memory_space<vmem>>, vector<16xf32>,
        %mul3A_1633 = arith.constant 16 : i32
        %mul3A_1634 = arith.muli %scan3A_321, %mul3A_1633 : i32
        %add3A_1635 = arith.constant 13 : i32
        %add3A_1636 = arith.addi %mul3A_1634, %add3A_1635 : i32
        %get3A_1637 = arith.constant 2 : i32
        %get3A_1638 = arith.index_cast %get3A_1637 : i32 to index
        %get3A_1639 = arith.index_cast %add3A_1636 : i32 to index
        %get3A_1640 = arith.constant 0 : index
        %get3A_1641 = tpu.vector_load %arg8[%get3A_1638, %get3A_1639, %get3A_1640] {strides = array<i32>} : memref<3x128x128xf32, #tpu.memory_space<vmem>>, vector<16xf32>,
        %get3A_1642 = arith.constant 2 : i32
        %get3A_1643 = arith.index_cast %get3A_1642 : i32 to index
        %get3A_1644 = arith.index_cast %add3A_1636 : i32 to index
        %get3A_1645 = arith.constant 0 : index
        %get3A_1646 = tpu.vector_load %arg9[%get3A_1643, %get3A_1644, %get3A_1645] {strides = array<i32>} : memref<3x128x128xf32, #tpu.memory_space<vmem>>, vector<16xf32>,
        %mul3A_1647 = arith.mulf %get3A_1641, %get3A_1646 : vector<16xf32>
        %get3A_1648 = arith.constant 2 : i32
        %get3A_1649 = arith.index_cast %get3A_1648 : i32 to index
        %get3A_1650 = arith.index_cast %add3A_1636 : i32 to index
        %get3A_1651 = arith.constant 16 : index
        %get3A_1652 = tpu.vector_load %arg8[%get3A_1649, %get3A_1650, %get3A_1651] {strides = array<i32>} : memref<3x128x128xf32, #tpu.memory_space<vmem>>, vector<16xf32>,
        %get3A_1653 = arith.constant 2 : i32
        %get3A_1654 = arith.index_cast %get3A_1653 : i32 to index
        %get3A_1655 = arith.index_cast %add3A_1636 : i32 to index
        %get3A_1656 = arith.constant 16 : index
        %get3A_1657 = tpu.vector_load %arg9[%get3A_1654, %get3A_1655, %get3A_1656] {strides = array<i32>} : memref<3x128x128xf32, #tpu.memory_space<vmem>>, vector<16xf32>,
        %mul3A_1658 = arith.mulf %get3A_1652, %get3A_1657 : vector<16xf32>
        %add3A_1659 = arith.addf %mul3A_1647, %mul3A_1658 : vector<16xf32>
        %get3A_1660 = arith.constant 2 : i32
        %get3A_1661 = arith.index_cast %get3A_1660 : i32 to index
        %get3A_1662 = arith.index_cast %add3A_1636 : i32 to index
        %get3A_1663 = arith.constant 32 : index
        %get3A_1664 = tpu.vector_load %arg8[%get3A_1661, %get3A_1662, %get3A_1663] {strides = array<i32>} : memref<3x128x128xf32, #tpu.memory_space<vmem>>, vector<16xf32>,
        %get3A_1665 = arith.constant 2 : i32
        %get3A_1666 = arith.index_cast %get3A_1665 : i32 to index
        %get3A_1667 = arith.index_cast %add3A_1636 : i32 to index
        %get3A_1668 = arith.constant 32 : index
        %get3A_1669 = tpu.vector_load %arg9[%get3A_1666, %get3A_1667, %get3A_1668] {strides = array<i32>} : memref<3x128x128xf32, #tpu.memory_space<vmem>>, vector<16xf32>,
        %mul3A_1670 = arith.mulf %get3A_1664, %get3A_1669 : vector<16xf32>
        %add3A_1671 = arith.addf %add3A_1659, %mul3A_1670 : vector<16xf32>
        %get3A_1672 = arith.constant 2 : i32
        %get3A_1673 = arith.index_cast %get3A_1672 : i32 to index
        %get3A_1674 = arith.index_cast %add3A_1636 : i32 to index
        %get3A_1675 = arith.constant 48 : index
        %get3A_1676 = tpu.vector_load %arg8[%get3A_1673, %get3A_1674, %get3A_1675] {strides = array<i32>} : memref<3x128x128xf32, #tpu.memory_space<vmem>>, vector<16xf32>,
        %get3A_1677 = arith.constant 2 : i32
        %get3A_1678 = arith.index_cast %get3A_1677 : i32 to index
        %get3A_1679 = arith.index_cast %add3A_1636 : i32 to index
        %get3A_1680 = arith.constant 48 : index
        %get3A_1681 = tpu.vector_load %arg9[%get3A_1678, %get3A_1679, %get3A_1680] {strides = array<i32>} : memref<3x128x128xf32, #tpu.memory_space<vmem>>, vector<16xf32>,
        %mul3A_1682 = arith.mulf %get3A_1676, %get3A_1681 : vector<16xf32>
        %add3A_1683 = arith.addf %add3A_1671, %mul3A_1682 : vector<16xf32>
        %get3A_1684 = arith.constant 2 : i32
        %get3A_1685 = arith.index_cast %get3A_1684 : i32 to index
        %get3A_1686 = arith.index_cast %add3A_1636 : i32 to index
        %get3A_1687 = arith.constant 64 : index
        %get3A_1688 = tpu.vector_load %arg8[%get3A_1685, %get3A_1686, %get3A_1687] {strides = array<i32>} : memref<3x128x128xf32, #tpu.memory_space<vmem>>, vector<16xf32>,
        %get3A_1689 = arith.constant 2 : i32
        %get3A_1690 = arith.index_cast %get3A_1689 : i32 to index
        %get3A_1691 = arith.index_cast %add3A_1636 : i32 to index
        %get3A_1692 = arith.constant 64 : index
        %get3A_1693 = tpu.vector_load %arg9[%get3A_1690, %get3A_1691, %get3A_1692] {strides = array<i32>} : memref<3x128x128xf32, #tpu.memory_space<vmem>>, vector<16xf32>,
        %mul3A_1694 = arith.mulf %get3A_1688, %get3A_1693 : vector<16xf32>
        %add3A_1695 = arith.addf %add3A_1683, %mul3A_1694 : vector<16xf32>
        %get3A_1696 = arith.constant 2 : i32
        %get3A_1697 = arith.index_cast %get3A_1696 : i32 to index
        %get3A_1698 = arith.index_cast %add3A_1636 : i32 to index
        %get3A_1699 = arith.constant 80 : index
        %get3A_1700 = tpu.vector_load %arg8[%get3A_1697, %get3A_1698, %get3A_1699] {strides = array<i32>} : memref<3x128x128xf32, #tpu.memory_space<vmem>>, vector<16xf32>,
        %get3A_1701 = arith.constant 2 : i32
        %get3A_1702 = arith.index_cast %get3A_1701 : i32 to index
        %get3A_1703 = arith.index_cast %add3A_1636 : i32 to index
        %get3A_1704 = arith.constant 80 : index
        %get3A_1705 = tpu.vector_load %arg9[%get3A_1702, %get3A_1703, %get3A_1704] {strides = array<i32>} : memref<3x128x128xf32, #tpu.memory_space<vmem>>, vector<16xf32>,
        %mul3A_1706 = arith.mulf %get3A_1700, %get3A_1705 : vector<16xf32>
        %add3A_1707 = arith.addf %add3A_1695, %mul3A_1706 : vector<16xf32>
        %get3A_1708 = arith.constant 2 : i32
        %get3A_1709 = arith.index_cast %get3A_1708 : i32 to index
        %get3A_1710 = arith.index_cast %add3A_1636 : i32 to index
        %get3A_1711 = arith.constant 96 : index
        %get3A_1712 = tpu.vector_load %arg8[%get3A_1709, %get3A_1710, %get3A_1711] {strides = array<i32>} : memref<3x128x128xf32, #tpu.memory_space<vmem>>, vector<16xf32>,
        %get3A_1713 = arith.constant 2 : i32
        %get3A_1714 = arith.index_cast %get3A_1713 : i32 to index
        %get3A_1715 = arith.index_cast %add3A_1636 : i32 to index
        %get3A_1716 = arith.constant 96 : index
        %get3A_1717 = tpu.vector_load %arg9[%get3A_1714, %get3A_1715, %get3A_1716] {strides = array<i32>} : memref<3x128x128xf32, #tpu.memory_space<vmem>>, vector<16xf32>,
        %mul3A_1718 = arith.mulf %get3A_1712, %get3A_1717 : vector<16xf32>
        %add3A_1719 = arith.addf %add3A_1707, %mul3A_1718 : vector<16xf32>
        %get3A_1720 = arith.constant 2 : i32
        %get3A_1721 = arith.index_cast %get3A_1720 : i32 to index
        %get3A_1722 = arith.index_cast %add3A_1636 : i32 to index
        %get3A_1723 = arith.constant 112 : index
        %get3A_1724 = tpu.vector_load %arg8[%get3A_1721, %get3A_1722, %get3A_1723] {strides = array<i32>} : memref<3x128x128xf32, #tpu.memory_space<vmem>>, vector<16xf32>,
        %get3A_1725 = arith.constant 2 : i32
        %get3A_1726 = arith.index_cast %get3A_1725 : i32 to index
        %get3A_1727 = arith.index_cast %add3A_1636 : i32 to index
        %get3A_1728 = arith.constant 112 : index
        %get3A_1729 = tpu.vector_load %arg9[%get3A_1726, %get3A_1727, %get3A_1728] {strides = array<i32>} : memref<3x128x128xf32, #tpu.memory_space<vmem>>, vector<16xf32>,
        %mul3A_1730 = arith.mulf %get3A_1724, %get3A_1729 : vector<16xf32>
        %add3A_1731 = arith.addf %add3A_1719, %mul3A_1730 : vector<16xf32>
        %swap3A_1732 = arith.constant 221 : index
        %swap3A_1733 = tpu.vector_load %arg11[%swap3A_1732] {strides = array<i32>} : memref<280xf32, #tpu.memory_space<vmem>>, vector<16xf32>,
        tpu.vector_store %arg11[%swap3A_1732], %add3A_1731 {strides = array<i32>} : memref<280xf32, #tpu.memory_space<vmem>>, vector<16xf32>,
        %mul3A_1734 = arith.constant 16 : i32
        %mul3A_1735 = arith.muli %scan3A_321, %mul3A_1734 : i32
        %add3A_1736 = arith.constant 14 : i32
        %add3A_1737 = arith.addi %mul3A_1735, %add3A_1736 : i32
        %get3A_1738 = arith.constant 2 : i32
        %get3A_1739 = arith.index_cast %get3A_1738 : i32 to index
        %get3A_1740 = arith.index_cast %add3A_1737 : i32 to index
        %get3A_1741 = arith.constant 0 : index
        %get3A_1742 = tpu.vector_load %arg8[%get3A_1739, %get3A_1740, %get3A_1741] {strides = array<i32>} : memref<3x128x128xf32, #tpu.memory_space<vmem>>, vector<16xf32>,
        %get3A_1743 = arith.constant 2 : i32
        %get3A_1744 = arith.index_cast %get3A_1743 : i32 to index
        %get3A_1745 = arith.index_cast %add3A_1737 : i32 to index
        %get3A_1746 = arith.constant 0 : index
        %get3A_1747 = tpu.vector_load %arg9[%get3A_1744, %get3A_1745, %get3A_1746] {strides = array<i32>} : memref<3x128x128xf32, #tpu.memory_space<vmem>>, vector<16xf32>,
        %mul3A_1748 = arith.mulf %get3A_1742, %get3A_1747 : vector<16xf32>
        %get3A_1749 = arith.constant 2 : i32
        %get3A_1750 = arith.index_cast %get3A_1749 : i32 to index
        %get3A_1751 = arith.index_cast %add3A_1737 : i32 to index
        %get3A_1752 = arith.constant 16 : index
        %get3A_1753 = tpu.vector_load %arg8[%get3A_1750, %get3A_1751, %get3A_1752] {strides = array<i32>} : memref<3x128x128xf32, #tpu.memory_space<vmem>>, vector<16xf32>,
        %get3A_1754 = arith.constant 2 : i32
        %get3A_1755 = arith.index_cast %get3A_1754 : i32 to index
        %get3A_1756 = arith.index_cast %add3A_1737 : i32 to index
        %get3A_1757 = arith.constant 16 : index
        %get3A_1758 = tpu.vector_load %arg9[%get3A_1755, %get3A_1756, %get3A_1757] {strides = array<i32>} : memref<3x128x128xf32, #tpu.memory_space<vmem>>, vector<16xf32>,
        %mul3A_1759 = arith.mulf %get3A_1753, %get3A_1758 : vector<16xf32>
        %add3A_1760 = arith.addf %mul3A_1748, %mul3A_1759 : vector<16xf32>
        %get3A_1761 = arith.constant 2 : i32
        %get3A_1762 = arith.index_cast %get3A_1761 : i32 to index
        %get3A_1763 = arith.index_cast %add3A_1737 : i32 to index
        %get3A_1764 = arith.constant 32 : index
        %get3A_1765 = tpu.vector_load %arg8[%get3A_1762, %get3A_1763, %get3A_1764] {strides = array<i32>} : memref<3x128x128xf32, #tpu.memory_space<vmem>>, vector<16xf32>,
        %get3A_1766 = arith.constant 2 : i32
        %get3A_1767 = arith.index_cast %get3A_1766 : i32 to index
        %get3A_1768 = arith.index_cast %add3A_1737 : i32 to index
        %get3A_1769 = arith.constant 32 : index
        %get3A_1770 = tpu.vector_load %arg9[%get3A_1767, %get3A_1768, %get3A_1769] {strides = array<i32>} : memref<3x128x128xf32, #tpu.memory_space<vmem>>, vector<16xf32>,
        %mul3A_1771 = arith.mulf %get3A_1765, %get3A_1770 : vector<16xf32>
        %add3A_1772 = arith.addf %add3A_1760, %mul3A_1771 : vector<16xf32>
        %get3A_1773 = arith.constant 2 : i32
        %get3A_1774 = arith.index_cast %get3A_1773 : i32 to index
        %get3A_1775 = arith.index_cast %add3A_1737 : i32 to index
        %get3A_1776 = arith.constant 48 : index
        %get3A_1777 = tpu.vector_load %arg8[%get3A_1774, %get3A_1775, %get3A_1776] {strides = array<i32>} : memref<3x128x128xf32, #tpu.memory_space<vmem>>, vector<16xf32>,
        %get3A_1778 = arith.constant 2 : i32
        %get3A_1779 = arith.index_cast %get3A_1778 : i32 to index
        %get3A_1780 = arith.index_cast %add3A_1737 : i32 to index
        %get3A_1781 = arith.constant 48 : index
        %get3A_1782 = tpu.vector_load %arg9[%get3A_1779, %get3A_1780, %get3A_1781] {strides = array<i32>} : memref<3x128x128xf32, #tpu.memory_space<vmem>>, vector<16xf32>,
        %mul3A_1783 = arith.mulf %get3A_1777, %get3A_1782 : vector<16xf32>
        %add3A_1784 = arith.addf %add3A_1772, %mul3A_1783 : vector<16xf32>
        %get3A_1785 = arith.constant 2 : i32
        %get3A_1786 = arith.index_cast %get3A_1785 : i32 to index
        %get3A_1787 = arith.index_cast %add3A_1737 : i32 to index
        %get3A_1788 = arith.constant 64 : index
        %get3A_1789 = tpu.vector_load %arg8[%get3A_1786, %get3A_1787, %get3A_1788] {strides = array<i32>} : memref<3x128x128xf32, #tpu.memory_space<vmem>>, vector<16xf32>,
        %get3A_1790 = arith.constant 2 : i32
        %get3A_1791 = arith.index_cast %get3A_1790 : i32 to index
        %get3A_1792 = arith.index_cast %add3A_1737 : i32 to index
        %get3A_1793 = arith.constant 64 : index
        %get3A_1794 = tpu.vector_load %arg9[%get3A_1791, %get3A_1792, %get3A_1793] {strides = array<i32>} : memref<3x128x128xf32, #tpu.memory_space<vmem>>, vector<16xf32>,
        %mul3A_1795 = arith.mulf %get3A_1789, %get3A_1794 : vector<16xf32>
        %add3A_1796 = arith.addf %add3A_1784, %mul3A_1795 : vector<16xf32>
        %get3A_1797 = arith.constant 2 : i32
        %get3A_1798 = arith.index_cast %get3A_1797 : i32 to index
        %get3A_1799 = arith.index_cast %add3A_1737 : i32 to index
        %get3A_1800 = arith.constant 80 : index
        %get3A_1801 = tpu.vector_load %arg8[%get3A_1798, %get3A_1799, %get3A_1800] {strides = array<i32>} : memref<3x128x128xf32, #tpu.memory_space<vmem>>, vector<16xf32>,
        %get3A_1802 = arith.constant 2 : i32
        %get3A_1803 = arith.index_cast %get3A_1802 : i32 to index
        %get3A_1804 = arith.index_cast %add3A_1737 : i32 to index
        %get3A_1805 = arith.constant 80 : index
        %get3A_1806 = tpu.vector_load %arg9[%get3A_1803, %get3A_1804, %get3A_1805] {strides = array<i32>} : memref<3x128x128xf32, #tpu.memory_space<vmem>>, vector<16xf32>,
        %mul3A_1807 = arith.mulf %get3A_1801, %get3A_1806 : vector<16xf32>
        %add3A_1808 = arith.addf %add3A_1796, %mul3A_1807 : vector<16xf32>
        %get3A_1809 = arith.constant 2 : i32
        %get3A_1810 = arith.index_cast %get3A_1809 : i32 to index
        %get3A_1811 = arith.index_cast %add3A_1737 : i32 to index
        %get3A_1812 = arith.constant 96 : index
        %get3A_1813 = tpu.vector_load %arg8[%get3A_1810, %get3A_1811, %get3A_1812] {strides = array<i32>} : memref<3x128x128xf32, #tpu.memory_space<vmem>>, vector<16xf32>,
        %get3A_1814 = arith.constant 2 : i32
        %get3A_1815 = arith.index_cast %get3A_1814 : i32 to index
        %get3A_1816 = arith.index_cast %add3A_1737 : i32 to index
        %get3A_1817 = arith.constant 96 : index
        %get3A_1818 = tpu.vector_load %arg9[%get3A_1815, %get3A_1816, %get3A_1817] {strides = array<i32>} : memref<3x128x128xf32, #tpu.memory_space<vmem>>, vector<16xf32>,
        %mul3A_1819 = arith.mulf %get3A_1813, %get3A_1818 : vector<16xf32>
        %add3A_1820 = arith.addf %add3A_1808, %mul3A_1819 : vector<16xf32>
        %get3A_1821 = arith.constant 2 : i32
        %get3A_1822 = arith.index_cast %get3A_1821 : i32 to index
        %get3A_1823 = arith.index_cast %add3A_1737 : i32 to index
        %get3A_1824 = arith.constant 112 : index
        %get3A_1825 = tpu.vector_load %arg8[%get3A_1822, %get3A_1823, %get3A_1824] {strides = array<i32>} : memref<3x128x128xf32, #tpu.memory_space<vmem>>, vector<16xf32>,
        %get3A_1826 = arith.constant 2 : i32
        %get3A_1827 = arith.index_cast %get3A_1826 : i32 to index
        %get3A_1828 = arith.index_cast %add3A_1737 : i32 to index
        %get3A_1829 = arith.constant 112 : index
        %get3A_1830 = tpu.vector_load %arg9[%get3A_1827, %get3A_1828, %get3A_1829] {strides = array<i32>} : memref<3x128x128xf32, #tpu.memory_space<vmem>>, vector<16xf32>,
        %mul3A_1831 = arith.mulf %get3A_1825, %get3A_1830 : vector<16xf32>
        %add3A_1832 = arith.addf %add3A_1820, %mul3A_1831 : vector<16xf32>
        %swap3A_1833 = arith.constant 238 : index
        %swap3A_1834 = tpu.vector_load %arg11[%swap3A_1833] {strides = array<i32>} : memref<280xf32, #tpu.memory_space<vmem>>, vector<16xf32>,
        tpu.vector_store %arg11[%swap3A_1833], %add3A_1832 {strides = array<i32>} : memref<280xf32, #tpu.memory_space<vmem>>, vector<16xf32>,
        %mul3A_1835 = arith.constant 16 : i32
        %mul3A_1836 = arith.muli %scan3A_321, %mul3A_1835 : i32
        %add3A_1837 = arith.constant 15 : i32
        %add3A_1838 = arith.addi %mul3A_1836, %add3A_1837 : i32
        %get3A_1839 = arith.constant 2 : i32
        %get3A_1840 = arith.index_cast %get3A_1839 : i32 to index
        %get3A_1841 = arith.index_cast %add3A_1838 : i32 to index
        %get3A_1842 = arith.constant 0 : index
        %get3A_1843 = tpu.vector_load %arg8[%get3A_1840, %get3A_1841, %get3A_1842] {strides = array<i32>} : memref<3x128x128xf32, #tpu.memory_space<vmem>>, vector<16xf32>,
        %get3A_1844 = arith.constant 2 : i32
        %get3A_1845 = arith.index_cast %get3A_1844 : i32 to index
        %get3A_1846 = arith.index_cast %add3A_1838 : i32 to index
        %get3A_1847 = arith.constant 0 : index
        %get3A_1848 = tpu.vector_load %arg9[%get3A_1845, %get3A_1846, %get3A_1847] {strides = array<i32>} : memref<3x128x128xf32, #tpu.memory_space<vmem>>, vector<16xf32>,
        %mul3A_1849 = arith.mulf %get3A_1843, %get3A_1848 : vector<16xf32>
        %get3A_1850 = arith.constant 2 : i32
        %get3A_1851 = arith.index_cast %get3A_1850 : i32 to index
        %get3A_1852 = arith.index_cast %add3A_1838 : i32 to index
        %get3A_1853 = arith.constant 16 : index
        %get3A_1854 = tpu.vector_load %arg8[%get3A_1851, %get3A_1852, %get3A_1853] {strides = array<i32>} : memref<3x128x128xf32, #tpu.memory_space<vmem>>, vector<16xf32>,
        %get3A_1855 = arith.constant 2 : i32
        %get3A_1856 = arith.index_cast %get3A_1855 : i32 to index
        %get3A_1857 = arith.index_cast %add3A_1838 : i32 to index
        %get3A_1858 = arith.constant 16 : index
        %get3A_1859 = tpu.vector_load %arg9[%get3A_1856, %get3A_1857, %get3A_1858] {strides = array<i32>} : memref<3x128x128xf32, #tpu.memory_space<vmem>>, vector<16xf32>,
        %mul3A_1860 = arith.mulf %get3A_1854, %get3A_1859 : vector<16xf32>
        %add3A_1861 = arith.addf %mul3A_1849, %mul3A_1860 : vector<16xf32>
        %get3A_1862 = arith.constant 2 : i32
        %get3A_1863 = arith.index_cast %get3A_1862 : i32 to index
        %get3A_1864 = arith.index_cast %add3A_1838 : i32 to index
        %get3A_1865 = arith.constant 32 : index
        %get3A_1866 = tpu.vector_load %arg8[%get3A_1863, %get3A_1864, %get3A_1865] {strides = array<i32>} : memref<3x128x128xf32, #tpu.memory_space<vmem>>, vector<16xf32>,
        %get3A_1867 = arith.constant 2 : i32
        %get3A_1868 = arith.index_cast %get3A_1867 : i32 to index
        %get3A_1869 = arith.index_cast %add3A_1838 : i32 to index
        %get3A_1870 = arith.constant 32 : index
        %get3A_1871 = tpu.vector_load %arg9[%get3A_1868, %get3A_1869, %get3A_1870] {strides = array<i32>} : memref<3x128x128xf32, #tpu.memory_space<vmem>>, vector<16xf32>,
        %mul3A_1872 = arith.mulf %get3A_1866, %get3A_1871 : vector<16xf32>
        %add3A_1873 = arith.addf %add3A_1861, %mul3A_1872 : vector<16xf32>
        %get3A_1874 = arith.constant 2 : i32
        %get3A_1875 = arith.index_cast %get3A_1874 : i32 to index
        %get3A_1876 = arith.index_cast %add3A_1838 : i32 to index
        %get3A_1877 = arith.constant 48 : index
        %get3A_1878 = tpu.vector_load %arg8[%get3A_1875, %get3A_1876, %get3A_1877] {strides = array<i32>} : memref<3x128x128xf32, #tpu.memory_space<vmem>>, vector<16xf32>,
        %get3A_1879 = arith.constant 2 : i32
        %get3A_1880 = arith.index_cast %get3A_1879 : i32 to index
        %get3A_1881 = arith.index_cast %add3A_1838 : i32 to index
        %get3A_1882 = arith.constant 48 : index
        %get3A_1883 = tpu.vector_load %arg9[%get3A_1880, %get3A_1881, %get3A_1882] {strides = array<i32>} : memref<3x128x128xf32, #tpu.memory_space<vmem>>, vector<16xf32>,
        %mul3A_1884 = arith.mulf %get3A_1878, %get3A_1883 : vector<16xf32>
        %add3A_1885 = arith.addf %add3A_1873, %mul3A_1884 : vector<16xf32>
        %get3A_1886 = arith.constant 2 : i32
        %get3A_1887 = arith.index_cast %get3A_1886 : i32 to index
        %get3A_1888 = arith.index_cast %add3A_1838 : i32 to index
        %get3A_1889 = arith.constant 64 : index
        %get3A_1890 = tpu.vector_load %arg8[%get3A_1887, %get3A_1888, %get3A_1889] {strides = array<i32>} : memref<3x128x128xf32, #tpu.memory_space<vmem>>, vector<16xf32>,
        %get3A_1891 = arith.constant 2 : i32
        %get3A_1892 = arith.index_cast %get3A_1891 : i32 to index
        %get3A_1893 = arith.index_cast %add3A_1838 : i32 to index
        %get3A_1894 = arith.constant 64 : index
        %get3A_1895 = tpu.vector_load %arg9[%get3A_1892, %get3A_1893, %get3A_1894] {strides = array<i32>} : memref<3x128x128xf32, #tpu.memory_space<vmem>>, vector<16xf32>,
        %mul3A_1896 = arith.mulf %get3A_1890, %get3A_1895 : vector<16xf32>
        %add3A_1897 = arith.addf %add3A_1885, %mul3A_1896 : vector<16xf32>
        %get3A_1898 = arith.constant 2 : i32
        %get3A_1899 = arith.index_cast %get3A_1898 : i32 to index
        %get3A_1900 = arith.index_cast %add3A_1838 : i32 to index
        %get3A_1901 = arith.constant 80 : index
        %get3A_1902 = tpu.vector_load %arg8[%get3A_1899, %get3A_1900, %get3A_1901] {strides = array<i32>} : memref<3x128x128xf32, #tpu.memory_space<vmem>>, vector<16xf32>,
        %get3A_1903 = arith.constant 2 : i32
        %get3A_1904 = arith.index_cast %get3A_1903 : i32 to index
        %get3A_1905 = arith.index_cast %add3A_1838 : i32 to index
        %get3A_1906 = arith.constant 80 : index
        %get3A_1907 = tpu.vector_load %arg9[%get3A_1904, %get3A_1905, %get3A_1906] {strides = array<i32>} : memref<3x128x128xf32, #tpu.memory_space<vmem>>, vector<16xf32>,
        %mul3A_1908 = arith.mulf %get3A_1902, %get3A_1907 : vector<16xf32>
        %add3A_1909 = arith.addf %add3A_1897, %mul3A_1908 : vector<16xf32>
        %get3A_1910 = arith.constant 2 : i32
        %get3A_1911 = arith.index_cast %get3A_1910 : i32 to index
        %get3A_1912 = arith.index_cast %add3A_1838 : i32 to index
        %get3A_1913 = arith.constant 96 : index
        %get3A_1914 = tpu.vector_load %arg8[%get3A_1911, %get3A_1912, %get3A_1913] {strides = array<i32>} : memref<3x128x128xf32, #tpu.memory_space<vmem>>, vector<16xf32>,
        %get3A_1915 = arith.constant 2 : i32
        %get3A_1916 = arith.index_cast %get3A_1915 : i32 to index
        %get3A_1917 = arith.index_cast %add3A_1838 : i32 to index
        %get3A_1918 = arith.constant 96 : index
        %get3A_1919 = tpu.vector_load %arg9[%get3A_1916, %get3A_1917, %get3A_1918] {strides = array<i32>} : memref<3x128x128xf32, #tpu.memory_space<vmem>>, vector<16xf32>,
        %mul3A_1920 = arith.mulf %get3A_1914, %get3A_1919 : vector<16xf32>
        %add3A_1921 = arith.addf %add3A_1909, %mul3A_1920 : vector<16xf32>
        %get3A_1922 = arith.constant 2 : i32
        %get3A_1923 = arith.index_cast %get3A_1922 : i32 to index
        %get3A_1924 = arith.index_cast %add3A_1838 : i32 to index
        %get3A_1925 = arith.constant 112 : index
        %get3A_1926 = tpu.vector_load %arg8[%get3A_1923, %get3A_1924, %get3A_1925] {strides = array<i32>} : memref<3x128x128xf32, #tpu.memory_space<vmem>>, vector<16xf32>,
        %get3A_1927 = arith.constant 2 : i32
        %get3A_1928 = arith.index_cast %get3A_1927 : i32 to index
        %get3A_1929 = arith.index_cast %add3A_1838 : i32 to index
        %get3A_1930 = arith.constant 112 : index
        %get3A_1931 = tpu.vector_load %arg9[%get3A_1928, %get3A_1929, %get3A_1930] {strides = array<i32>} : memref<3x128x128xf32, #tpu.memory_space<vmem>>, vector<16xf32>,
        %mul3A_1932 = arith.mulf %get3A_1926, %get3A_1931 : vector<16xf32>
        %add3A_1933 = arith.addf %add3A_1921, %mul3A_1932 : vector<16xf32>
        %swap3A_1934 = arith.constant 255 : index
        %swap3A_1935 = tpu.vector_load %arg11[%swap3A_1934] {strides = array<i32>} : memref<280xf32, #tpu.memory_space<vmem>>, vector<16xf32>,
        tpu.vector_store %arg11[%swap3A_1934], %add3A_1933 {strides = array<i32>} : memref<280xf32, #tpu.memory_space<vmem>>, vector<16xf32>,
        %add3A_1936 = arith.constant 0 : i32
        %add3A_1937 = vector.broadcast %add3A_1936 : i32 to vector<16xi32>
        %add3A_1938 = arith.addi %mul3A_5, %add3A_1937 : vector<16xi32>
        %gather3A = tpu.vector_load_idx %arg11[%add3A_1938] : memref<280xf32, #tpu.memory_space<vmem>>[vector<16xi32>], vector<16xf32>,
        %add3A_1939 = arith.constant 1 : i32
        %add3A_1940 = vector.broadcast %add3A_1939 : i32 to vector<16xi32>
        %add3A_1941 = arith.addi %mul3A_5, %add3A_1940 : vector<16xi32>
        %gather3A_1942 = tpu.vector_load_idx %arg11[%add3A_1941] : memref<280xf32, #tpu.memory_space<vmem>>[vector<16xi32>], vector<16xf32>,
        %add3A_1943 = arith.constant 2 : i32
        %add3A_1944 = vector.broadcast %add3A_1943 : i32 to vector<16xi32>
        %add3A_1945 = arith.addi %mul3A_5, %add3A_1944 : vector<16xi32>
        %gather3A_1946 = tpu.vector_load_idx %arg11[%add3A_1945] : memref<280xf32, #tpu.memory_space<vmem>>[vector<16xi32>], vector<16xf32>,
        %add3A_1947 = arith.constant 3 : i32
        %add3A_1948 = vector.broadcast %add3A_1947 : i32 to vector<16xi32>
        %add3A_1949 = arith.addi %mul3A_5, %add3A_1948 : vector<16xi32>
        %gather3A_1950 = tpu.vector_load_idx %arg11[%add3A_1949] : memref<280xf32, #tpu.memory_space<vmem>>[vector<16xi32>], vector<16xf32>,
        %add3A_1951 = arith.constant 4 : i32
        %add3A_1952 = vector.broadcast %add3A_1951 : i32 to vector<16xi32>
        %add3A_1953 = arith.addi %mul3A_5, %add3A_1952 : vector<16xi32>
        %gather3A_1954 = tpu.vector_load_idx %arg11[%add3A_1953] : memref<280xf32, #tpu.memory_space<vmem>>[vector<16xi32>], vector<16xf32>,
        %add3A_1955 = arith.constant 5 : i32
        %add3A_1956 = vector.broadcast %add3A_1955 : i32 to vector<16xi32>
        %add3A_1957 = arith.addi %mul3A_5, %add3A_1956 : vector<16xi32>
        %gather3A_1958 = tpu.vector_load_idx %arg11[%add3A_1957] : memref<280xf32, #tpu.memory_space<vmem>>[vector<16xi32>], vector<16xf32>,
        %add3A_1959 = arith.constant 6 : i32
        %add3A_1960 = vector.broadcast %add3A_1959 : i32 to vector<16xi32>
        %add3A_1961 = arith.addi %mul3A_5, %add3A_1960 : vector<16xi32>
        %gather3A_1962 = tpu.vector_load_idx %arg11[%add3A_1961] : memref<280xf32, #tpu.memory_space<vmem>>[vector<16xi32>], vector<16xf32>,
        %add3A_1963 = arith.constant 7 : i32
        %add3A_1964 = vector.broadcast %add3A_1963 : i32 to vector<16xi32>
        %add3A_1965 = arith.addi %mul3A_5, %add3A_1964 : vector<16xi32>
        %gather3A_1966 = tpu.vector_load_idx %arg11[%add3A_1965] : memref<280xf32, #tpu.memory_space<vmem>>[vector<16xi32>], vector<16xf32>,
        %add3A_1967 = arith.constant 8 : i32
        %add3A_1968 = vector.broadcast %add3A_1967 : i32 to vector<16xi32>
        %add3A_1969 = arith.addi %mul3A_5, %add3A_1968 : vector<16xi32>
        %gather3A_1970 = tpu.vector_load_idx %arg11[%add3A_1969] : memref<280xf32, #tpu.memory_space<vmem>>[vector<16xi32>], vector<16xf32>,
        %add3A_1971 = arith.constant 9 : i32
        %add3A_1972 = vector.broadcast %add3A_1971 : i32 to vector<16xi32>
        %add3A_1973 = arith.addi %mul3A_5, %add3A_1972 : vector<16xi32>
        %gather3A_1974 = tpu.vector_load_idx %arg11[%add3A_1973] : memref<280xf32, #tpu.memory_space<vmem>>[vector<16xi32>], vector<16xf32>,
        %add3A_1975 = arith.constant 10 : i32
        %add3A_1976 = vector.broadcast %add3A_1975 : i32 to vector<16xi32>
        %add3A_1977 = arith.addi %mul3A_5, %add3A_1976 : vector<16xi32>
        %gather3A_1978 = tpu.vector_load_idx %arg11[%add3A_1977] : memref<280xf32, #tpu.memory_space<vmem>>[vector<16xi32>], vector<16xf32>,
        %add3A_1979 = arith.constant 11 : i32
        %add3A_1980 = vector.broadcast %add3A_1979 : i32 to vector<16xi32>
        %add3A_1981 = arith.addi %mul3A_5, %add3A_1980 : vector<16xi32>
        %gather3A_1982 = tpu.vector_load_idx %arg11[%add3A_1981] : memref<280xf32, #tpu.memory_space<vmem>>[vector<16xi32>], vector<16xf32>,
        %add3A_1983 = arith.constant 12 : i32
        %add3A_1984 = vector.broadcast %add3A_1983 : i32 to vector<16xi32>
        %add3A_1985 = arith.addi %mul3A_5, %add3A_1984 : vector<16xi32>
        %gather3A_1986 = tpu.vector_load_idx %arg11[%add3A_1985] : memref<280xf32, #tpu.memory_space<vmem>>[vector<16xi32>], vector<16xf32>,
        %add3A_1987 = arith.constant 13 : i32
        %add3A_1988 = vector.broadcast %add3A_1987 : i32 to vector<16xi32>
        %add3A_1989 = arith.addi %mul3A_5, %add3A_1988 : vector<16xi32>
        %gather3A_1990 = tpu.vector_load_idx %arg11[%add3A_1989] : memref<280xf32, #tpu.memory_space<vmem>>[vector<16xi32>], vector<16xf32>,
        %add3A_1991 = arith.constant 14 : i32
        %add3A_1992 = vector.broadcast %add3A_1991 : i32 to vector<16xi32>
        %add3A_1993 = arith.addi %mul3A_5, %add3A_1992 : vector<16xi32>
        %gather3A_1994 = tpu.vector_load_idx %arg11[%add3A_1993] : memref<280xf32, #tpu.memory_space<vmem>>[vector<16xi32>], vector<16xf32>,
        %add3A_1995 = arith.constant 15 : i32
        %add3A_1996 = vector.broadcast %add3A_1995 : i32 to vector<16xi32>
        %add3A_1997 = arith.addi %mul3A_5, %add3A_1996 : vector<16xi32>
        %gather3A_1998 = tpu.vector_load_idx %arg11[%add3A_1997] : memref<280xf32, #tpu.memory_space<vmem>>[vector<16xi32>], vector<16xf32>,
        %add3A_1999 = arith.addf %gather3A, %gather3A_1942 : vector<16xf32>
        %add3A_2000 = arith.addf %gather3A_1946, %gather3A_1950 : vector<16xf32>
        %add3A_2001 = arith.addf %gather3A_1954, %gather3A_1958 : vector<16xf32>
        %add3A_2002 = arith.addf %gather3A_1962, %gather3A_1966 : vector<16xf32>
        %add3A_2003 = arith.addf %gather3A_1970, %gather3A_1974 : vector<16xf32>
        %add3A_2004 = arith.addf %gather3A_1978, %gather3A_1982 : vector<16xf32>
        %add3A_2005 = arith.addf %gather3A_1986, %gather3A_1990 : vector<16xf32>
        %add3A_2006 = arith.addf %gather3A_1994, %gather3A_1998 : vector<16xf32>
        %add3A_2007 = arith.addf %add3A_1999, %add3A_2000 : vector<16xf32>
        %add3A_2008 = arith.addf %add3A_2001, %add3A_2002 : vector<16xf32>
        %add3A_2009 = arith.addf %add3A_2003, %add3A_2004 : vector<16xf32>
        %add3A_2010 = arith.addf %add3A_2005, %add3A_2006 : vector<16xf32>
        %add3A_2011 = arith.addf %add3A_2007, %add3A_2008 : vector<16xf32>
        %add3A_2012 = arith.addf %add3A_2009, %add3A_2010 : vector<16xf32>
        %add3A_2013 = arith.addf %add3A_2011, %add3A_2012 : vector<16xf32>
        %neg3A = arith.constant 0.000000e+00 : f32
        %neg3A_2014 = vector.broadcast %neg3A : f32 to vector<16xf32>
        %neg3A_2015 = arith.subf %neg3A_2014, %add3A_2013 : vector<16xf32>
        %exp3A = math.exp %neg3A_2015 : vector<16xf32>
        %add3A_2016 = arith.constant 1.000000e+00 : f32
        %add3A_2017 = vector.broadcast %add3A_2016 : f32 to vector<16xf32>
        %add3A_2018 = arith.addf %add3A_2017, %exp3A : vector<16xf32>
        %div3A = arith.constant 1.000000e+00 : f32
        %div3A_2019 = vector.broadcast %div3A : f32 to vector<16xf32>
        %div3A_2020 = arith.divf %div3A_2019, %add3A_2018 : vector<16xf32>
        %mul3A_2021 = arith.constant 16 : i32
        %mul3A_2022 = arith.muli %scan3A_321, %mul3A_2021 : i32
        %add3A_2023 = arith.addi %multiple_of3A_314, %mul3A_2022 : i32
        %swap3A_2024 = arith.index_cast %add3A_2023 : i32 to index
        %swap3A_2025 = tpu.vector_load %arg10[%swap3A_2024] {strides = array<i32>} : memref<10000xf32, #tpu.memory_space<vmem>>, vector<16xf32>,
        tpu.vector_store %arg10[%swap3A_2024], %div3A_2020 {strides = array<i32>} : memref<10000xf32, #tpu.memory_space<vmem>>, vector<16xf32>,
      }
      %scan3A_320 = arith.constant 8 : i32
    }
    %scan3A_56 = arith.constant 27 : i32
    %dma_wait3A = arith.constant 0 : i32
    %dma_wait3A_57 = arith.constant 0 : i32
    %dma_wait3A_58 = arith.constant 0 : i32
    %dma_wait3A_59 = tpu.memref_slice %arg8[%dma_wait3A, %dma_wait3A_57, %dma_wait3A_58] : memref<3x128x128xf32, #tpu.memory_space<vmem>> -> memref<1x128x128xf32, #tpu.memory_space<vmem>>
    %dma_wait3A_60 = tpu.memref_squeeze %dma_wait3A_59 : memref<1x128x128xf32, #tpu.memory_space<vmem>> -> memref<128x128xf32, #tpu.memory_space<vmem>>
    %dma_wait3A_61 = arith.constant 0 : i32
    %dma_wait3A_62 = arith.constant 0 : i32
    %dma_wait3A_63 = tpu.memref_slice %arg2[%dma_wait3A_61, %dma_wait3A_62] : memref<10000x128xf32, #tpu.memory_space<hbm>> -> memref<128x128xf32, #tpu.memory_space<hbm>>
    %dma_wait3A_64 = arith.constant 0 : i32
    %dma_wait3A_65 = arith.constant 0 : i32
    %dma_wait3A_66 = tpu.memref_slice %arg8[%dma_wait3A, %dma_wait3A_64, %dma_wait3A_65] : memref<3x128x128xf32, #tpu.memory_space<vmem>> -> memref<1x128x128xf32, #tpu.memory_space<vmem>>
    %dma_wait3A_67 = tpu.memref_squeeze %dma_wait3A_66 : memref<1x128x128xf32, #tpu.memory_space<vmem>> -> memref<128x128xf32, #tpu.memory_space<vmem>>
    %dma_wait3A_68 = arith.constant 0 : i32
    %dma_wait3A_69 = arith.constant 0 : i32
    %dma_wait3A_70 = tpu.memref_slice %arg2[%dma_wait3A_68, %dma_wait3A_69] : memref<10000x128xf32, #tpu.memory_space<hbm>> -> memref<128x128xf32, #tpu.memory_space<hbm>>
    tpu.wait_dma2 semaphore(%arg12 : memref<!tpu.dma_semaphore, #tpu.memory_space<semaphore_mem>>) src(%dma_wait3A_70 : memref<128x128xf32, #tpu.memory_space<hbm>>) dst(%dma_wait3A_67 : memref<128x128xf32, #tpu.memory_space<vmem>>)
    %dma_wait3A_71 = arith.constant 0 : i32
    %dma_wait3A_72 = arith.constant 0 : i32
    %dma_wait3A_73 = arith.constant 0 : i32
    %dma_wait3A_74 = tpu.memref_slice %arg9[%dma_wait3A_71, %dma_wait3A_72, %dma_wait3A_73] : memref<3x128x128xf32, #tpu.memory_space<vmem>> -> memref<1x128x128xf32, #tpu.memory_space<vmem>>
    %dma_wait3A_75 = tpu.memref_squeeze %dma_wait3A_74 : memref<1x128x128xf32, #tpu.memory_space<vmem>> -> memref<128x128xf32, #tpu.memory_space<vmem>>
    %dma_wait3A_76 = arith.constant 0 : i32
    %dma_wait3A_77 = arith.constant 0 : i32
    %dma_wait3A_78 = tpu.memref_slice %arg2[%dma_wait3A_76, %dma_wait3A_77] : memref<10000x128xf32, #tpu.memory_space<hbm>> -> memref<128x128xf32, #tpu.memory_space<hbm>>
    %dma_wait3A_79 = arith.constant 0 : i32
    %dma_wait3A_80 = arith.constant 0 : i32
    %dma_wait3A_81 = tpu.memref_slice %arg9[%dma_wait3A_71, %dma_wait3A_79, %dma_wait3A_80] : memref<3x128x128xf32, #tpu.memory_space<vmem>> -> memref<1x128x128xf32, #tpu.memory_space<vmem>>
    %dma_wait3A_82 = tpu.memref_squeeze %dma_wait3A_81 : memref<1x128x128xf32, #tpu.memory_space<vmem>> -> memref<128x128xf32, #tpu.memory_space<vmem>>
    %dma_wait3A_83 = arith.constant 0 : i32
    %dma_wait3A_84 = arith.constant 0 : i32
    %dma_wait3A_85 = tpu.memref_slice %arg2[%dma_wait3A_83, %dma_wait3A_84] : memref<10000x128xf32, #tpu.memory_space<hbm>> -> memref<128x128xf32, #tpu.memory_space<hbm>>
    tpu.wait_dma2 semaphore(%arg13 : memref<!tpu.dma_semaphore, #tpu.memory_space<semaphore_mem>>) src(%dma_wait3A_85 : memref<128x128xf32, #tpu.memory_space<hbm>>) dst(%dma_wait3A_82 : memref<128x128xf32, #tpu.memory_space<vmem>>)
    %dma_wait3A_86 = arith.constant 1 : i32
    %dma_wait3A_87 = arith.constant 0 : i32
    %dma_wait3A_88 = arith.constant 0 : i32
    %dma_wait3A_89 = tpu.memref_slice %arg8[%dma_wait3A_86, %dma_wait3A_87, %dma_wait3A_88] : memref<3x128x128xf32, #tpu.memory_space<vmem>> -> memref<1x128x128xf32, #tpu.memory_space<vmem>>
    %dma_wait3A_90 = tpu.memref_squeeze %dma_wait3A_89 : memref<1x128x128xf32, #tpu.memory_space<vmem>> -> memref<128x128xf32, #tpu.memory_space<vmem>>
    %dma_wait3A_91 = arith.constant 0 : i32
    %dma_wait3A_92 = arith.constant 0 : i32
    %dma_wait3A_93 = tpu.memref_slice %arg2[%dma_wait3A_91, %dma_wait3A_92] : memref<10000x128xf32, #tpu.memory_space<hbm>> -> memref<128x128xf32, #tpu.memory_space<hbm>>
    %dma_wait3A_94 = arith.constant 0 : i32
    %dma_wait3A_95 = arith.constant 0 : i32
    %dma_wait3A_96 = tpu.memref_slice %arg8[%dma_wait3A_86, %dma_wait3A_94, %dma_wait3A_95] : memref<3x128x128xf32, #tpu.memory_space<vmem>> -> memref<1x128x128xf32, #tpu.memory_space<vmem>>
    %dma_wait3A_97 = tpu.memref_squeeze %dma_wait3A_96 : memref<1x128x128xf32, #tpu.memory_space<vmem>> -> memref<128x128xf32, #tpu.memory_space<vmem>>
    %dma_wait3A_98 = arith.constant 0 : i32
    %dma_wait3A_99 = arith.constant 0 : i32
    %dma_wait3A_100 = tpu.memref_slice %arg2[%dma_wait3A_98, %dma_wait3A_99] : memref<10000x128xf32, #tpu.memory_space<hbm>> -> memref<128x128xf32, #tpu.memory_space<hbm>>
    tpu.wait_dma2 semaphore(%arg14 : memref<!tpu.dma_semaphore, #tpu.memory_space<semaphore_mem>>) src(%dma_wait3A_100 : memref<128x128xf32, #tpu.memory_space<hbm>>) dst(%dma_wait3A_97 : memref<128x128xf32, #tpu.memory_space<vmem>>)
    %dma_wait3A_101 = arith.constant 1 : i32
    %dma_wait3A_102 = arith.constant 0 : i32
    %dma_wait3A_103 = arith.constant 0 : i32
    %dma_wait3A_104 = tpu.memref_slice %arg9[%dma_wait3A_101, %dma_wait3A_102, %dma_wait3A_103] : memref<3x128x128xf32, #tpu.memory_space<vmem>> -> memref<1x128x128xf32, #tpu.memory_space<vmem>>
    %dma_wait3A_105 = tpu.memref_squeeze %dma_wait3A_104 : memref<1x128x128xf32, #tpu.memory_space<vmem>> -> memref<128x128xf32, #tpu.memory_space<vmem>>
    %dma_wait3A_106 = arith.constant 0 : i32
    %dma_wait3A_107 = arith.constant 0 : i32
    %dma_wait3A_108 = tpu.memref_slice %arg2[%dma_wait3A_106, %dma_wait3A_107] : memref<10000x128xf32, #tpu.memory_space<hbm>> -> memref<128x128xf32, #tpu.memory_space<hbm>>
    %dma_wait3A_109 = arith.constant 0 : i32
    %dma_wait3A_110 = arith.constant 0 : i32
    %dma_wait3A_111 = tpu.memref_slice %arg9[%dma_wait3A_101, %dma_wait3A_109, %dma_wait3A_110] : memref<3x128x128xf32, #tpu.memory_space<vmem>> -> memref<1x128x128xf32, #tpu.memory_space<vmem>>
    %dma_wait3A_112 = tpu.memref_squeeze %dma_wait3A_111 : memref<1x128x128xf32, #tpu.memory_space<vmem>> -> memref<128x128xf32, #tpu.memory_space<vmem>>
    %dma_wait3A_113 = arith.constant 0 : i32
    %dma_wait3A_114 = arith.constant 0 : i32
    %dma_wait3A_115 = tpu.memref_slice %arg2[%dma_wait3A_113, %dma_wait3A_114] : memref<10000x128xf32, #tpu.memory_space<hbm>> -> memref<128x128xf32, #tpu.memory_space<hbm>>
    tpu.wait_dma2 semaphore(%arg15 : memref<!tpu.dma_semaphore, #tpu.memory_space<semaphore_mem>>) src(%dma_wait3A_115 : memref<128x128xf32, #tpu.memory_space<hbm>>) dst(%dma_wait3A_112 : memref<128x128xf32, #tpu.memory_space<vmem>>)
    "tpu.region"() ({
      %run_scoped3A = tpu.sem_alloc : memref<!tpu.dma_semaphore, #tpu.memory_space<semaphore_mem>>
      %dma_start3A_116 = tpu.memref_slice %arg5[%multiple_of3A] : memref<320000xf32, #tpu.memory_space<hbm>> -> memref<10000xf32, #tpu.memory_space<hbm>>
      %dma_start3A_117 = tpu.memref_slice %arg5[%multiple_of3A] : memref<320000xf32, #tpu.memory_space<hbm>> -> memref<10000xf32, #tpu.memory_space<hbm>>
      tpu.enqueue_dma source(%arg10 : memref<10000xf32, #tpu.memory_space<vmem>>) target(%dma_start3A_117 : memref<10000xf32, #tpu.memory_space<hbm>>) target_semaphore(%run_scoped3A : memref<!tpu.dma_semaphore, #tpu.memory_space<semaphore_mem>>)
      %dma_wait3A_118 = tpu.memref_slice %arg5[%multiple_of3A] : memref<320000xf32, #tpu.memory_space<hbm>> -> memref<10000xf32, #tpu.memory_space<hbm>>
      %dma_wait3A_119 = tpu.memref_slice %arg5[%multiple_of3A] : memref<320000xf32, #tpu.memory_space<hbm>> -> memref<10000xf32, #tpu.memory_space<hbm>>
      tpu.wait_dma2 semaphore(%run_scoped3A : memref<!tpu.dma_semaphore, #tpu.memory_space<semaphore_mem>>) src(%arg10 : memref<10000xf32, #tpu.memory_space<vmem>>) dst(%dma_wait3A_119 : memref<10000xf32, #tpu.memory_space<hbm>>)
      tpu.yield
    }) : () -> ()
    return
  }
}

</mosaic_0001>

<sc_bundles>
// kernel: kernel.3.cloned.1.call-start
scs
__scs_entry_jumppad:
0x0: {  	(pc) =	sbr.rel $0x88, $3  }
0x1: {  	(tag) =	ssettag $0x0;
	lr =	simm.s32 $0x1  }
0x2: {  	[smem:$0x3F9F] =	sst lr;
	_ =	strace $0xD0000000  }
0x3: {  	_ = 	snop  }
0x4: {  	_ = 	snop  }
0x5: {  	_ = 	snop  }
0x6: {  	_ = 	snop  }
0x7: {  	_ = 	snop  }
__scs_overlays_trampoline_lowered:
0x8: {  	[smem:$0x3FAE] =	sst s0  }
0x9: {  	[smem:$0x3FAF] =	sst s1  }
0xa: {  	[smem:$0x3FB0] =	sst s2  }
0xb: {  	[smem:$0x3FB1] =	sst s3  }
0xc: {  	[smem:$0x3FB2] =	sst s4  }
0xd: {  	[smem:$0x3FB3] =	sst s5  }
0xe: {  	[smem:$0x3FB4] =	sst s6  }
0xf: {  	[smem:$0x3FB5] =	sst s7  }
0x10: {  	[smem:$0x3FB6] =	sst s8  }
0x11: {  	[smem:$0x3FB7] =	sst s9;
	s0 =	simm.s32 @!p0 $0x0  }
0x12: {  	s1 =	sld [smem:$0x3F9D];
	s0 =	simm.s32 @p0 $0x1  }
0x13: {  	[smem:$0x3FB8] =	sst s0;
	s0 =	simm.s32 @!p1 $0x0  }
0x14: {  	s2 =	sld [smem:$0x3F9C];
	s0 =	simm.s32 @p1 $0x1  }
0x15: {  	[smem:$0x3FB9] =	sst s0;
	s0 =	simm.s32 @!p2 $0x0  }
0x16: {  	s3 =	sld [smem:$0x3FDB];
	s0 =	simm.s32 @p2 $0x1  }
0x17: {  	s4 =	simm.s32 $0x1BF5;
	[smem:$0x3FBB] =	sst s0  }
0x18: {  	s0 =	sld [smem:$0x3F9E];
	_ =	swait.ge [sflag:s4], $0x0  }
0x19: {  	s7 =	sld [smem:$0x3F9F]  }
0x1a: {  	s8 =	sadd.s32 $0xFFFFE003, lr  }
0x1b: {  	s9 =	sadd.s32 $0xFFFFFEF7, lr;
	s5 =	simm.s32 $0xFFFFFFFF;
	p2 =	slt.u32 s8, $0xFFFFF086  }
0x1c: {  	p1 =	slt.u32 s9, $0xF7A;
	s5 =	simm.s32 @!p2 $0x0  }
0x1d: {  	s5 =	simm.s32 @p1 $0x1;
	p0 =	seq.s32 s7, s2  }
0x1e: {  	s7 =	smul.u32 @!p0 $0xF7A, s2;
	p2 =	seq.s32 @!p0 s5, $0x0  }
0x1f: {  	s9 =	smul.u32 $0xF7A, s1;
	s8 =	simm.s32 @!p0 $0x1BF5;
	p2 =	por !p2, p0  }
0x20: {  	[sflag:s8] =	ssyncset.s32 @!p0 $0xFFFFF086;
	s6 =	sadd.s32 @!p0 s3, s7;
	s7 =	simm.s32 @!p0 $0x108  }
0x21: {  	s3 =	sadd.s32 s3, s9;
	s6 =	sadd.s32 @!p0 $0x88, s6;
	s7 =	simm.s32 @p2 $0x1082  }
0x22: {  	[simem:s7], [sflag:s8] =	dma.local @!p0 [hbm:s6], $0xF7A  }
0x23: {  	s9 =	sor.u32 $0xD0000000, s2;
	s6 =	simm.s32 $0x108;
	_ =	swait.ge @!p0 [sflag:s8], $0x0  }
0x24: {  	s3 =	sadd.s32 $0x88, s3;
	s6 =	simm.s32 @!p1 $0x1082;
	[sflag:s4] =	ssyncset.s32 $0xFFFFF086  }
0x25: {  	[simem:s6], [sflag:s4] =	dma.local [hbm:s3], $0xF7A  }
0x26: {  	[smem:$0x3F9F] =	sst s1;
	(tag) =	ssettag s2;
	_ =	strace s9  }
0x27: {  	s1 =	sld [smem:$0x3FAF]  }
0x28: {  	s2 =	sld [smem:$0x3FB0]  }
0x29: {  	s4 =	sld [smem:$0x3FB2]  }
0x2a: {  	p0 =	seq.s32 s5, $0x0;
	s5 =	sld [smem:$0x3FB3]  }
0x2b: {  	s6 =	sld [smem:$0x3FB4]  }
0x2c: {  	s7 =	sld [smem:$0x3FB5]  }
0x2d: {  	s3 =	simm.s32 $0x108;
	s8 =	sld [smem:$0x3FB6]  }
0x2e: {  	s3 =	simm.s32 @!p0 $0x1082;
	s9 =	sld [smem:$0x3FB7]  }
0x2f: {  	lr =	sadd.s32 s0, s3;
	s0 =	sld [smem:$0x3FAE]  }
0x30: {  	s3 =	sld [smem:$0x3FB1]  }
0x31: {  	[smem:$0x3FBA] =	sst s10  }
0x32: {  	s10 =	sld [smem:$0x3FB8];
	_ =	sdelay $0x3  }
0x33: {  	p0 =	seq.s32 s10, $0x1;
	s10 =	sld [smem:$0x3FBA];
	_ =	sdelay $0x3  }
0x34: {  	[smem:$0x3FBA] =	sst s10  }
0x35: {  	s10 =	sld [smem:$0x3FB9];
	_ =	sdelay $0x3  }
0x36: {  	p1 =	seq.s32 s10, $0x1;
	s10 =	sld [smem:$0x3FBA];
	_ =	sdelay $0x3  }
0x37: {  	[smem:$0x3FBA] =	sst s10  }
0x38: {  	s10 =	sld [smem:$0x3FBB]  }
0x39: {  	_ = 	snop;
	(pc) =	sbr.ind lr, $3  }
0x3a: {  	_ = 	snop  }
0x3b: {  	_ = 	snop  }
0x3c: {  	p2 =	seq.s32 s10, $0x1;
	s10 =	sld [smem:$0x3FBA]  }
0x3d: {  	_ =	shalt  }
0x3e: {  	_ =	shalt  }
0x3f: {  	_ =	shalt  }
0x40: {  	_ =	shalt  }
0x41: {  	_ =	shalt  }
0x42: {  	_ =	shalt  }
0x43: {  	_ =	shalt  }
0x44: {  	_ =	shalt  }
0x45: {  	_ =	shalt  }
0x46: {  	_ =	shalt  }
0x47: {  	_ =	shalt  }
0x48: {  	_ =	shalt  }
0x49: {  	_ =	shalt  }
0x4a: {  	_ =	shalt  }
0x4b: {  	_ =	shalt  }
0x4c: {  	_ =	shalt  }
0x4d: {  	_ =	shalt  }
0x4e: {  	_ =	shalt  }
0x4f: {  	_ =	shalt  }
0x50: {  	_ =	shalt  }
0x51: {  	_ =	shalt  }
0x52: {  	_ =	shalt  }
0x53: {  	_ =	shalt  }
0x54: {  	_ =	shalt  }
0x55: {  	_ =	shalt  }
0x56: {  	_ =	shalt  }
0x57: {  	_ =	shalt  }
0x58: {  	_ =	shalt  }
0x59: {  	_ =	shalt  }
0x5a: {  	_ =	shalt  }
0x5b: {  	_ =	shalt  }
0x5c: {  	_ =	shalt  }
0x5d: {  	_ =	shalt  }
0x5e: {  	_ =	shalt  }
0x5f: {  	_ =	shalt  }
0x60: {  	_ =	shalt  }
0x61: {  	_ =	shalt  }
0x62: {  	_ =	shalt  }
0x63: {  	_ =	shalt  }
0x64: {  	_ =	shalt  }
0x65: {  	_ =	shalt  }
0x66: {  	_ =	shalt  }
0x67: {  	_ =	shalt  }
0x68: {  	_ =	shalt  }
0x69: {  	_ =	shalt  }
0x6a: {  	_ =	shalt  }
0x6b: {  	_ =	shalt  }
0x6c: {  	_ =	shalt  }
0x6d: {  	_ =	shalt  }
0x6e: {  	_ =	shalt  }
0x6f: {  	_ =	shalt  }
0x70: {  	_ =	shalt  }
0x71: {  	_ =	shalt  }
0x72: {  	_ =	shalt  }
0x73: {  	_ =	shalt  }
0x74: {  	_ =	shalt  }
0x75: {  	_ =	shalt  }
0x76: {  	_ =	shalt  }
0x77: {  	_ =	shalt  }
0x78: {  	_ =	shalt  }
0x79: {  	_ =	shalt  }
0x7a: {  	_ =	shalt  }
0x7b: {  	_ =	shalt  }
0x7c: {  	_ =	shalt  }
0x7d: {  	_ =	shalt  }
0x7e: {  	_ =	shalt  }
0x7f: {  	_ =	shalt  }
0x80: {  	_ =	shalt  }
0x81: {  	_ =	shalt  }
0x82: {  	_ =	shalt  }
0x83: {  	_ =	shalt  }
0x84: {  	_ =	shalt  }
0x85: {  	_ =	shalt  }
0x86: {  	_ =	shalt  }
0x87: {  	_ =	shalt  }
.Lfunc_end0:
.L_simem_size_0:
called_computation_lowered:
.L_overlay_start_0:
0x88: {  	s2 =	sld [smem:$0x3FD9]  }
0x89: {  	s3 =	sld [smem:$0x3FFE];
	_ =	sdelay $0x1  }
0x8a: {  	s1 =	srdreg.scid  }
0x8b: {  	s0 =	sand.u32 $0x1, s1  }
0x8c: {  	s17 =	sshll.u32 s0, $0xA;
	s2 =	sadd.s32 s3, s2  }
0x8d: {  	s2 =	sadd.s32 s2, s17  }
0x8e: {  	[smem:$0x3FC6] =	sst s2  }
0x8f: {  	_ = 	snop  }
0x90: {  	s2 =	sld [smem:$0x3FC9]  }
0x91: {  	s18 =	sld [smem:$0x3FD0];
	(tm) =	ssettm $0x1  }
0x92: {  	s4 =	sld [smem:$0x3FFB];
	_ =	sdelay $0x3  }
0x93: {  	_ =	strace s4  }
0x94: {  	s4 =	sld [smem:$0x3FFC];
	_ =	sdelay $0x3  }
0x95: {  	_ =	strace s4  }
0x96: {  	s4 =	sld [smem:$0x3FFD];
	_ =	sdelay $0x3  }
0x97: {  	_ =	strace s4  }
0x98: {  	_ =	strace $0x8FFFFFFF  }
0x99: {  	s19 =	sld [smem:$0x3FDB];
	_ =	sdelay $0x1  }
0x9a: {  	s5 =	simm.s32 $_scs_section_size  }
0x9b: {  	s6 =	simm.s32 $_size__tile_overlayer_lowered;
	s7 =	simm.s32 $_tile_overlayer_lowered  }
0x9c: {  	s22 =	simm.s32 $0x1BFF;
	s21 =	sshll.u32 s7, $0x1;
	s4 =	sadd.s32 s5, s19  }
0x9d: {  	s8 =	simm.s32 $0x0;
	s20 =	sshll.u32 s6, $0x1;
	s6 =	sadd.s32 s21, s4  }
0x9e: {  	[timem:s8], [sflag:s22] =	dma.local [hbm:s6], s20  }
0x9f: {  	_ =	swait.ge [sflag:s22], s20  }
0xa0: {  	s5 =	ssub.s32 $0x0, s20;
	[sflag:s22] =	ssyncset.done $0x0  }
0xa1: {  	[sflag:s22] =	ssyncadd.s32 s5;
	_ =	sdelay $0x1  }
0xa2: {  	s23 =	simm.s32 $0x1B8B  }
0xa3: {  	_ =	swait.ge [sflag:s23], $0x1  }
0xa4: {  	[sflag:s23] =	ssyncset.done $0x0  }
0xa5: {  	s25 =	simm.s32 $0x1B8E;
	s24 =	sld [smem:$0x3FFE];
	[sflag:s23] =	ssyncadd.s32 $0xFFFFFFFF  }
0xa6: {  	s26 =	simm.s32 $execute0_lowered;
	[smem:$0x3FD2] =	sst s25  }
0xa7: {  	s6 =	sshll.u32 s26, $0x1;
	_ =	strace $0x80000046;
	[dreg:$0x1] =	wrdreg $0xFFFFFFFF  }
0xa8: {  	s28 =	simm.s32 $_size_execute0_lowered;
	s4 =	sadd.s32 s4, s6;
	[dreg:$0x0] =	wrdreg $0x0  }
0xa9: {  	s6 =	sshll.u32 s28, $0x1;
	[dreg:$0x2] =	wrdreg s4  }
0xaa: {  	[dreg:$0x3] =	wrdreg s6  }
0xab: {  	[dreg:$0x4] =	wrdreg $0xC0  }
0xac: {  	_ =	task [dreg:s8], $0x5FFFF  }
0xad: {  	[dreg:$0x1] =	wrdreg $0xFFFFFFFF  }
0xae: {  	[dreg:$0x0] =	wrdreg $0x60  }
0xaf: {  	[dreg:$0x2] =	wrdreg s2  }
0xb0: {  	[dreg:$0x3] =	wrdreg s24  }
0xb1: {  	[dreg:$0x4] =	wrdreg s18  }
0xb2: {  	[dreg:$0x5] =	wrdreg $0x9  }
0xb3: {  	_ =	task.clear_ibuf [dreg:s8], $0x6FFFF;
	_ =	strace $0x90000046  }
0xb4: {  	s29 =	simm.s32 $0x9;
	_ =	strace $0x80000048  }
0xb5: {  	_ =	swait.ge [sflag:s29], $0x1  }
0xb6: {  	[sflag:s29] =	ssyncadd.s32 $0xFFFFFFFF  }
0xb7: {  	_ =	strace $0x90000048  }
0xb8: {  	_ =	sfence  }
0xb9: {  	s30 =	sld [smem:$0x0];
	_ =	sdelay $0x2  }
0xba: {  	s31 =	sshll.u32 s1, $0xD;
	s1 =	sshrl.u32 s1, $0x2  }
0xbb: {  	s3 =	sand.u32 $0x4000, s31;
	s1 =	sadd.s32 s1, s30  }
0xbc: {  	s0 =	sor.u32 s3, s0;
	s1 =	sshll.u32 s1, $0x11  }
0xbd: {  	s0 =	sor.u32 s1, s0  }
0xbe: {  	s0 =	sadd.s32 $0x8F2B, s0  }
0xbf: {  	[sflag:s0] =	ssyncadd.remote.s32 $0x1  }
0xc0: {  	_ =	sfence.sel $0xFFFF  }
0xc1: {  	[dreg:$0x0] =	wrdreg $0xFFFFFFFF;
	(pc) =	sbr.abs _section_cstart, $3  }
0xc2: {  	[dreg:$0x1] =	wrdreg $0xFFFFFFFF  }
0xc3: {  	_ =	task.clear_ibuf [dreg:s8], $0x2FFFF;
	_ =	strace $0x9FFFFFFF  }
0xc4: {  	(tm) =	ssettm $0x7FFFFFFF  }
0xc5: {  	_ =	shalt  }
tec
execute0_lowered:
.L_overlay_start_1:
0x0: {  	(tag) =	ssettag $0x1  }
0x1: {  	s1 =	rddreg [dreg:$0x0]  }
0x2: {  	s2 =	srdreg.scid;
	s4 =	rddreg [dreg:$0x1]  }
0x3: {  	s0 =	stileid.u32;
	s6 =	rddreg [dreg:$0x2]  }
0x4: {  	s8 =	simm.s32 $0x7;
	s9 =	simm.s32 $0x2780;
	s10 =	simm.s32 $0x80  }
0x5: {  	s11 =	simm.s32 $0x4F00;
	s12 =	simm.s32 $0x10F00;
	s13 =	simm.s32 $0x8F00  }
0x6: {  	s14 =	simm.s32 $0x2800;
	s15 =	simm.s32 $0x14F00;
	s16 =	simm.s32 $0xCF00  }
0x7: {  	v0 =	vlaneseq.u32;
	s17 =	simm.s32 $0x18F00;
	s18 =	simm.s32 $0x1;
	s19 =	simm.s32 $0x2  }
0x8: {  	s20 =	simm.s32 $0x1F680;
	s21 =	simm.s32 $0x3;
	s22 =	simm.s32 $0x4;
	v0 =	vmul.u32 $0x11, v0  }
0x9: {  	s23 =	simm.s32 $0x5;
	s2 =	sand.u32 $0x1, s2;
	s3 =	sshll.u32 s0, $0x1  }
0xa: {  	s24 =	simm.s32 $0x6;
	s25 =	simm.s32 $0x1CF00;
	s3 =	sor.u32 s2, s3;
	v1 =	vadd.s32 $0x1, v0;
	v2 =	vadd.s32 $0x2, v0;
	v3 =	vadd.s32 $0x3, v0  }
0xb: {  	s2 =	ssub.s32 $0x2, s2;
	s7 =	smul.u32 $0x4E2, s3;
	s3 =	simm.s32 $0x0;
	v4 =	vadd.s32 $0x4, v0;
	v5 =	vadd.s32 $0x5, v0;
	v6 =	vadd.s32 $0x6, v0  }
0xc: {  	s26 =	simm.s32 $0x0;
	s5 =	sshrl.u32 s2, $0x1;
	v7 =	vadd.s32 $0x7, v0;
	v8 =	vadd.s32 $0x8, v0;
	v9 =	vadd.s32 $0x9, v0;
	[smem:$0x7FF] =	sst s3  }
0xd: {  	v10 =	vadd.s32 $0xA, v0;
	v11 =	vadd.s32 $0xB, v0;
	v12 =	vadd.s32 $0xC, v0;
	s2 =	ssub.s32 s2, s5;
	s4 =	sadd.s32 s4, s7;
	_ =	strace $0x80000047  }
0xe: {  	v13 =	vadd.s32 $0xD, v0;
	v14 =	vadd.s32 $0xE, v0;
	v15 =	vadd.s32 $0xF, v0;
	s6 =	sadd.s32 s6, s7;
	s7 =	smax.u32 s2, $0x1;
	s5 =	sadd.s32 $0x9E00, s4  }
.LBB2_1:
0xf: {  	[tilespmem:s3], [sflag:$0x7] =	stream.linear.gather [hbm4b:s5+s3], $0x2710, $0x38;
	[tilespmem:$0x1F800] =	vst v63  }
0x10: {  	_ =	swait.ge [sflag:s8], $0x2710  }
0x11: {  	[sflag:s8] =	ssyncset.done $0x0  }
0x12: {  	[sflag:s8] =	ssyncadd.s32 $0xFFFFD8F0  }
0x13: {  	[tilespmem:s9], [sflag:$0x7] =	stream.linear.gather [hbm4b:s4+s3], $0x2710, $0x38;
	[tilespmem:$0x1F800] =	vst v63  }
0x14: {  	_ =	swait.ge [sflag:s8], $0x2710  }
0x15: {  	[sflag:s8] =	ssyncset.done $0x0  }
0x16: {  	[sflag:s8] =	ssyncadd.s32 $0xFFFFD8F0  }
0x17: {  	[tilespmem:s11], [sflag:$0x1] =	stream.indirect.gather [hbm4b:s1+s10], $0x80, s3, s10, $0xb8;
	[tilespmem:$0x1F800] =	vst v63  }
0x18: {  	_ = 	snop  }
0x19: {  	[tilespmem:s12], [sflag:$0x2] =	stream.indirect.gather [hbm4b:s1+s10], $0x80, s9, s10, $0xb8;
	[tilespmem:$0x1F800] =	vst v63  }
0x1a: {  	_ = 	snop  }
0x1b: {  	[tilespmem:s13], [sflag:$0x3] =	stream.indirect.gather [hbm4b:s1+s10], $0x80, s10, s10, $0xb8;
	[tilespmem:$0x1F800] =	vst v63  }
0x1c: {  	s28 =	simm.s32 $0x0  }
0x1d: {  	[tilespmem:s15], [sflag:$0x4] =	stream.indirect.gather [hbm4b:s1+s10], $0x80, s14, s10, $0xb8;
	[tilespmem:$0x1F800] =	vst v63  }
.LBB2_2:
0x1e: {  	s30 =	smul.u32 $0x180, s28;
	_ =	sdelay $0x1  }
0x1f: {  	s2 =	smin.u32 s30, $0x2590  }
0x20: {  	s29 =	sadd.s32 $0x100, s2  }
0x21: {  	[tilespmem:s16], [sflag:$0x5] =	stream.indirect.gather [hbm4b:s1+s10], $0x80, s29, s10, $0xb8;
	[tilespmem:$0x1F800] =	vst v63  }
0x22: {  	s2 =	sadd.s32 $0x2880, s2  }
0x23: {  	[tilespmem:s17], [sflag:$0x6] =	stream.indirect.gather [hbm4b:s1+s10], $0x80, s2, s10, $0xb8;
	[tilespmem:$0x1F800] =	vst v63  }
0x24: {  	_ =	swait.ge [sflag:s18], $0x4000  }
0x25: {  	[sflag:s18] =	ssyncset.done $0x0  }
0x26: {  	[sflag:s18] =	ssyncadd.s32 $0xFFFFC000  }
0x27: {  	s2 =	smin.u32 s30, $0x2690;
	_ =	swait.ge [sflag:s19], $0x4000  }
0x28: {  	s2 =	sadd.s32 $0x1CF00, s2;
	[sflag:s19] =	ssyncset.done $0x0  }
0x29: {  	s31 =	simm.s32 $0x0;
	v16 =	vmov s2;
	[sflag:s19] =	ssyncadd.s32 $0xFFFFC000  }
.LBB2_3:
0x2a: {  	s2 =	sshll.u32 s31, $0xB  }
0x2b: {  	v17 =	vld [tilespmem:s2+$0x4F00]  }
0x2c: {  	v18 =	vld [tilespmem:s2+$0x10F00]  }
0x2d: {  	v19 =	vld [tilespmem:s2+$0x4F10]  }
0x2e: {  	v20 =	vld [tilespmem:s2+$0x10F10]  }
0x2f: {  	v21 =	vld [tilespmem:s2+$0x4F20]  }
0x30: {  	v22 =	vld [tilespmem:s2+$0x10F20]  }
0x31: {  	v23 =	vld [tilespmem:s2+$0x4F30]  }
0x32: {  	v24 =	vld [tilespmem:s2+$0x10F30]  }
0x33: {  	v62 =	vld [tilespmem:s2+$0x10F40];
	v17 =	vmul.f32 v18, v17;
	v18 =	vmul.f32 v20, v19  }
0x34: {  	v19 =	vld [tilespmem:s2+$0x4F40]  }
0x35: {  	v63 =	vld [tilespmem:s2+$0x4F50];
	v17 =	vadd.f32 v18, v17;
	v18 =	vmul.f32 v22, v21  }
0x36: {  	v28 =	vld [tilespmem:s2+$0x10F50]  }
0x37: {  	v29 =	vld [tilespmem:s2+$0x4F60];
	v17 =	vadd.f32 v18, v17;
	v18 =	vmul.f32 v24, v23  }
0x38: {  	v30 =	vld [tilespmem:s2+$0x10F60]  }
0x39: {  	v31 =	vld [tilespmem:s2+$0x10F70];
	v17 =	vadd.f32 v18, v17;
	v18 =	vmul.f32 v62, v19  }
0x3a: {  	v19 =	vld [tilespmem:s2+$0x4F70]  }
0x3b: {  	v17 =	vadd.f32 v18, v17;
	v18 =	vmul.f32 v28, v63;
	_ =	sdelay $0x1  }
0x3c: {  	v17 =	vadd.f32 v18, v17;
	v18 =	vmul.f32 v30, v29;
	_ =	sdelay $0x1  }
0x3d: {  	v17 =	vadd.f32 v18, v17;
	v18 =	vmul.f32 v31, v19;
	_ =	sdelay $0x1  }
0x3e: {  	v17 =	vadd.f32 v18, v17;
	_ =	sdelay $0x1  }
0x3f: {  	[tilespmem:$0x1F680] =	vst v17  }
0x40: {  	v17 =	vld [tilespmem:s2+$0x4F80]  }
0x41: {  	v18 =	vld [tilespmem:s2+$0x10F80]  }
0x42: {  	v19 =	vld [tilespmem:s2+$0x4F90]  }
0x43: {  	v32 =	vld [tilespmem:s2+$0x10F90]  }
0x44: {  	v33 =	vld [tilespmem:s2+$0x4FA0]  }
0x45: {  	v34 =	vld [tilespmem:s2+$0x10FA0]  }
0x46: {  	v35 =	vld [tilespmem:s2+$0x4FB0]  }
0x47: {  	v36 =	vld [tilespmem:s2+$0x10FB0]  }
0x48: {  	v37 =	vld [tilespmem:s2+$0x10FC0];
	v17 =	vmul.f32 v18, v17;
	v18 =	vmul.f32 v32, v19  }
0x49: {  	v19 =	vld [tilespmem:s2+$0x4FC0]  }
0x4a: {  	v38 =	vld [tilespmem:s2+$0x4FD0];
	v17 =	vadd.f32 v18, v17;
	v18 =	vmul.f32 v34, v33  }
0x4b: {  	v39 =	vld [tilespmem:s2+$0x10FD0]  }
0x4c: {  	v40 =	vld [tilespmem:s2+$0x4FE0];
	v17 =	vadd.f32 v18, v17;
	v18 =	vmul.f32 v36, v35  }
0x4d: {  	v41 =	vld [tilespmem:s2+$0x10FE0]  }
0x4e: {  	v42 =	vld [tilespmem:s2+$0x10FF0];
	v17 =	vadd.f32 v18, v17;
	v18 =	vmul.f32 v37, v19  }
0x4f: {  	v19 =	vld [tilespmem:s2+$0x4FF0]  }
0x50: {  	v17 =	vadd.f32 v18, v17;
	v18 =	vmul.f32 v39, v38;
	_ =	sdelay $0x1  }
0x51: {  	v17 =	vadd.f32 v18, v17;
	v18 =	vmul.f32 v41, v40;
	_ =	sdelay $0x1  }
0x52: {  	v17 =	vadd.f32 v18, v17;
	v18 =	vmul.f32 v42, v19;
	_ =	sdelay $0x1  }
0x53: {  	v17 =	vadd.f32 v18, v17;
	_ =	sdelay $0x1  }
0x54: {  	[tilespmem:$0x1F691] =	vst v17  }
0x55: {  	v17 =	vld [tilespmem:s2+$0x5000]  }
0x56: {  	v18 =	vld [tilespmem:s2+$0x11000]  }
0x57: {  	v19 =	vld [tilespmem:s2+$0x5010]  }
0x58: {  	v43 =	vld [tilespmem:s2+$0x11010]  }
0x59: {  	v44 =	vld [tilespmem:s2+$0x5020]  }
0x5a: {  	v45 =	vld [tilespmem:s2+$0x11020]  }
0x5b: {  	v46 =	vld [tilespmem:s2+$0x5030]  }
0x5c: {  	v47 =	vld [tilespmem:s2+$0x11030]  }
0x5d: {  	v48 =	vld [tilespmem:s2+$0x11040];
	v17 =	vmul.f32 v18, v17;
	v18 =	vmul.f32 v43, v19  }
0x5e: {  	v19 =	vld [tilespmem:s2+$0x5040]  }
0x5f: {  	v49 =	vld [tilespmem:s2+$0x5050];
	v17 =	vadd.f32 v18, v17;
	v18 =	vmul.f32 v45, v44  }
0x60: {  	v50 =	vld [tilespmem:s2+$0x11050]  }
0x61: {  	v51 =	vld [tilespmem:s2+$0x5060];
	v17 =	vadd.f32 v18, v17;
	v18 =	vmul.f32 v47, v46  }
0x62: {  	v52 =	vld [tilespmem:s2+$0x11060]  }
0x63: {  	v53 =	vld [tilespmem:s2+$0x11070];
	v17 =	vadd.f32 v18, v17;
	v18 =	vmul.f32 v48, v19  }
0x64: {  	v19 =	vld [tilespmem:s2+$0x5070]  }
0x65: {  	v17 =	vadd.f32 v18, v17;
	v18 =	vmul.f32 v50, v49;
	_ =	sdelay $0x1  }
0x66: {  	v17 =	vadd.f32 v18, v17;
	v18 =	vmul.f32 v52, v51;
	_ =	sdelay $0x1  }
0x67: {  	v17 =	vadd.f32 v18, v17;
	v18 =	vmul.f32 v53, v19;
	_ =	sdelay $0x1  }
0x68: {  	v17 =	vadd.f32 v18, v17;
	_ =	sdelay $0x1  }
0x69: {  	[tilespmem:$0x1F6A2] =	vst v17  }
0x6a: {  	v17 =	vld [tilespmem:s2+$0x5080]  }
0x6b: {  	v18 =	vld [tilespmem:s2+$0x11080]  }
0x6c: {  	v19 =	vld [tilespmem:s2+$0x5090]  }
0x6d: {  	v54 =	vld [tilespmem:s2+$0x11090]  }
0x6e: {  	v55 =	vld [tilespmem:s2+$0x50A0]  }
0x6f: {  	v56 =	vld [tilespmem:s2+$0x110A0]  }
0x70: {  	v57 =	vld [tilespmem:s2+$0x50B0]  }
0x71: {  	v58 =	vld [tilespmem:s2+$0x110B0]  }
0x72: {  	v59 =	vld [tilespmem:s2+$0x110C0];
	v17 =	vmul.f32 v18, v17;
	v18 =	vmul.f32 v54, v19  }
0x73: {  	v19 =	vld [tilespmem:s2+$0x50C0]  }
0x74: {  	v60 =	vld [tilespmem:s2+$0x50D0];
	v17 =	vadd.f32 v18, v17;
	v18 =	vmul.f32 v56, v55  }
0x75: {  	v61 =	vld [tilespmem:s2+$0x110D0]  }
0x76: {  	v62 =	vld [tilespmem:s2+$0x50E0];
	v17 =	vadd.f32 v18, v17;
	v18 =	vmul.f32 v58, v57  }
0x77: {  	v63 =	vld [tilespmem:s2+$0x110E0]  }
0x78: {  	v28 =	vld [tilespmem:s2+$0x110F0];
	v17 =	vadd.f32 v18, v17;
	v18 =	vmul.f32 v59, v19  }
0x79: {  	v19 =	vld [tilespmem:s2+$0x50F0]  }
0x7a: {  	v17 =	vadd.f32 v18, v17;
	v18 =	vmul.f32 v61, v60;
	_ =	sdelay $0x1  }
0x7b: {  	v17 =	vadd.f32 v18, v17;
	v18 =	vmul.f32 v63, v62;
	_ =	sdelay $0x1  }
0x7c: {  	v17 =	vadd.f32 v18, v17;
	v18 =	vmul.f32 v28, v19;
	_ =	sdelay $0x1  }
0x7d: {  	v17 =	vadd.f32 v18, v17;
	_ =	sdelay $0x1  }
0x7e: {  	[tilespmem:$0x1F6B3] =	vst v17  }
0x7f: {  	v17 =	vld [tilespmem:s2+$0x5100]  }
0x80: {  	v18 =	vld [tilespmem:s2+$0x11100]  }
0x81: {  	v19 =	vld [tilespmem:s2+$0x5110]  }
0x82: {  	v29 =	vld [tilespmem:s2+$0x11110]  }
0x83: {  	v30 =	vld [tilespmem:s2+$0x5120]  }
0x84: {  	v31 =	vld [tilespmem:s2+$0x11120]  }
0x85: {  	v32 =	vld [tilespmem:s2+$0x5130]  }
0x86: {  	v33 =	vld [tilespmem:s2+$0x11130]  }
0x87: {  	v34 =	vld [tilespmem:s2+$0x11140];
	v17 =	vmul.f32 v18, v17;
	v18 =	vmul.f32 v29, v19  }
0x88: {  	v19 =	vld [tilespmem:s2+$0x5140]  }
0x89: {  	v35 =	vld [tilespmem:s2+$0x5150];
	v17 =	vadd.f32 v18, v17;
	v18 =	vmul.f32 v31, v30  }
0x8a: {  	v36 =	vld [tilespmem:s2+$0x11150]  }
0x8b: {  	v37 =	vld [tilespmem:s2+$0x5160];
	v17 =	vadd.f32 v18, v17;
	v18 =	vmul.f32 v33, v32  }
0x8c: {  	v38 =	vld [tilespmem:s2+$0x11160]  }
0x8d: {  	v39 =	vld [tilespmem:s2+$0x11170];
	v17 =	vadd.f32 v18, v17;
	v18 =	vmul.f32 v34, v19  }
0x8e: {  	v19 =	vld [tilespmem:s2+$0x5170]  }
0x8f: {  	v17 =	vadd.f32 v18, v17;
	v18 =	vmul.f32 v36, v35;
	_ =	sdelay $0x1  }
0x90: {  	v17 =	vadd.f32 v18, v17;
	v18 =	vmul.f32 v38, v37;
	_ =	sdelay $0x1  }
0x91: {  	v17 =	vadd.f32 v18, v17;
	v18 =	vmul.f32 v39, v19;
	_ =	sdelay $0x1  }
0x92: {  	v17 =	vadd.f32 v18, v17;
	_ =	sdelay $0x1  }
0x93: {  	[tilespmem:$0x1F6C4] =	vst v17  }
0x94: {  	v17 =	vld [tilespmem:s2+$0x5180]  }
0x95: {  	v18 =	vld [tilespmem:s2+$0x11180]  }
0x96: {  	v19 =	vld [tilespmem:s2+$0x5190]  }
0x97: {  	v40 =	vld [tilespmem:s2+$0x11190]  }
0x98: {  	v41 =	vld [tilespmem:s2+$0x51A0]  }
0x99: {  	v42 =	vld [tilespmem:s2+$0x111A0]  }
0x9a: {  	v43 =	vld [tilespmem:s2+$0x51B0]  }
0x9b: {  	v44 =	vld [tilespmem:s2+$0x111B0]  }
0x9c: {  	v45 =	vld [tilespmem:s2+$0x111C0];
	v17 =	vmul.f32 v18, v17;
	v18 =	vmul.f32 v40, v19  }
0x9d: {  	v19 =	vld [tilespmem:s2+$0x51C0]  }
0x9e: {  	v46 =	vld [tilespmem:s2+$0x51D0];
	v17 =	vadd.f32 v18, v17;
	v18 =	vmul.f32 v42, v41  }
0x9f: {  	v47 =	vld [tilespmem:s2+$0x111D0]  }
0xa0: {  	v48 =	vld [tilespmem:s2+$0x51E0];
	v17 =	vadd.f32 v18, v17;
	v18 =	vmul.f32 v44, v43  }
0xa1: {  	v49 =	vld [tilespmem:s2+$0x111E0]  }
0xa2: {  	v50 =	vld [tilespmem:s2+$0x111F0];
	v17 =	vadd.f32 v18, v17;
	v18 =	vmul.f32 v45, v19  }
0xa3: {  	v19 =	vld [tilespmem:s2+$0x51F0]  }
0xa4: {  	v17 =	vadd.f32 v18, v17;
	v18 =	vmul.f32 v47, v46;
	_ =	sdelay $0x1  }
0xa5: {  	v17 =	vadd.f32 v18, v17;
	v18 =	vmul.f32 v49, v48;
	_ =	sdelay $0x1  }
0xa6: {  	v17 =	vadd.f32 v18, v17;
	v18 =	vmul.f32 v50, v19;
	_ =	sdelay $0x1  }
0xa7: {  	v17 =	vadd.f32 v18, v17;
	_ =	sdelay $0x1  }
0xa8: {  	[tilespmem:$0x1F6D5] =	vst v17  }
0xa9: {  	v17 =	vld [tilespmem:s2+$0x5200]  }
0xaa: {  	v18 =	vld [tilespmem:s2+$0x11200]  }
0xab: {  	v19 =	vld [tilespmem:s2+$0x5210]  }
0xac: {  	v51 =	vld [tilespmem:s2+$0x11210]  }
0xad: {  	v52 =	vld [tilespmem:s2+$0x5220]  }
0xae: {  	v53 =	vld [tilespmem:s2+$0x11220]  }
0xaf: {  	v54 =	vld [tilespmem:s2+$0x5230]  }
0xb0: {  	v55 =	vld [tilespmem:s2+$0x11230]  }
0xb1: {  	v56 =	vld [tilespmem:s2+$0x11240];
	v17 =	vmul.f32 v18, v17;
	v18 =	vmul.f32 v51, v19  }
0xb2: {  	v19 =	vld [tilespmem:s2+$0x5240]  }
0xb3: {  	v57 =	vld [tilespmem:s2+$0x5250];
	v17 =	vadd.f32 v18, v17;
	v18 =	vmul.f32 v53, v52  }
0xb4: {  	v58 =	vld [tilespmem:s2+$0x11250]  }
0xb5: {  	v59 =	vld [tilespmem:s2+$0x5260];
	v17 =	vadd.f32 v18, v17;
	v18 =	vmul.f32 v55, v54  }
0xb6: {  	v60 =	vld [tilespmem:s2+$0x11260]  }
0xb7: {  	v61 =	vld [tilespmem:s2+$0x11270];
	v17 =	vadd.f32 v18, v17;
	v18 =	vmul.f32 v56, v19  }
0xb8: {  	v19 =	vld [tilespmem:s2+$0x5270]  }
0xb9: {  	v17 =	vadd.f32 v18, v17;
	v18 =	vmul.f32 v58, v57;
	_ =	sdelay $0x1  }
0xba: {  	v17 =	vadd.f32 v18, v17;
	v18 =	vmul.f32 v60, v59;
	_ =	sdelay $0x1  }
0xbb: {  	v17 =	vadd.f32 v18, v17;
	v18 =	vmul.f32 v61, v19;
	_ =	sdelay $0x1  }
0xbc: {  	v17 =	vadd.f32 v18, v17;
	_ =	sdelay $0x1  }
0xbd: {  	[tilespmem:$0x1F6E6] =	vst v17  }
0xbe: {  	v17 =	vld [tilespmem:s2+$0x5280]  }
0xbf: {  	v18 =	vld [tilespmem:s2+$0x11280]  }
0xc0: {  	v19 =	vld [tilespmem:s2+$0x5290]  }
0xc1: {  	v62 =	vld [tilespmem:s2+$0x11290]  }
0xc2: {  	v63 =	vld [tilespmem:s2+$0x52A0]  }
0xc3: {  	v28 =	vld [tilespmem:s2+$0x112A0]  }
0xc4: {  	v29 =	vld [tilespmem:s2+$0x52B0]  }
0xc5: {  	v30 =	vld [tilespmem:s2+$0x112B0]  }
0xc6: {  	v31 =	vld [tilespmem:s2+$0x112C0];
	v17 =	vmul.f32 v18, v17;
	v18 =	vmul.f32 v62, v19  }
0xc7: {  	v19 =	vld [tilespmem:s2+$0x52C0]  }
0xc8: {  	v32 =	vld [tilespmem:s2+$0x52D0];
	v17 =	vadd.f32 v18, v17;
	v18 =	vmul.f32 v28, v63  }
0xc9: {  	v33 =	vld [tilespmem:s2+$0x112D0]  }
0xca: {  	v34 =	vld [tilespmem:s2+$0x52E0];
	v17 =	vadd.f32 v18, v17;
	v18 =	vmul.f32 v30, v29  }
0xcb: {  	v35 =	vld [tilespmem:s2+$0x112E0]  }
0xcc: {  	v36 =	vld [tilespmem:s2+$0x112F0];
	v17 =	vadd.f32 v18, v17;
	v18 =	vmul.f32 v31, v19  }
0xcd: {  	v19 =	vld [tilespmem:s2+$0x52F0]  }
0xce: {  	v17 =	vadd.f32 v18, v17;
	v18 =	vmul.f32 v33, v32;
	_ =	sdelay $0x1  }
0xcf: {  	v17 =	vadd.f32 v18, v17;
	v18 =	vmul.f32 v35, v34;
	_ =	sdelay $0x1  }
0xd0: {  	v17 =	vadd.f32 v18, v17;
	v18 =	vmul.f32 v36, v19;
	_ =	sdelay $0x1  }
0xd1: {  	v17 =	vadd.f32 v18, v17;
	_ =	sdelay $0x1  }
0xd2: {  	[tilespmem:$0x1F6F7] =	vst v17  }
0xd3: {  	v17 =	vld [tilespmem:s2+$0x5300]  }
0xd4: {  	v18 =	vld [tilespmem:s2+$0x11300]  }
0xd5: {  	v19 =	vld [tilespmem:s2+$0x5310]  }
0xd6: {  	v37 =	vld [tilespmem:s2+$0x11310]  }
0xd7: {  	v38 =	vld [tilespmem:s2+$0x5320]  }
0xd8: {  	v39 =	vld [tilespmem:s2+$0x11320]  }
0xd9: {  	v40 =	vld [tilespmem:s2+$0x5330]  }
0xda: {  	v41 =	vld [tilespmem:s2+$0x11330]  }
0xdb: {  	v42 =	vld [tilespmem:s2+$0x11340];
	v17 =	vmul.f32 v18, v17;
	v18 =	vmul.f32 v37, v19  }
0xdc: {  	v19 =	vld [tilespmem:s2+$0x5340]  }
0xdd: {  	v43 =	vld [tilespmem:s2+$0x5350];
	v17 =	vadd.f32 v18, v17;
	v18 =	vmul.f32 v39, v38  }
0xde: {  	v44 =	vld [tilespmem:s2+$0x11350]  }
0xdf: {  	v45 =	vld [tilespmem:s2+$0x5360];
	v17 =	vadd.f32 v18, v17;
	v18 =	vmul.f32 v41, v40  }
0xe0: {  	v46 =	vld [tilespmem:s2+$0x11360]  }
0xe1: {  	v47 =	vld [tilespmem:s2+$0x11370];
	v17 =	vadd.f32 v18, v17;
	v18 =	vmul.f32 v42, v19  }
0xe2: {  	v19 =	vld [tilespmem:s2+$0x5370]  }
0xe3: {  	v17 =	vadd.f32 v18, v17;
	v18 =	vmul.f32 v44, v43;
	_ =	sdelay $0x1  }
0xe4: {  	v17 =	vadd.f32 v18, v17;
	v18 =	vmul.f32 v46, v45;
	_ =	sdelay $0x1  }
0xe5: {  	v17 =	vadd.f32 v18, v17;
	v18 =	vmul.f32 v47, v19;
	_ =	sdelay $0x1  }
0xe6: {  	v17 =	vadd.f32 v18, v17;
	_ =	sdelay $0x1  }
0xe7: {  	[tilespmem:$0x1F708] =	vst v17  }
0xe8: {  	v17 =	vld [tilespmem:s2+$0x5380]  }
0xe9: {  	v18 =	vld [tilespmem:s2+$0x11380]  }
0xea: {  	v19 =	vld [tilespmem:s2+$0x5390]  }
0xeb: {  	v48 =	vld [tilespmem:s2+$0x11390]  }
0xec: {  	v49 =	vld [tilespmem:s2+$0x53A0]  }
0xed: {  	v50 =	vld [tilespmem:s2+$0x113A0]  }
0xee: {  	v51 =	vld [tilespmem:s2+$0x53B0]  }
0xef: {  	v52 =	vld [tilespmem:s2+$0x113B0]  }
0xf0: {  	v53 =	vld [tilespmem:s2+$0x113C0];
	v17 =	vmul.f32 v18, v17;
	v18 =	vmul.f32 v48, v19  }
0xf1: {  	v19 =	vld [tilespmem:s2+$0x53C0]  }
0xf2: {  	v54 =	vld [tilespmem:s2+$0x53D0];
	v17 =	vadd.f32 v18, v17;
	v18 =	vmul.f32 v50, v49  }
0xf3: {  	v55 =	vld [tilespmem:s2+$0x113D0]  }
0xf4: {  	v56 =	vld [tilespmem:s2+$0x53E0];
	v17 =	vadd.f32 v18, v17;
	v18 =	vmul.f32 v52, v51  }
0xf5: {  	v57 =	vld [tilespmem:s2+$0x113E0]  }
0xf6: {  	v58 =	vld [tilespmem:s2+$0x113F0];
	v17 =	vadd.f32 v18, v17;
	v18 =	vmul.f32 v53, v19  }
0xf7: {  	v19 =	vld [tilespmem:s2+$0x53F0]  }
0xf8: {  	v17 =	vadd.f32 v18, v17;
	v18 =	vmul.f32 v55, v54;
	_ =	sdelay $0x1  }
0xf9: {  	v17 =	vadd.f32 v18, v17;
	v18 =	vmul.f32 v57, v56;
	_ =	sdelay $0x1  }
0xfa: {  	v17 =	vadd.f32 v18, v17;
	v18 =	vmul.f32 v58, v19;
	_ =	sdelay $0x1  }
0xfb: {  	v17 =	vadd.f32 v18, v17;
	_ =	sdelay $0x1  }
0xfc: {  	[tilespmem:$0x1F719] =	vst v17  }
0xfd: {  	v17 =	vld [tilespmem:s2+$0x5400]  }
0xfe: {  	v18 =	vld [tilespmem:s2+$0x11400]  }
0xff: {  	v19 =	vld [tilespmem:s2+$0x5410]  }
0x100: {  	v59 =	vld [tilespmem:s2+$0x11410]  }
0x101: {  	v60 =	vld [tilespmem:s2+$0x5420]  }
0x102: {  	v61 =	vld [tilespmem:s2+$0x11420]  }
0x103: {  	v62 =	vld [tilespmem:s2+$0x5430]  }
0x104: {  	v63 =	vld [tilespmem:s2+$0x11430]  }
0x105: {  	v28 =	vld [tilespmem:s2+$0x11440];
	v17 =	vmul.f32 v18, v17;
	v18 =	vmul.f32 v59, v19  }
0x106: {  	v19 =	vld [tilespmem:s2+$0x5440]  }
0x107: {  	v29 =	vld [tilespmem:s2+$0x5450];
	v17 =	vadd.f32 v18, v17;
	v18 =	vmul.f32 v61, v60  }
0x108: {  	v30 =	vld [tilespmem:s2+$0x11450]  }
0x109: {  	v31 =	vld [tilespmem:s2+$0x5460];
	v17 =	vadd.f32 v18, v17;
	v18 =	vmul.f32 v63, v62  }
0x10a: {  	v32 =	vld [tilespmem:s2+$0x11460]  }
0x10b: {  	v33 =	vld [tilespmem:s2+$0x11470];
	v17 =	vadd.f32 v18, v17;
	v18 =	vmul.f32 v28, v19  }
0x10c: {  	v19 =	vld [tilespmem:s2+$0x5470]  }
0x10d: {  	v17 =	vadd.f32 v18, v17;
	v18 =	vmul.f32 v30, v29;
	_ =	sdelay $0x1  }
0x10e: {  	v17 =	vadd.f32 v18, v17;
	v18 =	vmul.f32 v32, v31;
	_ =	sdelay $0x1  }
0x10f: {  	v17 =	vadd.f32 v18, v17;
	v18 =	vmul.f32 v33, v19;
	_ =	sdelay $0x1  }
0x110: {  	v17 =	vadd.f32 v18, v17;
	_ =	sdelay $0x1  }
0x111: {  	[tilespmem:$0x1F72A] =	vst v17  }
0x112: {  	v17 =	vld [tilespmem:s2+$0x5480]  }
0x113: {  	v18 =	vld [tilespmem:s2+$0x11480]  }
0x114: {  	v19 =	vld [tilespmem:s2+$0x5490]  }
0x115: {  	v34 =	vld [tilespmem:s2+$0x11490]  }
0x116: {  	v35 =	vld [tilespmem:s2+$0x54A0]  }
0x117: {  	v36 =	vld [tilespmem:s2+$0x114A0]  }
0x118: {  	v37 =	vld [tilespmem:s2+$0x54B0]  }
0x119: {  	v38 =	vld [tilespmem:s2+$0x114B0]  }
0x11a: {  	v39 =	vld [tilespmem:s2+$0x114C0];
	v17 =	vmul.f32 v18, v17;
	v18 =	vmul.f32 v34, v19  }
0x11b: {  	v19 =	vld [tilespmem:s2+$0x54C0]  }
0x11c: {  	v40 =	vld [tilespmem:s2+$0x54D0];
	v17 =	vadd.f32 v18, v17;
	v18 =	vmul.f32 v36, v35  }
0x11d: {  	v41 =	vld [tilespmem:s2+$0x114D0]  }
0x11e: {  	v42 =	vld [tilespmem:s2+$0x54E0];
	v17 =	vadd.f32 v18, v17;
	v18 =	vmul.f32 v38, v37  }
0x11f: {  	v43 =	vld [tilespmem:s2+$0x114E0]  }
0x120: {  	v44 =	vld [tilespmem:s2+$0x114F0];
	v17 =	vadd.f32 v18, v17;
	v18 =	vmul.f32 v39, v19  }
0x121: {  	v19 =	vld [tilespmem:s2+$0x54F0]  }
0x122: {  	v17 =	vadd.f32 v18, v17;
	v18 =	vmul.f32 v41, v40;
	_ =	sdelay $0x1  }
0x123: {  	v17 =	vadd.f32 v18, v17;
	v18 =	vmul.f32 v43, v42;
	_ =	sdelay $0x1  }
0x124: {  	v17 =	vadd.f32 v18, v17;
	v18 =	vmul.f32 v44, v19;
	_ =	sdelay $0x1  }
0x125: {  	v17 =	vadd.f32 v18, v17;
	_ =	sdelay $0x1  }
0x126: {  	[tilespmem:$0x1F73B] =	vst v17  }
0x127: {  	v17 =	vld [tilespmem:s2+$0x5500]  }
0x128: {  	v18 =	vld [tilespmem:s2+$0x11500]  }
0x129: {  	v19 =	vld [tilespmem:s2+$0x5510]  }
0x12a: {  	v45 =	vld [tilespmem:s2+$0x11510]  }
0x12b: {  	v46 =	vld [tilespmem:s2+$0x5520]  }
0x12c: {  	v47 =	vld [tilespmem:s2+$0x11520]  }
0x12d: {  	v48 =	vld [tilespmem:s2+$0x5530]  }
0x12e: {  	v49 =	vld [tilespmem:s2+$0x11530]  }
0x12f: {  	v50 =	vld [tilespmem:s2+$0x11540];
	v17 =	vmul.f32 v18, v17;
	v18 =	vmul.f32 v45, v19  }
0x130: {  	v19 =	vld [tilespmem:s2+$0x5540]  }
0x131: {  	v51 =	vld [tilespmem:s2+$0x5550];
	v17 =	vadd.f32 v18, v17;
	v18 =	vmul.f32 v47, v46  }
0x132: {  	v52 =	vld [tilespmem:s2+$0x11550]  }
0x133: {  	v53 =	vld [tilespmem:s2+$0x5560];
	v17 =	vadd.f32 v18, v17;
	v18 =	vmul.f32 v49, v48  }
0x134: {  	v54 =	vld [tilespmem:s2+$0x11560]  }
0x135: {  	v55 =	vld [tilespmem:s2+$0x11570];
	v17 =	vadd.f32 v18, v17;
	v18 =	vmul.f32 v50, v19  }
0x136: {  	v19 =	vld [tilespmem:s2+$0x5570]  }
0x137: {  	v17 =	vadd.f32 v18, v17;
	v18 =	vmul.f32 v52, v51;
	_ =	sdelay $0x1  }
0x138: {  	v17 =	vadd.f32 v18, v17;
	v18 =	vmul.f32 v54, v53;
	_ =	sdelay $0x1  }
0x139: {  	v17 =	vadd.f32 v18, v17;
	v18 =	vmul.f32 v55, v19;
	_ =	sdelay $0x1  }
0x13a: {  	v17 =	vadd.f32 v18, v17;
	_ =	sdelay $0x1  }
0x13b: {  	[tilespmem:$0x1F74C] =	vst v17  }
0x13c: {  	v17 =	vld [tilespmem:s2+$0x5580]  }
0x13d: {  	v18 =	vld [tilespmem:s2+$0x11580]  }
0x13e: {  	v19 =	vld [tilespmem:s2+$0x5590]  }
0x13f: {  	v56 =	vld [tilespmem:s2+$0x11590]  }
0x140: {  	v57 =	vld [tilespmem:s2+$0x55A0]  }
0x141: {  	v58 =	vld [tilespmem:s2+$0x115A0]  }
0x142: {  	v59 =	vld [tilespmem:s2+$0x55B0]  }
0x143: {  	v60 =	vld [tilespmem:s2+$0x115B0]  }
0x144: {  	v61 =	vld [tilespmem:s2+$0x115C0];
	v17 =	vmul.f32 v18, v17;
	v18 =	vmul.f32 v56, v19  }
0x145: {  	v19 =	vld [tilespmem:s2+$0x55C0]  }
0x146: {  	v62 =	vld [tilespmem:s2+$0x55D0];
	v17 =	vadd.f32 v18, v17;
	v18 =	vmul.f32 v58, v57  }
0x147: {  	v63 =	vld [tilespmem:s2+$0x115D0]  }
0x148: {  	v28 =	vld [tilespmem:s2+$0x55E0];
	v17 =	vadd.f32 v18, v17;
	v18 =	vmul.f32 v60, v59  }
0x149: {  	v29 =	vld [tilespmem:s2+$0x115E0]  }
0x14a: {  	v30 =	vld [tilespmem:s2+$0x115F0];
	v17 =	vadd.f32 v18, v17;
	v18 =	vmul.f32 v61, v19  }
0x14b: {  	v19 =	vld [tilespmem:s2+$0x55F0]  }
0x14c: {  	v17 =	vadd.f32 v18, v17;
	v18 =	vmul.f32 v63, v62;
	_ =	sdelay $0x1  }
0x14d: {  	v17 =	vadd.f32 v18, v17;
	v18 =	vmul.f32 v29, v28;
	_ =	sdelay $0x1  }
0x14e: {  	v17 =	vadd.f32 v18, v17;
	v18 =	vmul.f32 v30, v19;
	_ =	sdelay $0x1  }
0x14f: {  	v17 =	vadd.f32 v18, v17;
	_ =	sdelay $0x1  }
0x150: {  	[tilespmem:$0x1F75D] =	vst v17  }
0x151: {  	v17 =	vld [tilespmem:s2+$0x5600]  }
0x152: {  	v18 =	vld [tilespmem:s2+$0x11600]  }
0x153: {  	v19 =	vld [tilespmem:s2+$0x5610]  }
0x154: {  	v31 =	vld [tilespmem:s2+$0x11610]  }
0x155: {  	v32 =	vld [tilespmem:s2+$0x5620]  }
0x156: {  	v33 =	vld [tilespmem:s2+$0x11620]  }
0x157: {  	v34 =	vld [tilespmem:s2+$0x5630]  }
0x158: {  	v35 =	vld [tilespmem:s2+$0x11630]  }
0x159: {  	v36 =	vld [tilespmem:s2+$0x11640];
	v17 =	vmul.f32 v18, v17;
	v18 =	vmul.f32 v31, v19  }
0x15a: {  	v19 =	vld [tilespmem:s2+$0x5640]  }
0x15b: {  	v37 =	vld [tilespmem:s2+$0x5650];
	v17 =	vadd.f32 v18, v17;
	v18 =	vmul.f32 v33, v32  }
0x15c: {  	v38 =	vld [tilespmem:s2+$0x11650]  }
0x15d: {  	v39 =	vld [tilespmem:s2+$0x5660];
	v17 =	vadd.f32 v18, v17;
	v18 =	vmul.f32 v35, v34  }
0x15e: {  	v40 =	vld [tilespmem:s2+$0x11660]  }
0x15f: {  	v41 =	vld [tilespmem:s2+$0x11670];
	v17 =	vadd.f32 v18, v17;
	v18 =	vmul.f32 v36, v19  }
0x160: {  	v19 =	vld [tilespmem:s2+$0x5670]  }
0x161: {  	v17 =	vadd.f32 v18, v17;
	v18 =	vmul.f32 v38, v37;
	_ =	sdelay $0x1  }
0x162: {  	v17 =	vadd.f32 v18, v17;
	v18 =	vmul.f32 v40, v39;
	_ =	sdelay $0x1  }
0x163: {  	v17 =	vadd.f32 v18, v17;
	v18 =	vmul.f32 v41, v19;
	_ =	sdelay $0x1  }
0x164: {  	v17 =	vadd.f32 v18, v17;
	_ =	sdelay $0x1  }
0x165: {  	[tilespmem:$0x1F76E] =	vst v17  }
0x166: {  	v17 =	vld [tilespmem:s2+$0x5680]  }
0x167: {  	v18 =	vld [tilespmem:s2+$0x11680]  }
0x168: {  	v19 =	vld [tilespmem:s2+$0x5690]  }
0x169: {  	v42 =	vld [tilespmem:s2+$0x11690]  }
0x16a: {  	v43 =	vld [tilespmem:s2+$0x56A0]  }
0x16b: {  	v44 =	vld [tilespmem:s2+$0x116A0]  }
0x16c: {  	v45 =	vld [tilespmem:s2+$0x56B0]  }
0x16d: {  	v46 =	vld [tilespmem:s2+$0x116B0]  }
0x16e: {  	v47 =	vld [tilespmem:s2+$0x116C0];
	v17 =	vmul.f32 v18, v17;
	v18 =	vmul.f32 v42, v19  }
0x16f: {  	v19 =	vld [tilespmem:s2+$0x56C0]  }
0x170: {  	v48 =	vld [tilespmem:s2+$0x56D0];
	v17 =	vadd.f32 v18, v17;
	v18 =	vmul.f32 v44, v43  }
0x171: {  	v49 =	vld [tilespmem:s2+$0x116D0]  }
0x172: {  	v50 =	vld [tilespmem:s2+$0x56E0];
	v17 =	vadd.f32 v18, v17;
	v18 =	vmul.f32 v46, v45  }
0x173: {  	v51 =	vld [tilespmem:s2+$0x116E0]  }
0x174: {  	v52 =	vld [tilespmem:s2+$0x116F0];
	v17 =	vadd.f32 v18, v17;
	v18 =	vmul.f32 v47, v19  }
0x175: {  	v19 =	vld [tilespmem:s2+$0x56F0]  }
0x176: {  	v17 =	vadd.f32 v18, v17;
	v18 =	vmul.f32 v49, v48;
	_ =	sdelay $0x1  }
0x177: {  	v17 =	vadd.f32 v18, v17;
	v18 =	vmul.f32 v51, v50;
	_ =	sdelay $0x1  }
0x178: {  	v17 =	vadd.f32 v18, v17;
	v18 =	vmul.f32 v52, v19;
	_ =	sdelay $0x1  }
0x179: {  	v17 =	vadd.f32 v18, v17;
	_ =	sdelay $0x1  }
0x17a: {  	[tilespmem:$0x1F77F] =	vst v17  }
0x17b: {  	v17 =	vld.idx.msk [tilespmem:v0+s20+$0x0], $0xffff  }
0x17c: {  	v18 =	vld.idx.msk [tilespmem:v1+s20+$0x0], $0xffff  }
0x17d: {  	v19 =	vld.idx.msk [tilespmem:v2+s20+$0x0], $0xffff  }
0x17e: {  	v53 =	vld.idx.msk [tilespmem:v3+s20+$0x0], $0xffff  }
0x17f: {  	v54 =	vld.idx.msk [tilespmem:v4+s20+$0x0], $0xffff  }
0x180: {  	v55 =	vld.idx.msk [tilespmem:v5+s20+$0x0], $0xffff  }
0x181: {  	v56 =	vld.idx.msk [tilespmem:v6+s20+$0x0], $0xffff  }
0x182: {  	v57 =	vld.idx.msk [tilespmem:v7+s20+$0x0], $0xffff  }
0x183: {  	v25 =	vld.idx.msk [tilespmem:v8+s20+$0x0], $0xffff  }
0x184: {  	v26 =	vld.idx.msk [tilespmem:v9+s20+$0x0], $0xffff  }
0x185: {  	v27 =	vld.idx.msk [tilespmem:v10+s20+$0x0], $0xffff  }
0x186: {  	v28 =	vld.idx.msk [tilespmem:v11+s20+$0x0], $0xffff  }
0x187: {  	v29 =	vld.idx.msk [tilespmem:v12+s20+$0x0], $0xffff  }
0x188: {  	v30 =	vld.idx.msk [tilespmem:v13+s20+$0x0], $0xffff  }
0x189: {  	v31 =	vld.idx.msk [tilespmem:v14+s20+$0x0], $0xffff  }
0x18a: {  	v32 =	vld.idx.msk [tilespmem:v15+s20+$0x0], $0xffff;
	_ =	sdelay $0x1  }
0x18b: {  	v17 =	vadd.f32 v18, v17;
	v18 =	vadd.f32 v53, v19  }
0x18c: {  	v19 =	vadd.f32 v55, v54;
	v58 =	vadd.f32 v57, v56  }
0x18d: {  	v59 =	vadd.f32 v26, v25;
	v60 =	vadd.f32 v28, v27  }
0x18e: {  	v61 =	vadd.f32 v30, v29;
	v62 =	vadd.f32 v32, v31  }
0x18f: {  	v17 =	vadd.f32 v18, v17;
	v18 =	vadd.f32 v58, v19  }
0x190: {  	v19 =	vadd.f32 v60, v59;
	v63 =	vadd.f32 v62, v61;
	_ =	sdelay $0x1  }
0x191: {  	v17 =	vadd.f32 v18, v17;
	v18 =	vadd.f32 v63, v19;
	_ =	sdelay $0x1  }
0x192: {  	v17 =	vadd.f32 v18, v17;
	_ =	sdelay $0x1  }
0x193: {  	v17 =	vsub.f32 $0.0e+00, v17;
	_ =	sdelay $0x1  }
0x194: {  	v17 =	vmul.f32 $1.442695020e+00, v17;
	_ =	sdelay $0x1  }
0x195: {  	(erf) = vpow2.f32 v17;
	_ =	sdelay $0x8  }
0x196: {  	v17 =	vpop (erf)  }
0x197: {  	v17 =	vadd.f32 $1.000000000e+00, v17;
	_ =	sdelay $0x1  }
0x198: {  	(erf) = vrcp.f32 v17;
	_ =	sdelay $0x4  }
0x199: {  	p0 =	sne.s32 s31, $0x7  }
.Ltmp0:
0x19a: {  	_ = 	snop;
	(pc) =	sbr.rel @p0 .LBB2_3-.Ltmp0, $4  }
0x19b: {  	_ = 	snop  }
0x19c: {  	s2 =	sshll.u32 s31, $0x4  }
0x19d: {  	s2 =	sand.u32 $0x3FFFFFF0, s2;
	v17 =	vpop (erf)  }
0x19e: {  	s31 =	sadd.s32 $0x1, s31;
	[tilespmem:v16+s2+$0x0 ss:$0x1] =	vst.idx.msk $0xffff, v17  }
0x19f: {  	s2 =	smin.u32 s30, $0x2510  }
0x1a0: {  	s31 =	sadd.s32 $0x180, s2  }
0x1a1: {  	[tilespmem:s11], [sflag:$0x1] =	stream.indirect.gather [hbm4b:s1+s10], $0x80, s31, s10, $0xb8;
	[tilespmem:$0x1F800] =	vst v63  }
0x1a2: {  	s2 =	sadd.s32 $0x2900, s2  }
0x1a3: {  	[tilespmem:s12], [sflag:$0x2] =	stream.indirect.gather [hbm4b:s1+s10], $0x80, s2, s10, $0xb8;
	[tilespmem:$0x1F800] =	vst v63  }
0x1a4: {  	_ =	swait.ge [sflag:s21], $0x4000  }
0x1a5: {  	[sflag:s21] =	ssyncset.done $0x0  }
0x1a6: {  	[sflag:s21] =	ssyncadd.s32 $0xFFFFC000  }
0x1a7: {  	s2 =	smin.u32 s30, $0x2610;
	_ =	swait.ge [sflag:s22], $0x4000  }
0x1a8: {  	s2 =	sadd.s32 $0x1CF80, s2;
	[sflag:s22] =	ssyncset.done $0x0  }
0x1a9: {  	s31 =	simm.s32 $0x0;
	v16 =	vmov s2;
	[sflag:s22] =	ssyncadd.s32 $0xFFFFC000  }
.LBB2_5:
0x1aa: {  	s2 =	sshll.u32 s31, $0xB  }
0x1ab: {  	v17 =	vld [tilespmem:s2+$0x8F00]  }
0x1ac: {  	v18 =	vld [tilespmem:s2+$0x14F00]  }
0x1ad: {  	v19 =	vld [tilespmem:s2+$0x8F10]  }
0x1ae: {  	v20 =	vld [tilespmem:s2+$0x14F10]  }
0x1af: {  	v21 =	vld [tilespmem:s2+$0x8F20]  }
0x1b0: {  	v22 =	vld [tilespmem:s2+$0x14F20]  }
0x1b1: {  	v23 =	vld [tilespmem:s2+$0x8F30]  }
0x1b2: {  	v24 =	vld [tilespmem:s2+$0x14F30]  }
0x1b3: {  	v62 =	vld [tilespmem:s2+$0x14F40];
	v17 =	vmul.f32 v18, v17;
	v18 =	vmul.f32 v20, v19  }
0x1b4: {  	v19 =	vld [tilespmem:s2+$0x8F40]  }
0x1b5: {  	v63 =	vld [tilespmem:s2+$0x8F50];
	v17 =	vadd.f32 v18, v17;
	v18 =	vmul.f32 v22, v21  }
0x1b6: {  	v28 =	vld [tilespmem:s2+$0x14F50]  }
0x1b7: {  	v29 =	vld [tilespmem:s2+$0x8F60];
	v17 =	vadd.f32 v18, v17;
	v18 =	vmul.f32 v24, v23  }
0x1b8: {  	v30 =	vld [tilespmem:s2+$0x14F60]  }
0x1b9: {  	v31 =	vld [tilespmem:s2+$0x14F70];
	v17 =	vadd.f32 v18, v17;
	v18 =	vmul.f32 v62, v19  }
0x1ba: {  	v19 =	vld [tilespmem:s2+$0x8F70]  }
0x1bb: {  	v17 =	vadd.f32 v18, v17;
	v18 =	vmul.f32 v28, v63;
	_ =	sdelay $0x1  }
0x1bc: {  	v17 =	vadd.f32 v18, v17;
	v18 =	vmul.f32 v30, v29;
	_ =	sdelay $0x1  }
0x1bd: {  	v17 =	vadd.f32 v18, v17;
	v18 =	vmul.f32 v31, v19;
	_ =	sdelay $0x1  }
0x1be: {  	v17 =	vadd.f32 v18, v17;
	_ =	sdelay $0x1  }
0x1bf: {  	[tilespmem:$0x1F680] =	vst v17  }
0x1c0: {  	v17 =	vld [tilespmem:s2+$0x8F80]  }
0x1c1: {  	v18 =	vld [tilespmem:s2+$0x14F80]  }
0x1c2: {  	v19 =	vld [tilespmem:s2+$0x8F90]  }
0x1c3: {  	v32 =	vld [tilespmem:s2+$0x14F90]  }
0x1c4: {  	v33 =	vld [tilespmem:s2+$0x8FA0]  }
0x1c5: {  	v34 =	vld [tilespmem:s2+$0x14FA0]  }
0x1c6: {  	v35 =	vld [tilespmem:s2+$0x8FB0]  }
0x1c7: {  	v36 =	vld [tilespmem:s2+$0x14FB0]  }
0x1c8: {  	v37 =	vld [tilespmem:s2+$0x14FC0];
	v17 =	vmul.f32 v18, v17;
	v18 =	vmul.f32 v32, v19  }
0x1c9: {  	v19 =	vld [tilespmem:s2+$0x8FC0]  }
0x1ca: {  	v38 =	vld [tilespmem:s2+$0x8FD0];
	v17 =	vadd.f32 v18, v17;
	v18 =	vmul.f32 v34, v33  }
0x1cb: {  	v39 =	vld [tilespmem:s2+$0x14FD0]  }
0x1cc: {  	v40 =	vld [tilespmem:s2+$0x8FE0];
	v17 =	vadd.f32 v18, v17;
	v18 =	vmul.f32 v36, v35  }
0x1cd: {  	v41 =	vld [tilespmem:s2+$0x14FE0]  }
0x1ce: {  	v42 =	vld [tilespmem:s2+$0x14FF0];
	v17 =	vadd.f32 v18, v17;
	v18 =	vmul.f32 v37, v19  }
0x1cf: {  	v19 =	vld [tilespmem:s2+$0x8FF0]  }
0x1d0: {  	v17 =	vadd.f32 v18, v17;
	v18 =	vmul.f32 v39, v38;
	_ =	sdelay $0x1  }
0x1d1: {  	v17 =	vadd.f32 v18, v17;
	v18 =	vmul.f32 v41, v40;
	_ =	sdelay $0x1  }
0x1d2: {  	v17 =	vadd.f32 v18, v17;
	v18 =	vmul.f32 v42, v19;
	_ =	sdelay $0x1  }
0x1d3: {  	v17 =	vadd.f32 v18, v17;
	_ =	sdelay $0x1  }
0x1d4: {  	[tilespmem:$0x1F691] =	vst v17  }
0x1d5: {  	v17 =	vld [tilespmem:s2+$0x9000]  }
0x1d6: {  	v18 =	vld [tilespmem:s2+$0x15000]  }
0x1d7: {  	v19 =	vld [tilespmem:s2+$0x9010]  }
0x1d8: {  	v43 =	vld [tilespmem:s2+$0x15010]  }
0x1d9: {  	v44 =	vld [tilespmem:s2+$0x9020]  }
0x1da: {  	v45 =	vld [tilespmem:s2+$0x15020]  }
0x1db: {  	v46 =	vld [tilespmem:s2+$0x9030]  }
0x1dc: {  	v47 =	vld [tilespmem:s2+$0x15030]  }
0x1dd: {  	v48 =	vld [tilespmem:s2+$0x15040];
	v17 =	vmul.f32 v18, v17;
	v18 =	vmul.f32 v43, v19  }
0x1de: {  	v19 =	vld [tilespmem:s2+$0x9040]  }
0x1df: {  	v49 =	vld [tilespmem:s2+$0x9050];
	v17 =	vadd.f32 v18, v17;
	v18 =	vmul.f32 v45, v44  }
0x1e0: {  	v50 =	vld [tilespmem:s2+$0x15050]  }
0x1e1: {  	v51 =	vld [tilespmem:s2+$0x9060];
	v17 =	vadd.f32 v18, v17;
	v18 =	vmul.f32 v47, v46  }
0x1e2: {  	v52 =	vld [tilespmem:s2+$0x15060]  }
0x1e3: {  	v53 =	vld [tilespmem:s2+$0x15070];
	v17 =	vadd.f32 v18, v17;
	v18 =	vmul.f32 v48, v19  }
0x1e4: {  	v19 =	vld [tilespmem:s2+$0x9070]  }
0x1e5: {  	v17 =	vadd.f32 v18, v17;
	v18 =	vmul.f32 v50, v49;
	_ =	sdelay $0x1  }
0x1e6: {  	v17 =	vadd.f32 v18, v17;
	v18 =	vmul.f32 v52, v51;
	_ =	sdelay $0x1  }
0x1e7: {  	v17 =	vadd.f32 v18, v17;
	v18 =	vmul.f32 v53, v19;
	_ =	sdelay $0x1  }
0x1e8: {  	v17 =	vadd.f32 v18, v17;
	_ =	sdelay $0x1  }
0x1e9: {  	[tilespmem:$0x1F6A2] =	vst v17  }
0x1ea: {  	v17 =	vld [tilespmem:s2+$0x9080]  }
0x1eb: {  	v18 =	vld [tilespmem:s2+$0x15080]  }
0x1ec: {  	v19 =	vld [tilespmem:s2+$0x9090]  }
0x1ed: {  	v54 =	vld [tilespmem:s2+$0x15090]  }
0x1ee: {  	v55 =	vld [tilespmem:s2+$0x90A0]  }
0x1ef: {  	v56 =	vld [tilespmem:s2+$0x150A0]  }
0x1f0: {  	v57 =	vld [tilespmem:s2+$0x90B0]  }
0x1f1: {  	v58 =	vld [tilespmem:s2+$0x150B0]  }
0x1f2: {  	v59 =	vld [tilespmem:s2+$0x150C0];
	v17 =	vmul.f32 v18, v17;
	v18 =	vmul.f32 v54, v19  }
0x1f3: {  	v19 =	vld [tilespmem:s2+$0x90C0]  }
0x1f4: {  	v60 =	vld [tilespmem:s2+$0x90D0];
	v17 =	vadd.f32 v18, v17;
	v18 =	vmul.f32 v56, v55  }
0x1f5: {  	v61 =	vld [tilespmem:s2+$0x150D0]  }
0x1f6: {  	v62 =	vld [tilespmem:s2+$0x90E0];
	v17 =	vadd.f32 v18, v17;
	v18 =	vmul.f32 v58, v57  }
0x1f7: {  	v63 =	vld [tilespmem:s2+$0x150E0]  }
0x1f8: {  	v28 =	vld [tilespmem:s2+$0x150F0];
	v17 =	vadd.f32 v18, v17;
	v18 =	vmul.f32 v59, v19  }
0x1f9: {  	v19 =	vld [tilespmem:s2+$0x90F0]  }
0x1fa: {  	v17 =	vadd.f32 v18, v17;
	v18 =	vmul.f32 v61, v60;
	_ =	sdelay $0x1  }
0x1fb: {  	v17 =	vadd.f32 v18, v17;
	v18 =	vmul.f32 v63, v62;
	_ =	sdelay $0x1  }
0x1fc: {  	v17 =	vadd.f32 v18, v17;
	v18 =	vmul.f32 v28, v19;
	_ =	sdelay $0x1  }
0x1fd: {  	v17 =	vadd.f32 v18, v17;
	_ =	sdelay $0x1  }
0x1fe: {  	[tilespmem:$0x1F6B3] =	vst v17  }
0x1ff: {  	v17 =	vld [tilespmem:s2+$0x9100]  }
0x200: {  	v18 =	vld [tilespmem:s2+$0x15100]  }
0x201: {  	v19 =	vld [tilespmem:s2+$0x9110]  }
0x202: {  	v29 =	vld [tilespmem:s2+$0x15110]  }
0x203: {  	v30 =	vld [tilespmem:s2+$0x9120]  }
0x204: {  	v31 =	vld [tilespmem:s2+$0x15120]  }
0x205: {  	v32 =	vld [tilespmem:s2+$0x9130]  }
0x206: {  	v33 =	vld [tilespmem:s2+$0x15130]  }
0x207: {  	v34 =	vld [tilespmem:s2+$0x15140];
	v17 =	vmul.f32 v18, v17;
	v18 =	vmul.f32 v29, v19  }
0x208: {  	v19 =	vld [tilespmem:s2+$0x9140]  }
0x209: {  	v35 =	vld [tilespmem:s2+$0x9150];
	v17 =	vadd.f32 v18, v17;
	v18 =	vmul.f32 v31, v30  }
0x20a: {  	v36 =	vld [tilespmem:s2+$0x15150]  }
0x20b: {  	v37 =	vld [tilespmem:s2+$0x9160];
	v17 =	vadd.f32 v18, v17;
	v18 =	vmul.f32 v33, v32  }
0x20c: {  	v38 =	vld [tilespmem:s2+$0x15160]  }
0x20d: {  	v39 =	vld [tilespmem:s2+$0x15170];
	v17 =	vadd.f32 v18, v17;
	v18 =	vmul.f32 v34, v19  }
0x20e: {  	v19 =	vld [tilespmem:s2+$0x9170]  }
0x20f: {  	v17 =	vadd.f32 v18, v17;
	v18 =	vmul.f32 v36, v35;
	_ =	sdelay $0x1  }
0x210: {  	v17 =	vadd.f32 v18, v17;
	v18 =	vmul.f32 v38, v37;
	_ =	sdelay $0x1  }
0x211: {  	v17 =	vadd.f32 v18, v17;
	v18 =	vmul.f32 v39, v19;
	_ =	sdelay $0x1  }
0x212: {  	v17 =	vadd.f32 v18, v17;
	_ =	sdelay $0x1  }
0x213: {  	[tilespmem:$0x1F6C4] =	vst v17  }
0x214: {  	v17 =	vld [tilespmem:s2+$0x9180]  }
0x215: {  	v18 =	vld [tilespmem:s2+$0x15180]  }
0x216: {  	v19 =	vld [tilespmem:s2+$0x9190]  }
0x217: {  	v40 =	vld [tilespmem:s2+$0x15190]  }
0x218: {  	v41 =	vld [tilespmem:s2+$0x91A0]  }
0x219: {  	v42 =	vld [tilespmem:s2+$0x151A0]  }
0x21a: {  	v43 =	vld [tilespmem:s2+$0x91B0]  }
0x21b: {  	v44 =	vld [tilespmem:s2+$0x151B0]  }
0x21c: {  	v45 =	vld [tilespmem:s2+$0x151C0];
	v17 =	vmul.f32 v18, v17;
	v18 =	vmul.f32 v40, v19  }
0x21d: {  	v19 =	vld [tilespmem:s2+$0x91C0]  }
0x21e: {  	v46 =	vld [tilespmem:s2+$0x91D0];
	v17 =	vadd.f32 v18, v17;
	v18 =	vmul.f32 v42, v41  }
0x21f: {  	v47 =	vld [tilespmem:s2+$0x151D0]  }
0x220: {  	v48 =	vld [tilespmem:s2+$0x91E0];
	v17 =	vadd.f32 v18, v17;
	v18 =	vmul.f32 v44, v43  }
0x221: {  	v49 =	vld [tilespmem:s2+$0x151E0]  }
0x222: {  	v50 =	vld [tilespmem:s2+$0x151F0];
	v17 =	vadd.f32 v18, v17;
	v18 =	vmul.f32 v45, v19  }
0x223: {  	v19 =	vld [tilespmem:s2+$0x91F0]  }
0x224: {  	v17 =	vadd.f32 v18, v17;
	v18 =	vmul.f32 v47, v46;
	_ =	sdelay $0x1  }
0x225: {  	v17 =	vadd.f32 v18, v17;
	v18 =	vmul.f32 v49, v48;
	_ =	sdelay $0x1  }
0x226: {  	v17 =	vadd.f32 v18, v17;
	v18 =	vmul.f32 v50, v19;
	_ =	sdelay $0x1  }
0x227: {  	v17 =	vadd.f32 v18, v17;
	_ =	sdelay $0x1  }
0x228: {  	[tilespmem:$0x1F6D5] =	vst v17  }
0x229: {  	v17 =	vld [tilespmem:s2+$0x9200]  }
0x22a: {  	v18 =	vld [tilespmem:s2+$0x15200]  }
0x22b: {  	v19 =	vld [tilespmem:s2+$0x9210]  }
0x22c: {  	v51 =	vld [tilespmem:s2+$0x15210]  }
0x22d: {  	v52 =	vld [tilespmem:s2+$0x9220]  }
0x22e: {  	v53 =	vld [tilespmem:s2+$0x15220]  }
0x22f: {  	v54 =	vld [tilespmem:s2+$0x9230]  }
0x230: {  	v55 =	vld [tilespmem:s2+$0x15230]  }
0x231: {  	v56 =	vld [tilespmem:s2+$0x15240];
	v17 =	vmul.f32 v18, v17;
	v18 =	vmul.f32 v51, v19  }
0x232: {  	v19 =	vld [tilespmem:s2+$0x9240]  }
0x233: {  	v57 =	vld [tilespmem:s2+$0x9250];
	v17 =	vadd.f32 v18, v17;
	v18 =	vmul.f32 v53, v52  }
0x234: {  	v58 =	vld [tilespmem:s2+$0x15250]  }
0x235: {  	v59 =	vld [tilespmem:s2+$0x9260];
	v17 =	vadd.f32 v18, v17;
	v18 =	vmul.f32 v55, v54  }
0x236: {  	v60 =	vld [tilespmem:s2+$0x15260]  }
0x237: {  	v61 =	vld [tilespmem:s2+$0x15270];
	v17 =	vadd.f32 v18, v17;
	v18 =	vmul.f32 v56, v19  }
0x238: {  	v19 =	vld [tilespmem:s2+$0x9270]  }
0x239: {  	v17 =	vadd.f32 v18, v17;
	v18 =	vmul.f32 v58, v57;
	_ =	sdelay $0x1  }
0x23a: {  	v17 =	vadd.f32 v18, v17;
	v18 =	vmul.f32 v60, v59;
	_ =	sdelay $0x1  }
0x23b: {  	v17 =	vadd.f32 v18, v17;
	v18 =	vmul.f32 v61, v19;
	_ =	sdelay $0x1  }
0x23c: {  	v17 =	vadd.f32 v18, v17;
	_ =	sdelay $0x1  }
0x23d: {  	[tilespmem:$0x1F6E6] =	vst v17  }
0x23e: {  	v17 =	vld [tilespmem:s2+$0x9280]  }
0x23f: {  	v18 =	vld [tilespmem:s2+$0x15280]  }
0x240: {  	v19 =	vld [tilespmem:s2+$0x9290]  }
0x241: {  	v62 =	vld [tilespmem:s2+$0x15290]  }
0x242: {  	v63 =	vld [tilespmem:s2+$0x92A0]  }
0x243: {  	v28 =	vld [tilespmem:s2+$0x152A0]  }
0x244: {  	v29 =	vld [tilespmem:s2+$0x92B0]  }
0x245: {  	v30 =	vld [tilespmem:s2+$0x152B0]  }
0x246: {  	v31 =	vld [tilespmem:s2+$0x152C0];
	v17 =	vmul.f32 v18, v17;
	v18 =	vmul.f32 v62, v19  }
0x247: {  	v19 =	vld [tilespmem:s2+$0x92C0]  }
0x248: {  	v32 =	vld [tilespmem:s2+$0x92D0];
	v17 =	vadd.f32 v18, v17;
	v18 =	vmul.f32 v28, v63  }
0x249: {  	v33 =	vld [tilespmem:s2+$0x152D0]  }
0x24a: {  	v34 =	vld [tilespmem:s2+$0x92E0];
	v17 =	vadd.f32 v18, v17;
	v18 =	vmul.f32 v30, v29  }
0x24b: {  	v35 =	vld [tilespmem:s2+$0x152E0]  }
0x24c: {  	v36 =	vld [tilespmem:s2+$0x152F0];
	v17 =	vadd.f32 v18, v17;
	v18 =	vmul.f32 v31, v19  }
0x24d: {  	v19 =	vld [tilespmem:s2+$0x92F0]  }
0x24e: {  	v17 =	vadd.f32 v18, v17;
	v18 =	vmul.f32 v33, v32;
	_ =	sdelay $0x1  }
0x24f: {  	v17 =	vadd.f32 v18, v17;
	v18 =	vmul.f32 v35, v34;
	_ =	sdelay $0x1  }
0x250: {  	v17 =	vadd.f32 v18, v17;
	v18 =	vmul.f32 v36, v19;
	_ =	sdelay $0x1  }
0x251: {  	v17 =	vadd.f32 v18, v17;
	_ =	sdelay $0x1  }
0x252: {  	[tilespmem:$0x1F6F7] =	vst v17  }
0x253: {  	v17 =	vld [tilespmem:s2+$0x9300]  }
0x254: {  	v18 =	vld [tilespmem:s2+$0x15300]  }
0x255: {  	v19 =	vld [tilespmem:s2+$0x9310]  }
0x256: {  	v37 =	vld [tilespmem:s2+$0x15310]  }
0x257: {  	v38 =	vld [tilespmem:s2+$0x9320]  }
0x258: {  	v39 =	vld [tilespmem:s2+$0x15320]  }
0x259: {  	v40 =	vld [tilespmem:s2+$0x9330]  }
0x25a: {  	v41 =	vld [tilespmem:s2+$0x15330]  }
0x25b: {  	v42 =	vld [tilespmem:s2+$0x15340];
	v17 =	vmul.f32 v18, v17;
	v18 =	vmul.f32 v37, v19  }
0x25c: {  	v19 =	vld [tilespmem:s2+$0x9340]  }
0x25d: {  	v43 =	vld [tilespmem:s2+$0x9350];
	v17 =	vadd.f32 v18, v17;
	v18 =	vmul.f32 v39, v38  }
0x25e: {  	v44 =	vld [tilespmem:s2+$0x15350]  }
0x25f: {  	v45 =	vld [tilespmem:s2+$0x9360];
	v17 =	vadd.f32 v18, v17;
	v18 =	vmul.f32 v41, v40  }
0x260: {  	v46 =	vld [tilespmem:s2+$0x15360]  }
0x261: {  	v47 =	vld [tilespmem:s2+$0x15370];
	v17 =	vadd.f32 v18, v17;
	v18 =	vmul.f32 v42, v19  }
0x262: {  	v19 =	vld [tilespmem:s2+$0x9370]  }
0x263: {  	v17 =	vadd.f32 v18, v17;
	v18 =	vmul.f32 v44, v43;
	_ =	sdelay $0x1  }
0x264: {  	v17 =	vadd.f32 v18, v17;
	v18 =	vmul.f32 v46, v45;
	_ =	sdelay $0x1  }
0x265: {  	v17 =	vadd.f32 v18, v17;
	v18 =	vmul.f32 v47, v19;
	_ =	sdelay $0x1  }
0x266: {  	v17 =	vadd.f32 v18, v17;
	_ =	sdelay $0x1  }
0x267: {  	[tilespmem:$0x1F708] =	vst v17  }
0x268: {  	v17 =	vld [tilespmem:s2+$0x9380]  }
0x269: {  	v18 =	vld [tilespmem:s2+$0x15380]  }
0x26a: {  	v19 =	vld [tilespmem:s2+$0x9390]  }
0x26b: {  	v48 =	vld [tilespmem:s2+$0x15390]  }
0x26c: {  	v49 =	vld [tilespmem:s2+$0x93A0]  }
0x26d: {  	v50 =	vld [tilespmem:s2+$0x153A0]  }
0x26e: {  	v51 =	vld [tilespmem:s2+$0x93B0]  }
0x26f: {  	v52 =	vld [tilespmem:s2+$0x153B0]  }
0x270: {  	v53 =	vld [tilespmem:s2+$0x153C0];
	v17 =	vmul.f32 v18, v17;
	v18 =	vmul.f32 v48, v19  }
0x271: {  	v19 =	vld [tilespmem:s2+$0x93C0]  }
0x272: {  	v54 =	vld [tilespmem:s2+$0x93D0];
	v17 =	vadd.f32 v18, v17;
	v18 =	vmul.f32 v50, v49  }
0x273: {  	v55 =	vld [tilespmem:s2+$0x153D0]  }
0x274: {  	v56 =	vld [tilespmem:s2+$0x93E0];
	v17 =	vadd.f32 v18, v17;
	v18 =	vmul.f32 v52, v51  }
0x275: {  	v57 =	vld [tilespmem:s2+$0x153E0]  }
0x276: {  	v58 =	vld [tilespmem:s2+$0x153F0];
	v17 =	vadd.f32 v18, v17;
	v18 =	vmul.f32 v53, v19  }
0x277: {  	v19 =	vld [tilespmem:s2+$0x93F0]  }
0x278: {  	v17 =	vadd.f32 v18, v17;
	v18 =	vmul.f32 v55, v54;
	_ =	sdelay $0x1  }
0x279: {  	v17 =	vadd.f32 v18, v17;
	v18 =	vmul.f32 v57, v56;
	_ =	sdelay $0x1  }
0x27a: {  	v17 =	vadd.f32 v18, v17;
	v18 =	vmul.f32 v58, v19;
	_ =	sdelay $0x1  }
0x27b: {  	v17 =	vadd.f32 v18, v17;
	_ =	sdelay $0x1  }
0x27c: {  	[tilespmem:$0x1F719] =	vst v17  }
0x27d: {  	v17 =	vld [tilespmem:s2+$0x9400]  }
0x27e: {  	v18 =	vld [tilespmem:s2+$0x15400]  }
0x27f: {  	v19 =	vld [tilespmem:s2+$0x9410]  }
0x280: {  	v59 =	vld [tilespmem:s2+$0x15410]  }
0x281: {  	v60 =	vld [tilespmem:s2+$0x9420]  }
0x282: {  	v61 =	vld [tilespmem:s2+$0x15420]  }
0x283: {  	v62 =	vld [tilespmem:s2+$0x9430]  }
0x284: {  	v63 =	vld [tilespmem:s2+$0x15430]  }
0x285: {  	v28 =	vld [tilespmem:s2+$0x15440];
	v17 =	vmul.f32 v18, v17;
	v18 =	vmul.f32 v59, v19  }
0x286: {  	v19 =	vld [tilespmem:s2+$0x9440]  }
0x287: {  	v29 =	vld [tilespmem:s2+$0x9450];
	v17 =	vadd.f32 v18, v17;
	v18 =	vmul.f32 v61, v60  }
0x288: {  	v30 =	vld [tilespmem:s2+$0x15450]  }
0x289: {  	v31 =	vld [tilespmem:s2+$0x9460];
	v17 =	vadd.f32 v18, v17;
	v18 =	vmul.f32 v63, v62  }
0x28a: {  	v32 =	vld [tilespmem:s2+$0x15460]  }
0x28b: {  	v33 =	vld [tilespmem:s2+$0x15470];
	v17 =	vadd.f32 v18, v17;
	v18 =	vmul.f32 v28, v19  }
0x28c: {  	v19 =	vld [tilespmem:s2+$0x9470]  }
0x28d: {  	v17 =	vadd.f32 v18, v17;
	v18 =	vmul.f32 v30, v29;
	_ =	sdelay $0x1  }
0x28e: {  	v17 =	vadd.f32 v18, v17;
	v18 =	vmul.f32 v32, v31;
	_ =	sdelay $0x1  }
0x28f: {  	v17 =	vadd.f32 v18, v17;
	v18 =	vmul.f32 v33, v19;
	_ =	sdelay $0x1  }
0x290: {  	v17 =	vadd.f32 v18, v17;
	_ =	sdelay $0x1  }
0x291: {  	[tilespmem:$0x1F72A] =	vst v17  }
0x292: {  	v17 =	vld [tilespmem:s2+$0x9480]  }
0x293: {  	v18 =	vld [tilespmem:s2+$0x15480]  }
0x294: {  	v19 =	vld [tilespmem:s2+$0x9490]  }
0x295: {  	v34 =	vld [tilespmem:s2+$0x15490]  }
0x296: {  	v35 =	vld [tilespmem:s2+$0x94A0]  }
0x297: {  	v36 =	vld [tilespmem:s2+$0x154A0]  }
0x298: {  	v37 =	vld [tilespmem:s2+$0x94B0]  }
0x299: {  	v38 =	vld [tilespmem:s2+$0x154B0]  }
0x29a: {  	v39 =	vld [tilespmem:s2+$0x154C0];
	v17 =	vmul.f32 v18, v17;
	v18 =	vmul.f32 v34, v19  }
0x29b: {  	v19 =	vld [tilespmem:s2+$0x94C0]  }
0x29c: {  	v40 =	vld [tilespmem:s2+$0x94D0];
	v17 =	vadd.f32 v18, v17;
	v18 =	vmul.f32 v36, v35  }
0x29d: {  	v41 =	vld [tilespmem:s2+$0x154D0]  }
0x29e: {  	v42 =	vld [tilespmem:s2+$0x94E0];
	v17 =	vadd.f32 v18, v17;
	v18 =	vmul.f32 v38, v37  }
0x29f: {  	v43 =	vld [tilespmem:s2+$0x154E0]  }
0x2a0: {  	v44 =	vld [tilespmem:s2+$0x154F0];
	v17 =	vadd.f32 v18, v17;
	v18 =	vmul.f32 v39, v19  }
0x2a1: {  	v19 =	vld [tilespmem:s2+$0x94F0]  }
0x2a2: {  	v17 =	vadd.f32 v18, v17;
	v18 =	vmul.f32 v41, v40;
	_ =	sdelay $0x1  }
0x2a3: {  	v17 =	vadd.f32 v18, v17;
	v18 =	vmul.f32 v43, v42;
	_ =	sdelay $0x1  }
0x2a4: {  	v17 =	vadd.f32 v18, v17;
	v18 =	vmul.f32 v44, v19;
	_ =	sdelay $0x1  }
0x2a5: {  	v17 =	vadd.f32 v18, v17;
	_ =	sdelay $0x1  }
0x2a6: {  	[tilespmem:$0x1F73B] =	vst v17  }
0x2a7: {  	v17 =	vld [tilespmem:s2+$0x9500]  }
0x2a8: {  	v18 =	vld [tilespmem:s2+$0x15500]  }
0x2a9: {  	v19 =	vld [tilespmem:s2+$0x9510]  }
0x2aa: {  	v45 =	vld [tilespmem:s2+$0x15510]  }
0x2ab: {  	v46 =	vld [tilespmem:s2+$0x9520]  }
0x2ac: {  	v47 =	vld [tilespmem:s2+$0x15520]  }
0x2ad: {  	v48 =	vld [tilespmem:s2+$0x9530]  }
0x2ae: {  	v49 =	vld [tilespmem:s2+$0x15530]  }
0x2af: {  	v50 =	vld [tilespmem:s2+$0x15540];
	v17 =	vmul.f32 v18, v17;
	v18 =	vmul.f32 v45, v19  }
0x2b0: {  	v19 =	vld [tilespmem:s2+$0x9540]  }
0x2b1: {  	v51 =	vld [tilespmem:s2+$0x9550];
	v17 =	vadd.f32 v18, v17;
	v18 =	vmul.f32 v47, v46  }
0x2b2: {  	v52 =	vld [tilespmem:s2+$0x15550]  }
0x2b3: {  	v53 =	vld [tilespmem:s2+$0x9560];
	v17 =	vadd.f32 v18, v17;
	v18 =	vmul.f32 v49, v48  }
0x2b4: {  	v54 =	vld [tilespmem:s2+$0x15560]  }
0x2b5: {  	v55 =	vld [tilespmem:s2+$0x15570];
	v17 =	vadd.f32 v18, v17;
	v18 =	vmul.f32 v50, v19  }
0x2b6: {  	v19 =	vld [tilespmem:s2+$0x9570]  }
0x2b7: {  	v17 =	vadd.f32 v18, v17;
	v18 =	vmul.f32 v52, v51;
	_ =	sdelay $0x1  }
0x2b8: {  	v17 =	vadd.f32 v18, v17;
	v18 =	vmul.f32 v54, v53;
	_ =	sdelay $0x1  }
0x2b9: {  	v17 =	vadd.f32 v18, v17;
	v18 =	vmul.f32 v55, v19;
	_ =	sdelay $0x1  }
0x2ba: {  	v17 =	vadd.f32 v18, v17;
	_ =	sdelay $0x1  }
0x2bb: {  	[tilespmem:$0x1F74C] =	vst v17  }
0x2bc: {  	v17 =	vld [tilespmem:s2+$0x9580]  }
0x2bd: {  	v18 =	vld [tilespmem:s2+$0x15580]  }
0x2be: {  	v19 =	vld [tilespmem:s2+$0x9590]  }
0x2bf: {  	v56 =	vld [tilespmem:s2+$0x15590]  }
0x2c0: {  	v57 =	vld [tilespmem:s2+$0x95A0]  }
0x2c1: {  	v58 =	vld [tilespmem:s2+$0x155A0]  }
0x2c2: {  	v59 =	vld [tilespmem:s2+$0x95B0]  }
0x2c3: {  	v60 =	vld [tilespmem:s2+$0x155B0]  }
0x2c4: {  	v61 =	vld [tilespmem:s2+$0x155C0];
	v17 =	vmul.f32 v18, v17;
	v18 =	vmul.f32 v56, v19  }
0x2c5: {  	v19 =	vld [tilespmem:s2+$0x95C0]  }
0x2c6: {  	v62 =	vld [tilespmem:s2+$0x95D0];
	v17 =	vadd.f32 v18, v17;
	v18 =	vmul.f32 v58, v57  }
0x2c7: {  	v63 =	vld [tilespmem:s2+$0x155D0]  }
0x2c8: {  	v28 =	vld [tilespmem:s2+$0x95E0];
	v17 =	vadd.f32 v18, v17;
	v18 =	vmul.f32 v60, v59  }
0x2c9: {  	v29 =	vld [tilespmem:s2+$0x155E0]  }
0x2ca: {  	v30 =	vld [tilespmem:s2+$0x155F0];
	v17 =	vadd.f32 v18, v17;
	v18 =	vmul.f32 v61, v19  }
0x2cb: {  	v19 =	vld [tilespmem:s2+$0x95F0]  }
0x2cc: {  	v17 =	vadd.f32 v18, v17;
	v18 =	vmul.f32 v63, v62;
	_ =	sdelay $0x1  }
0x2cd: {  	v17 =	vadd.f32 v18, v17;
	v18 =	vmul.f32 v29, v28;
	_ =	sdelay $0x1  }
0x2ce: {  	v17 =	vadd.f32 v18, v17;
	v18 =	vmul.f32 v30, v19;
	_ =	sdelay $0x1  }
0x2cf: {  	v17 =	vadd.f32 v18, v17;
	_ =	sdelay $0x1  }
0x2d0: {  	[tilespmem:$0x1F75D] =	vst v17  }
0x2d1: {  	v17 =	vld [tilespmem:s2+$0x9600]  }
0x2d2: {  	v18 =	vld [tilespmem:s2+$0x15600]  }
0x2d3: {  	v19 =	vld [tilespmem:s2+$0x9610]  }
0x2d4: {  	v31 =	vld [tilespmem:s2+$0x15610]  }
0x2d5: {  	v32 =	vld [tilespmem:s2+$0x9620]  }
0x2d6: {  	v33 =	vld [tilespmem:s2+$0x15620]  }
0x2d7: {  	v34 =	vld [tilespmem:s2+$0x9630]  }
0x2d8: {  	v35 =	vld [tilespmem:s2+$0x15630]  }
0x2d9: {  	v36 =	vld [tilespmem:s2+$0x15640];
	v17 =	vmul.f32 v18, v17;
	v18 =	vmul.f32 v31, v19  }
0x2da: {  	v19 =	vld [tilespmem:s2+$0x9640]  }
0x2db: {  	v37 =	vld [tilespmem:s2+$0x9650];
	v17 =	vadd.f32 v18, v17;
	v18 =	vmul.f32 v33, v32  }
0x2dc: {  	v38 =	vld [tilespmem:s2+$0x15650]  }
0x2dd: {  	v39 =	vld [tilespmem:s2+$0x9660];
	v17 =	vadd.f32 v18, v17;
	v18 =	vmul.f32 v35, v34  }
0x2de: {  	v40 =	vld [tilespmem:s2+$0x15660]  }
0x2df: {  	v41 =	vld [tilespmem:s2+$0x15670];
	v17 =	vadd.f32 v18, v17;
	v18 =	vmul.f32 v36, v19  }
0x2e0: {  	v19 =	vld [tilespmem:s2+$0x9670]  }
0x2e1: {  	v17 =	vadd.f32 v18, v17;
	v18 =	vmul.f32 v38, v37;
	_ =	sdelay $0x1  }
0x2e2: {  	v17 =	vadd.f32 v18, v17;
	v18 =	vmul.f32 v40, v39;
	_ =	sdelay $0x1  }
0x2e3: {  	v17 =	vadd.f32 v18, v17;
	v18 =	vmul.f32 v41, v19;
	_ =	sdelay $0x1  }
0x2e4: {  	v17 =	vadd.f32 v18, v17;
	_ =	sdelay $0x1  }
0x2e5: {  	[tilespmem:$0x1F76E] =	vst v17  }
0x2e6: {  	v17 =	vld [tilespmem:s2+$0x9680]  }
0x2e7: {  	v18 =	vld [tilespmem:s2+$0x15680]  }
0x2e8: {  	v19 =	vld [tilespmem:s2+$0x9690]  }
0x2e9: {  	v42 =	vld [tilespmem:s2+$0x15690]  }
0x2ea: {  	v43 =	vld [tilespmem:s2+$0x96A0]  }
0x2eb: {  	v44 =	vld [tilespmem:s2+$0x156A0]  }
0x2ec: {  	v45 =	vld [tilespmem:s2+$0x96B0]  }
0x2ed: {  	v46 =	vld [tilespmem:s2+$0x156B0]  }
0x2ee: {  	v47 =	vld [tilespmem:s2+$0x156C0];
	v17 =	vmul.f32 v18, v17;
	v18 =	vmul.f32 v42, v19  }
0x2ef: {  	v19 =	vld [tilespmem:s2+$0x96C0]  }
0x2f0: {  	v48 =	vld [tilespmem:s2+$0x96D0];
	v17 =	vadd.f32 v18, v17;
	v18 =	vmul.f32 v44, v43  }
0x2f1: {  	v49 =	vld [tilespmem:s2+$0x156D0]  }
0x2f2: {  	v50 =	vld [tilespmem:s2+$0x96E0];
	v17 =	vadd.f32 v18, v17;
	v18 =	vmul.f32 v46, v45  }
0x2f3: {  	v51 =	vld [tilespmem:s2+$0x156E0]  }
0x2f4: {  	v52 =	vld [tilespmem:s2+$0x156F0];
	v17 =	vadd.f32 v18, v17;
	v18 =	vmul.f32 v47, v19  }
0x2f5: {  	v19 =	vld [tilespmem:s2+$0x96F0]  }
0x2f6: {  	v17 =	vadd.f32 v18, v17;
	v18 =	vmul.f32 v49, v48;
	_ =	sdelay $0x1  }
0x2f7: {  	v17 =	vadd.f32 v18, v17;
	v18 =	vmul.f32 v51, v50;
	_ =	sdelay $0x1  }
0x2f8: {  	v17 =	vadd.f32 v18, v17;
	v18 =	vmul.f32 v52, v19;
	_ =	sdelay $0x1  }
0x2f9: {  	v17 =	vadd.f32 v18, v17;
	_ =	sdelay $0x1  }
0x2fa: {  	[tilespmem:$0x1F77F] =	vst v17  }
0x2fb: {  	v17 =	vld.idx.msk [tilespmem:v0+s20+$0x0], $0xffff  }
0x2fc: {  	v18 =	vld.idx.msk [tilespmem:v1+s20+$0x0], $0xffff  }
0x2fd: {  	v19 =	vld.idx.msk [tilespmem:v2+s20+$0x0], $0xffff  }
0x2fe: {  	v53 =	vld.idx.msk [tilespmem:v3+s20+$0x0], $0xffff  }
0x2ff: {  	v54 =	vld.idx.msk [tilespmem:v4+s20+$0x0], $0xffff  }
0x300: {  	v55 =	vld.idx.msk [tilespmem:v5+s20+$0x0], $0xffff  }
0x301: {  	v56 =	vld.idx.msk [tilespmem:v6+s20+$0x0], $0xffff  }
0x302: {  	v57 =	vld.idx.msk [tilespmem:v7+s20+$0x0], $0xffff  }
0x303: {  	v25 =	vld.idx.msk [tilespmem:v8+s20+$0x0], $0xffff  }
0x304: {  	v26 =	vld.idx.msk [tilespmem:v9+s20+$0x0], $0xffff  }
0x305: {  	v27 =	vld.idx.msk [tilespmem:v10+s20+$0x0], $0xffff  }
0x306: {  	v28 =	vld.idx.msk [tilespmem:v11+s20+$0x0], $0xffff  }
0x307: {  	v29 =	vld.idx.msk [tilespmem:v12+s20+$0x0], $0xffff  }
0x308: {  	v30 =	vld.idx.msk [tilespmem:v13+s20+$0x0], $0xffff  }
0x309: {  	v31 =	vld.idx.msk [tilespmem:v14+s20+$0x0], $0xffff  }
0x30a: {  	v32 =	vld.idx.msk [tilespmem:v15+s20+$0x0], $0xffff;
	_ =	sdelay $0x1  }
0x30b: {  	v17 =	vadd.f32 v18, v17;
	v18 =	vadd.f32 v53, v19  }
0x30c: {  	v19 =	vadd.f32 v55, v54;
	v58 =	vadd.f32 v57, v56  }
0x30d: {  	v59 =	vadd.f32 v26, v25;
	v60 =	vadd.f32 v28, v27  }
0x30e: {  	v61 =	vadd.f32 v30, v29;
	v62 =	vadd.f32 v32, v31  }
0x30f: {  	v17 =	vadd.f32 v18, v17;
	v18 =	vadd.f32 v58, v19  }
0x310: {  	v19 =	vadd.f32 v60, v59;
	v63 =	vadd.f32 v62, v61;
	_ =	sdelay $0x1  }
0x311: {  	v17 =	vadd.f32 v18, v17;
	v18 =	vadd.f32 v63, v19;
	_ =	sdelay $0x1  }
0x312: {  	v17 =	vadd.f32 v18, v17;
	_ =	sdelay $0x1  }
0x313: {  	v17 =	vsub.f32 $0.0e+00, v17;
	_ =	sdelay $0x1  }
0x314: {  	v17 =	vmul.f32 $1.442695020e+00, v17;
	_ =	sdelay $0x1  }
0x315: {  	(erf) = vpow2.f32 v17;
	_ =	sdelay $0x8  }
0x316: {  	v17 =	vpop (erf)  }
0x317: {  	v17 =	vadd.f32 $1.000000000e+00, v17;
	_ =	sdelay $0x1  }
0x318: {  	(erf) = vrcp.f32 v17;
	_ =	sdelay $0x4  }
0x319: {  	p0 =	sne.s32 s31, $0x7  }
.Ltmp1:
0x31a: {  	_ = 	snop;
	(pc) =	sbr.rel @p0 .LBB2_5-.Ltmp1, $4  }
0x31b: {  	_ = 	snop  }
0x31c: {  	s2 =	sshll.u32 s31, $0x4  }
0x31d: {  	s2 =	sand.u32 $0x3FFFFFF0, s2;
	v17 =	vpop (erf)  }
0x31e: {  	s31 =	sadd.s32 $0x1, s31;
	[tilespmem:v16+s2+$0x0 ss:$0x1] =	vst.idx.msk $0xffff, v17  }
0x31f: {  	s2 =	smin.u32 s30, $0x2490  }
0x320: {  	s30 =	sadd.s32 $0x200, s2  }
0x321: {  	[tilespmem:s13], [sflag:$0x3] =	stream.indirect.gather [hbm4b:s1+s10], $0x80, s30, s10, $0xb8;
	[tilespmem:$0x1F800] =	vst v63  }
0x322: {  	s2 =	sadd.s32 $0x2980, s2  }
0x323: {  	[tilespmem:s15], [sflag:$0x4] =	stream.indirect.gather [hbm4b:s1+s10], $0x80, s2, s10, $0xb8;
	[tilespmem:$0x1F800] =	vst v63  }
0x324: {  	_ =	swait.ge [sflag:s23], $0x4000  }
0x325: {  	[sflag:s23] =	ssyncset.done $0x0  }
0x326: {  	[sflag:s23] =	ssyncadd.s32 $0xFFFFC000  }
0x327: {  	_ =	swait.ge [sflag:s24], $0x4000  }
0x328: {  	s31 =	sadd.s32 $0x1CF00, s29;
	[sflag:s24] =	ssyncset.done $0x0  }
0x329: {  	s29 =	simm.s32 $0x0;
	v16 =	vmov s31;
	[sflag:s24] =	ssyncadd.s32 $0xFFFFC000  }
.LBB2_7:
0x32a: {  	s2 =	sshll.u32 s29, $0xB  }
0x32b: {  	v17 =	vld [tilespmem:s2+$0xCF00]  }
0x32c: {  	v18 =	vld [tilespmem:s2+$0x18F00]  }
0x32d: {  	v19 =	vld [tilespmem:s2+$0xCF10]  }
0x32e: {  	v20 =	vld [tilespmem:s2+$0x18F10]  }
0x32f: {  	v21 =	vld [tilespmem:s2+$0xCF20]  }
0x330: {  	v22 =	vld [tilespmem:s2+$0x18F20]  }
0x331: {  	v23 =	vld [tilespmem:s2+$0xCF30]  }
0x332: {  	v24 =	vld [tilespmem:s2+$0x18F30]  }
0x333: {  	v62 =	vld [tilespmem:s2+$0x18F40];
	v17 =	vmul.f32 v18, v17;
	v18 =	vmul.f32 v20, v19  }
0x334: {  	v19 =	vld [tilespmem:s2+$0xCF40]  }
0x335: {  	v63 =	vld [tilespmem:s2+$0xCF50];
	v17 =	vadd.f32 v18, v17;
	v18 =	vmul.f32 v22, v21  }
0x336: {  	v28 =	vld [tilespmem:s2+$0x18F50]  }
0x337: {  	v29 =	vld [tilespmem:s2+$0xCF60];
	v17 =	vadd.f32 v18, v17;
	v18 =	vmul.f32 v24, v23  }
0x338: {  	v30 =	vld [tilespmem:s2+$0x18F60]  }
0x339: {  	v31 =	vld [tilespmem:s2+$0x18F70];
	v17 =	vadd.f32 v18, v17;
	v18 =	vmul.f32 v62, v19  }
0x33a: {  	v19 =	vld [tilespmem:s2+$0xCF70]  }
0x33b: {  	v17 =	vadd.f32 v18, v17;
	v18 =	vmul.f32 v28, v63;
	_ =	sdelay $0x1  }
0x33c: {  	v17 =	vadd.f32 v18, v17;
	v18 =	vmul.f32 v30, v29;
	_ =	sdelay $0x1  }
0x33d: {  	v17 =	vadd.f32 v18, v17;
	v18 =	vmul.f32 v31, v19;
	_ =	sdelay $0x1  }
0x33e: {  	v17 =	vadd.f32 v18, v17;
	_ =	sdelay $0x1  }
0x33f: {  	[tilespmem:$0x1F680] =	vst v17  }
0x340: {  	v17 =	vld [tilespmem:s2+$0xCF80]  }
0x341: {  	v18 =	vld [tilespmem:s2+$0x18F80]  }
0x342: {  	v19 =	vld [tilespmem:s2+$0xCF90]  }
0x343: {  	v32 =	vld [tilespmem:s2+$0x18F90]  }
0x344: {  	v33 =	vld [tilespmem:s2+$0xCFA0]  }
0x345: {  	v34 =	vld [tilespmem:s2+$0x18FA0]  }
0x346: {  	v35 =	vld [tilespmem:s2+$0xCFB0]  }
0x347: {  	v36 =	vld [tilespmem:s2+$0x18FB0]  }
0x348: {  	v37 =	vld [tilespmem:s2+$0x18FC0];
	v17 =	vmul.f32 v18, v17;
	v18 =	vmul.f32 v32, v19  }
0x349: {  	v19 =	vld [tilespmem:s2+$0xCFC0]  }
0x34a: {  	v38 =	vld [tilespmem:s2+$0xCFD0];
	v17 =	vadd.f32 v18, v17;
	v18 =	vmul.f32 v34, v33  }
0x34b: {  	v39 =	vld [tilespmem:s2+$0x18FD0]  }
0x34c: {  	v40 =	vld [tilespmem:s2+$0xCFE0];
	v17 =	vadd.f32 v18, v17;
	v18 =	vmul.f32 v36, v35  }
0x34d: {  	v41 =	vld [tilespmem:s2+$0x18FE0]  }
0x34e: {  	v42 =	vld [tilespmem:s2+$0x18FF0];
	v17 =	vadd.f32 v18, v17;
	v18 =	vmul.f32 v37, v19  }
0x34f: {  	v19 =	vld [tilespmem:s2+$0xCFF0]  }
0x350: {  	v17 =	vadd.f32 v18, v17;
	v18 =	vmul.f32 v39, v38;
	_ =	sdelay $0x1  }
0x351: {  	v17 =	vadd.f32 v18, v17;
	v18 =	vmul.f32 v41, v40;
	_ =	sdelay $0x1  }
0x352: {  	v17 =	vadd.f32 v18, v17;
	v18 =	vmul.f32 v42, v19;
	_ =	sdelay $0x1  }
0x353: {  	v17 =	vadd.f32 v18, v17;
	_ =	sdelay $0x1  }
0x354: {  	[tilespmem:$0x1F691] =	vst v17  }
0x355: {  	v17 =	vld [tilespmem:s2+$0xD000]  }
0x356: {  	v18 =	vld [tilespmem:s2+$0x19000]  }
0x357: {  	v19 =	vld [tilespmem:s2+$0xD010]  }
0x358: {  	v43 =	vld [tilespmem:s2+$0x19010]  }
0x359: {  	v44 =	vld [tilespmem:s2+$0xD020]  }
0x35a: {  	v45 =	vld [tilespmem:s2+$0x19020]  }
0x35b: {  	v46 =	vld [tilespmem:s2+$0xD030]  }
0x35c: {  	v47 =	vld [tilespmem:s2+$0x19030]  }
0x35d: {  	v48 =	vld [tilespmem:s2+$0x19040];
	v17 =	vmul.f32 v18, v17;
	v18 =	vmul.f32 v43, v19  }
0x35e: {  	v19 =	vld [tilespmem:s2+$0xD040]  }
0x35f: {  	v49 =	vld [tilespmem:s2+$0xD050];
	v17 =	vadd.f32 v18, v17;
	v18 =	vmul.f32 v45, v44  }
0x360: {  	v50 =	vld [tilespmem:s2+$0x19050]  }
0x361: {  	v51 =	vld [tilespmem:s2+$0xD060];
	v17 =	vadd.f32 v18, v17;
	v18 =	vmul.f32 v47, v46  }
0x362: {  	v52 =	vld [tilespmem:s2+$0x19060]  }
0x363: {  	v53 =	vld [tilespmem:s2+$0x19070];
	v17 =	vadd.f32 v18, v17;
	v18 =	vmul.f32 v48, v19  }
0x364: {  	v19 =	vld [tilespmem:s2+$0xD070]  }
0x365: {  	v17 =	vadd.f32 v18, v17;
	v18 =	vmul.f32 v50, v49;
	_ =	sdelay $0x1  }
0x366: {  	v17 =	vadd.f32 v18, v17;
	v18 =	vmul.f32 v52, v51;
	_ =	sdelay $0x1  }
0x367: {  	v17 =	vadd.f32 v18, v17;
	v18 =	vmul.f32 v53, v19;
	_ =	sdelay $0x1  }
0x368: {  	v17 =	vadd.f32 v18, v17;
	_ =	sdelay $0x1  }
0x369: {  	[tilespmem:$0x1F6A2] =	vst v17  }
0x36a: {  	v17 =	vld [tilespmem:s2+$0xD080]  }
0x36b: {  	v18 =	vld [tilespmem:s2+$0x19080]  }
0x36c: {  	v19 =	vld [tilespmem:s2+$0xD090]  }
0x36d: {  	v54 =	vld [tilespmem:s2+$0x19090]  }
0x36e: {  	v55 =	vld [tilespmem:s2+$0xD0A0]  }
0x36f: {  	v56 =	vld [tilespmem:s2+$0x190A0]  }
0x370: {  	v57 =	vld [tilespmem:s2+$0xD0B0]  }
0x371: {  	v58 =	vld [tilespmem:s2+$0x190B0]  }
0x372: {  	v59 =	vld [tilespmem:s2+$0x190C0];
	v17 =	vmul.f32 v18, v17;
	v18 =	vmul.f32 v54, v19  }
0x373: {  	v19 =	vld [tilespmem:s2+$0xD0C0]  }
0x374: {  	v60 =	vld [tilespmem:s2+$0xD0D0];
	v17 =	vadd.f32 v18, v17;
	v18 =	vmul.f32 v56, v55  }
0x375: {  	v61 =	vld [tilespmem:s2+$0x190D0]  }
0x376: {  	v62 =	vld [tilespmem:s2+$0xD0E0];
	v17 =	vadd.f32 v18, v17;
	v18 =	vmul.f32 v58, v57  }
0x377: {  	v63 =	vld [tilespmem:s2+$0x190E0]  }
0x378: {  	v28 =	vld [tilespmem:s2+$0x190F0];
	v17 =	vadd.f32 v18, v17;
	v18 =	vmul.f32 v59, v19  }
0x379: {  	v19 =	vld [tilespmem:s2+$0xD0F0]  }
0x37a: {  	v17 =	vadd.f32 v18, v17;
	v18 =	vmul.f32 v61, v60;
	_ =	sdelay $0x1  }
0x37b: {  	v17 =	vadd.f32 v18, v17;
	v18 =	vmul.f32 v63, v62;
	_ =	sdelay $0x1  }
0x37c: {  	v17 =	vadd.f32 v18, v17;
	v18 =	vmul.f32 v28, v19;
	_ =	sdelay $0x1  }
0x37d: {  	v17 =	vadd.f32 v18, v17;
	_ =	sdelay $0x1  }
0x37e: {  	[tilespmem:$0x1F6B3] =	vst v17  }
0x37f: {  	v17 =	vld [tilespmem:s2+$0xD100]  }
0x380: {  	v18 =	vld [tilespmem:s2+$0x19100]  }
0x381: {  	v19 =	vld [tilespmem:s2+$0xD110]  }
0x382: {  	v29 =	vld [tilespmem:s2+$0x19110]  }
0x383: {  	v30 =	vld [tilespmem:s2+$0xD120]  }
0x384: {  	v31 =	vld [tilespmem:s2+$0x19120]  }
0x385: {  	v32 =	vld [tilespmem:s2+$0xD130]  }
0x386: {  	v33 =	vld [tilespmem:s2+$0x19130]  }
0x387: {  	v34 =	vld [tilespmem:s2+$0x19140];
	v17 =	vmul.f32 v18, v17;
	v18 =	vmul.f32 v29, v19  }
0x388: {  	v19 =	vld [tilespmem:s2+$0xD140]  }
0x389: {  	v35 =	vld [tilespmem:s2+$0xD150];
	v17 =	vadd.f32 v18, v17;
	v18 =	vmul.f32 v31, v30  }
0x38a: {  	v36 =	vld [tilespmem:s2+$0x19150]  }
0x38b: {  	v37 =	vld [tilespmem:s2+$0xD160];
	v17 =	vadd.f32 v18, v17;
	v18 =	vmul.f32 v33, v32  }
0x38c: {  	v38 =	vld [tilespmem:s2+$0x19160]  }
0x38d: {  	v39 =	vld [tilespmem:s2+$0x19170];
	v17 =	vadd.f32 v18, v17;
	v18 =	vmul.f32 v34, v19  }
0x38e: {  	v19 =	vld [tilespmem:s2+$0xD170]  }
0x38f: {  	v17 =	vadd.f32 v18, v17;
	v18 =	vmul.f32 v36, v35;
	_ =	sdelay $0x1  }
0x390: {  	v17 =	vadd.f32 v18, v17;
	v18 =	vmul.f32 v38, v37;
	_ =	sdelay $0x1  }
0x391: {  	v17 =	vadd.f32 v18, v17;
	v18 =	vmul.f32 v39, v19;
	_ =	sdelay $0x1  }
0x392: {  	v17 =	vadd.f32 v18, v17;
	_ =	sdelay $0x1  }
0x393: {  	[tilespmem:$0x1F6C4] =	vst v17  }
0x394: {  	v17 =	vld [tilespmem:s2+$0xD180]  }
0x395: {  	v18 =	vld [tilespmem:s2+$0x19180]  }
0x396: {  	v19 =	vld [tilespmem:s2+$0xD190]  }
0x397: {  	v40 =	vld [tilespmem:s2+$0x19190]  }
0x398: {  	v41 =	vld [tilespmem:s2+$0xD1A0]  }
0x399: {  	v42 =	vld [tilespmem:s2+$0x191A0]  }
0x39a: {  	v43 =	vld [tilespmem:s2+$0xD1B0]  }
0x39b: {  	v44 =	vld [tilespmem:s2+$0x191B0]  }
0x39c: {  	v45 =	vld [tilespmem:s2+$0x191C0];
	v17 =	vmul.f32 v18, v17;
	v18 =	vmul.f32 v40, v19  }
0x39d: {  	v19 =	vld [tilespmem:s2+$0xD1C0]  }
0x39e: {  	v46 =	vld [tilespmem:s2+$0xD1D0];
	v17 =	vadd.f32 v18, v17;
	v18 =	vmul.f32 v42, v41  }
0x39f: {  	v47 =	vld [tilespmem:s2+$0x191D0]  }
0x3a0: {  	v48 =	vld [tilespmem:s2+$0xD1E0];
	v17 =	vadd.f32 v18, v17;
	v18 =	vmul.f32 v44, v43  }
0x3a1: {  	v49 =	vld [tilespmem:s2+$0x191E0]  }
0x3a2: {  	v50 =	vld [tilespmem:s2+$0x191F0];
	v17 =	vadd.f32 v18, v17;
	v18 =	vmul.f32 v45, v19  }
0x3a3: {  	v19 =	vld [tilespmem:s2+$0xD1F0]  }
0x3a4: {  	v17 =	vadd.f32 v18, v17;
	v18 =	vmul.f32 v47, v46;
	_ =	sdelay $0x1  }
0x3a5: {  	v17 =	vadd.f32 v18, v17;
	v18 =	vmul.f32 v49, v48;
	_ =	sdelay $0x1  }
0x3a6: {  	v17 =	vadd.f32 v18, v17;
	v18 =	vmul.f32 v50, v19;
	_ =	sdelay $0x1  }
0x3a7: {  	v17 =	vadd.f32 v18, v17;
	_ =	sdelay $0x1  }
0x3a8: {  	[tilespmem:$0x1F6D5] =	vst v17  }
0x3a9: {  	v17 =	vld [tilespmem:s2+$0xD200]  }
0x3aa: {  	v18 =	vld [tilespmem:s2+$0x19200]  }
0x3ab: {  	v19 =	vld [tilespmem:s2+$0xD210]  }
0x3ac: {  	v51 =	vld [tilespmem:s2+$0x19210]  }
0x3ad: {  	v52 =	vld [tilespmem:s2+$0xD220]  }
0x3ae: {  	v53 =	vld [tilespmem:s2+$0x19220]  }
0x3af: {  	v54 =	vld [tilespmem:s2+$0xD230]  }
0x3b0: {  	v55 =	vld [tilespmem:s2+$0x19230]  }
0x3b1: {  	v56 =	vld [tilespmem:s2+$0x19240];
	v17 =	vmul.f32 v18, v17;
	v18 =	vmul.f32 v51, v19  }
0x3b2: {  	v19 =	vld [tilespmem:s2+$0xD240]  }
0x3b3: {  	v57 =	vld [tilespmem:s2+$0xD250];
	v17 =	vadd.f32 v18, v17;
	v18 =	vmul.f32 v53, v52  }
0x3b4: {  	v58 =	vld [tilespmem:s2+$0x19250]  }
0x3b5: {  	v59 =	vld [tilespmem:s2+$0xD260];
	v17 =	vadd.f32 v18, v17;
	v18 =	vmul.f32 v55, v54  }
0x3b6: {  	v60 =	vld [tilespmem:s2+$0x19260]  }
0x3b7: {  	v61 =	vld [tilespmem:s2+$0x19270];
	v17 =	vadd.f32 v18, v17;
	v18 =	vmul.f32 v56, v19  }
0x3b8: {  	v19 =	vld [tilespmem:s2+$0xD270]  }
0x3b9: {  	v17 =	vadd.f32 v18, v17;
	v18 =	vmul.f32 v58, v57;
	_ =	sdelay $0x1  }
0x3ba: {  	v17 =	vadd.f32 v18, v17;
	v18 =	vmul.f32 v60, v59;
	_ =	sdelay $0x1  }
0x3bb: {  	v17 =	vadd.f32 v18, v17;
	v18 =	vmul.f32 v61, v19;
	_ =	sdelay $0x1  }
0x3bc: {  	v17 =	vadd.f32 v18, v17;
	_ =	sdelay $0x1  }
0x3bd: {  	[tilespmem:$0x1F6E6] =	vst v17  }
0x3be: {  	v17 =	vld [tilespmem:s2+$0xD280]  }
0x3bf: {  	v18 =	vld [tilespmem:s2+$0x19280]  }
0x3c0: {  	v19 =	vld [tilespmem:s2+$0xD290]  }
0x3c1: {  	v62 =	vld [tilespmem:s2+$0x19290]  }
0x3c2: {  	v63 =	vld [tilespmem:s2+$0xD2A0]  }
0x3c3: {  	v28 =	vld [tilespmem:s2+$0x192A0]  }
0x3c4: {  	v29 =	vld [tilespmem:s2+$0xD2B0]  }
0x3c5: {  	v30 =	vld [tilespmem:s2+$0x192B0]  }
0x3c6: {  	v31 =	vld [tilespmem:s2+$0x192C0];
	v17 =	vmul.f32 v18, v17;
	v18 =	vmul.f32 v62, v19  }
0x3c7: {  	v19 =	vld [tilespmem:s2+$0xD2C0]  }
0x3c8: {  	v32 =	vld [tilespmem:s2+$0xD2D0];
	v17 =	vadd.f32 v18, v17;
	v18 =	vmul.f32 v28, v63  }
0x3c9: {  	v33 =	vld [tilespmem:s2+$0x192D0]  }
0x3ca: {  	v34 =	vld [tilespmem:s2+$0xD2E0];
	v17 =	vadd.f32 v18, v17;
	v18 =	vmul.f32 v30, v29  }
0x3cb: {  	v35 =	vld [tilespmem:s2+$0x192E0]  }
0x3cc: {  	v36 =	vld [tilespmem:s2+$0x192F0];
	v17 =	vadd.f32 v18, v17;
	v18 =	vmul.f32 v31, v19  }
0x3cd: {  	v19 =	vld [tilespmem:s2+$0xD2F0]  }
0x3ce: {  	v17 =	vadd.f32 v18, v17;
	v18 =	vmul.f32 v33, v32;
	_ =	sdelay $0x1  }
0x3cf: {  	v17 =	vadd.f32 v18, v17;
	v18 =	vmul.f32 v35, v34;
	_ =	sdelay $0x1  }
0x3d0: {  	v17 =	vadd.f32 v18, v17;
	v18 =	vmul.f32 v36, v19;
	_ =	sdelay $0x1  }
0x3d1: {  	v17 =	vadd.f32 v18, v17;
	_ =	sdelay $0x1  }
0x3d2: {  	[tilespmem:$0x1F6F7] =	vst v17  }
0x3d3: {  	v17 =	vld [tilespmem:s2+$0xD300]  }
0x3d4: {  	v18 =	vld [tilespmem:s2+$0x19300]  }
0x3d5: {  	v19 =	vld [tilespmem:s2+$0xD310]  }
0x3d6: {  	v37 =	vld [tilespmem:s2+$0x19310]  }
0x3d7: {  	v38 =	vld [tilespmem:s2+$0xD320]  }
0x3d8: {  	v39 =	vld [tilespmem:s2+$0x19320]  }
0x3d9: {  	v40 =	vld [tilespmem:s2+$0xD330]  }
0x3da: {  	v41 =	vld [tilespmem:s2+$0x19330]  }
0x3db: {  	v42 =	vld [tilespmem:s2+$0x19340];
	v17 =	vmul.f32 v18, v17;
	v18 =	vmul.f32 v37, v19  }
0x3dc: {  	v19 =	vld [tilespmem:s2+$0xD340]  }
0x3dd: {  	v43 =	vld [tilespmem:s2+$0xD350];
	v17 =	vadd.f32 v18, v17;
	v18 =	vmul.f32 v39, v38  }
0x3de: {  	v44 =	vld [tilespmem:s2+$0x19350]  }
0x3df: {  	v45 =	vld [tilespmem:s2+$0xD360];
	v17 =	vadd.f32 v18, v17;
	v18 =	vmul.f32 v41, v40  }
0x3e0: {  	v46 =	vld [tilespmem:s2+$0x19360]  }
0x3e1: {  	v47 =	vld [tilespmem:s2+$0x19370];
	v17 =	vadd.f32 v18, v17;
	v18 =	vmul.f32 v42, v19  }
0x3e2: {  	v19 =	vld [tilespmem:s2+$0xD370]  }
0x3e3: {  	v17 =	vadd.f32 v18, v17;
	v18 =	vmul.f32 v44, v43;
	_ =	sdelay $0x1  }
0x3e4: {  	v17 =	vadd.f32 v18, v17;
	v18 =	vmul.f32 v46, v45;
	_ =	sdelay $0x1  }
0x3e5: {  	v17 =	vadd.f32 v18, v17;
	v18 =	vmul.f32 v47, v19;
	_ =	sdelay $0x1  }
0x3e6: {  	v17 =	vadd.f32 v18, v17;
	_ =	sdelay $0x1  }
0x3e7: {  	[tilespmem:$0x1F708] =	vst v17  }
0x3e8: {  	v17 =	vld [tilespmem:s2+$0xD380]  }
0x3e9: {  	v18 =	vld [tilespmem:s2+$0x19380]  }
0x3ea: {  	v19 =	vld [tilespmem:s2+$0xD390]  }
0x3eb: {  	v48 =	vld [tilespmem:s2+$0x19390]  }
0x3ec: {  	v49 =	vld [tilespmem:s2+$0xD3A0]  }
0x3ed: {  	v50 =	vld [tilespmem:s2+$0x193A0]  }
0x3ee: {  	v51 =	vld [tilespmem:s2+$0xD3B0]  }
0x3ef: {  	v52 =	vld [tilespmem:s2+$0x193B0]  }
0x3f0: {  	v53 =	vld [tilespmem:s2+$0x193C0];
	v17 =	vmul.f32 v18, v17;
	v18 =	vmul.f32 v48, v19  }
0x3f1: {  	v19 =	vld [tilespmem:s2+$0xD3C0]  }
0x3f2: {  	v54 =	vld [tilespmem:s2+$0xD3D0];
	v17 =	vadd.f32 v18, v17;
	v18 =	vmul.f32 v50, v49  }
0x3f3: {  	v55 =	vld [tilespmem:s2+$0x193D0]  }
0x3f4: {  	v56 =	vld [tilespmem:s2+$0xD3E0];
	v17 =	vadd.f32 v18, v17;
	v18 =	vmul.f32 v52, v51  }
0x3f5: {  	v57 =	vld [tilespmem:s2+$0x193E0]  }
0x3f6: {  	v58 =	vld [tilespmem:s2+$0x193F0];
	v17 =	vadd.f32 v18, v17;
	v18 =	vmul.f32 v53, v19  }
0x3f7: {  	v19 =	vld [tilespmem:s2+$0xD3F0]  }
0x3f8: {  	v17 =	vadd.f32 v18, v17;
	v18 =	vmul.f32 v55, v54;
	_ =	sdelay $0x1  }
0x3f9: {  	v17 =	vadd.f32 v18, v17;
	v18 =	vmul.f32 v57, v56;
	_ =	sdelay $0x1  }
0x3fa: {  	v17 =	vadd.f32 v18, v17;
	v18 =	vmul.f32 v58, v19;
	_ =	sdelay $0x1  }
0x3fb: {  	v17 =	vadd.f32 v18, v17;
	_ =	sdelay $0x1  }
0x3fc: {  	[tilespmem:$0x1F719] =	vst v17  }
0x3fd: {  	v17 =	vld [tilespmem:s2+$0xD400]  }
0x3fe: {  	v18 =	vld [tilespmem:s2+$0x19400]  }
0x3ff: {  	v19 =	vld [tilespmem:s2+$0xD410]  }
0x400: {  	v59 =	vld [tilespmem:s2+$0x19410]  }
0x401: {  	v60 =	vld [tilespmem:s2+$0xD420]  }
0x402: {  	v61 =	vld [tilespmem:s2+$0x19420]  }
0x403: {  	v62 =	vld [tilespmem:s2+$0xD430]  }
0x404: {  	v63 =	vld [tilespmem:s2+$0x19430]  }
0x405: {  	v28 =	vld [tilespmem:s2+$0x19440];
	v17 =	vmul.f32 v18, v17;
	v18 =	vmul.f32 v59, v19  }
0x406: {  	v19 =	vld [tilespmem:s2+$0xD440]  }
0x407: {  	v29 =	vld [tilespmem:s2+$0xD450];
	v17 =	vadd.f32 v18, v17;
	v18 =	vmul.f32 v61, v60  }
0x408: {  	v30 =	vld [tilespmem:s2+$0x19450]  }
0x409: {  	v31 =	vld [tilespmem:s2+$0xD460];
	v17 =	vadd.f32 v18, v17;
	v18 =	vmul.f32 v63, v62  }
0x40a: {  	v32 =	vld [tilespmem:s2+$0x19460]  }
0x40b: {  	v33 =	vld [tilespmem:s2+$0x19470];
	v17 =	vadd.f32 v18, v17;
	v18 =	vmul.f32 v28, v19  }
0x40c: {  	v19 =	vld [tilespmem:s2+$0xD470]  }
0x40d: {  	v17 =	vadd.f32 v18, v17;
	v18 =	vmul.f32 v30, v29;
	_ =	sdelay $0x1  }
0x40e: {  	v17 =	vadd.f32 v18, v17;
	v18 =	vmul.f32 v32, v31;
	_ =	sdelay $0x1  }
0x40f: {  	v17 =	vadd.f32 v18, v17;
	v18 =	vmul.f32 v33, v19;
	_ =	sdelay $0x1  }
0x410: {  	v17 =	vadd.f32 v18, v17;
	_ =	sdelay $0x1  }
0x411: {  	[tilespmem:$0x1F72A] =	vst v17  }
0x412: {  	v17 =	vld [tilespmem:s2+$0xD480]  }
0x413: {  	v18 =	vld [tilespmem:s2+$0x19480]  }
0x414: {  	v19 =	vld [tilespmem:s2+$0xD490]  }
0x415: {  	v34 =	vld [tilespmem:s2+$0x19490]  }
0x416: {  	v35 =	vld [tilespmem:s2+$0xD4A0]  }
0x417: {  	v36 =	vld [tilespmem:s2+$0x194A0]  }
0x418: {  	v37 =	vld [tilespmem:s2+$0xD4B0]  }
0x419: {  	v38 =	vld [tilespmem:s2+$0x194B0]  }
0x41a: {  	v39 =	vld [tilespmem:s2+$0x194C0];
	v17 =	vmul.f32 v18, v17;
	v18 =	vmul.f32 v34, v19  }
0x41b: {  	v19 =	vld [tilespmem:s2+$0xD4C0]  }
0x41c: {  	v40 =	vld [tilespmem:s2+$0xD4D0];
	v17 =	vadd.f32 v18, v17;
	v18 =	vmul.f32 v36, v35  }
0x41d: {  	v41 =	vld [tilespmem:s2+$0x194D0]  }
0x41e: {  	v42 =	vld [tilespmem:s2+$0xD4E0];
	v17 =	vadd.f32 v18, v17;
	v18 =	vmul.f32 v38, v37  }
0x41f: {  	v43 =	vld [tilespmem:s2+$0x194E0]  }
0x420: {  	v44 =	vld [tilespmem:s2+$0x194F0];
	v17 =	vadd.f32 v18, v17;
	v18 =	vmul.f32 v39, v19  }
0x421: {  	v19 =	vld [tilespmem:s2+$0xD4F0]  }
0x422: {  	v17 =	vadd.f32 v18, v17;
	v18 =	vmul.f32 v41, v40;
	_ =	sdelay $0x1  }
0x423: {  	v17 =	vadd.f32 v18, v17;
	v18 =	vmul.f32 v43, v42;
	_ =	sdelay $0x1  }
0x424: {  	v17 =	vadd.f32 v18, v17;
	v18 =	vmul.f32 v44, v19;
	_ =	sdelay $0x1  }
0x425: {  	v17 =	vadd.f32 v18, v17;
	_ =	sdelay $0x1  }
0x426: {  	[tilespmem:$0x1F73B] =	vst v17  }
0x427: {  	v17 =	vld [tilespmem:s2+$0xD500]  }
0x428: {  	v18 =	vld [tilespmem:s2+$0x19500]  }
0x429: {  	v19 =	vld [tilespmem:s2+$0xD510]  }
0x42a: {  	v45 =	vld [tilespmem:s2+$0x19510]  }
0x42b: {  	v46 =	vld [tilespmem:s2+$0xD520]  }
0x42c: {  	v47 =	vld [tilespmem:s2+$0x19520]  }
0x42d: {  	v48 =	vld [tilespmem:s2+$0xD530]  }
0x42e: {  	v49 =	vld [tilespmem:s2+$0x19530]  }
0x42f: {  	v50 =	vld [tilespmem:s2+$0x19540];
	v17 =	vmul.f32 v18, v17;
	v18 =	vmul.f32 v45, v19  }
0x430: {  	v19 =	vld [tilespmem:s2+$0xD540]  }
0x431: {  	v51 =	vld [tilespmem:s2+$0xD550];
	v17 =	vadd.f32 v18, v17;
	v18 =	vmul.f32 v47, v46  }
0x432: {  	v52 =	vld [tilespmem:s2+$0x19550]  }
0x433: {  	v53 =	vld [tilespmem:s2+$0xD560];
	v17 =	vadd.f32 v18, v17;
	v18 =	vmul.f32 v49, v48  }
0x434: {  	v54 =	vld [tilespmem:s2+$0x19560]  }
0x435: {  	v55 =	vld [tilespmem:s2+$0x19570];
	v17 =	vadd.f32 v18, v17;
	v18 =	vmul.f32 v50, v19  }
0x436: {  	v19 =	vld [tilespmem:s2+$0xD570]  }
0x437: {  	v17 =	vadd.f32 v18, v17;
	v18 =	vmul.f32 v52, v51;
	_ =	sdelay $0x1  }
0x438: {  	v17 =	vadd.f32 v18, v17;
	v18 =	vmul.f32 v54, v53;
	_ =	sdelay $0x1  }
0x439: {  	v17 =	vadd.f32 v18, v17;
	v18 =	vmul.f32 v55, v19;
	_ =	sdelay $0x1  }
0x43a: {  	v17 =	vadd.f32 v18, v17;
	_ =	sdelay $0x1  }
0x43b: {  	[tilespmem:$0x1F74C] =	vst v17  }
0x43c: {  	v17 =	vld [tilespmem:s2+$0xD580]  }
0x43d: {  	v18 =	vld [tilespmem:s2+$0x19580]  }
0x43e: {  	v19 =	vld [tilespmem:s2+$0xD590]  }
0x43f: {  	v56 =	vld [tilespmem:s2+$0x19590]  }
0x440: {  	v57 =	vld [tilespmem:s2+$0xD5A0]  }
0x441: {  	v58 =	vld [tilespmem:s2+$0x195A0]  }
0x442: {  	v59 =	vld [tilespmem:s2+$0xD5B0]  }
0x443: {  	v60 =	vld [tilespmem:s2+$0x195B0]  }
0x444: {  	v61 =	vld [tilespmem:s2+$0x195C0];
	v17 =	vmul.f32 v18, v17;
	v18 =	vmul.f32 v56, v19  }
0x445: {  	v19 =	vld [tilespmem:s2+$0xD5C0]  }
0x446: {  	v62 =	vld [tilespmem:s2+$0xD5D0];
	v17 =	vadd.f32 v18, v17;
	v18 =	vmul.f32 v58, v57  }
0x447: {  	v63 =	vld [tilespmem:s2+$0x195D0]  }
0x448: {  	v28 =	vld [tilespmem:s2+$0xD5E0];
	v17 =	vadd.f32 v18, v17;
	v18 =	vmul.f32 v60, v59  }
0x449: {  	v29 =	vld [tilespmem:s2+$0x195E0]  }
0x44a: {  	v30 =	vld [tilespmem:s2+$0x195F0];
	v17 =	vadd.f32 v18, v17;
	v18 =	vmul.f32 v61, v19  }
0x44b: {  	v19 =	vld [tilespmem:s2+$0xD5F0]  }
0x44c: {  	v17 =	vadd.f32 v18, v17;
	v18 =	vmul.f32 v63, v62;
	_ =	sdelay $0x1  }
0x44d: {  	v17 =	vadd.f32 v18, v17;
	v18 =	vmul.f32 v29, v28;
	_ =	sdelay $0x1  }
0x44e: {  	v17 =	vadd.f32 v18, v17;
	v18 =	vmul.f32 v30, v19;
	_ =	sdelay $0x1  }
0x44f: {  	v17 =	vadd.f32 v18, v17;
	_ =	sdelay $0x1  }
0x450: {  	[tilespmem:$0x1F75D] =	vst v17  }
0x451: {  	v17 =	vld [tilespmem:s2+$0xD600]  }
0x452: {  	v18 =	vld [tilespmem:s2+$0x19600]  }
0x453: {  	v19 =	vld [tilespmem:s2+$0xD610]  }
0x454: {  	v31 =	vld [tilespmem:s2+$0x19610]  }
0x455: {  	v32 =	vld [tilespmem:s2+$0xD620]  }
0x456: {  	v33 =	vld [tilespmem:s2+$0x19620]  }
0x457: {  	v34 =	vld [tilespmem:s2+$0xD630]  }
0x458: {  	v35 =	vld [tilespmem:s2+$0x19630]  }
0x459: {  	v36 =	vld [tilespmem:s2+$0x19640];
	v17 =	vmul.f32 v18, v17;
	v18 =	vmul.f32 v31, v19  }
0x45a: {  	v19 =	vld [tilespmem:s2+$0xD640]  }
0x45b: {  	v37 =	vld [tilespmem:s2+$0xD650];
	v17 =	vadd.f32 v18, v17;
	v18 =	vmul.f32 v33, v32  }
0x45c: {  	v38 =	vld [tilespmem:s2+$0x19650]  }
0x45d: {  	v39 =	vld [tilespmem:s2+$0xD660];
	v17 =	vadd.f32 v18, v17;
	v18 =	vmul.f32 v35, v34  }
0x45e: {  	v40 =	vld [tilespmem:s2+$0x19660]  }
0x45f: {  	v41 =	vld [tilespmem:s2+$0x19670];
	v17 =	vadd.f32 v18, v17;
	v18 =	vmul.f32 v36, v19  }
0x460: {  	v19 =	vld [tilespmem:s2+$0xD670]  }
0x461: {  	v17 =	vadd.f32 v18, v17;
	v18 =	vmul.f32 v38, v37;
	_ =	sdelay $0x1  }
0x462: {  	v17 =	vadd.f32 v18, v17;
	v18 =	vmul.f32 v40, v39;
	_ =	sdelay $0x1  }
0x463: {  	v17 =	vadd.f32 v18, v17;
	v18 =	vmul.f32 v41, v19;
	_ =	sdelay $0x1  }
0x464: {  	v17 =	vadd.f32 v18, v17;
	_ =	sdelay $0x1  }
0x465: {  	[tilespmem:$0x1F76E] =	vst v17  }
0x466: {  	v17 =	vld [tilespmem:s2+$0xD680]  }
0x467: {  	v18 =	vld [tilespmem:s2+$0x19680]  }
0x468: {  	v19 =	vld [tilespmem:s2+$0xD690]  }
0x469: {  	v42 =	vld [tilespmem:s2+$0x19690]  }
0x46a: {  	v43 =	vld [tilespmem:s2+$0xD6A0]  }
0x46b: {  	v44 =	vld [tilespmem:s2+$0x196A0]  }
0x46c: {  	v45 =	vld [tilespmem:s2+$0xD6B0]  }
0x46d: {  	v46 =	vld [tilespmem:s2+$0x196B0]  }
0x46e: {  	v47 =	vld [tilespmem:s2+$0x196C0];
	v17 =	vmul.f32 v18, v17;
	v18 =	vmul.f32 v42, v19  }
0x46f: {  	v19 =	vld [tilespmem:s2+$0xD6C0]  }
0x470: {  	v48 =	vld [tilespmem:s2+$0xD6D0];
	v17 =	vadd.f32 v18, v17;
	v18 =	vmul.f32 v44, v43  }
0x471: {  	v49 =	vld [tilespmem:s2+$0x196D0]  }
0x472: {  	v50 =	vld [tilespmem:s2+$0xD6E0];
	v17 =	vadd.f32 v18, v17;
	v18 =	vmul.f32 v46, v45  }
0x473: {  	v51 =	vld [tilespmem:s2+$0x196E0]  }
0x474: {  	v52 =	vld [tilespmem:s2+$0x196F0];
	v17 =	vadd.f32 v18, v17;
	v18 =	vmul.f32 v47, v19  }
0x475: {  	v19 =	vld [tilespmem:s2+$0xD6F0]  }
0x476: {  	v17 =	vadd.f32 v18, v17;
	v18 =	vmul.f32 v49, v48;
	_ =	sdelay $0x1  }
0x477: {  	v17 =	vadd.f32 v18, v17;
	v18 =	vmul.f32 v51, v50;
	_ =	sdelay $0x1  }
0x478: {  	v17 =	vadd.f32 v18, v17;
	v18 =	vmul.f32 v52, v19;
	_ =	sdelay $0x1  }
0x479: {  	v17 =	vadd.f32 v18, v17;
	_ =	sdelay $0x1  }
0x47a: {  	[tilespmem:$0x1F77F] =	vst v17  }
0x47b: {  	v17 =	vld.idx.msk [tilespmem:v0+s20+$0x0], $0xffff  }
0x47c: {  	v18 =	vld.idx.msk [tilespmem:v1+s20+$0x0], $0xffff  }
0x47d: {  	v19 =	vld.idx.msk [tilespmem:v2+s20+$0x0], $0xffff  }
0x47e: {  	v53 =	vld.idx.msk [tilespmem:v3+s20+$0x0], $0xffff  }
0x47f: {  	v54 =	vld.idx.msk [tilespmem:v4+s20+$0x0], $0xffff  }
0x480: {  	v55 =	vld.idx.msk [tilespmem:v5+s20+$0x0], $0xffff  }
0x481: {  	v56 =	vld.idx.msk [tilespmem:v6+s20+$0x0], $0xffff  }
0x482: {  	v57 =	vld.idx.msk [tilespmem:v7+s20+$0x0], $0xffff  }
0x483: {  	v25 =	vld.idx.msk [tilespmem:v8+s20+$0x0], $0xffff  }
0x484: {  	v26 =	vld.idx.msk [tilespmem:v9+s20+$0x0], $0xffff  }
0x485: {  	v27 =	vld.idx.msk [tilespmem:v10+s20+$0x0], $0xffff  }
0x486: {  	v28 =	vld.idx.msk [tilespmem:v11+s20+$0x0], $0xffff  }
0x487: {  	v29 =	vld.idx.msk [tilespmem:v12+s20+$0x0], $0xffff  }
0x488: {  	v30 =	vld.idx.msk [tilespmem:v13+s20+$0x0], $0xffff  }
0x489: {  	v31 =	vld.idx.msk [tilespmem:v14+s20+$0x0], $0xffff  }
0x48a: {  	v32 =	vld.idx.msk [tilespmem:v15+s20+$0x0], $0xffff;
	_ =	sdelay $0x1  }
0x48b: {  	v17 =	vadd.f32 v18, v17;
	v18 =	vadd.f32 v53, v19  }
0x48c: {  	v19 =	vadd.f32 v55, v54;
	v58 =	vadd.f32 v57, v56  }
0x48d: {  	v59 =	vadd.f32 v26, v25;
	v60 =	vadd.f32 v28, v27  }
0x48e: {  	v61 =	vadd.f32 v30, v29;
	v62 =	vadd.f32 v32, v31  }
0x48f: {  	v17 =	vadd.f32 v18, v17;
	v18 =	vadd.f32 v58, v19  }
0x490: {  	v19 =	vadd.f32 v60, v59;
	v63 =	vadd.f32 v62, v61;
	_ =	sdelay $0x1  }
0x491: {  	v17 =	vadd.f32 v18, v17;
	v18 =	vadd.f32 v63, v19;
	_ =	sdelay $0x1  }
0x492: {  	v17 =	vadd.f32 v18, v17;
	_ =	sdelay $0x1  }
0x493: {  	v17 =	vsub.f32 $0.0e+00, v17;
	_ =	sdelay $0x1  }
0x494: {  	v17 =	vmul.f32 $1.442695020e+00, v17;
	_ =	sdelay $0x1  }
0x495: {  	(erf) = vpow2.f32 v17;
	_ =	sdelay $0x8  }
0x496: {  	v17 =	vpop (erf)  }
0x497: {  	v17 =	vadd.f32 $1.000000000e+00, v17;
	_ =	sdelay $0x1  }
0x498: {  	(erf) = vrcp.f32 v17;
	_ =	sdelay $0x4  }
0x499: {  	p0 =	sne.s32 s29, $0x7  }
.Ltmp2:
0x49a: {  	_ = 	snop;
	(pc) =	sbr.rel @p0 .LBB2_7-.Ltmp2, $4  }
0x49b: {  	_ = 	snop  }
0x49c: {  	s31 =	sshll.u32 s29, $0x4  }
0x49d: {  	s2 =	sand.u32 $0x3FFFFFF0, s31;
	v17 =	vpop (erf)  }
0x49e: {  	s29 =	sadd.s32 $0x1, s29;
	[tilespmem:v16+s2+$0x0 ss:$0x1] =	vst.idx.msk $0xffff, v17  }
0x49f: {  	s28 =	sadd.s32 $0x1, s28  }
0x4a0: {  	p0 =	sne.s32 s28, $0x1B  }
.Ltmp3:
0x4a1: {  	_ = 	snop;
	(pc) =	sbr.rel @p0 .LBB2_2-.Ltmp3, $1  }
0x4a2: {  	_ =	sdelay $0x3  }
0x4a3: {  	_ =	swait.ge [sflag:s18], $0x4000  }
0x4a4: {  	[sflag:s18] =	ssyncset.done $0x0  }
0x4a5: {  	[sflag:s18] =	ssyncadd.s32 $0xFFFFC000  }
0x4a6: {  	_ =	swait.ge [sflag:s19], $0x4000  }
0x4a7: {  	[sflag:s19] =	ssyncset.done $0x0  }
0x4a8: {  	[sflag:s19] =	ssyncadd.s32 $0xFFFFC000  }
0x4a9: {  	_ =	swait.ge [sflag:s21], $0x4000  }
0x4aa: {  	[sflag:s21] =	ssyncset.done $0x0  }
0x4ab: {  	[sflag:s21] =	ssyncadd.s32 $0xFFFFC000  }
0x4ac: {  	s26 =	sadd.s32 $0x1, s26;
	_ =	swait.ge [sflag:s22], $0x4000  }
0x4ad: {  	p0 =	sne.s32 s26, s7;
	[sflag:s22] =	ssyncset.done $0x0  }
.Ltmp4:
0x4ae: {  	[sflag:s22] =	ssyncadd.s32 $0xFFFFC000;
	(pc) =	sbr.rel @p0 .LBB2_1-.Ltmp4, $4  }
0x4af: {  	[hbm4b:s6+s3] =	stream.linear.scatter [tilespmem:s25], [sflag:$0x7], $0x2710, $0x38;
	[tilespmem:$0x1F800] =	vst v63  }
0x4b0: {  	_ =	swait.ge [sflag:s8], $0x2710  }
0x4b1: {  	[sflag:s8] =	ssyncset.done $0x0  }
0x4b2: {  	[sflag:s8] =	ssyncadd.s32 $0xFFFFD8F0  }
0x4b3: {  	_ =	sfence.sel $0x180000  }
0x4b4: {  	[bflag:$0x0] =	sbarrier.arrive $0xFFFF  }
0x4b5: {  	_ =	strace $0x90000047  }
0x4b6: {  	[bflag:$0x2] =	sbarrier.arrive $0xFFFF  }
0x4b7: {  	p0 =	sne.s32 s0, $0x0;
	s0 =	rddreg [dreg:$0x3]  }
0x4b8: {  	s0 =	sadd.s32 @!p0 $0x100000, s0  }
0x4b9: {  	[sflag:s0] =	ssyncadd.tile.s32 @!p0 $0x1;
	_ =	shalt  }
.Lfunc_end2:
_tile_overlayer_lowered:
.L_overlay_start_2:
0x4ba: {  	(tag) =	ssettag $0x2  }
0x4bb: {  	s0 =	rddreg [dreg:$0x0];
	s2 =	stileid.u32  }
0x4bc: {  	s1 =	rddreg [dreg:$0x1];
	p0 =	sne.s32 s2, $0x0  }
0x4bd: {  	s3 =	rddreg [dreg:$0x2];
	[bflag:$0x3] =	sbarrier.arrive $0xFFFF;
	s2 =	simm.s32 @!p0 $0x1C07  }
0x4be: {  	[timem:s3], [sflag:s2] =	dma.local @!p0 [hbm:s0], s1  }
0x4bf: {  	s0 =	simm.s32 @!p0 $0x7  }
0x4c0: {  	_ =	swait.ge @!p0 [sflag:s0], s1  }
0x4c1: {  	s1 =	ssub.s32 @!p0 $0x0, s1;
	[sflag:s0] =	ssyncset.done @!p0 $0x0  }
0x4c2: {  	[sflag:s0] =	ssyncadd.s32 @!p0 s1  }
0x4c3: {  	[bflag:$0x3] =	sbarrier.arrive $0xFFFF  }
0x4c4: {  	_ =	shalt  }

</sc_bundles>
